<compile_context>
chip_gen: v7x
topology: tpu7x:2x2x1
jax: 0.10.2.dev20260603
libtpu: 0.0.44.dev20260713+nightly
codegen_flags: <defaults>
</compile_context>

<pallas_src>
import functools

import jax
import jax.numpy as jnp
from jax import lax
from jax.experimental import pallas as pl
from jax.experimental.pallas import tpu as pltpu
from jax.experimental.pallas import tpu_sc as plsc

_NC = 2
_NS = 16
_DEPTH = 4



def _mm_bias_block(x_ref, w_ref, b_ref, o_ref):
    o_ref[...] = (
        jnp.dot(x_ref[...], w_ref[...], preferred_element_type=jnp.float32)
        + b_ref[...]
    )


def _merge_block(s_ref, a_ref, b_ref, o_ref):
    t = a_ref[...] + b_ref[...]
    t = jnp.where(t >= 0.0, t, 0.01 * t)
    o_ref[...] = t * s_ref[0, 0]


def _merge_mm_block(a_ref, b_ref, m_ref, c_ref, o_ref):
    t = a_ref[...] + b_ref[...]
    t = jnp.where(t >= 0.0, t, 0.01 * t)
    o_ref[...] = (
        jnp.dot(t, m_ref[...], preferred_element_type=jnp.float32)
        + c_ref[...]
    )


def _in_transform(x, w_t, b):
    n, d = x.shape
    h = w_t.shape[1]
    bn = 2000
    return pl.pallas_call(
        _mm_bias_block,
        grid=(n // bn,),
        in_specs=[
            pl.BlockSpec((bn, d), lambda i: (i, 0)),
            pl.BlockSpec((d, h), lambda i: (0, 0)),
            pl.BlockSpec((1, h), lambda i: (0, 0)),
        ],
        out_specs=pl.BlockSpec((bn, h), lambda i: (i, 0)),
        out_shape=jax.ShapeDtypeStruct((n, h), jnp.float32),
    )(x, w_t, b)


def _merge(s, p0, p1):
    n, h = p0.shape
    bn = 2000
    return pl.pallas_call(
        _merge_block,
        grid=(n // bn,),
        in_specs=[
            pl.BlockSpec(memory_space=pltpu.SMEM),
            pl.BlockSpec((bn, h), lambda i: (i, 0)),
            pl.BlockSpec((bn, h), lambda i: (i, 0)),
        ],
        out_specs=pl.BlockSpec((bn, h), lambda i: (i, 0)),
        out_shape=jax.ShapeDtypeStruct((n, h), jnp.float32),
    )(s, p0, p1)


def _final(p0, p1, m_t, c):
    n, h = p0.shape
    o = m_t.shape[1]
    bn = 2000
    return pl.pallas_call(
        _merge_mm_block,
        grid=(n // bn,),
        in_specs=[
            pl.BlockSpec((bn, h), lambda i: (i, 0)),
            pl.BlockSpec((bn, h), lambda i: (i, 0)),
            pl.BlockSpec((h, o), lambda i: (0, 0)),
            pl.BlockSpec((1, o), lambda i: (0, 0)),
        ],
        out_specs=pl.BlockSpec((bn, o), lambda i: (i, 0)),
        out_shape=jax.ShapeDtypeStruct((n, o), jnp.float32),
    )(p0, p1, m_t, c)



def _sc_propagate(table, src4, dst4, zeros_pad):
    n, h = table.shape
    nb_blk, bpb, k = src4.shape[1], src4.shape[2], src4.shape[3]
    ch = nb_blk * bpb
    n_acc = zeros_pad.shape[0]
    rpt = (-(-n // _NS) + 7) // 8 * 8
    rpt_last = n - (_NS - 1) * rpt
    assert rpt_last > 0 and rpt_last % 8 == 0

    mesh = plsc.VectorSubcoreMesh(core_axis_name="c", subcore_axis_name="s")

    @functools.partial(
        pl.kernel,
        mesh=mesh,
        out_type=[
            jax.ShapeDtypeStruct((n, h), jnp.float32),
            jax.ShapeDtypeStruct((n, h), jnp.float32),
        ],
        scratch_types=[
            pltpu.VMEM((4, bpb, k), jnp.int32),
            pltpu.VMEM((4, bpb, k), jnp.int32),
            pltpu.VMEM((_DEPTH, k, h), jnp.float32),
            pltpu.VMEM_SHARED((n_acc, h), jnp.float32),
            pltpu.SemaphoreType.DMA,
            pltpu.SemaphoreType.DMA,
            pltpu.SemaphoreType.DMA,
            pltpu.SemaphoreType.DMA,
            pltpu.SemaphoreType.DMA,
        ],
    )
    def run(table_hbm, src_hbm, dst_hbm, z_hbm, p0_hbm, p1_hbm,
            src_v, dst_v, rows_v, acc_sh, sem_g, sem_s, sem_is, sem_id,
            sem_z):
        cid = lax.axis_index("c")
        sid = lax.axis_index("s")
        wid = cid * _NS + sid

        pltpu.async_copy(src_hbm.at[wid, 0], src_v.at[0], sem_is)
        pltpu.async_copy(dst_hbm.at[wid, 0], dst_v.at[0], sem_id)
        last = n_acc - (_NS - 1) * rpt

        @pl.when(sid < _NS - 1)
        def _():
            pltpu.async_copy(z_hbm.at[pl.ds(sid * rpt, rpt)],
                             acc_sh.at[pl.ds(sid * rpt, rpt)], sem_z)

        @pl.when(sid == _NS - 1)
        def _():
            pltpu.async_copy(z_hbm.at[pl.ds((_NS - 1) * rpt, last)],
                             acc_sh.at[pl.ds((_NS - 1) * rpt, last)], sem_z)

        pltpu.make_async_copy(src_hbm.at[wid, 0], src_v.at[0], sem_is).wait()
        pltpu.make_async_copy(dst_hbm.at[wid, 0], dst_v.at[0], sem_id).wait()

        def _and(a, bb):
            return jnp.logical_and(a, bb)

        def when(cond):
            if isinstance(cond, bool):
                cond = jnp.bool_(cond)
            return pl.when(cond)

        dep = _DEPTH
        assert dep == 4 and ch >= 2

        def mc_of(j):
            m = j // bpb
            c = j - m * bpb
            mb = m % 4 if isinstance(j, int) else lax.rem(m, 4)
            return m, c, mb

        pltpu.async_copy(table_hbm.at[src_v.at[0, 0]], rows_v.at[0], sem_g)
        pltpu.async_copy(table_hbm.at[src_v.at[0, 1 % bpb]],
                         rows_v.at[1], sem_g)

        @pl.when(sid < _NS - 1)
        def _():
            pltpu.make_async_copy(z_hbm.at[pl.ds(sid * rpt, rpt)],
                                  acc_sh.at[pl.ds(sid * rpt, rpt)],
                                  sem_z).wait()

        @pl.when(sid == _NS - 1)
        def _():
            pltpu.make_async_copy(z_hbm.at[pl.ds((_NS - 1) * rpt, last)],
                                  acc_sh.at[pl.ds((_NS - 1) * rpt, last)],
                                  sem_z).wait()
        plsc.subcore_barrier()

        def step(j, b):
            nb2 = (b + 2) % dep
            m, c, mb = mc_of(j)

            @when(j >= 2)
            def _():
                jp = j - 2
                mp, cp, mpb = mc_of(jp)
                pltpu.make_async_copy(
                    rows_v.at[nb2], acc_sh.at[dst_v.at[mpb, cp]],
                    sem_s).wait()

            @when(_and(c == 0, m + 1 < nb_blk))
            def _():
                tb = (m + 1) % 4 if isinstance(j, int) else lax.rem(m + 1, 4)
                pltpu.async_copy(src_hbm.at[wid, m + 1],
                                 src_v.at[tb], sem_is)
                pltpu.async_copy(dst_hbm.at[wid, m + 1],
                                 dst_v.at[tb], sem_id)

            @when(j + 2 < ch)
            def _():
                jn = j + 2
                mn, cn, mnb = mc_of(jn)

                @when(cn == 0)
                def _():
                    pltpu.make_async_copy(src_hbm.at[wid, mn],
                                          src_v.at[mnb], sem_is).wait()
                    pltpu.make_async_copy(dst_hbm.at[wid, mn],
                                          dst_v.at[mnb], sem_id).wait()

                pltpu.async_copy(
                    table_hbm.at[src_v.at[mnb, cn]], rows_v.at[nb2], sem_g)

            pltpu.make_async_copy(
                table_hbm.at[src_v.at[mb, c]], rows_v.at[b], sem_g).wait()
            pltpu.async_copy(
                rows_v.at[b], acc_sh.at[dst_v.at[mb, c]], sem_s, add=True)

        def body(jj, carry):
            for t in range(dep):
                step(dep * jj + t, t)
            return carry

        lax.fori_loop(0, ch // dep, body, 0)
        for j in range((ch // dep) * dep, ch):
            step(j, j % dep)
        for j in range(max(0, ch - 2), ch):
            m, c, mb = mc_of(j)
            pltpu.make_async_copy(
                rows_v.at[j % dep], acc_sh.at[dst_v.at[mb, c]],
                sem_s).wait()
        plsc.subcore_barrier()

        for core, out_hbm in ((0, p0_hbm), (1, p1_hbm)):
            @pl.when(jnp.logical_and(cid == core, sid < _NS - 1))
            def _(out_hbm=out_hbm):
                pltpu.sync_copy(acc_sh.at[pl.ds(sid * rpt, rpt)],
                                out_hbm.at[pl.ds(sid * rpt, rpt)])

            @pl.when(jnp.logical_and(cid == core, sid == _NS - 1))
            def _(out_hbm=out_hbm):
                pltpu.sync_copy(acc_sh.at[pl.ds((_NS - 1) * rpt, rpt_last)],
                                out_hbm.at[pl.ds((_NS - 1) * rpt, rpt_last)])

    return run(table, src4, dst4, zeros_pad)



def kernel(x, edge_index, W_in, b_in, plasticity, syn, in_proj_w, in_proj_b,
           out_proj_w, out_proj_b, W_out, b_out):
    n, d = x.shape
    h = W_in.shape[0]
    e = edge_index.shape[1]
    nw = _NC * _NS
    k = 80
    bpb = 5
    ept = -(-e // (nw * bpb * k)) * bpb * k
    nb_blk = ept // (bpb * k)
    pad = nw * ept - e

    sig = jax.nn.sigmoid
    gate = sig(plasticity) * sig(syn)

    w_in_t = (W_in * gate[0]).T
    b0 = (b_in * gate[0]).reshape(1, h)

    w_v = in_proj_w[2 * h:]
    b_v = in_proj_b[2 * h:]
    m_t = (W_out @ out_proj_w @ w_v).T
    c = ((b_v @ out_proj_w.T + out_proj_b) @ W_out.T + b_out).reshape(1, -1)

    ei = edge_index.astype(jnp.int32)
    src4 = jnp.concatenate(
        [ei[0], jnp.zeros((pad,), jnp.int32)]).reshape(nw, nb_blk, bpb, k)
    trash = n + (jnp.arange(pad, dtype=jnp.int32) % k)
    dst4 = jnp.concatenate([ei[1], trash]).reshape(nw, nb_blk, bpb, k)
    extra = ((k + 7) // 8 * 8) if pad else 0
    z = jnp.zeros((n + extra, h), jnp.float32)

    table = _in_transform(x, w_in_t, b0)
    p0, p1 = _sc_propagate(table, src4, dst4, z)
    table = _merge(gate[1].reshape(1, 1), p0, p1)
    p0, p1 = _sc_propagate(table, src4, dst4, z)
    table = _merge(gate[2].reshape(1, 1), p0, p1)
    p0, p1 = _sc_propagate(table, src4, dst4, z)
    return _final(p0, p1, m_t, c)

# --- scband reference (transcript-rebuilt; emitter-appended) ---
"""Pipeline reference for scband-bio-scale-gnn-33569464386145 (READ-ONLY COPY).

The authoritative reference and input builder live on the scoring server;
editing this copy changes nothing except your own understanding.
"""

import jax, jax.numpy as jnp
import numpy as np

N = 10000
E = 320000
D = 128
H = 128
O = 128
L = 3
NH = 4


def setup_inputs(seed: int = 0) -> dict:
    key = jax.random.key(seed)
    ks = jax.random.split(key, 12)
    x = jax.random.normal(ks[0], (N, D), dtype=jnp.float32)
    edge_index = jax.random.randint(ks[1], (2, E), 0, N)
    W_in = jax.random.normal(ks[2], (H, D), dtype=jnp.float32) * 0.05
    b_in = jnp.zeros((H,), dtype=jnp.float32)
    plasticity = jnp.ones((L,), dtype=jnp.float32)
    syn = jnp.ones((L,), dtype=jnp.float32)
    in_proj_w = jax.random.normal(ks[3], (3 * H, H), dtype=jnp.float32) * 0.05
    in_proj_b = jnp.zeros((3 * H,), dtype=jnp.float32)
    out_proj_w = jax.random.normal(ks[4], (H, H), dtype=jnp.float32) * 0.05
    out_proj_b = jnp.zeros((H,), dtype=jnp.float32)
    W_out = jax.random.normal(ks[5], (O, H), dtype=jnp.float32) * 0.05
    b_out = jnp.zeros((O,), dtype=jnp.float32)
    return {"x": x, "edge_index": edge_index, "W_in": W_in, "b_in": b_in,
            "plasticity": plasticity, "syn": syn, "in_proj_w": in_proj_w,
            "in_proj_b": in_proj_b, "out_proj_w": out_proj_w,
            "out_proj_b": out_proj_b, "W_out": W_out, "b_out": b_out}


def reference(x, edge_index, W_in, b_in, plasticity, syn, in_proj_w, in_proj_b,
              out_proj_w, out_proj_b, W_out, b_out):
    n = x.shape[0]
    src = edge_index[0]
    dst = edge_index[1]
    # input_transform
    h = x @ W_in.T + b_in
    for i in range(L):
        # plasticity gate
        h = h * jax.nn.sigmoid(plasticity[i])
        # BioMessagePassing: edge_attr is None -> edge_weight = sigmoid(synaptic_plasticity) (scalar)
        ew = jax.nn.sigmoid(syn[i])
        # message: x_j * edge_weight ; x_j = x[src] (source_to_target flow)
        msgs = h[src] * ew
        # aggr='add' scatter into dst nodes (note: self.lin is defined but never used in forward)
        h = jnp.zeros((n, h.shape[1]), dtype=h.dtype).at[dst].add(msgs)
        h = jax.nn.leaky_relu(h, negative_slope=0.01)
    # nn.MultiheadAttention with batch_first=False on x.unsqueeze(0):
    # shape (1, N, H) => seq_len=1, batch=N -> each node attends only to itself.
    qkv = h @ in_proj_w.T + in_proj_b
    q, k, v = jnp.split(qkv, 3, axis=-1)
    d_h = H // NH
    qh = q.reshape(n, NH, d_h)
    kh = k.reshape(n, NH, d_h)
    vh = v.reshape(n, NH, d_h)
    # attention over a length-1 sequence: softmax of a single score == 1
    scores = jnp.sum(qh * kh, axis=-1, keepdims=True) / jnp.sqrt(jnp.float32(d_h))
    wts = jax.nn.softmax(scores, axis=-1)
    attn = (wts * vh).reshape(n, H)
    h = attn @ out_proj_w.T + out_proj_b
    # output_transform
    return h @ W_out.T + b_out

if __name__ == "__main__":
    import jax
    _d = setup_inputs()
    print(jax.jit(kernel)(*tuple(_d.values())))

</pallas_src>

<mosaic_0001>
#map = affine_map<(d0, d1) -> (0, 0)>
#map1 = affine_map<(d0, d1) -> (0, 0, 0, 0)>
module attributes {stable_mosaic.version = 14 : i64} {
  func.func @run(%arg0: i32, %arg1: i32, %arg2: memref<10000x128xf32, #tpu.memory_space<hbm>>, %arg3: memref<32x25x5x80xi32, #tpu.memory_space<hbm>>, %arg4: memref<32x25x5x80xi32, #tpu.memory_space<hbm>>, %arg5: memref<10000x128xf32, #tpu.memory_space<hbm>>, %arg6: memref<10000x128xf32, #tpu.memory_space<hbm>>, %arg7: memref<10000x128xf32, #tpu.memory_space<hbm>>, %arg8: memref<4x5x80xi32, #tpu.memory_space<vmem>>, %arg9: memref<4x5x80xi32, #tpu.memory_space<vmem>>, %arg10: memref<4x80x128xf32, #tpu.memory_space<vmem>>, %arg11: memref<10000x128xf32, #tpu.memory_space<vmem_shared>>, %arg12: memref<!tpu.dma_semaphore, #tpu.memory_space<semaphore_mem>>, %arg13: memref<!tpu.dma_semaphore, #tpu.memory_space<semaphore_mem>>, %arg14: memref<!tpu.dma_semaphore, #tpu.memory_space<semaphore_mem>>, %arg15: memref<!tpu.dma_semaphore, #tpu.memory_space<semaphore_mem>>, %arg16: memref<!tpu.dma_semaphore, #tpu.memory_space<semaphore_mem>>) attributes {dimension_semantics = [#tpu.dimension_semantics<core_parallel>, #tpu.dimension_semantics<subcore_parallel>], iteration_bounds = array<i64: 2, 16>, scalar_prefetch = 0 : i64, scratch_operands = 9 : i64, tpu.core_type = #tpu.core_type<sc_vector_subcore>, window_params = [{transform_indices = #map}, {transform_indices = #map1}, {transform_indices = #map1}, {transform_indices = #map}, {transform_indices = #map}, {transform_indices = #map}]} {
    %mul3A = arith.constant 16 : i32
    %mul3A_0 = arith.muli %arg0, %mul3A : i32
    %add3A = arith.addi %mul3A_0, %arg1 : i32
    %dma_start3A = arith.constant 0 : i32
    %dma_start3A_1 = arith.constant 0 : i32
    %dma_start3A_2 = arith.constant 0 : i32
    %dma_start3A_3 = arith.constant 0 : i32
    %dma_start3A_4 = tpu.memref_slice %arg8[%dma_start3A_1, %dma_start3A_2, %dma_start3A_3] : memref<4x5x80xi32, #tpu.memory_space<vmem>> -> memref<1x5x80xi32, #tpu.memory_space<vmem>>
    %dma_start3A_5 = tpu.memref_squeeze %dma_start3A_4 : memref<1x5x80xi32, #tpu.memory_space<vmem>> -> memref<5x80xi32, #tpu.memory_space<vmem>>
    %dma_start3A_6 = arith.constant 0 : i32
    %dma_start3A_7 = arith.constant 0 : i32
    %dma_start3A_8 = tpu.memref_slice %arg3[%add3A, %dma_start3A, %dma_start3A_6, %dma_start3A_7] : memref<32x25x5x80xi32, #tpu.memory_space<hbm>> -> memref<1x1x5x80xi32, #tpu.memory_space<hbm>>
    %dma_start3A_9 = tpu.memref_squeeze %dma_start3A_8 : memref<1x1x5x80xi32, #tpu.memory_space<hbm>> -> memref<5x80xi32, #tpu.memory_space<hbm>>
    %dma_start3A_10 = arith.constant 0 : i32
    %dma_start3A_11 = arith.constant 0 : i32
    %dma_start3A_12 = tpu.memref_slice %arg8[%dma_start3A_1, %dma_start3A_10, %dma_start3A_11] : memref<4x5x80xi32, #tpu.memory_space<vmem>> -> memref<1x5x80xi32, #tpu.memory_space<vmem>>
    %dma_start3A_13 = tpu.memref_squeeze %dma_start3A_12 : memref<1x5x80xi32, #tpu.memory_space<vmem>> -> memref<5x80xi32, #tpu.memory_space<vmem>>
    %dma_start3A_14 = arith.constant 0 : i32
    %dma_start3A_15 = arith.constant 0 : i32
    %dma_start3A_16 = tpu.memref_slice %arg3[%add3A, %dma_start3A, %dma_start3A_14, %dma_start3A_15] : memref<32x25x5x80xi32, #tpu.memory_space<hbm>> -> memref<1x1x5x80xi32, #tpu.memory_space<hbm>>
    %dma_start3A_17 = tpu.memref_squeeze %dma_start3A_16 : memref<1x1x5x80xi32, #tpu.memory_space<hbm>> -> memref<5x80xi32, #tpu.memory_space<hbm>>
    tpu.enqueue_dma source(%dma_start3A_17 : memref<5x80xi32, #tpu.memory_space<hbm>>) target(%dma_start3A_13 : memref<5x80xi32, #tpu.memory_space<vmem>>) target_semaphore(%arg14 : memref<!tpu.dma_semaphore, #tpu.memory_space<semaphore_mem>>)
    %dma_start3A_18 = arith.constant 0 : i32
    %dma_start3A_19 = arith.constant 0 : i32
    %dma_start3A_20 = arith.constant 0 : i32
    %dma_start3A_21 = arith.constant 0 : i32
    %dma_start3A_22 = tpu.memref_slice %arg9[%dma_start3A_19, %dma_start3A_20, %dma_start3A_21] : memref<4x5x80xi32, #tpu.memory_space<vmem>> -> memref<1x5x80xi32, #tpu.memory_space<vmem>>
    %dma_start3A_23 = tpu.memref_squeeze %dma_start3A_22 : memref<1x5x80xi32, #tpu.memory_space<vmem>> -> memref<5x80xi32, #tpu.memory_space<vmem>>
    %dma_start3A_24 = arith.constant 0 : i32
    %dma_start3A_25 = arith.constant 0 : i32
    %dma_start3A_26 = tpu.memref_slice %arg4[%add3A, %dma_start3A_18, %dma_start3A_24, %dma_start3A_25] : memref<32x25x5x80xi32, #tpu.memory_space<hbm>> -> memref<1x1x5x80xi32, #tpu.memory_space<hbm>>
    %dma_start3A_27 = tpu.memref_squeeze %dma_start3A_26 : memref<1x1x5x80xi32, #tpu.memory_space<hbm>> -> memref<5x80xi32, #tpu.memory_space<hbm>>
    %dma_start3A_28 = arith.constant 0 : i32
    %dma_start3A_29 = arith.constant 0 : i32
    %dma_start3A_30 = tpu.memref_slice %arg9[%dma_start3A_19, %dma_start3A_28, %dma_start3A_29] : memref<4x5x80xi32, #tpu.memory_space<vmem>> -> memref<1x5x80xi32, #tpu.memory_space<vmem>>
    %dma_start3A_31 = tpu.memref_squeeze %dma_start3A_30 : memref<1x5x80xi32, #tpu.memory_space<vmem>> -> memref<5x80xi32, #tpu.memory_space<vmem>>
    %dma_start3A_32 = arith.constant 0 : i32
    %dma_start3A_33 = arith.constant 0 : i32
    %dma_start3A_34 = tpu.memref_slice %arg4[%add3A, %dma_start3A_18, %dma_start3A_32, %dma_start3A_33] : memref<32x25x5x80xi32, #tpu.memory_space<hbm>> -> memref<1x1x5x80xi32, #tpu.memory_space<hbm>>
    %dma_start3A_35 = tpu.memref_squeeze %dma_start3A_34 : memref<1x1x5x80xi32, #tpu.memory_space<hbm>> -> memref<5x80xi32, #tpu.memory_space<hbm>>
    tpu.enqueue_dma source(%dma_start3A_35 : memref<5x80xi32, #tpu.memory_space<hbm>>) target(%dma_start3A_31 : memref<5x80xi32, #tpu.memory_space<vmem>>) target_semaphore(%arg15 : memref<!tpu.dma_semaphore, #tpu.memory_space<semaphore_mem>>)
    %lt3A = arith.constant 15 : i32
    %lt3A_36 = arith.cmpi slt, %arg1, %lt3A : i32
    %convert_element_type3A = arith.extui %lt3A_36 : i1 to i32
    %cond3A = arith.constant 0 : i32
    %cond3A_37 = arith.cmpi ne, %convert_element_type3A, %cond3A : i32
    scf.if %cond3A_37 {
      %mul3A_223 = arith.constant 632 : i32
      %mul3A_224 = arith.muli %arg1, %mul3A_223 : i32
      %mul3A_225 = arith.constant 632 : i32
      %mul3A_226 = arith.muli %arg1, %mul3A_225 : i32
      %dma_start3A_227 = arith.constant 0 : i32
      %dma_start3A_228 = tpu.memref_slice %arg11[%mul3A_226, %dma_start3A_227] : memref<10000x128xf32, #tpu.memory_space<vmem_shared>> -> memref<632x128xf32, #tpu.memory_space<vmem_shared>>
      %dma_start3A_229 = arith.constant 0 : i32
      %dma_start3A_230 = tpu.memref_slice %arg5[%mul3A_224, %dma_start3A_229] : memref<10000x128xf32, #tpu.memory_space<hbm>> -> memref<632x128xf32, #tpu.memory_space<hbm>>
      tpu.enqueue_dma source(%dma_start3A_230 : memref<632x128xf32, #tpu.memory_space<hbm>>) target(%dma_start3A_228 : memref<632x128xf32, #tpu.memory_space<vmem_shared>>) target_semaphore(%arg16 : memref<!tpu.dma_semaphore, #tpu.memory_space<semaphore_mem>>)
    } else {
    }
    %eq3A = arith.constant 15 : i32
    %eq3A_38 = arith.cmpi eq, %arg1, %eq3A : i32
    %convert_element_type3A_39 = arith.extui %eq3A_38 : i1 to i32
    %cond3A_40 = arith.constant 0 : i32
    %cond3A_41 = arith.cmpi ne, %convert_element_type3A_39, %cond3A_40 : i32
    scf.if %cond3A_41 {
      %dma_start3A_223 = arith.constant 9480 : i32
      %dma_start3A_224 = arith.constant 0 : i32
      %dma_start3A_225 = tpu.memref_slice %arg11[%dma_start3A_223, %dma_start3A_224] : memref<10000x128xf32, #tpu.memory_space<vmem_shared>> -> memref<520x128xf32, #tpu.memory_space<vmem_shared>>
      %dma_start3A_226 = arith.constant 9480 : i32
      %dma_start3A_227 = arith.constant 0 : i32
      %dma_start3A_228 = tpu.memref_slice %arg5[%dma_start3A_226, %dma_start3A_227] : memref<10000x128xf32, #tpu.memory_space<hbm>> -> memref<520x128xf32, #tpu.memory_space<hbm>>
      tpu.enqueue_dma source(%dma_start3A_228 : memref<520x128xf32, #tpu.memory_space<hbm>>) target(%dma_start3A_225 : memref<520x128xf32, #tpu.memory_space<vmem_shared>>) target_semaphore(%arg16 : memref<!tpu.dma_semaphore, #tpu.memory_space<semaphore_mem>>)
    } else {
    }
    %dma_wait3A = arith.constant 0 : i32
    %dma_wait3A_42 = arith.constant 0 : i32
    %dma_wait3A_43 = arith.constant 0 : i32
    %dma_wait3A_44 = arith.constant 0 : i32
    %dma_wait3A_45 = tpu.memref_slice %arg8[%dma_wait3A_42, %dma_wait3A_43, %dma_wait3A_44] : memref<4x5x80xi32, #tpu.memory_space<vmem>> -> memref<1x5x80xi32, #tpu.memory_space<vmem>>
    %dma_wait3A_46 = tpu.memref_squeeze %dma_wait3A_45 : memref<1x5x80xi32, #tpu.memory_space<vmem>> -> memref<5x80xi32, #tpu.memory_space<vmem>>
    %dma_wait3A_47 = arith.constant 0 : i32
    %dma_wait3A_48 = arith.constant 0 : i32
    %dma_wait3A_49 = tpu.memref_slice %arg3[%add3A, %dma_wait3A, %dma_wait3A_47, %dma_wait3A_48] : memref<32x25x5x80xi32, #tpu.memory_space<hbm>> -> memref<1x1x5x80xi32, #tpu.memory_space<hbm>>
    %dma_wait3A_50 = tpu.memref_squeeze %dma_wait3A_49 : memref<1x1x5x80xi32, #tpu.memory_space<hbm>> -> memref<5x80xi32, #tpu.memory_space<hbm>>
    %dma_wait3A_51 = arith.constant 0 : i32
    %dma_wait3A_52 = arith.constant 0 : i32
    %dma_wait3A_53 = tpu.memref_slice %arg8[%dma_wait3A_42, %dma_wait3A_51, %dma_wait3A_52] : memref<4x5x80xi32, #tpu.memory_space<vmem>> -> memref<1x5x80xi32, #tpu.memory_space<vmem>>
    %dma_wait3A_54 = tpu.memref_squeeze %dma_wait3A_53 : memref<1x5x80xi32, #tpu.memory_space<vmem>> -> memref<5x80xi32, #tpu.memory_space<vmem>>
    %dma_wait3A_55 = arith.constant 0 : i32
    %dma_wait3A_56 = arith.constant 0 : i32
    %dma_wait3A_57 = tpu.memref_slice %arg3[%add3A, %dma_wait3A, %dma_wait3A_55, %dma_wait3A_56] : memref<32x25x5x80xi32, #tpu.memory_space<hbm>> -> memref<1x1x5x80xi32, #tpu.memory_space<hbm>>
    %dma_wait3A_58 = tpu.memref_squeeze %dma_wait3A_57 : memref<1x1x5x80xi32, #tpu.memory_space<hbm>> -> memref<5x80xi32, #tpu.memory_space<hbm>>
    tpu.wait_dma2 semaphore(%arg14 : memref<!tpu.dma_semaphore, #tpu.memory_space<semaphore_mem>>) src(%dma_wait3A_58 : memref<5x80xi32, #tpu.memory_space<hbm>>) dst(%dma_wait3A_54 : memref<5x80xi32, #tpu.memory_space<vmem>>)
    %dma_wait3A_59 = arith.constant 0 : i32
    %dma_wait3A_60 = arith.constant 0 : i32
    %dma_wait3A_61 = arith.constant 0 : i32
    %dma_wait3A_62 = arith.constant 0 : i32
    %dma_wait3A_63 = tpu.memref_slice %arg9[%dma_wait3A_60, %dma_wait3A_61, %dma_wait3A_62] : memref<4x5x80xi32, #tpu.memory_space<vmem>> -> memref<1x5x80xi32, #tpu.memory_space<vmem>>
    %dma_wait3A_64 = tpu.memref_squeeze %dma_wait3A_63 : memref<1x5x80xi32, #tpu.memory_space<vmem>> -> memref<5x80xi32, #tpu.memory_space<vmem>>
    %dma_wait3A_65 = arith.constant 0 : i32
    %dma_wait3A_66 = arith.constant 0 : i32
    %dma_wait3A_67 = tpu.memref_slice %arg4[%add3A, %dma_wait3A_59, %dma_wait3A_65, %dma_wait3A_66] : memref<32x25x5x80xi32, #tpu.memory_space<hbm>> -> memref<1x1x5x80xi32, #tpu.memory_space<hbm>>
    %dma_wait3A_68 = tpu.memref_squeeze %dma_wait3A_67 : memref<1x1x5x80xi32, #tpu.memory_space<hbm>> -> memref<5x80xi32, #tpu.memory_space<hbm>>
    %dma_wait3A_69 = arith.constant 0 : i32
    %dma_wait3A_70 = arith.constant 0 : i32
    %dma_wait3A_71 = tpu.memref_slice %arg9[%dma_wait3A_60, %dma_wait3A_69, %dma_wait3A_70] : memref<4x5x80xi32, #tpu.memory_space<vmem>> -> memref<1x5x80xi32, #tpu.memory_space<vmem>>
    %dma_wait3A_72 = tpu.memref_squeeze %dma_wait3A_71 : memref<1x5x80xi32, #tpu.memory_space<vmem>> -> memref<5x80xi32, #tpu.memory_space<vmem>>
    %dma_wait3A_73 = arith.constant 0 : i32
    %dma_wait3A_74 = arith.constant 0 : i32
    %dma_wait3A_75 = tpu.memref_slice %arg4[%add3A, %dma_wait3A_59, %dma_wait3A_73, %dma_wait3A_74] : memref<32x25x5x80xi32, #tpu.memory_space<hbm>> -> memref<1x1x5x80xi32, #tpu.memory_space<hbm>>
    %dma_wait3A_76 = tpu.memref_squeeze %dma_wait3A_75 : memref<1x1x5x80xi32, #tpu.memory_space<hbm>> -> memref<5x80xi32, #tpu.memory_space<hbm>>
    tpu.wait_dma2 semaphore(%arg15 : memref<!tpu.dma_semaphore, #tpu.memory_space<semaphore_mem>>) src(%dma_wait3A_76 : memref<5x80xi32, #tpu.memory_space<hbm>>) dst(%dma_wait3A_72 : memref<5x80xi32, #tpu.memory_space<vmem>>)
    %dma_start3A_77 = arith.constant 0 : i32
    %dma_start3A_78 = arith.constant 0 : i32
    %dma_start3A_79 = arith.constant 0 : i32
    %dma_start3A_80 = arith.constant 0 : i32
    %dma_start3A_81 = arith.constant 0 : i32
    %dma_start3A_82 = tpu.memref_slice %arg10[%dma_start3A_79, %dma_start3A_80, %dma_start3A_81] : memref<4x80x128xf32, #tpu.memory_space<vmem>> -> memref<1x80x128xf32, #tpu.memory_space<vmem>>
    %dma_start3A_83 = tpu.memref_squeeze %dma_start3A_82 : memref<1x80x128xf32, #tpu.memory_space<vmem>> -> memref<80x128xf32, #tpu.memory_space<vmem>>
    %dma_start3A_84 = arith.constant 0 : i32
    %dma_start3A_85 = tpu.memref_slice %arg8[%dma_start3A_77, %dma_start3A_78, %dma_start3A_84] : memref<4x5x80xi32, #tpu.memory_space<vmem>> -> memref<1x1x80xi32, #tpu.memory_space<vmem>>
    %dma_start3A_86 = tpu.memref_squeeze %dma_start3A_85 : memref<1x1x80xi32, #tpu.memory_space<vmem>> -> memref<80xi32, #tpu.memory_space<vmem>>
    %dma_start3A_87 = arith.constant 0 : i32
    %dma_start3A_88 = arith.constant 0 : i32
    %dma_start3A_89 = tpu.memref_slice %arg2[%dma_start3A_87, %dma_start3A_88] : memref<10000x128xf32, #tpu.memory_space<hbm>> -> memref<10000x128xf32, #tpu.memory_space<hbm>>
    tpu.enqueue_indirect_dma source(%dma_start3A_89 : memref<10000x128xf32, #tpu.memory_space<hbm>>) target(%dma_start3A_83 : memref<80x128xf32, #tpu.memory_space<vmem>>) offsets(%dma_start3A_86 : memref<80xi32, #tpu.memory_space<vmem>>) semaphore(%arg12 : memref<!tpu.dma_semaphore, #tpu.memory_space<semaphore_mem>>)
    %dma_start3A_90 = arith.constant 0 : i32
    %dma_start3A_91 = arith.constant 1 : i32
    %dma_start3A_92 = arith.constant 1 : i32
    %dma_start3A_93 = arith.constant 0 : i32
    %dma_start3A_94 = arith.constant 0 : i32
    %dma_start3A_95 = tpu.memref_slice %arg10[%dma_start3A_92, %dma_start3A_93, %dma_start3A_94] : memref<4x80x128xf32, #tpu.memory_space<vmem>> -> memref<1x80x128xf32, #tpu.memory_space<vmem>>
    %dma_start3A_96 = tpu.memref_squeeze %dma_start3A_95 : memref<1x80x128xf32, #tpu.memory_space<vmem>> -> memref<80x128xf32, #tpu.memory_space<vmem>>
    %dma_start3A_97 = arith.constant 0 : i32
    %dma_start3A_98 = tpu.memref_slice %arg8[%dma_start3A_90, %dma_start3A_91, %dma_start3A_97] : memref<4x5x80xi32, #tpu.memory_space<vmem>> -> memref<1x1x80xi32, #tpu.memory_space<vmem>>
    %dma_start3A_99 = tpu.memref_squeeze %dma_start3A_98 : memref<1x1x80xi32, #tpu.memory_space<vmem>> -> memref<80xi32, #tpu.memory_space<vmem>>
    %dma_start3A_100 = arith.constant 0 : i32
    %dma_start3A_101 = arith.constant 0 : i32
    %dma_start3A_102 = tpu.memref_slice %arg2[%dma_start3A_100, %dma_start3A_101] : memref<10000x128xf32, #tpu.memory_space<hbm>> -> memref<10000x128xf32, #tpu.memory_space<hbm>>
    tpu.enqueue_indirect_dma source(%dma_start3A_102 : memref<10000x128xf32, #tpu.memory_space<hbm>>) target(%dma_start3A_96 : memref<80x128xf32, #tpu.memory_space<vmem>>) offsets(%dma_start3A_99 : memref<80xi32, #tpu.memory_space<vmem>>) semaphore(%arg12 : memref<!tpu.dma_semaphore, #tpu.memory_space<semaphore_mem>>)
    %lt3A_103 = arith.constant 15 : i32
    %lt3A_104 = arith.cmpi slt, %arg1, %lt3A_103 : i32
    %convert_element_type3A_105 = arith.extui %lt3A_104 : i1 to i32
    %cond3A_106 = arith.constant 0 : i32
    %cond3A_107 = arith.cmpi ne, %convert_element_type3A_105, %cond3A_106 : i32
    scf.if %cond3A_107 {
      %mul3A_223 = arith.constant 632 : i32
      %mul3A_224 = arith.muli %arg1, %mul3A_223 : i32
      %mul3A_225 = arith.constant 632 : i32
      %mul3A_226 = arith.muli %arg1, %mul3A_225 : i32
      %dma_wait3A_227 = arith.constant 0 : i32
      %dma_wait3A_228 = tpu.memref_slice %arg11[%mul3A_226, %dma_wait3A_227] : memref<10000x128xf32, #tpu.memory_space<vmem_shared>> -> memref<632x128xf32, #tpu.memory_space<vmem_shared>>
      %dma_wait3A_229 = arith.constant 0 : i32
      %dma_wait3A_230 = tpu.memref_slice %arg5[%mul3A_224, %dma_wait3A_229] : memref<10000x128xf32, #tpu.memory_space<hbm>> -> memref<632x128xf32, #tpu.memory_space<hbm>>
      tpu.wait_dma2 semaphore(%arg16 : memref<!tpu.dma_semaphore, #tpu.memory_space<semaphore_mem>>) src(%dma_wait3A_230 : memref<632x128xf32, #tpu.memory_space<hbm>>) dst(%dma_wait3A_228 : memref<632x128xf32, #tpu.memory_space<vmem_shared>>)
    } else {
    }
    %eq3A_108 = arith.constant 15 : i32
    %eq3A_109 = arith.cmpi eq, %arg1, %eq3A_108 : i32
    %convert_element_type3A_110 = arith.extui %eq3A_109 : i1 to i32
    %cond3A_111 = arith.constant 0 : i32
    %cond3A_112 = arith.cmpi ne, %convert_element_type3A_110, %cond3A_111 : i32
    scf.if %cond3A_112 {
      %dma_wait3A_223 = arith.constant 9480 : i32
      %dma_wait3A_224 = arith.constant 0 : i32
      %dma_wait3A_225 = tpu.memref_slice %arg11[%dma_wait3A_223, %dma_wait3A_224] : memref<10000x128xf32, #tpu.memory_space<vmem_shared>> -> memref<520x128xf32, #tpu.memory_space<vmem_shared>>
      %dma_wait3A_226 = arith.constant 9480 : i32
      %dma_wait3A_227 = arith.constant 0 : i32
      %dma_wait3A_228 = tpu.memref_slice %arg5[%dma_wait3A_226, %dma_wait3A_227] : memref<10000x128xf32, #tpu.memory_space<hbm>> -> memref<520x128xf32, #tpu.memory_space<hbm>>
      tpu.wait_dma2 semaphore(%arg16 : memref<!tpu.dma_semaphore, #tpu.memory_space<semaphore_mem>>) src(%dma_wait3A_228 : memref<520x128xf32, #tpu.memory_space<hbm>>) dst(%dma_wait3A_225 : memref<520x128xf32, #tpu.memory_space<vmem_shared>>)
    } else {
    }
    %barrier3A = arith.constant 0 : index
    tpu.barrier barrier_id(%barrier3A)
    %scan3A = arith.constant 0 : i32
    %scan3A_113 = arith.constant 0 : i32
    %scan3A_114 = arith.constant 31 : i32
    %scan3A_115 = arith.addi %scan3A_113, %scan3A_114 : i32
    %scan3A_116 = arith.constant 1 : i32
    scf.for %scan3A_223 = %scan3A_113 to %scan3A_115 step %scan3A_116  : i32 {
      %mul3A_224 = arith.constant 4 : i32
      %mul3A_225 = arith.muli %mul3A_224, %scan3A_223 : i32
      %add3A_226 = arith.constant 0 : i32
      %add3A_227 = arith.addi %mul3A_225, %add3A_226 : i32
      %jit3A = arith.constant 5 : i32
      %div3A = arith.divsi %add3A_227, %jit3A : i32
      %sign3A = arith.constant 0 : i32
      %sign3A_228 = arith.cmpi sgt, %add3A_227, %sign3A : i32
      %sign3A_229 = arith.extui %sign3A_228 : i1 to i32
      %sign3A_230 = arith.constant 0 : i32
      %sign3A_231 = arith.cmpi slt, %add3A_227, %sign3A_230 : i32
      %sign3A_232 = arith.extui %sign3A_231 : i1 to i32
      %sign3A_233 = arith.subi %sign3A_229, %sign3A_232 : i32
      %sign3A_234 = arith.constant 0 : i32
      %sign3A_235 = arith.cmpi sgt, %jit3A, %sign3A_234 : i32
      %sign3A_236 = arith.extui %sign3A_235 : i1 to i32
      %sign3A_237 = arith.constant 0 : i32
      %sign3A_238 = arith.cmpi slt, %jit3A, %sign3A_237 : i32
      %sign3A_239 = arith.extui %sign3A_238 : i1 to i32
      %sign3A_240 = arith.subi %sign3A_236, %sign3A_239 : i32
      %ne3A = arith.cmpi ne, %sign3A_233, %sign3A_240 : i32
      %rem3A = arith.remsi %add3A_227, %jit3A : i32
      %ne3A_241 = arith.constant 0 : i32
      %ne3A_242 = arith.cmpi ne, %rem3A, %ne3A_241 : i32
      %and3A_243 = arith.andi %ne3A, %ne3A_242 : i1
      %sub3A = arith.constant 1 : i32
      %sub3A_244 = arith.subi %div3A, %sub3A : i32
      %select_n3A = arith.select %and3A_243, %sub3A_244, %div3A : i32
      %mul3A_245 = arith.constant 5 : i32
      %mul3A_246 = arith.muli %select_n3A, %mul3A_245 : i32
      %sub3A_247 = arith.subi %add3A_227, %mul3A_246 : i32
      %rem3A_248 = arith.constant 4 : i32
      %rem3A_249 = arith.remsi %select_n3A, %rem3A_248 : i32
      %ge3A = arith.constant 2 : i32
      %ge3A_250 = arith.cmpi sge, %add3A_227, %ge3A : i32
      %convert_element_type3A_251 = arith.extui %ge3A_250 : i1 to i32
      %cond3A_252 = arith.constant 0 : i32
      %cond3A_253 = arith.cmpi ne, %convert_element_type3A_251, %cond3A_252 : i32
      scf.if %cond3A_253 {
        %sub3A_524 = arith.constant 2 : i32
        %sub3A_525 = arith.subi %add3A_227, %sub3A_524 : i32
        %jit3A_526 = arith.constant 5 : i32
        %div3A_527 = arith.divsi %sub3A_525, %jit3A_526 : i32
        %sign3A_528 = arith.constant 0 : i32
        %sign3A_529 = arith.cmpi sgt, %sub3A_525, %sign3A_528 : i32
        %sign3A_530 = arith.extui %sign3A_529 : i1 to i32
        %sign3A_531 = arith.constant 0 : i32
        %sign3A_532 = arith.cmpi slt, %sub3A_525, %sign3A_531 : i32
        %sign3A_533 = arith.extui %sign3A_532 : i1 to i32
        %sign3A_534 = arith.subi %sign3A_530, %sign3A_533 : i32
        %sign3A_535 = arith.constant 0 : i32
        %sign3A_536 = arith.cmpi sgt, %jit3A_526, %sign3A_535 : i32
        %sign3A_537 = arith.extui %sign3A_536 : i1 to i32
        %sign3A_538 = arith.constant 0 : i32
        %sign3A_539 = arith.cmpi slt, %jit3A_526, %sign3A_538 : i32
        %sign3A_540 = arith.extui %sign3A_539 : i1 to i32
        %sign3A_541 = arith.subi %sign3A_537, %sign3A_540 : i32
        %ne3A_542 = arith.cmpi ne, %sign3A_534, %sign3A_541 : i32
        %rem3A_543 = arith.remsi %sub3A_525, %jit3A_526 : i32
        %ne3A_544 = arith.constant 0 : i32
        %ne3A_545 = arith.cmpi ne, %rem3A_543, %ne3A_544 : i32
        %and3A_546 = arith.andi %ne3A_542, %ne3A_545 : i1
        %sub3A_547 = arith.constant 1 : i32
        %sub3A_548 = arith.subi %div3A_527, %sub3A_547 : i32
        %select_n3A_549 = arith.select %and3A_546, %sub3A_548, %div3A_527 : i32
        %mul3A_550 = arith.constant 5 : i32
        %mul3A_551 = arith.muli %select_n3A_549, %mul3A_550 : i32
        %sub3A_552 = arith.subi %sub3A_525, %mul3A_551 : i32
        %rem3A_553 = arith.constant 4 : i32
        %rem3A_554 = arith.remsi %select_n3A_549, %rem3A_553 : i32
        %dma_wait3A_555 = arith.constant 2 : i32
        %dma_wait3A_556 = arith.constant 0 : i32
        %dma_wait3A_557 = arith.constant 0 : i32
        %dma_wait3A_558 = tpu.memref_slice %arg10[%dma_wait3A_555, %dma_wait3A_556, %dma_wait3A_557] : memref<4x80x128xf32, #tpu.memory_space<vmem>> -> memref<1x80x128xf32, #tpu.memory_space<vmem>>
        %dma_wait3A_559 = tpu.memref_squeeze %dma_wait3A_558 : memref<1x80x128xf32, #tpu.memory_space<vmem>> -> memref<80x128xf32, #tpu.memory_space<vmem>>
        %dma_wait3A_560 = arith.constant 0 : i32
        %dma_wait3A_561 = tpu.memref_slice %arg9[%rem3A_554, %sub3A_552, %dma_wait3A_560] : memref<4x5x80xi32, #tpu.memory_space<vmem>> -> memref<1x1x80xi32, #tpu.memory_space<vmem>>
        %dma_wait3A_562 = tpu.memref_squeeze %dma_wait3A_561 : memref<1x1x80xi32, #tpu.memory_space<vmem>> -> memref<80xi32, #tpu.memory_space<vmem>>
        %dma_wait3A_563 = arith.constant 0 : i32
        %dma_wait3A_564 = arith.constant 0 : i32
        %dma_wait3A_565 = tpu.memref_slice %arg11[%dma_wait3A_563, %dma_wait3A_564] : memref<10000x128xf32, #tpu.memory_space<vmem_shared>> -> memref<10000x128xf32, #tpu.memory_space<vmem_shared>>
        tpu.wait_indirect_dma semaphore(%arg13 : memref<!tpu.dma_semaphore, #tpu.memory_space<semaphore_mem>>) src(%dma_wait3A_559 : memref<80x128xf32, #tpu.memory_space<vmem>>) dst(%dma_wait3A_565 : memref<10000x128xf32, #tpu.memory_space<vmem_shared>>)
      } else {
      }
      %eq3A_254 = arith.constant 0 : i32
      %eq3A_255 = arith.cmpi eq, %sub3A_247, %eq3A_254 : i32
      %add3A_256 = arith.constant 1 : i32
      %add3A_257 = arith.addi %select_n3A, %add3A_256 : i32
      %lt3A_258 = arith.constant 25 : i32
      %lt3A_259 = arith.cmpi slt, %add3A_257, %lt3A_258 : i32
      %and3A_260 = arith.andi %eq3A_255, %lt3A_259 : i1
      %convert_element_type3A_261 = arith.extui %and3A_260 : i1 to i32
      %cond3A_262 = arith.constant 0 : i32
      %cond3A_263 = arith.cmpi ne, %convert_element_type3A_261, %cond3A_262 : i32
      scf.if %cond3A_263 {
        %add3A_524 = arith.constant 1 : i32
        %add3A_525 = arith.addi %select_n3A, %add3A_524 : i32
        %rem3A_526 = arith.constant 4 : i32
        %rem3A_527 = arith.remsi %add3A_525, %rem3A_526 : i32
        %add3A_528 = arith.constant 1 : i32
        %add3A_529 = arith.addi %select_n3A, %add3A_528 : i32
        %dma_start3A_530 = arith.constant 0 : i32
        %dma_start3A_531 = arith.constant 0 : i32
        %dma_start3A_532 = tpu.memref_slice %arg8[%rem3A_527, %dma_start3A_530, %dma_start3A_531] : memref<4x5x80xi32, #tpu.memory_space<vmem>> -> memref<1x5x80xi32, #tpu.memory_space<vmem>>
        %dma_start3A_533 = tpu.memref_squeeze %dma_start3A_532 : memref<1x5x80xi32, #tpu.memory_space<vmem>> -> memref<5x80xi32, #tpu.memory_space<vmem>>
        %dma_start3A_534 = arith.constant 0 : i32
        %dma_start3A_535 = arith.constant 0 : i32
        %dma_start3A_536 = tpu.memref_slice %arg3[%add3A, %add3A_529, %dma_start3A_534, %dma_start3A_535] : memref<32x25x5x80xi32, #tpu.memory_space<hbm>> -> memref<1x1x5x80xi32, #tpu.memory_space<hbm>>
        %dma_start3A_537 = tpu.memref_squeeze %dma_start3A_536 : memref<1x1x5x80xi32, #tpu.memory_space<hbm>> -> memref<5x80xi32, #tpu.memory_space<hbm>>
        %dma_start3A_538 = arith.constant 0 : i32
        %dma_start3A_539 = arith.constant 0 : i32
        %dma_start3A_540 = tpu.memref_slice %arg8[%rem3A_527, %dma_start3A_538, %dma_start3A_539] : memref<4x5x80xi32, #tpu.memory_space<vmem>> -> memref<1x5x80xi32, #tpu.memory_space<vmem>>
        %dma_start3A_541 = tpu.memref_squeeze %dma_start3A_540 : memref<1x5x80xi32, #tpu.memory_space<vmem>> -> memref<5x80xi32, #tpu.memory_space<vmem>>
        %dma_start3A_542 = arith.constant 0 : i32
        %dma_start3A_543 = arith.constant 0 : i32
        %dma_start3A_544 = tpu.memref_slice %arg3[%add3A, %add3A_529, %dma_start3A_542, %dma_start3A_543] : memref<32x25x5x80xi32, #tpu.memory_space<hbm>> -> memref<1x1x5x80xi32, #tpu.memory_space<hbm>>
        %dma_start3A_545 = tpu.memref_squeeze %dma_start3A_544 : memref<1x1x5x80xi32, #tpu.memory_space<hbm>> -> memref<5x80xi32, #tpu.memory_space<hbm>>
        tpu.enqueue_dma source(%dma_start3A_545 : memref<5x80xi32, #tpu.memory_space<hbm>>) target(%dma_start3A_541 : memref<5x80xi32, #tpu.memory_space<vmem>>) target_semaphore(%arg14 : memref<!tpu.dma_semaphore, #tpu.memory_space<semaphore_mem>>)
        %add3A_546 = arith.constant 1 : i32
        %add3A_547 = arith.addi %select_n3A, %add3A_546 : i32
        %dma_start3A_548 = arith.constant 0 : i32
        %dma_start3A_549 = arith.constant 0 : i32
        %dma_start3A_550 = tpu.memref_slice %arg9[%rem3A_527, %dma_start3A_548, %dma_start3A_549] : memref<4x5x80xi32, #tpu.memory_space<vmem>> -> memref<1x5x80xi32, #tpu.memory_space<vmem>>
        %dma_start3A_551 = tpu.memref_squeeze %dma_start3A_550 : memref<1x5x80xi32, #tpu.memory_space<vmem>> -> memref<5x80xi32, #tpu.memory_space<vmem>>
        %dma_start3A_552 = arith.constant 0 : i32
        %dma_start3A_553 = arith.constant 0 : i32
        %dma_start3A_554 = tpu.memref_slice %arg4[%add3A, %add3A_547, %dma_start3A_552, %dma_start3A_553] : memref<32x25x5x80xi32, #tpu.memory_space<hbm>> -> memref<1x1x5x80xi32, #tpu.memory_space<hbm>>
        %dma_start3A_555 = tpu.memref_squeeze %dma_start3A_554 : memref<1x1x5x80xi32, #tpu.memory_space<hbm>> -> memref<5x80xi32, #tpu.memory_space<hbm>>
        %dma_start3A_556 = arith.constant 0 : i32
        %dma_start3A_557 = arith.constant 0 : i32
        %dma_start3A_558 = tpu.memref_slice %arg9[%rem3A_527, %dma_start3A_556, %dma_start3A_557] : memref<4x5x80xi32, #tpu.memory_space<vmem>> -> memref<1x5x80xi32, #tpu.memory_space<vmem>>
        %dma_start3A_559 = tpu.memref_squeeze %dma_start3A_558 : memref<1x5x80xi32, #tpu.memory_space<vmem>> -> memref<5x80xi32, #tpu.memory_space<vmem>>
        %dma_start3A_560 = arith.constant 0 : i32
        %dma_start3A_561 = arith.constant 0 : i32
        %dma_start3A_562 = tpu.memref_slice %arg4[%add3A, %add3A_547, %dma_start3A_560, %dma_start3A_561] : memref<32x25x5x80xi32, #tpu.memory_space<hbm>> -> memref<1x1x5x80xi32, #tpu.memory_space<hbm>>
        %dma_start3A_563 = tpu.memref_squeeze %dma_start3A_562 : memref<1x1x5x80xi32, #tpu.memory_space<hbm>> -> memref<5x80xi32, #tpu.memory_space<hbm>>
        tpu.enqueue_dma source(%dma_start3A_563 : memref<5x80xi32, #tpu.memory_space<hbm>>) target(%dma_start3A_559 : memref<5x80xi32, #tpu.memory_space<vmem>>) target_semaphore(%arg15 : memref<!tpu.dma_semaphore, #tpu.memory_space<semaphore_mem>>)
      } else {
      }
      %add3A_264 = arith.constant 2 : i32
      %add3A_265 = arith.addi %add3A_227, %add3A_264 : i32
      %lt3A_266 = arith.constant 125 : i32
      %lt3A_267 = arith.cmpi slt, %add3A_265, %lt3A_266 : i32
      %convert_element_type3A_268 = arith.extui %lt3A_267 : i1 to i32
      %cond3A_269 = arith.constant 0 : i32
      %cond3A_270 = arith.cmpi ne, %convert_element_type3A_268, %cond3A_269 : i32
      scf.if %cond3A_270 {
        %add3A_524 = arith.constant 2 : i32
        %add3A_525 = arith.addi %add3A_227, %add3A_524 : i32
        %jit3A_526 = arith.constant 5 : i32
        %div3A_527 = arith.divsi %add3A_525, %jit3A_526 : i32
        %sign3A_528 = arith.constant 0 : i32
        %sign3A_529 = arith.cmpi sgt, %add3A_525, %sign3A_528 : i32
        %sign3A_530 = arith.extui %sign3A_529 : i1 to i32
        %sign3A_531 = arith.constant 0 : i32
        %sign3A_532 = arith.cmpi slt, %add3A_525, %sign3A_531 : i32
        %sign3A_533 = arith.extui %sign3A_532 : i1 to i32
        %sign3A_534 = arith.subi %sign3A_530, %sign3A_533 : i32
        %sign3A_535 = arith.constant 0 : i32
        %sign3A_536 = arith.cmpi sgt, %jit3A_526, %sign3A_535 : i32
        %sign3A_537 = arith.extui %sign3A_536 : i1 to i32
        %sign3A_538 = arith.constant 0 : i32
        %sign3A_539 = arith.cmpi slt, %jit3A_526, %sign3A_538 : i32
        %sign3A_540 = arith.extui %sign3A_539 : i1 to i32
        %sign3A_541 = arith.subi %sign3A_537, %sign3A_540 : i32
        %ne3A_542 = arith.cmpi ne, %sign3A_534, %sign3A_541 : i32
        %rem3A_543 = arith.remsi %add3A_525, %jit3A_526 : i32
        %ne3A_544 = arith.constant 0 : i32
        %ne3A_545 = arith.cmpi ne, %rem3A_543, %ne3A_544 : i32
        %and3A_546 = arith.andi %ne3A_542, %ne3A_545 : i1
        %sub3A_547 = arith.constant 1 : i32
        %sub3A_548 = arith.subi %div3A_527, %sub3A_547 : i32
        %select_n3A_549 = arith.select %and3A_546, %sub3A_548, %div3A_527 : i32
        %mul3A_550 = arith.constant 5 : i32
        %mul3A_551 = arith.muli %select_n3A_549, %mul3A_550 : i32
        %sub3A_552 = arith.subi %add3A_525, %mul3A_551 : i32
        %rem3A_553 = arith.constant 4 : i32
        %rem3A_554 = arith.remsi %select_n3A_549, %rem3A_553 : i32
        %eq3A_555 = arith.constant 0 : i32
        %eq3A_556 = arith.cmpi eq, %sub3A_552, %eq3A_555 : i32
        %convert_element_type3A_557 = arith.extui %eq3A_556 : i1 to i32
        %cond3A_558 = arith.constant 0 : i32
        %cond3A_559 = arith.cmpi ne, %convert_element_type3A_557, %cond3A_558 : i32
        scf.if %cond3A_559 {
          %dma_wait3A_571 = arith.constant 0 : i32
          %dma_wait3A_572 = arith.constant 0 : i32
          %dma_wait3A_573 = tpu.memref_slice %arg8[%rem3A_554, %dma_wait3A_571, %dma_wait3A_572] : memref<4x5x80xi32, #tpu.memory_space<vmem>> -> memref<1x5x80xi32, #tpu.memory_space<vmem>>
          %dma_wait3A_574 = tpu.memref_squeeze %dma_wait3A_573 : memref<1x5x80xi32, #tpu.memory_space<vmem>> -> memref<5x80xi32, #tpu.memory_space<vmem>>
          %dma_wait3A_575 = arith.constant 0 : i32
          %dma_wait3A_576 = arith.constant 0 : i32
          %dma_wait3A_577 = tpu.memref_slice %arg3[%add3A, %select_n3A_549, %dma_wait3A_575, %dma_wait3A_576] : memref<32x25x5x80xi32, #tpu.memory_space<hbm>> -> memref<1x1x5x80xi32, #tpu.memory_space<hbm>>
          %dma_wait3A_578 = tpu.memref_squeeze %dma_wait3A_577 : memref<1x1x5x80xi32, #tpu.memory_space<hbm>> -> memref<5x80xi32, #tpu.memory_space<hbm>>
          %dma_wait3A_579 = arith.constant 0 : i32
          %dma_wait3A_580 = arith.constant 0 : i32
          %dma_wait3A_581 = tpu.memref_slice %arg8[%rem3A_554, %dma_wait3A_579, %dma_wait3A_580] : memref<4x5x80xi32, #tpu.memory_space<vmem>> -> memref<1x5x80xi32, #tpu.memory_space<vmem>>
          %dma_wait3A_582 = tpu.memref_squeeze %dma_wait3A_581 : memref<1x5x80xi32, #tpu.memory_space<vmem>> -> memref<5x80xi32, #tpu.memory_space<vmem>>
          %dma_wait3A_583 = arith.constant 0 : i32
          %dma_wait3A_584 = arith.constant 0 : i32
          %dma_wait3A_585 = tpu.memref_slice %arg3[%add3A, %select_n3A_549, %dma_wait3A_583, %dma_wait3A_584] : memref<32x25x5x80xi32, #tpu.memory_space<hbm>> -> memref<1x1x5x80xi32, #tpu.memory_space<hbm>>
          %dma_wait3A_586 = tpu.memref_squeeze %dma_wait3A_585 : memref<1x1x5x80xi32, #tpu.memory_space<hbm>> -> memref<5x80xi32, #tpu.memory_space<hbm>>
          tpu.wait_dma2 semaphore(%arg14 : memref<!tpu.dma_semaphore, #tpu.memory_space<semaphore_mem>>) src(%dma_wait3A_586 : memref<5x80xi32, #tpu.memory_space<hbm>>) dst(%dma_wait3A_582 : memref<5x80xi32, #tpu.memory_space<vmem>>)
          %dma_wait3A_587 = arith.constant 0 : i32
          %dma_wait3A_588 = arith.constant 0 : i32
          %dma_wait3A_589 = tpu.memref_slice %arg9[%rem3A_554, %dma_wait3A_587, %dma_wait3A_588] : memref<4x5x80xi32, #tpu.memory_space<vmem>> -> memref<1x5x80xi32, #tpu.memory_space<vmem>>
          %dma_wait3A_590 = tpu.memref_squeeze %dma_wait3A_589 : memref<1x5x80xi32, #tpu.memory_space<vmem>> -> memref<5x80xi32, #tpu.memory_space<vmem>>
          %dma_wait3A_591 = arith.constant 0 : i32
          %dma_wait3A_592 = arith.constant 0 : i32
          %dma_wait3A_593 = tpu.memref_slice %arg4[%add3A, %select_n3A_549, %dma_wait3A_591, %dma_wait3A_592] : memref<32x25x5x80xi32, #tpu.memory_space<hbm>> -> memref<1x1x5x80xi32, #tpu.memory_space<hbm>>
          %dma_wait3A_594 = tpu.memref_squeeze %dma_wait3A_593 : memref<1x1x5x80xi32, #tpu.memory_space<hbm>> -> memref<5x80xi32, #tpu.memory_space<hbm>>
          %dma_wait3A_595 = arith.constant 0 : i32
          %dma_wait3A_596 = arith.constant 0 : i32
          %dma_wait3A_597 = tpu.memref_slice %arg9[%rem3A_554, %dma_wait3A_595, %dma_wait3A_596] : memref<4x5x80xi32, #tpu.memory_space<vmem>> -> memref<1x5x80xi32, #tpu.memory_space<vmem>>
          %dma_wait3A_598 = tpu.memref_squeeze %dma_wait3A_597 : memref<1x5x80xi32, #tpu.memory_space<vmem>> -> memref<5x80xi32, #tpu.memory_space<vmem>>
          %dma_wait3A_599 = arith.constant 0 : i32
          %dma_wait3A_600 = arith.constant 0 : i32
          %dma_wait3A_601 = tpu.memref_slice %arg4[%add3A, %select_n3A_549, %dma_wait3A_599, %dma_wait3A_600] : memref<32x25x5x80xi32, #tpu.memory_space<hbm>> -> memref<1x1x5x80xi32, #tpu.memory_space<hbm>>
          %dma_wait3A_602 = tpu.memref_squeeze %dma_wait3A_601 : memref<1x1x5x80xi32, #tpu.memory_space<hbm>> -> memref<5x80xi32, #tpu.memory_space<hbm>>
          tpu.wait_dma2 semaphore(%arg15 : memref<!tpu.dma_semaphore, #tpu.memory_space<semaphore_mem>>) src(%dma_wait3A_602 : memref<5x80xi32, #tpu.memory_space<hbm>>) dst(%dma_wait3A_598 : memref<5x80xi32, #tpu.memory_space<vmem>>)
        } else {
        }
        %dma_start3A_560 = arith.constant 2 : i32
        %dma_start3A_561 = arith.constant 0 : i32
        %dma_start3A_562 = arith.constant 0 : i32
        %dma_start3A_563 = tpu.memref_slice %arg10[%dma_start3A_560, %dma_start3A_561, %dma_start3A_562] : memref<4x80x128xf32, #tpu.memory_space<vmem>> -> memref<1x80x128xf32, #tpu.memory_space<vmem>>
        %dma_start3A_564 = tpu.memref_squeeze %dma_start3A_563 : memref<1x80x128xf32, #tpu.memory_space<vmem>> -> memref<80x128xf32, #tpu.memory_space<vmem>>
        %dma_start3A_565 = arith.constant 0 : i32
        %dma_start3A_566 = tpu.memref_slice %arg8[%rem3A_554, %sub3A_552, %dma_start3A_565] : memref<4x5x80xi32, #tpu.memory_space<vmem>> -> memref<1x1x80xi32, #tpu.memory_space<vmem>>
        %dma_start3A_567 = tpu.memref_squeeze %dma_start3A_566 : memref<1x1x80xi32, #tpu.memory_space<vmem>> -> memref<80xi32, #tpu.memory_space<vmem>>
        %dma_start3A_568 = arith.constant 0 : i32
        %dma_start3A_569 = arith.constant 0 : i32
        %dma_start3A_570 = tpu.memref_slice %arg2[%dma_start3A_568, %dma_start3A_569] : memref<10000x128xf32, #tpu.memory_space<hbm>> -> memref<10000x128xf32, #tpu.memory_space<hbm>>
        tpu.enqueue_indirect_dma source(%dma_start3A_570 : memref<10000x128xf32, #tpu.memory_space<hbm>>) target(%dma_start3A_564 : memref<80x128xf32, #tpu.memory_space<vmem>>) offsets(%dma_start3A_567 : memref<80xi32, #tpu.memory_space<vmem>>) semaphore(%arg12 : memref<!tpu.dma_semaphore, #tpu.memory_space<semaphore_mem>>)
      } else {
      }
      %dma_wait3A_271 = arith.constant 0 : i32
      %dma_wait3A_272 = arith.constant 0 : i32
      %dma_wait3A_273 = arith.constant 0 : i32
      %dma_wait3A_274 = tpu.memref_slice %arg10[%dma_wait3A_271, %dma_wait3A_272, %dma_wait3A_273] : memref<4x80x128xf32, #tpu.memory_space<vmem>> -> memref<1x80x128xf32, #tpu.memory_space<vmem>>
      %dma_wait3A_275 = tpu.memref_squeeze %dma_wait3A_274 : memref<1x80x128xf32, #tpu.memory_space<vmem>> -> memref<80x128xf32, #tpu.memory_space<vmem>>
      %dma_wait3A_276 = arith.constant 0 : i32
      %dma_wait3A_277 = tpu.memref_slice %arg8[%rem3A_249, %sub3A_247, %dma_wait3A_276] : memref<4x5x80xi32, #tpu.memory_space<vmem>> -> memref<1x1x80xi32, #tpu.memory_space<vmem>>
      %dma_wait3A_278 = tpu.memref_squeeze %dma_wait3A_277 : memref<1x1x80xi32, #tpu.memory_space<vmem>> -> memref<80xi32, #tpu.memory_space<vmem>>
      %dma_wait3A_279 = arith.constant 0 : i32
      %dma_wait3A_280 = arith.constant 0 : i32
      %dma_wait3A_281 = tpu.memref_slice %arg2[%dma_wait3A_279, %dma_wait3A_280] : memref<10000x128xf32, #tpu.memory_space<hbm>> -> memref<10000x128xf32, #tpu.memory_space<hbm>>
      tpu.wait_indirect_dma semaphore(%arg12 : memref<!tpu.dma_semaphore, #tpu.memory_space<semaphore_mem>>) src(%dma_wait3A_281 : memref<10000x128xf32, #tpu.memory_space<hbm>>) dst(%dma_wait3A_275 : memref<80x128xf32, #tpu.memory_space<vmem>>)
      %dma_start3A_282 = arith.constant 0 : i32
      %dma_start3A_283 = arith.constant 0 : i32
      %dma_start3A_284 = arith.constant 0 : i32
      %dma_start3A_285 = tpu.memref_slice %arg10[%dma_start3A_282, %dma_start3A_283, %dma_start3A_284] : memref<4x80x128xf32, #tpu.memory_space<vmem>> -> memref<1x80x128xf32, #tpu.memory_space<vmem>>
      %dma_start3A_286 = tpu.memref_squeeze %dma_start3A_285 : memref<1x80x128xf32, #tpu.memory_space<vmem>> -> memref<80x128xf32, #tpu.memory_space<vmem>>
      %dma_start3A_287 = arith.constant 0 : i32
      %dma_start3A_288 = tpu.memref_slice %arg9[%rem3A_249, %sub3A_247, %dma_start3A_287] : memref<4x5x80xi32, #tpu.memory_space<vmem>> -> memref<1x1x80xi32, #tpu.memory_space<vmem>>
      %dma_start3A_289 = tpu.memref_squeeze %dma_start3A_288 : memref<1x1x80xi32, #tpu.memory_space<vmem>> -> memref<80xi32, #tpu.memory_space<vmem>>
      %dma_start3A_290 = arith.constant 0 : i32
      %dma_start3A_291 = arith.constant 0 : i32
      %dma_start3A_292 = tpu.memref_slice %arg11[%dma_start3A_290, %dma_start3A_291] : memref<10000x128xf32, #tpu.memory_space<vmem_shared>> -> memref<10000x128xf32, #tpu.memory_space<vmem_shared>>
      tpu.enqueue_indirect_dma source(%dma_start3A_286 : memref<80x128xf32, #tpu.memory_space<vmem>>) target(%dma_start3A_292 : memref<10000x128xf32, #tpu.memory_space<vmem_shared>>) offsets(%dma_start3A_289 : memref<80xi32, #tpu.memory_space<vmem>>) semaphore(%arg13 : memref<!tpu.dma_semaphore, #tpu.memory_space<semaphore_mem>>) {add = true}
      %mul3A_293 = arith.constant 4 : i32
      %mul3A_294 = arith.muli %mul3A_293, %scan3A_223 : i32
      %add3A_295 = arith.constant 1 : i32
      %add3A_296 = arith.addi %mul3A_294, %add3A_295 : i32
      %jit3A_297 = arith.constant 5 : i32
      %div3A_298 = arith.divsi %add3A_296, %jit3A_297 : i32
      %sign3A_299 = arith.constant 0 : i32
      %sign3A_300 = arith.cmpi sgt, %add3A_296, %sign3A_299 : i32
      %sign3A_301 = arith.extui %sign3A_300 : i1 to i32
      %sign3A_302 = arith.constant 0 : i32
      %sign3A_303 = arith.cmpi slt, %add3A_296, %sign3A_302 : i32
      %sign3A_304 = arith.extui %sign3A_303 : i1 to i32
      %sign3A_305 = arith.subi %sign3A_301, %sign3A_304 : i32
      %sign3A_306 = arith.constant 0 : i32
      %sign3A_307 = arith.cmpi sgt, %jit3A_297, %sign3A_306 : i32
      %sign3A_308 = arith.extui %sign3A_307 : i1 to i32
      %sign3A_309 = arith.constant 0 : i32
      %sign3A_310 = arith.cmpi slt, %jit3A_297, %sign3A_309 : i32
      %sign3A_311 = arith.extui %sign3A_310 : i1 to i32
      %sign3A_312 = arith.subi %sign3A_308, %sign3A_311 : i32
      %ne3A_313 = arith.cmpi ne, %sign3A_305, %sign3A_312 : i32
      %rem3A_314 = arith.remsi %add3A_296, %jit3A_297 : i32
      %ne3A_315 = arith.constant 0 : i32
      %ne3A_316 = arith.cmpi ne, %rem3A_314, %ne3A_315 : i32
      %and3A_317 = arith.andi %ne3A_313, %ne3A_316 : i1
      %sub3A_318 = arith.constant 1 : i32
      %sub3A_319 = arith.subi %div3A_298, %sub3A_318 : i32
      %select_n3A_320 = arith.select %and3A_317, %sub3A_319, %div3A_298 : i32
      %mul3A_321 = arith.constant 5 : i32
      %mul3A_322 = arith.muli %select_n3A_320, %mul3A_321 : i32
      %sub3A_323 = arith.subi %add3A_296, %mul3A_322 : i32
      %rem3A_324 = arith.constant 4 : i32
      %rem3A_325 = arith.remsi %select_n3A_320, %rem3A_324 : i32
      %ge3A_326 = arith.constant 2 : i32
      %ge3A_327 = arith.cmpi sge, %add3A_296, %ge3A_326 : i32
      %convert_element_type3A_328 = arith.extui %ge3A_327 : i1 to i32
      %cond3A_329 = arith.constant 0 : i32
      %cond3A_330 = arith.cmpi ne, %convert_element_type3A_328, %cond3A_329 : i32
      scf.if %cond3A_330 {
        %sub3A_524 = arith.constant 2 : i32
        %sub3A_525 = arith.subi %add3A_296, %sub3A_524 : i32
        %jit3A_526 = arith.constant 5 : i32
        %div3A_527 = arith.divsi %sub3A_525, %jit3A_526 : i32
        %sign3A_528 = arith.constant 0 : i32
        %sign3A_529 = arith.cmpi sgt, %sub3A_525, %sign3A_528 : i32
        %sign3A_530 = arith.extui %sign3A_529 : i1 to i32
        %sign3A_531 = arith.constant 0 : i32
        %sign3A_532 = arith.cmpi slt, %sub3A_525, %sign3A_531 : i32
        %sign3A_533 = arith.extui %sign3A_532 : i1 to i32
        %sign3A_534 = arith.subi %sign3A_530, %sign3A_533 : i32
        %sign3A_535 = arith.constant 0 : i32
        %sign3A_536 = arith.cmpi sgt, %jit3A_526, %sign3A_535 : i32
        %sign3A_537 = arith.extui %sign3A_536 : i1 to i32
        %sign3A_538 = arith.constant 0 : i32
        %sign3A_539 = arith.cmpi slt, %jit3A_526, %sign3A_538 : i32
        %sign3A_540 = arith.extui %sign3A_539 : i1 to i32
        %sign3A_541 = arith.subi %sign3A_537, %sign3A_540 : i32
        %ne3A_542 = arith.cmpi ne, %sign3A_534, %sign3A_541 : i32
        %rem3A_543 = arith.remsi %sub3A_525, %jit3A_526 : i32
        %ne3A_544 = arith.constant 0 : i32
        %ne3A_545 = arith.cmpi ne, %rem3A_543, %ne3A_544 : i32
        %and3A_546 = arith.andi %ne3A_542, %ne3A_545 : i1
        %sub3A_547 = arith.constant 1 : i32
        %sub3A_548 = arith.subi %div3A_527, %sub3A_547 : i32
        %select_n3A_549 = arith.select %and3A_546, %sub3A_548, %div3A_527 : i32
        %mul3A_550 = arith.constant 5 : i32
        %mul3A_551 = arith.muli %select_n3A_549, %mul3A_550 : i32
        %sub3A_552 = arith.subi %sub3A_525, %mul3A_551 : i32
        %rem3A_553 = arith.constant 4 : i32
        %rem3A_554 = arith.remsi %select_n3A_549, %rem3A_553 : i32
        %dma_wait3A_555 = arith.constant 3 : i32
        %dma_wait3A_556 = arith.constant 0 : i32
        %dma_wait3A_557 = arith.constant 0 : i32
        %dma_wait3A_558 = tpu.memref_slice %arg10[%dma_wait3A_555, %dma_wait3A_556, %dma_wait3A_557] : memref<4x80x128xf32, #tpu.memory_space<vmem>> -> memref<1x80x128xf32, #tpu.memory_space<vmem>>
        %dma_wait3A_559 = tpu.memref_squeeze %dma_wait3A_558 : memref<1x80x128xf32, #tpu.memory_space<vmem>> -> memref<80x128xf32, #tpu.memory_space<vmem>>
        %dma_wait3A_560 = arith.constant 0 : i32
        %dma_wait3A_561 = tpu.memref_slice %arg9[%rem3A_554, %sub3A_552, %dma_wait3A_560] : memref<4x5x80xi32, #tpu.memory_space<vmem>> -> memref<1x1x80xi32, #tpu.memory_space<vmem>>
        %dma_wait3A_562 = tpu.memref_squeeze %dma_wait3A_561 : memref<1x1x80xi32, #tpu.memory_space<vmem>> -> memref<80xi32, #tpu.memory_space<vmem>>
        %dma_wait3A_563 = arith.constant 0 : i32
        %dma_wait3A_564 = arith.constant 0 : i32
        %dma_wait3A_565 = tpu.memref_slice %arg11[%dma_wait3A_563, %dma_wait3A_564] : memref<10000x128xf32, #tpu.memory_space<vmem_shared>> -> memref<10000x128xf32, #tpu.memory_space<vmem_shared>>
        tpu.wait_indirect_dma semaphore(%arg13 : memref<!tpu.dma_semaphore, #tpu.memory_space<semaphore_mem>>) src(%dma_wait3A_559 : memref<80x128xf32, #tpu.memory_space<vmem>>) dst(%dma_wait3A_565 : memref<10000x128xf32, #tpu.memory_space<vmem_shared>>)
      } else {
      }
      %eq3A_331 = arith.constant 0 : i32
      %eq3A_332 = arith.cmpi eq, %sub3A_323, %eq3A_331 : i32
      %add3A_333 = arith.constant 1 : i32
      %add3A_334 = arith.addi %select_n3A_320, %add3A_333 : i32
      %lt3A_335 = arith.constant 25 : i32
      %lt3A_336 = arith.cmpi slt, %add3A_334, %lt3A_335 : i32
      %and3A_337 = arith.andi %eq3A_332, %lt3A_336 : i1
      %convert_element_type3A_338 = arith.extui %and3A_337 : i1 to i32
      %cond3A_339 = arith.constant 0 : i32
      %cond3A_340 = arith.cmpi ne, %convert_element_type3A_338, %cond3A_339 : i32
      scf.if %cond3A_340 {
        %add3A_524 = arith.constant 1 : i32
        %add3A_525 = arith.addi %select_n3A_320, %add3A_524 : i32
        %rem3A_526 = arith.constant 4 : i32
        %rem3A_527 = arith.remsi %add3A_525, %rem3A_526 : i32
        %add3A_528 = arith.constant 1 : i32
        %add3A_529 = arith.addi %select_n3A_320, %add3A_528 : i32
        %dma_start3A_530 = arith.constant 0 : i32
        %dma_start3A_531 = arith.constant 0 : i32
        %dma_start3A_532 = tpu.memref_slice %arg8[%rem3A_527, %dma_start3A_530, %dma_start3A_531] : memref<4x5x80xi32, #tpu.memory_space<vmem>> -> memref<1x5x80xi32, #tpu.memory_space<vmem>>
        %dma_start3A_533 = tpu.memref_squeeze %dma_start3A_532 : memref<1x5x80xi32, #tpu.memory_space<vmem>> -> memref<5x80xi32, #tpu.memory_space<vmem>>
        %dma_start3A_534 = arith.constant 0 : i32
        %dma_start3A_535 = arith.constant 0 : i32
        %dma_start3A_536 = tpu.memref_slice %arg3[%add3A, %add3A_529, %dma_start3A_534, %dma_start3A_535] : memref<32x25x5x80xi32, #tpu.memory_space<hbm>> -> memref<1x1x5x80xi32, #tpu.memory_space<hbm>>
        %dma_start3A_537 = tpu.memref_squeeze %dma_start3A_536 : memref<1x1x5x80xi32, #tpu.memory_space<hbm>> -> memref<5x80xi32, #tpu.memory_space<hbm>>
        %dma_start3A_538 = arith.constant 0 : i32
        %dma_start3A_539 = arith.constant 0 : i32
        %dma_start3A_540 = tpu.memref_slice %arg8[%rem3A_527, %dma_start3A_538, %dma_start3A_539] : memref<4x5x80xi32, #tpu.memory_space<vmem>> -> memref<1x5x80xi32, #tpu.memory_space<vmem>>
        %dma_start3A_541 = tpu.memref_squeeze %dma_start3A_540 : memref<1x5x80xi32, #tpu.memory_space<vmem>> -> memref<5x80xi32, #tpu.memory_space<vmem>>
        %dma_start3A_542 = arith.constant 0 : i32
        %dma_start3A_543 = arith.constant 0 : i32
        %dma_start3A_544 = tpu.memref_slice %arg3[%add3A, %add3A_529, %dma_start3A_542, %dma_start3A_543] : memref<32x25x5x80xi32, #tpu.memory_space<hbm>> -> memref<1x1x5x80xi32, #tpu.memory_space<hbm>>
        %dma_start3A_545 = tpu.memref_squeeze %dma_start3A_544 : memref<1x1x5x80xi32, #tpu.memory_space<hbm>> -> memref<5x80xi32, #tpu.memory_space<hbm>>
        tpu.enqueue_dma source(%dma_start3A_545 : memref<5x80xi32, #tpu.memory_space<hbm>>) target(%dma_start3A_541 : memref<5x80xi32, #tpu.memory_space<vmem>>) target_semaphore(%arg14 : memref<!tpu.dma_semaphore, #tpu.memory_space<semaphore_mem>>)
        %add3A_546 = arith.constant 1 : i32
        %add3A_547 = arith.addi %select_n3A_320, %add3A_546 : i32
        %dma_start3A_548 = arith.constant 0 : i32
        %dma_start3A_549 = arith.constant 0 : i32
        %dma_start3A_550 = tpu.memref_slice %arg9[%rem3A_527, %dma_start3A_548, %dma_start3A_549] : memref<4x5x80xi32, #tpu.memory_space<vmem>> -> memref<1x5x80xi32, #tpu.memory_space<vmem>>
        %dma_start3A_551 = tpu.memref_squeeze %dma_start3A_550 : memref<1x5x80xi32, #tpu.memory_space<vmem>> -> memref<5x80xi32, #tpu.memory_space<vmem>>
        %dma_start3A_552 = arith.constant 0 : i32
        %dma_start3A_553 = arith.constant 0 : i32
        %dma_start3A_554 = tpu.memref_slice %arg4[%add3A, %add3A_547, %dma_start3A_552, %dma_start3A_553] : memref<32x25x5x80xi32, #tpu.memory_space<hbm>> -> memref<1x1x5x80xi32, #tpu.memory_space<hbm>>
        %dma_start3A_555 = tpu.memref_squeeze %dma_start3A_554 : memref<1x1x5x80xi32, #tpu.memory_space<hbm>> -> memref<5x80xi32, #tpu.memory_space<hbm>>
        %dma_start3A_556 = arith.constant 0 : i32
        %dma_start3A_557 = arith.constant 0 : i32
        %dma_start3A_558 = tpu.memref_slice %arg9[%rem3A_527, %dma_start3A_556, %dma_start3A_557] : memref<4x5x80xi32, #tpu.memory_space<vmem>> -> memref<1x5x80xi32, #tpu.memory_space<vmem>>
        %dma_start3A_559 = tpu.memref_squeeze %dma_start3A_558 : memref<1x5x80xi32, #tpu.memory_space<vmem>> -> memref<5x80xi32, #tpu.memory_space<vmem>>
        %dma_start3A_560 = arith.constant 0 : i32
        %dma_start3A_561 = arith.constant 0 : i32
        %dma_start3A_562 = tpu.memref_slice %arg4[%add3A, %add3A_547, %dma_start3A_560, %dma_start3A_561] : memref<32x25x5x80xi32, #tpu.memory_space<hbm>> -> memref<1x1x5x80xi32, #tpu.memory_space<hbm>>
        %dma_start3A_563 = tpu.memref_squeeze %dma_start3A_562 : memref<1x1x5x80xi32, #tpu.memory_space<hbm>> -> memref<5x80xi32, #tpu.memory_space<hbm>>
        tpu.enqueue_dma source(%dma_start3A_563 : memref<5x80xi32, #tpu.memory_space<hbm>>) target(%dma_start3A_559 : memref<5x80xi32, #tpu.memory_space<vmem>>) target_semaphore(%arg15 : memref<!tpu.dma_semaphore, #tpu.memory_space<semaphore_mem>>)
      } else {
      }
      %add3A_341 = arith.constant 2 : i32
      %add3A_342 = arith.addi %add3A_296, %add3A_341 : i32
      %lt3A_343 = arith.constant 125 : i32
      %lt3A_344 = arith.cmpi slt, %add3A_342, %lt3A_343 : i32
      %convert_element_type3A_345 = arith.extui %lt3A_344 : i1 to i32
      %cond3A_346 = arith.constant 0 : i32
      %cond3A_347 = arith.cmpi ne, %convert_element_type3A_345, %cond3A_346 : i32
      scf.if %cond3A_347 {
        %add3A_524 = arith.constant 2 : i32
        %add3A_525 = arith.addi %add3A_296, %add3A_524 : i32
        %jit3A_526 = arith.constant 5 : i32
        %div3A_527 = arith.divsi %add3A_525, %jit3A_526 : i32
        %sign3A_528 = arith.constant 0 : i32
        %sign3A_529 = arith.cmpi sgt, %add3A_525, %sign3A_528 : i32
        %sign3A_530 = arith.extui %sign3A_529 : i1 to i32
        %sign3A_531 = arith.constant 0 : i32
        %sign3A_532 = arith.cmpi slt, %add3A_525, %sign3A_531 : i32
        %sign3A_533 = arith.extui %sign3A_532 : i1 to i32
        %sign3A_534 = arith.subi %sign3A_530, %sign3A_533 : i32
        %sign3A_535 = arith.constant 0 : i32
        %sign3A_536 = arith.cmpi sgt, %jit3A_526, %sign3A_535 : i32
        %sign3A_537 = arith.extui %sign3A_536 : i1 to i32
        %sign3A_538 = arith.constant 0 : i32
        %sign3A_539 = arith.cmpi slt, %jit3A_526, %sign3A_538 : i32
        %sign3A_540 = arith.extui %sign3A_539 : i1 to i32
        %sign3A_541 = arith.subi %sign3A_537, %sign3A_540 : i32
        %ne3A_542 = arith.cmpi ne, %sign3A_534, %sign3A_541 : i32
        %rem3A_543 = arith.remsi %add3A_525, %jit3A_526 : i32
        %ne3A_544 = arith.constant 0 : i32
        %ne3A_545 = arith.cmpi ne, %rem3A_543, %ne3A_544 : i32
        %and3A_546 = arith.andi %ne3A_542, %ne3A_545 : i1
        %sub3A_547 = arith.constant 1 : i32
        %sub3A_548 = arith.subi %div3A_527, %sub3A_547 : i32
        %select_n3A_549 = arith.select %and3A_546, %sub3A_548, %div3A_527 : i32
        %mul3A_550 = arith.constant 5 : i32
        %mul3A_551 = arith.muli %select_n3A_549, %mul3A_550 : i32
        %sub3A_552 = arith.subi %add3A_525, %mul3A_551 : i32
        %rem3A_553 = arith.constant 4 : i32
        %rem3A_554 = arith.remsi %select_n3A_549, %rem3A_553 : i32
        %eq3A_555 = arith.constant 0 : i32
        %eq3A_556 = arith.cmpi eq, %sub3A_552, %eq3A_555 : i32
        %convert_element_type3A_557 = arith.extui %eq3A_556 : i1 to i32
        %cond3A_558 = arith.constant 0 : i32
        %cond3A_559 = arith.cmpi ne, %convert_element_type3A_557, %cond3A_558 : i32
        scf.if %cond3A_559 {
          %dma_wait3A_571 = arith.constant 0 : i32
          %dma_wait3A_572 = arith.constant 0 : i32
          %dma_wait3A_573 = tpu.memref_slice %arg8[%rem3A_554, %dma_wait3A_571, %dma_wait3A_572] : memref<4x5x80xi32, #tpu.memory_space<vmem>> -> memref<1x5x80xi32, #tpu.memory_space<vmem>>
          %dma_wait3A_574 = tpu.memref_squeeze %dma_wait3A_573 : memref<1x5x80xi32, #tpu.memory_space<vmem>> -> memref<5x80xi32, #tpu.memory_space<vmem>>
          %dma_wait3A_575 = arith.constant 0 : i32
          %dma_wait3A_576 = arith.constant 0 : i32
          %dma_wait3A_577 = tpu.memref_slice %arg3[%add3A, %select_n3A_549, %dma_wait3A_575, %dma_wait3A_576] : memref<32x25x5x80xi32, #tpu.memory_space<hbm>> -> memref<1x1x5x80xi32, #tpu.memory_space<hbm>>
          %dma_wait3A_578 = tpu.memref_squeeze %dma_wait3A_577 : memref<1x1x5x80xi32, #tpu.memory_space<hbm>> -> memref<5x80xi32, #tpu.memory_space<hbm>>
          %dma_wait3A_579 = arith.constant 0 : i32
          %dma_wait3A_580 = arith.constant 0 : i32
          %dma_wait3A_581 = tpu.memref_slice %arg8[%rem3A_554, %dma_wait3A_579, %dma_wait3A_580] : memref<4x5x80xi32, #tpu.memory_space<vmem>> -> memref<1x5x80xi32, #tpu.memory_space<vmem>>
          %dma_wait3A_582 = tpu.memref_squeeze %dma_wait3A_581 : memref<1x5x80xi32, #tpu.memory_space<vmem>> -> memref<5x80xi32, #tpu.memory_space<vmem>>
          %dma_wait3A_583 = arith.constant 0 : i32
          %dma_wait3A_584 = arith.constant 0 : i32
          %dma_wait3A_585 = tpu.memref_slice %arg3[%add3A, %select_n3A_549, %dma_wait3A_583, %dma_wait3A_584] : memref<32x25x5x80xi32, #tpu.memory_space<hbm>> -> memref<1x1x5x80xi32, #tpu.memory_space<hbm>>
          %dma_wait3A_586 = tpu.memref_squeeze %dma_wait3A_585 : memref<1x1x5x80xi32, #tpu.memory_space<hbm>> -> memref<5x80xi32, #tpu.memory_space<hbm>>
          tpu.wait_dma2 semaphore(%arg14 : memref<!tpu.dma_semaphore, #tpu.memory_space<semaphore_mem>>) src(%dma_wait3A_586 : memref<5x80xi32, #tpu.memory_space<hbm>>) dst(%dma_wait3A_582 : memref<5x80xi32, #tpu.memory_space<vmem>>)
          %dma_wait3A_587 = arith.constant 0 : i32
          %dma_wait3A_588 = arith.constant 0 : i32
          %dma_wait3A_589 = tpu.memref_slice %arg9[%rem3A_554, %dma_wait3A_587, %dma_wait3A_588] : memref<4x5x80xi32, #tpu.memory_space<vmem>> -> memref<1x5x80xi32, #tpu.memory_space<vmem>>
          %dma_wait3A_590 = tpu.memref_squeeze %dma_wait3A_589 : memref<1x5x80xi32, #tpu.memory_space<vmem>> -> memref<5x80xi32, #tpu.memory_space<vmem>>
          %dma_wait3A_591 = arith.constant 0 : i32
          %dma_wait3A_592 = arith.constant 0 : i32
          %dma_wait3A_593 = tpu.memref_slice %arg4[%add3A, %select_n3A_549, %dma_wait3A_591, %dma_wait3A_592] : memref<32x25x5x80xi32, #tpu.memory_space<hbm>> -> memref<1x1x5x80xi32, #tpu.memory_space<hbm>>
          %dma_wait3A_594 = tpu.memref_squeeze %dma_wait3A_593 : memref<1x1x5x80xi32, #tpu.memory_space<hbm>> -> memref<5x80xi32, #tpu.memory_space<hbm>>
          %dma_wait3A_595 = arith.constant 0 : i32
          %dma_wait3A_596 = arith.constant 0 : i32
          %dma_wait3A_597 = tpu.memref_slice %arg9[%rem3A_554, %dma_wait3A_595, %dma_wait3A_596] : memref<4x5x80xi32, #tpu.memory_space<vmem>> -> memref<1x5x80xi32, #tpu.memory_space<vmem>>
          %dma_wait3A_598 = tpu.memref_squeeze %dma_wait3A_597 : memref<1x5x80xi32, #tpu.memory_space<vmem>> -> memref<5x80xi32, #tpu.memory_space<vmem>>
          %dma_wait3A_599 = arith.constant 0 : i32
          %dma_wait3A_600 = arith.constant 0 : i32
          %dma_wait3A_601 = tpu.memref_slice %arg4[%add3A, %select_n3A_549, %dma_wait3A_599, %dma_wait3A_600] : memref<32x25x5x80xi32, #tpu.memory_space<hbm>> -> memref<1x1x5x80xi32, #tpu.memory_space<hbm>>
          %dma_wait3A_602 = tpu.memref_squeeze %dma_wait3A_601 : memref<1x1x5x80xi32, #tpu.memory_space<hbm>> -> memref<5x80xi32, #tpu.memory_space<hbm>>
          tpu.wait_dma2 semaphore(%arg15 : memref<!tpu.dma_semaphore, #tpu.memory_space<semaphore_mem>>) src(%dma_wait3A_602 : memref<5x80xi32, #tpu.memory_space<hbm>>) dst(%dma_wait3A_598 : memref<5x80xi32, #tpu.memory_space<vmem>>)
        } else {
        }
        %dma_start3A_560 = arith.constant 3 : i32
        %dma_start3A_561 = arith.constant 0 : i32
        %dma_start3A_562 = arith.constant 0 : i32
        %dma_start3A_563 = tpu.memref_slice %arg10[%dma_start3A_560, %dma_start3A_561, %dma_start3A_562] : memref<4x80x128xf32, #tpu.memory_space<vmem>> -> memref<1x80x128xf32, #tpu.memory_space<vmem>>
        %dma_start3A_564 = tpu.memref_squeeze %dma_start3A_563 : memref<1x80x128xf32, #tpu.memory_space<vmem>> -> memref<80x128xf32, #tpu.memory_space<vmem>>
        %dma_start3A_565 = arith.constant 0 : i32
        %dma_start3A_566 = tpu.memref_slice %arg8[%rem3A_554, %sub3A_552, %dma_start3A_565] : memref<4x5x80xi32, #tpu.memory_space<vmem>> -> memref<1x1x80xi32, #tpu.memory_space<vmem>>
        %dma_start3A_567 = tpu.memref_squeeze %dma_start3A_566 : memref<1x1x80xi32, #tpu.memory_space<vmem>> -> memref<80xi32, #tpu.memory_space<vmem>>
        %dma_start3A_568 = arith.constant 0 : i32
        %dma_start3A_569 = arith.constant 0 : i32
        %dma_start3A_570 = tpu.memref_slice %arg2[%dma_start3A_568, %dma_start3A_569] : memref<10000x128xf32, #tpu.memory_space<hbm>> -> memref<10000x128xf32, #tpu.memory_space<hbm>>
        tpu.enqueue_indirect_dma source(%dma_start3A_570 : memref<10000x128xf32, #tpu.memory_space<hbm>>) target(%dma_start3A_564 : memref<80x128xf32, #tpu.memory_space<vmem>>) offsets(%dma_start3A_567 : memref<80xi32, #tpu.memory_space<vmem>>) semaphore(%arg12 : memref<!tpu.dma_semaphore, #tpu.memory_space<semaphore_mem>>)
      } else {
      }
      %dma_wait3A_348 = arith.constant 1 : i32
      %dma_wait3A_349 = arith.constant 0 : i32
      %dma_wait3A_350 = arith.constant 0 : i32
      %dma_wait3A_351 = tpu.memref_slice %arg10[%dma_wait3A_348, %dma_wait3A_349, %dma_wait3A_350] : memref<4x80x128xf32, #tpu.memory_space<vmem>> -> memref<1x80x128xf32, #tpu.memory_space<vmem>>
      %dma_wait3A_352 = tpu.memref_squeeze %dma_wait3A_351 : memref<1x80x128xf32, #tpu.memory_space<vmem>> -> memref<80x128xf32, #tpu.memory_space<vmem>>
      %dma_wait3A_353 = arith.constant 0 : i32
      %dma_wait3A_354 = tpu.memref_slice %arg8[%rem3A_325, %sub3A_323, %dma_wait3A_353] : memref<4x5x80xi32, #tpu.memory_space<vmem>> -> memref<1x1x80xi32, #tpu.memory_space<vmem>>
      %dma_wait3A_355 = tpu.memref_squeeze %dma_wait3A_354 : memref<1x1x80xi32, #tpu.memory_space<vmem>> -> memref<80xi32, #tpu.memory_space<vmem>>
      %dma_wait3A_356 = arith.constant 0 : i32
      %dma_wait3A_357 = arith.constant 0 : i32
      %dma_wait3A_358 = tpu.memref_slice %arg2[%dma_wait3A_356, %dma_wait3A_357] : memref<10000x128xf32, #tpu.memory_space<hbm>> -> memref<10000x128xf32, #tpu.memory_space<hbm>>
      tpu.wait_indirect_dma semaphore(%arg12 : memref<!tpu.dma_semaphore, #tpu.memory_space<semaphore_mem>>) src(%dma_wait3A_358 : memref<10000x128xf32, #tpu.memory_space<hbm>>) dst(%dma_wait3A_352 : memref<80x128xf32, #tpu.memory_space<vmem>>)
      %dma_start3A_359 = arith.constant 1 : i32
      %dma_start3A_360 = arith.constant 0 : i32
      %dma_start3A_361 = arith.constant 0 : i32
      %dma_start3A_362 = tpu.memref_slice %arg10[%dma_start3A_359, %dma_start3A_360, %dma_start3A_361] : memref<4x80x128xf32, #tpu.memory_space<vmem>> -> memref<1x80x128xf32, #tpu.memory_space<vmem>>
      %dma_start3A_363 = tpu.memref_squeeze %dma_start3A_362 : memref<1x80x128xf32, #tpu.memory_space<vmem>> -> memref<80x128xf32, #tpu.memory_space<vmem>>
      %dma_start3A_364 = arith.constant 0 : i32
      %dma_start3A_365 = tpu.memref_slice %arg9[%rem3A_325, %sub3A_323, %dma_start3A_364] : memref<4x5x80xi32, #tpu.memory_space<vmem>> -> memref<1x1x80xi32, #tpu.memory_space<vmem>>
      %dma_start3A_366 = tpu.memref_squeeze %dma_start3A_365 : memref<1x1x80xi32, #tpu.memory_space<vmem>> -> memref<80xi32, #tpu.memory_space<vmem>>
      %dma_start3A_367 = arith.constant 0 : i32
      %dma_start3A_368 = arith.constant 0 : i32
      %dma_start3A_369 = tpu.memref_slice %arg11[%dma_start3A_367, %dma_start3A_368] : memref<10000x128xf32, #tpu.memory_space<vmem_shared>> -> memref<10000x128xf32, #tpu.memory_space<vmem_shared>>
      tpu.enqueue_indirect_dma source(%dma_start3A_363 : memref<80x128xf32, #tpu.memory_space<vmem>>) target(%dma_start3A_369 : memref<10000x128xf32, #tpu.memory_space<vmem_shared>>) offsets(%dma_start3A_366 : memref<80xi32, #tpu.memory_space<vmem>>) semaphore(%arg13 : memref<!tpu.dma_semaphore, #tpu.memory_space<semaphore_mem>>) {add = true}
      %mul3A_370 = arith.constant 4 : i32
      %mul3A_371 = arith.muli %mul3A_370, %scan3A_223 : i32
      %add3A_372 = arith.constant 2 : i32
      %add3A_373 = arith.addi %mul3A_371, %add3A_372 : i32
      %jit3A_374 = arith.constant 5 : i32
      %div3A_375 = arith.divsi %add3A_373, %jit3A_374 : i32
      %sign3A_376 = arith.constant 0 : i32
      %sign3A_377 = arith.cmpi sgt, %add3A_373, %sign3A_376 : i32
      %sign3A_378 = arith.extui %sign3A_377 : i1 to i32
      %sign3A_379 = arith.constant 0 : i32
      %sign3A_380 = arith.cmpi slt, %add3A_373, %sign3A_379 : i32
      %sign3A_381 = arith.extui %sign3A_380 : i1 to i32
      %sign3A_382 = arith.subi %sign3A_378, %sign3A_381 : i32
      %sign3A_383 = arith.constant 0 : i32
      %sign3A_384 = arith.cmpi sgt, %jit3A_374, %sign3A_383 : i32
      %sign3A_385 = arith.extui %sign3A_384 : i1 to i32
      %sign3A_386 = arith.constant 0 : i32
      %sign3A_387 = arith.cmpi slt, %jit3A_374, %sign3A_386 : i32
      %sign3A_388 = arith.extui %sign3A_387 : i1 to i32
      %sign3A_389 = arith.subi %sign3A_385, %sign3A_388 : i32
      %ne3A_390 = arith.cmpi ne, %sign3A_382, %sign3A_389 : i32
      %rem3A_391 = arith.remsi %add3A_373, %jit3A_374 : i32
      %ne3A_392 = arith.constant 0 : i32
      %ne3A_393 = arith.cmpi ne, %rem3A_391, %ne3A_392 : i32
      %and3A_394 = arith.andi %ne3A_390, %ne3A_393 : i1
      %sub3A_395 = arith.constant 1 : i32
      %sub3A_396 = arith.subi %div3A_375, %sub3A_395 : i32
      %select_n3A_397 = arith.select %and3A_394, %sub3A_396, %div3A_375 : i32
      %mul3A_398 = arith.constant 5 : i32
      %mul3A_399 = arith.muli %select_n3A_397, %mul3A_398 : i32
      %sub3A_400 = arith.subi %add3A_373, %mul3A_399 : i32
      %rem3A_401 = arith.constant 4 : i32
      %rem3A_402 = arith.remsi %select_n3A_397, %rem3A_401 : i32
      %ge3A_403 = arith.constant 2 : i32
      %ge3A_404 = arith.cmpi sge, %add3A_373, %ge3A_403 : i32
      %convert_element_type3A_405 = arith.extui %ge3A_404 : i1 to i32
      %cond3A_406 = arith.constant 0 : i32
      %cond3A_407 = arith.cmpi ne, %convert_element_type3A_405, %cond3A_406 : i32
      scf.if %cond3A_407 {
        %sub3A_524 = arith.constant 2 : i32
        %sub3A_525 = arith.subi %add3A_373, %sub3A_524 : i32
        %jit3A_526 = arith.constant 5 : i32
        %div3A_527 = arith.divsi %sub3A_525, %jit3A_526 : i32
        %sign3A_528 = arith.constant 0 : i32
        %sign3A_529 = arith.cmpi sgt, %sub3A_525, %sign3A_528 : i32
        %sign3A_530 = arith.extui %sign3A_529 : i1 to i32
        %sign3A_531 = arith.constant 0 : i32
        %sign3A_532 = arith.cmpi slt, %sub3A_525, %sign3A_531 : i32
        %sign3A_533 = arith.extui %sign3A_532 : i1 to i32
        %sign3A_534 = arith.subi %sign3A_530, %sign3A_533 : i32
        %sign3A_535 = arith.constant 0 : i32
        %sign3A_536 = arith.cmpi sgt, %jit3A_526, %sign3A_535 : i32
        %sign3A_537 = arith.extui %sign3A_536 : i1 to i32
        %sign3A_538 = arith.constant 0 : i32
        %sign3A_539 = arith.cmpi slt, %jit3A_526, %sign3A_538 : i32
        %sign3A_540 = arith.extui %sign3A_539 : i1 to i32
        %sign3A_541 = arith.subi %sign3A_537, %sign3A_540 : i32
        %ne3A_542 = arith.cmpi ne, %sign3A_534, %sign3A_541 : i32
        %rem3A_543 = arith.remsi %sub3A_525, %jit3A_526 : i32
        %ne3A_544 = arith.constant 0 : i32
        %ne3A_545 = arith.cmpi ne, %rem3A_543, %ne3A_544 : i32
        %and3A_546 = arith.andi %ne3A_542, %ne3A_545 : i1
        %sub3A_547 = arith.constant 1 : i32
        %sub3A_548 = arith.subi %div3A_527, %sub3A_547 : i32
        %select_n3A_549 = arith.select %and3A_546, %sub3A_548, %div3A_527 : i32
        %mul3A_550 = arith.constant 5 : i32
        %mul3A_551 = arith.muli %select_n3A_549, %mul3A_550 : i32
        %sub3A_552 = arith.subi %sub3A_525, %mul3A_551 : i32
        %rem3A_553 = arith.constant 4 : i32
        %rem3A_554 = arith.remsi %select_n3A_549, %rem3A_553 : i32
        %dma_wait3A_555 = arith.constant 0 : i32
        %dma_wait3A_556 = arith.constant 0 : i32
        %dma_wait3A_557 = arith.constant 0 : i32
        %dma_wait3A_558 = tpu.memref_slice %arg10[%dma_wait3A_555, %dma_wait3A_556, %dma_wait3A_557] : memref<4x80x128xf32, #tpu.memory_space<vmem>> -> memref<1x80x128xf32, #tpu.memory_space<vmem>>
        %dma_wait3A_559 = tpu.memref_squeeze %dma_wait3A_558 : memref<1x80x128xf32, #tpu.memory_space<vmem>> -> memref<80x128xf32, #tpu.memory_space<vmem>>
        %dma_wait3A_560 = arith.constant 0 : i32
        %dma_wait3A_561 = tpu.memref_slice %arg9[%rem3A_554, %sub3A_552, %dma_wait3A_560] : memref<4x5x80xi32, #tpu.memory_space<vmem>> -> memref<1x1x80xi32, #tpu.memory_space<vmem>>
        %dma_wait3A_562 = tpu.memref_squeeze %dma_wait3A_561 : memref<1x1x80xi32, #tpu.memory_space<vmem>> -> memref<80xi32, #tpu.memory_space<vmem>>
        %dma_wait3A_563 = arith.constant 0 : i32
        %dma_wait3A_564 = arith.constant 0 : i32
        %dma_wait3A_565 = tpu.memref_slice %arg11[%dma_wait3A_563, %dma_wait3A_564] : memref<10000x128xf32, #tpu.memory_space<vmem_shared>> -> memref<10000x128xf32, #tpu.memory_space<vmem_shared>>
        tpu.wait_indirect_dma semaphore(%arg13 : memref<!tpu.dma_semaphore, #tpu.memory_space<semaphore_mem>>) src(%dma_wait3A_559 : memref<80x128xf32, #tpu.memory_space<vmem>>) dst(%dma_wait3A_565 : memref<10000x128xf32, #tpu.memory_space<vmem_shared>>)
      } else {
      }
      %eq3A_408 = arith.constant 0 : i32
      %eq3A_409 = arith.cmpi eq, %sub3A_400, %eq3A_408 : i32
      %add3A_410 = arith.constant 1 : i32
      %add3A_411 = arith.addi %select_n3A_397, %add3A_410 : i32
      %lt3A_412 = arith.constant 25 : i32
      %lt3A_413 = arith.cmpi slt, %add3A_411, %lt3A_412 : i32
      %and3A_414 = arith.andi %eq3A_409, %lt3A_413 : i1
      %convert_element_type3A_415 = arith.extui %and3A_414 : i1 to i32
      %cond3A_416 = arith.constant 0 : i32
      %cond3A_417 = arith.cmpi ne, %convert_element_type3A_415, %cond3A_416 : i32
      scf.if %cond3A_417 {
        %add3A_524 = arith.constant 1 : i32
        %add3A_525 = arith.addi %select_n3A_397, %add3A_524 : i32
        %rem3A_526 = arith.constant 4 : i32
        %rem3A_527 = arith.remsi %add3A_525, %rem3A_526 : i32
        %add3A_528 = arith.constant 1 : i32
        %add3A_529 = arith.addi %select_n3A_397, %add3A_528 : i32
        %dma_start3A_530 = arith.constant 0 : i32
        %dma_start3A_531 = arith.constant 0 : i32
        %dma_start3A_532 = tpu.memref_slice %arg8[%rem3A_527, %dma_start3A_530, %dma_start3A_531] : memref<4x5x80xi32, #tpu.memory_space<vmem>> -> memref<1x5x80xi32, #tpu.memory_space<vmem>>
        %dma_start3A_533 = tpu.memref_squeeze %dma_start3A_532 : memref<1x5x80xi32, #tpu.memory_space<vmem>> -> memref<5x80xi32, #tpu.memory_space<vmem>>
        %dma_start3A_534 = arith.constant 0 : i32
        %dma_start3A_535 = arith.constant 0 : i32
        %dma_start3A_536 = tpu.memref_slice %arg3[%add3A, %add3A_529, %dma_start3A_534, %dma_start3A_535] : memref<32x25x5x80xi32, #tpu.memory_space<hbm>> -> memref<1x1x5x80xi32, #tpu.memory_space<hbm>>
        %dma_start3A_537 = tpu.memref_squeeze %dma_start3A_536 : memref<1x1x5x80xi32, #tpu.memory_space<hbm>> -> memref<5x80xi32, #tpu.memory_space<hbm>>
        %dma_start3A_538 = arith.constant 0 : i32
        %dma_start3A_539 = arith.constant 0 : i32
        %dma_start3A_540 = tpu.memref_slice %arg8[%rem3A_527, %dma_start3A_538, %dma_start3A_539] : memref<4x5x80xi32, #tpu.memory_space<vmem>> -> memref<1x5x80xi32, #tpu.memory_space<vmem>>
        %dma_start3A_541 = tpu.memref_squeeze %dma_start3A_540 : memref<1x5x80xi32, #tpu.memory_space<vmem>> -> memref<5x80xi32, #tpu.memory_space<vmem>>
        %dma_start3A_542 = arith.constant 0 : i32
        %dma_start3A_543 = arith.constant 0 : i32
        %dma_start3A_544 = tpu.memref_slice %arg3[%add3A, %add3A_529, %dma_start3A_542, %dma_start3A_543] : memref<32x25x5x80xi32, #tpu.memory_space<hbm>> -> memref<1x1x5x80xi32, #tpu.memory_space<hbm>>
        %dma_start3A_545 = tpu.memref_squeeze %dma_start3A_544 : memref<1x1x5x80xi32, #tpu.memory_space<hbm>> -> memref<5x80xi32, #tpu.memory_space<hbm>>
        tpu.enqueue_dma source(%dma_start3A_545 : memref<5x80xi32, #tpu.memory_space<hbm>>) target(%dma_start3A_541 : memref<5x80xi32, #tpu.memory_space<vmem>>) target_semaphore(%arg14 : memref<!tpu.dma_semaphore, #tpu.memory_space<semaphore_mem>>)
        %add3A_546 = arith.constant 1 : i32
        %add3A_547 = arith.addi %select_n3A_397, %add3A_546 : i32
        %dma_start3A_548 = arith.constant 0 : i32
        %dma_start3A_549 = arith.constant 0 : i32
        %dma_start3A_550 = tpu.memref_slice %arg9[%rem3A_527, %dma_start3A_548, %dma_start3A_549] : memref<4x5x80xi32, #tpu.memory_space<vmem>> -> memref<1x5x80xi32, #tpu.memory_space<vmem>>
        %dma_start3A_551 = tpu.memref_squeeze %dma_start3A_550 : memref<1x5x80xi32, #tpu.memory_space<vmem>> -> memref<5x80xi32, #tpu.memory_space<vmem>>
        %dma_start3A_552 = arith.constant 0 : i32
        %dma_start3A_553 = arith.constant 0 : i32
        %dma_start3A_554 = tpu.memref_slice %arg4[%add3A, %add3A_547, %dma_start3A_552, %dma_start3A_553] : memref<32x25x5x80xi32, #tpu.memory_space<hbm>> -> memref<1x1x5x80xi32, #tpu.memory_space<hbm>>
        %dma_start3A_555 = tpu.memref_squeeze %dma_start3A_554 : memref<1x1x5x80xi32, #tpu.memory_space<hbm>> -> memref<5x80xi32, #tpu.memory_space<hbm>>
        %dma_start3A_556 = arith.constant 0 : i32
        %dma_start3A_557 = arith.constant 0 : i32
        %dma_start3A_558 = tpu.memref_slice %arg9[%rem3A_527, %dma_start3A_556, %dma_start3A_557] : memref<4x5x80xi32, #tpu.memory_space<vmem>> -> memref<1x5x80xi32, #tpu.memory_space<vmem>>
        %dma_start3A_559 = tpu.memref_squeeze %dma_start3A_558 : memref<1x5x80xi32, #tpu.memory_space<vmem>> -> memref<5x80xi32, #tpu.memory_space<vmem>>
        %dma_start3A_560 = arith.constant 0 : i32
        %dma_start3A_561 = arith.constant 0 : i32
        %dma_start3A_562 = tpu.memref_slice %arg4[%add3A, %add3A_547, %dma_start3A_560, %dma_start3A_561] : memref<32x25x5x80xi32, #tpu.memory_space<hbm>> -> memref<1x1x5x80xi32, #tpu.memory_space<hbm>>
        %dma_start3A_563 = tpu.memref_squeeze %dma_start3A_562 : memref<1x1x5x80xi32, #tpu.memory_space<hbm>> -> memref<5x80xi32, #tpu.memory_space<hbm>>
        tpu.enqueue_dma source(%dma_start3A_563 : memref<5x80xi32, #tpu.memory_space<hbm>>) target(%dma_start3A_559 : memref<5x80xi32, #tpu.memory_space<vmem>>) target_semaphore(%arg15 : memref<!tpu.dma_semaphore, #tpu.memory_space<semaphore_mem>>)
      } else {
      }
      %add3A_418 = arith.constant 2 : i32
      %add3A_419 = arith.addi %add3A_373, %add3A_418 : i32
      %lt3A_420 = arith.constant 125 : i32
      %lt3A_421 = arith.cmpi slt, %add3A_419, %lt3A_420 : i32
      %convert_element_type3A_422 = arith.extui %lt3A_421 : i1 to i32
      %cond3A_423 = arith.constant 0 : i32
      %cond3A_424 = arith.cmpi ne, %convert_element_type3A_422, %cond3A_423 : i32
      scf.if %cond3A_424 {
        %add3A_524 = arith.constant 2 : i32
        %add3A_525 = arith.addi %add3A_373, %add3A_524 : i32
        %jit3A_526 = arith.constant 5 : i32
        %div3A_527 = arith.divsi %add3A_525, %jit3A_526 : i32
        %sign3A_528 = arith.constant 0 : i32
        %sign3A_529 = arith.cmpi sgt, %add3A_525, %sign3A_528 : i32
        %sign3A_530 = arith.extui %sign3A_529 : i1 to i32
        %sign3A_531 = arith.constant 0 : i32
        %sign3A_532 = arith.cmpi slt, %add3A_525, %sign3A_531 : i32
        %sign3A_533 = arith.extui %sign3A_532 : i1 to i32
        %sign3A_534 = arith.subi %sign3A_530, %sign3A_533 : i32
        %sign3A_535 = arith.constant 0 : i32
        %sign3A_536 = arith.cmpi sgt, %jit3A_526, %sign3A_535 : i32
        %sign3A_537 = arith.extui %sign3A_536 : i1 to i32
        %sign3A_538 = arith.constant 0 : i32
        %sign3A_539 = arith.cmpi slt, %jit3A_526, %sign3A_538 : i32
        %sign3A_540 = arith.extui %sign3A_539 : i1 to i32
        %sign3A_541 = arith.subi %sign3A_537, %sign3A_540 : i32
        %ne3A_542 = arith.cmpi ne, %sign3A_534, %sign3A_541 : i32
        %rem3A_543 = arith.remsi %add3A_525, %jit3A_526 : i32
        %ne3A_544 = arith.constant 0 : i32
        %ne3A_545 = arith.cmpi ne, %rem3A_543, %ne3A_544 : i32
        %and3A_546 = arith.andi %ne3A_542, %ne3A_545 : i1
        %sub3A_547 = arith.constant 1 : i32
        %sub3A_548 = arith.subi %div3A_527, %sub3A_547 : i32
        %select_n3A_549 = arith.select %and3A_546, %sub3A_548, %div3A_527 : i32
        %mul3A_550 = arith.constant 5 : i32
        %mul3A_551 = arith.muli %select_n3A_549, %mul3A_550 : i32
        %sub3A_552 = arith.subi %add3A_525, %mul3A_551 : i32
        %rem3A_553 = arith.constant 4 : i32
        %rem3A_554 = arith.remsi %select_n3A_549, %rem3A_553 : i32
        %eq3A_555 = arith.constant 0 : i32
        %eq3A_556 = arith.cmpi eq, %sub3A_552, %eq3A_555 : i32
        %convert_element_type3A_557 = arith.extui %eq3A_556 : i1 to i32
        %cond3A_558 = arith.constant 0 : i32
        %cond3A_559 = arith.cmpi ne, %convert_element_type3A_557, %cond3A_558 : i32
        scf.if %cond3A_559 {
          %dma_wait3A_571 = arith.constant 0 : i32
          %dma_wait3A_572 = arith.constant 0 : i32
          %dma_wait3A_573 = tpu.memref_slice %arg8[%rem3A_554, %dma_wait3A_571, %dma_wait3A_572] : memref<4x5x80xi32, #tpu.memory_space<vmem>> -> memref<1x5x80xi32, #tpu.memory_space<vmem>>
          %dma_wait3A_574 = tpu.memref_squeeze %dma_wait3A_573 : memref<1x5x80xi32, #tpu.memory_space<vmem>> -> memref<5x80xi32, #tpu.memory_space<vmem>>
          %dma_wait3A_575 = arith.constant 0 : i32
          %dma_wait3A_576 = arith.constant 0 : i32
          %dma_wait3A_577 = tpu.memref_slice %arg3[%add3A, %select_n3A_549, %dma_wait3A_575, %dma_wait3A_576] : memref<32x25x5x80xi32, #tpu.memory_space<hbm>> -> memref<1x1x5x80xi32, #tpu.memory_space<hbm>>
          %dma_wait3A_578 = tpu.memref_squeeze %dma_wait3A_577 : memref<1x1x5x80xi32, #tpu.memory_space<hbm>> -> memref<5x80xi32, #tpu.memory_space<hbm>>
          %dma_wait3A_579 = arith.constant 0 : i32
          %dma_wait3A_580 = arith.constant 0 : i32
          %dma_wait3A_581 = tpu.memref_slice %arg8[%rem3A_554, %dma_wait3A_579, %dma_wait3A_580] : memref<4x5x80xi32, #tpu.memory_space<vmem>> -> memref<1x5x80xi32, #tpu.memory_space<vmem>>
          %dma_wait3A_582 = tpu.memref_squeeze %dma_wait3A_581 : memref<1x5x80xi32, #tpu.memory_space<vmem>> -> memref<5x80xi32, #tpu.memory_space<vmem>>
          %dma_wait3A_583 = arith.constant 0 : i32
          %dma_wait3A_584 = arith.constant 0 : i32
          %dma_wait3A_585 = tpu.memref_slice %arg3[%add3A, %select_n3A_549, %dma_wait3A_583, %dma_wait3A_584] : memref<32x25x5x80xi32, #tpu.memory_space<hbm>> -> memref<1x1x5x80xi32, #tpu.memory_space<hbm>>
          %dma_wait3A_586 = tpu.memref_squeeze %dma_wait3A_585 : memref<1x1x5x80xi32, #tpu.memory_space<hbm>> -> memref<5x80xi32, #tpu.memory_space<hbm>>
          tpu.wait_dma2 semaphore(%arg14 : memref<!tpu.dma_semaphore, #tpu.memory_space<semaphore_mem>>) src(%dma_wait3A_586 : memref<5x80xi32, #tpu.memory_space<hbm>>) dst(%dma_wait3A_582 : memref<5x80xi32, #tpu.memory_space<vmem>>)
          %dma_wait3A_587 = arith.constant 0 : i32
          %dma_wait3A_588 = arith.constant 0 : i32
          %dma_wait3A_589 = tpu.memref_slice %arg9[%rem3A_554, %dma_wait3A_587, %dma_wait3A_588] : memref<4x5x80xi32, #tpu.memory_space<vmem>> -> memref<1x5x80xi32, #tpu.memory_space<vmem>>
          %dma_wait3A_590 = tpu.memref_squeeze %dma_wait3A_589 : memref<1x5x80xi32, #tpu.memory_space<vmem>> -> memref<5x80xi32, #tpu.memory_space<vmem>>
          %dma_wait3A_591 = arith.constant 0 : i32
          %dma_wait3A_592 = arith.constant 0 : i32
          %dma_wait3A_593 = tpu.memref_slice %arg4[%add3A, %select_n3A_549, %dma_wait3A_591, %dma_wait3A_592] : memref<32x25x5x80xi32, #tpu.memory_space<hbm>> -> memref<1x1x5x80xi32, #tpu.memory_space<hbm>>
          %dma_wait3A_594 = tpu.memref_squeeze %dma_wait3A_593 : memref<1x1x5x80xi32, #tpu.memory_space<hbm>> -> memref<5x80xi32, #tpu.memory_space<hbm>>
          %dma_wait3A_595 = arith.constant 0 : i32
          %dma_wait3A_596 = arith.constant 0 : i32
          %dma_wait3A_597 = tpu.memref_slice %arg9[%rem3A_554, %dma_wait3A_595, %dma_wait3A_596] : memref<4x5x80xi32, #tpu.memory_space<vmem>> -> memref<1x5x80xi32, #tpu.memory_space<vmem>>
          %dma_wait3A_598 = tpu.memref_squeeze %dma_wait3A_597 : memref<1x5x80xi32, #tpu.memory_space<vmem>> -> memref<5x80xi32, #tpu.memory_space<vmem>>
          %dma_wait3A_599 = arith.constant 0 : i32
          %dma_wait3A_600 = arith.constant 0 : i32
          %dma_wait3A_601 = tpu.memref_slice %arg4[%add3A, %select_n3A_549, %dma_wait3A_599, %dma_wait3A_600] : memref<32x25x5x80xi32, #tpu.memory_space<hbm>> -> memref<1x1x5x80xi32, #tpu.memory_space<hbm>>
          %dma_wait3A_602 = tpu.memref_squeeze %dma_wait3A_601 : memref<1x1x5x80xi32, #tpu.memory_space<hbm>> -> memref<5x80xi32, #tpu.memory_space<hbm>>
          tpu.wait_dma2 semaphore(%arg15 : memref<!tpu.dma_semaphore, #tpu.memory_space<semaphore_mem>>) src(%dma_wait3A_602 : memref<5x80xi32, #tpu.memory_space<hbm>>) dst(%dma_wait3A_598 : memref<5x80xi32, #tpu.memory_space<vmem>>)
        } else {
        }
        %dma_start3A_560 = arith.constant 0 : i32
        %dma_start3A_561 = arith.constant 0 : i32
        %dma_start3A_562 = arith.constant 0 : i32
        %dma_start3A_563 = tpu.memref_slice %arg10[%dma_start3A_560, %dma_start3A_561, %dma_start3A_562] : memref<4x80x128xf32, #tpu.memory_space<vmem>> -> memref<1x80x128xf32, #tpu.memory_space<vmem>>
        %dma_start3A_564 = tpu.memref_squeeze %dma_start3A_563 : memref<1x80x128xf32, #tpu.memory_space<vmem>> -> memref<80x128xf32, #tpu.memory_space<vmem>>
        %dma_start3A_565 = arith.constant 0 : i32
        %dma_start3A_566 = tpu.memref_slice %arg8[%rem3A_554, %sub3A_552, %dma_start3A_565] : memref<4x5x80xi32, #tpu.memory_space<vmem>> -> memref<1x1x80xi32, #tpu.memory_space<vmem>>
        %dma_start3A_567 = tpu.memref_squeeze %dma_start3A_566 : memref<1x1x80xi32, #tpu.memory_space<vmem>> -> memref<80xi32, #tpu.memory_space<vmem>>
        %dma_start3A_568 = arith.constant 0 : i32
        %dma_start3A_569 = arith.constant 0 : i32
        %dma_start3A_570 = tpu.memref_slice %arg2[%dma_start3A_568, %dma_start3A_569] : memref<10000x128xf32, #tpu.memory_space<hbm>> -> memref<10000x128xf32, #tpu.memory_space<hbm>>
        tpu.enqueue_indirect_dma source(%dma_start3A_570 : memref<10000x128xf32, #tpu.memory_space<hbm>>) target(%dma_start3A_564 : memref<80x128xf32, #tpu.memory_space<vmem>>) offsets(%dma_start3A_567 : memref<80xi32, #tpu.memory_space<vmem>>) semaphore(%arg12 : memref<!tpu.dma_semaphore, #tpu.memory_space<semaphore_mem>>)
      } else {
      }
      %dma_wait3A_425 = arith.constant 2 : i32
      %dma_wait3A_426 = arith.constant 0 : i32
      %dma_wait3A_427 = arith.constant 0 : i32
      %dma_wait3A_428 = tpu.memref_slice %arg10[%dma_wait3A_425, %dma_wait3A_426, %dma_wait3A_427] : memref<4x80x128xf32, #tpu.memory_space<vmem>> -> memref<1x80x128xf32, #tpu.memory_space<vmem>>
      %dma_wait3A_429 = tpu.memref_squeeze %dma_wait3A_428 : memref<1x80x128xf32, #tpu.memory_space<vmem>> -> memref<80x128xf32, #tpu.memory_space<vmem>>
      %dma_wait3A_430 = arith.constant 0 : i32
      %dma_wait3A_431 = tpu.memref_slice %arg8[%rem3A_402, %sub3A_400, %dma_wait3A_430] : memref<4x5x80xi32, #tpu.memory_space<vmem>> -> memref<1x1x80xi32, #tpu.memory_space<vmem>>
      %dma_wait3A_432 = tpu.memref_squeeze %dma_wait3A_431 : memref<1x1x80xi32, #tpu.memory_space<vmem>> -> memref<80xi32, #tpu.memory_space<vmem>>
      %dma_wait3A_433 = arith.constant 0 : i32
      %dma_wait3A_434 = arith.constant 0 : i32
      %dma_wait3A_435 = tpu.memref_slice %arg2[%dma_wait3A_433, %dma_wait3A_434] : memref<10000x128xf32, #tpu.memory_space<hbm>> -> memref<10000x128xf32, #tpu.memory_space<hbm>>
      tpu.wait_indirect_dma semaphore(%arg12 : memref<!tpu.dma_semaphore, #tpu.memory_space<semaphore_mem>>) src(%dma_wait3A_435 : memref<10000x128xf32, #tpu.memory_space<hbm>>) dst(%dma_wait3A_429 : memref<80x128xf32, #tpu.memory_space<vmem>>)
      %dma_start3A_436 = arith.constant 2 : i32
      %dma_start3A_437 = arith.constant 0 : i32
      %dma_start3A_438 = arith.constant 0 : i32
      %dma_start3A_439 = tpu.memref_slice %arg10[%dma_start3A_436, %dma_start3A_437, %dma_start3A_438] : memref<4x80x128xf32, #tpu.memory_space<vmem>> -> memref<1x80x128xf32, #tpu.memory_space<vmem>>
      %dma_start3A_440 = tpu.memref_squeeze %dma_start3A_439 : memref<1x80x128xf32, #tpu.memory_space<vmem>> -> memref<80x128xf32, #tpu.memory_space<vmem>>
      %dma_start3A_441 = arith.constant 0 : i32
      %dma_start3A_442 = tpu.memref_slice %arg9[%rem3A_402, %sub3A_400, %dma_start3A_441] : memref<4x5x80xi32, #tpu.memory_space<vmem>> -> memref<1x1x80xi32, #tpu.memory_space<vmem>>
      %dma_start3A_443 = tpu.memref_squeeze %dma_start3A_442 : memref<1x1x80xi32, #tpu.memory_space<vmem>> -> memref<80xi32, #tpu.memory_space<vmem>>
      %dma_start3A_444 = arith.constant 0 : i32
      %dma_start3A_445 = arith.constant 0 : i32
      %dma_start3A_446 = tpu.memref_slice %arg11[%dma_start3A_444, %dma_start3A_445] : memref<10000x128xf32, #tpu.memory_space<vmem_shared>> -> memref<10000x128xf32, #tpu.memory_space<vmem_shared>>
      tpu.enqueue_indirect_dma source(%dma_start3A_440 : memref<80x128xf32, #tpu.memory_space<vmem>>) target(%dma_start3A_446 : memref<10000x128xf32, #tpu.memory_space<vmem_shared>>) offsets(%dma_start3A_443 : memref<80xi32, #tpu.memory_space<vmem>>) semaphore(%arg13 : memref<!tpu.dma_semaphore, #tpu.memory_space<semaphore_mem>>) {add = true}
      %mul3A_447 = arith.constant 4 : i32
      %mul3A_448 = arith.muli %mul3A_447, %scan3A_223 : i32
      %add3A_449 = arith.constant 3 : i32
      %add3A_450 = arith.addi %mul3A_448, %add3A_449 : i32
      %jit3A_451 = arith.constant 5 : i32
      %div3A_452 = arith.divsi %add3A_450, %jit3A_451 : i32
      %sign3A_453 = arith.constant 0 : i32
      %sign3A_454 = arith.cmpi sgt, %add3A_450, %sign3A_453 : i32
      %sign3A_455 = arith.extui %sign3A_454 : i1 to i32
      %sign3A_456 = arith.constant 0 : i32
      %sign3A_457 = arith.cmpi slt, %add3A_450, %sign3A_456 : i32
      %sign3A_458 = arith.extui %sign3A_457 : i1 to i32
      %sign3A_459 = arith.subi %sign3A_455, %sign3A_458 : i32
      %sign3A_460 = arith.constant 0 : i32
      %sign3A_461 = arith.cmpi sgt, %jit3A_451, %sign3A_460 : i32
      %sign3A_462 = arith.extui %sign3A_461 : i1 to i32
      %sign3A_463 = arith.constant 0 : i32
      %sign3A_464 = arith.cmpi slt, %jit3A_451, %sign3A_463 : i32
      %sign3A_465 = arith.extui %sign3A_464 : i1 to i32
      %sign3A_466 = arith.subi %sign3A_462, %sign3A_465 : i32
      %ne3A_467 = arith.cmpi ne, %sign3A_459, %sign3A_466 : i32
      %rem3A_468 = arith.remsi %add3A_450, %jit3A_451 : i32
      %ne3A_469 = arith.constant 0 : i32
      %ne3A_470 = arith.cmpi ne, %rem3A_468, %ne3A_469 : i32
      %and3A_471 = arith.andi %ne3A_467, %ne3A_470 : i1
      %sub3A_472 = arith.constant 1 : i32
      %sub3A_473 = arith.subi %div3A_452, %sub3A_472 : i32
      %select_n3A_474 = arith.select %and3A_471, %sub3A_473, %div3A_452 : i32
      %mul3A_475 = arith.constant 5 : i32
      %mul3A_476 = arith.muli %select_n3A_474, %mul3A_475 : i32
      %sub3A_477 = arith.subi %add3A_450, %mul3A_476 : i32
      %rem3A_478 = arith.constant 4 : i32
      %rem3A_479 = arith.remsi %select_n3A_474, %rem3A_478 : i32
      %ge3A_480 = arith.constant 2 : i32
      %ge3A_481 = arith.cmpi sge, %add3A_450, %ge3A_480 : i32
      %convert_element_type3A_482 = arith.extui %ge3A_481 : i1 to i32
      %cond3A_483 = arith.constant 0 : i32
      %cond3A_484 = arith.cmpi ne, %convert_element_type3A_482, %cond3A_483 : i32
      scf.if %cond3A_484 {
        %sub3A_524 = arith.constant 2 : i32
        %sub3A_525 = arith.subi %add3A_450, %sub3A_524 : i32
        %jit3A_526 = arith.constant 5 : i32
        %div3A_527 = arith.divsi %sub3A_525, %jit3A_526 : i32
        %sign3A_528 = arith.constant 0 : i32
        %sign3A_529 = arith.cmpi sgt, %sub3A_525, %sign3A_528 : i32
        %sign3A_530 = arith.extui %sign3A_529 : i1 to i32
        %sign3A_531 = arith.constant 0 : i32
        %sign3A_532 = arith.cmpi slt, %sub3A_525, %sign3A_531 : i32
        %sign3A_533 = arith.extui %sign3A_532 : i1 to i32
        %sign3A_534 = arith.subi %sign3A_530, %sign3A_533 : i32
        %sign3A_535 = arith.constant 0 : i32
        %sign3A_536 = arith.cmpi sgt, %jit3A_526, %sign3A_535 : i32
        %sign3A_537 = arith.extui %sign3A_536 : i1 to i32
        %sign3A_538 = arith.constant 0 : i32
        %sign3A_539 = arith.cmpi slt, %jit3A_526, %sign3A_538 : i32
        %sign3A_540 = arith.extui %sign3A_539 : i1 to i32
        %sign3A_541 = arith.subi %sign3A_537, %sign3A_540 : i32
        %ne3A_542 = arith.cmpi ne, %sign3A_534, %sign3A_541 : i32
        %rem3A_543 = arith.remsi %sub3A_525, %jit3A_526 : i32
        %ne3A_544 = arith.constant 0 : i32
        %ne3A_545 = arith.cmpi ne, %rem3A_543, %ne3A_544 : i32
        %and3A_546 = arith.andi %ne3A_542, %ne3A_545 : i1
        %sub3A_547 = arith.constant 1 : i32
        %sub3A_548 = arith.subi %div3A_527, %sub3A_547 : i32
        %select_n3A_549 = arith.select %and3A_546, %sub3A_548, %div3A_527 : i32
        %mul3A_550 = arith.constant 5 : i32
        %mul3A_551 = arith.muli %select_n3A_549, %mul3A_550 : i32
        %sub3A_552 = arith.subi %sub3A_525, %mul3A_551 : i32
        %rem3A_553 = arith.constant 4 : i32
        %rem3A_554 = arith.remsi %select_n3A_549, %rem3A_553 : i32
        %dma_wait3A_555 = arith.constant 1 : i32
        %dma_wait3A_556 = arith.constant 0 : i32
        %dma_wait3A_557 = arith.constant 0 : i32
        %dma_wait3A_558 = tpu.memref_slice %arg10[%dma_wait3A_555, %dma_wait3A_556, %dma_wait3A_557] : memref<4x80x128xf32, #tpu.memory_space<vmem>> -> memref<1x80x128xf32, #tpu.memory_space<vmem>>
        %dma_wait3A_559 = tpu.memref_squeeze %dma_wait3A_558 : memref<1x80x128xf32, #tpu.memory_space<vmem>> -> memref<80x128xf32, #tpu.memory_space<vmem>>
        %dma_wait3A_560 = arith.constant 0 : i32
        %dma_wait3A_561 = tpu.memref_slice %arg9[%rem3A_554, %sub3A_552, %dma_wait3A_560] : memref<4x5x80xi32, #tpu.memory_space<vmem>> -> memref<1x1x80xi32, #tpu.memory_space<vmem>>
        %dma_wait3A_562 = tpu.memref_squeeze %dma_wait3A_561 : memref<1x1x80xi32, #tpu.memory_space<vmem>> -> memref<80xi32, #tpu.memory_space<vmem>>
        %dma_wait3A_563 = arith.constant 0 : i32
        %dma_wait3A_564 = arith.constant 0 : i32
        %dma_wait3A_565 = tpu.memref_slice %arg11[%dma_wait3A_563, %dma_wait3A_564] : memref<10000x128xf32, #tpu.memory_space<vmem_shared>> -> memref<10000x128xf32, #tpu.memory_space<vmem_shared>>
        tpu.wait_indirect_dma semaphore(%arg13 : memref<!tpu.dma_semaphore, #tpu.memory_space<semaphore_mem>>) src(%dma_wait3A_559 : memref<80x128xf32, #tpu.memory_space<vmem>>) dst(%dma_wait3A_565 : memref<10000x128xf32, #tpu.memory_space<vmem_shared>>)
      } else {
      }
      %eq3A_485 = arith.constant 0 : i32
      %eq3A_486 = arith.cmpi eq, %sub3A_477, %eq3A_485 : i32
      %add3A_487 = arith.constant 1 : i32
      %add3A_488 = arith.addi %select_n3A_474, %add3A_487 : i32
      %lt3A_489 = arith.constant 25 : i32
      %lt3A_490 = arith.cmpi slt, %add3A_488, %lt3A_489 : i32
      %and3A_491 = arith.andi %eq3A_486, %lt3A_490 : i1
      %convert_element_type3A_492 = arith.extui %and3A_491 : i1 to i32
      %cond3A_493 = arith.constant 0 : i32
      %cond3A_494 = arith.cmpi ne, %convert_element_type3A_492, %cond3A_493 : i32
      scf.if %cond3A_494 {
        %add3A_524 = arith.constant 1 : i32
        %add3A_525 = arith.addi %select_n3A_474, %add3A_524 : i32
        %rem3A_526 = arith.constant 4 : i32
        %rem3A_527 = arith.remsi %add3A_525, %rem3A_526 : i32
        %add3A_528 = arith.constant 1 : i32
        %add3A_529 = arith.addi %select_n3A_474, %add3A_528 : i32
        %dma_start3A_530 = arith.constant 0 : i32
        %dma_start3A_531 = arith.constant 0 : i32
        %dma_start3A_532 = tpu.memref_slice %arg8[%rem3A_527, %dma_start3A_530, %dma_start3A_531] : memref<4x5x80xi32, #tpu.memory_space<vmem>> -> memref<1x5x80xi32, #tpu.memory_space<vmem>>
        %dma_start3A_533 = tpu.memref_squeeze %dma_start3A_532 : memref<1x5x80xi32, #tpu.memory_space<vmem>> -> memref<5x80xi32, #tpu.memory_space<vmem>>
        %dma_start3A_534 = arith.constant 0 : i32
        %dma_start3A_535 = arith.constant 0 : i32
        %dma_start3A_536 = tpu.memref_slice %arg3[%add3A, %add3A_529, %dma_start3A_534, %dma_start3A_535] : memref<32x25x5x80xi32, #tpu.memory_space<hbm>> -> memref<1x1x5x80xi32, #tpu.memory_space<hbm>>
        %dma_start3A_537 = tpu.memref_squeeze %dma_start3A_536 : memref<1x1x5x80xi32, #tpu.memory_space<hbm>> -> memref<5x80xi32, #tpu.memory_space<hbm>>
        %dma_start3A_538 = arith.constant 0 : i32
        %dma_start3A_539 = arith.constant 0 : i32
        %dma_start3A_540 = tpu.memref_slice %arg8[%rem3A_527, %dma_start3A_538, %dma_start3A_539] : memref<4x5x80xi32, #tpu.memory_space<vmem>> -> memref<1x5x80xi32, #tpu.memory_space<vmem>>
        %dma_start3A_541 = tpu.memref_squeeze %dma_start3A_540 : memref<1x5x80xi32, #tpu.memory_space<vmem>> -> memref<5x80xi32, #tpu.memory_space<vmem>>
        %dma_start3A_542 = arith.constant 0 : i32
        %dma_start3A_543 = arith.constant 0 : i32
        %dma_start3A_544 = tpu.memref_slice %arg3[%add3A, %add3A_529, %dma_start3A_542, %dma_start3A_543] : memref<32x25x5x80xi32, #tpu.memory_space<hbm>> -> memref<1x1x5x80xi32, #tpu.memory_space<hbm>>
        %dma_start3A_545 = tpu.memref_squeeze %dma_start3A_544 : memref<1x1x5x80xi32, #tpu.memory_space<hbm>> -> memref<5x80xi32, #tpu.memory_space<hbm>>
        tpu.enqueue_dma source(%dma_start3A_545 : memref<5x80xi32, #tpu.memory_space<hbm>>) target(%dma_start3A_541 : memref<5x80xi32, #tpu.memory_space<vmem>>) target_semaphore(%arg14 : memref<!tpu.dma_semaphore, #tpu.memory_space<semaphore_mem>>)
        %add3A_546 = arith.constant 1 : i32
        %add3A_547 = arith.addi %select_n3A_474, %add3A_546 : i32
        %dma_start3A_548 = arith.constant 0 : i32
        %dma_start3A_549 = arith.constant 0 : i32
        %dma_start3A_550 = tpu.memref_slice %arg9[%rem3A_527, %dma_start3A_548, %dma_start3A_549] : memref<4x5x80xi32, #tpu.memory_space<vmem>> -> memref<1x5x80xi32, #tpu.memory_space<vmem>>
        %dma_start3A_551 = tpu.memref_squeeze %dma_start3A_550 : memref<1x5x80xi32, #tpu.memory_space<vmem>> -> memref<5x80xi32, #tpu.memory_space<vmem>>
        %dma_start3A_552 = arith.constant 0 : i32
        %dma_start3A_553 = arith.constant 0 : i32
        %dma_start3A_554 = tpu.memref_slice %arg4[%add3A, %add3A_547, %dma_start3A_552, %dma_start3A_553] : memref<32x25x5x80xi32, #tpu.memory_space<hbm>> -> memref<1x1x5x80xi32, #tpu.memory_space<hbm>>
        %dma_start3A_555 = tpu.memref_squeeze %dma_start3A_554 : memref<1x1x5x80xi32, #tpu.memory_space<hbm>> -> memref<5x80xi32, #tpu.memory_space<hbm>>
        %dma_start3A_556 = arith.constant 0 : i32
        %dma_start3A_557 = arith.constant 0 : i32
        %dma_start3A_558 = tpu.memref_slice %arg9[%rem3A_527, %dma_start3A_556, %dma_start3A_557] : memref<4x5x80xi32, #tpu.memory_space<vmem>> -> memref<1x5x80xi32, #tpu.memory_space<vmem>>
        %dma_start3A_559 = tpu.memref_squeeze %dma_start3A_558 : memref<1x5x80xi32, #tpu.memory_space<vmem>> -> memref<5x80xi32, #tpu.memory_space<vmem>>
        %dma_start3A_560 = arith.constant 0 : i32
        %dma_start3A_561 = arith.constant 0 : i32
        %dma_start3A_562 = tpu.memref_slice %arg4[%add3A, %add3A_547, %dma_start3A_560, %dma_start3A_561] : memref<32x25x5x80xi32, #tpu.memory_space<hbm>> -> memref<1x1x5x80xi32, #tpu.memory_space<hbm>>
        %dma_start3A_563 = tpu.memref_squeeze %dma_start3A_562 : memref<1x1x5x80xi32, #tpu.memory_space<hbm>> -> memref<5x80xi32, #tpu.memory_space<hbm>>
        tpu.enqueue_dma source(%dma_start3A_563 : memref<5x80xi32, #tpu.memory_space<hbm>>) target(%dma_start3A_559 : memref<5x80xi32, #tpu.memory_space<vmem>>) target_semaphore(%arg15 : memref<!tpu.dma_semaphore, #tpu.memory_space<semaphore_mem>>)
      } else {
      }
      %add3A_495 = arith.constant 2 : i32
      %add3A_496 = arith.addi %add3A_450, %add3A_495 : i32
      %lt3A_497 = arith.constant 125 : i32
      %lt3A_498 = arith.cmpi slt, %add3A_496, %lt3A_497 : i32
      %convert_element_type3A_499 = arith.extui %lt3A_498 : i1 to i32
      %cond3A_500 = arith.constant 0 : i32
      %cond3A_501 = arith.cmpi ne, %convert_element_type3A_499, %cond3A_500 : i32
      scf.if %cond3A_501 {
        %add3A_524 = arith.constant 2 : i32
        %add3A_525 = arith.addi %add3A_450, %add3A_524 : i32
        %jit3A_526 = arith.constant 5 : i32
        %div3A_527 = arith.divsi %add3A_525, %jit3A_526 : i32
        %sign3A_528 = arith.constant 0 : i32
        %sign3A_529 = arith.cmpi sgt, %add3A_525, %sign3A_528 : i32
        %sign3A_530 = arith.extui %sign3A_529 : i1 to i32
        %sign3A_531 = arith.constant 0 : i32
        %sign3A_532 = arith.cmpi slt, %add3A_525, %sign3A_531 : i32
        %sign3A_533 = arith.extui %sign3A_532 : i1 to i32
        %sign3A_534 = arith.subi %sign3A_530, %sign3A_533 : i32
        %sign3A_535 = arith.constant 0 : i32
        %sign3A_536 = arith.cmpi sgt, %jit3A_526, %sign3A_535 : i32
        %sign3A_537 = arith.extui %sign3A_536 : i1 to i32
        %sign3A_538 = arith.constant 0 : i32
        %sign3A_539 = arith.cmpi slt, %jit3A_526, %sign3A_538 : i32
        %sign3A_540 = arith.extui %sign3A_539 : i1 to i32
        %sign3A_541 = arith.subi %sign3A_537, %sign3A_540 : i32
        %ne3A_542 = arith.cmpi ne, %sign3A_534, %sign3A_541 : i32
        %rem3A_543 = arith.remsi %add3A_525, %jit3A_526 : i32
        %ne3A_544 = arith.constant 0 : i32
        %ne3A_545 = arith.cmpi ne, %rem3A_543, %ne3A_544 : i32
        %and3A_546 = arith.andi %ne3A_542, %ne3A_545 : i1
        %sub3A_547 = arith.constant 1 : i32
        %sub3A_548 = arith.subi %div3A_527, %sub3A_547 : i32
        %select_n3A_549 = arith.select %and3A_546, %sub3A_548, %div3A_527 : i32
        %mul3A_550 = arith.constant 5 : i32
        %mul3A_551 = arith.muli %select_n3A_549, %mul3A_550 : i32
        %sub3A_552 = arith.subi %add3A_525, %mul3A_551 : i32
        %rem3A_553 = arith.constant 4 : i32
        %rem3A_554 = arith.remsi %select_n3A_549, %rem3A_553 : i32
        %eq3A_555 = arith.constant 0 : i32
        %eq3A_556 = arith.cmpi eq, %sub3A_552, %eq3A_555 : i32
        %convert_element_type3A_557 = arith.extui %eq3A_556 : i1 to i32
        %cond3A_558 = arith.constant 0 : i32
        %cond3A_559 = arith.cmpi ne, %convert_element_type3A_557, %cond3A_558 : i32
        scf.if %cond3A_559 {
          %dma_wait3A_571 = arith.constant 0 : i32
          %dma_wait3A_572 = arith.constant 0 : i32
          %dma_wait3A_573 = tpu.memref_slice %arg8[%rem3A_554, %dma_wait3A_571, %dma_wait3A_572] : memref<4x5x80xi32, #tpu.memory_space<vmem>> -> memref<1x5x80xi32, #tpu.memory_space<vmem>>
          %dma_wait3A_574 = tpu.memref_squeeze %dma_wait3A_573 : memref<1x5x80xi32, #tpu.memory_space<vmem>> -> memref<5x80xi32, #tpu.memory_space<vmem>>
          %dma_wait3A_575 = arith.constant 0 : i32
          %dma_wait3A_576 = arith.constant 0 : i32
          %dma_wait3A_577 = tpu.memref_slice %arg3[%add3A, %select_n3A_549, %dma_wait3A_575, %dma_wait3A_576] : memref<32x25x5x80xi32, #tpu.memory_space<hbm>> -> memref<1x1x5x80xi32, #tpu.memory_space<hbm>>
          %dma_wait3A_578 = tpu.memref_squeeze %dma_wait3A_577 : memref<1x1x5x80xi32, #tpu.memory_space<hbm>> -> memref<5x80xi32, #tpu.memory_space<hbm>>
          %dma_wait3A_579 = arith.constant 0 : i32
          %dma_wait3A_580 = arith.constant 0 : i32
          %dma_wait3A_581 = tpu.memref_slice %arg8[%rem3A_554, %dma_wait3A_579, %dma_wait3A_580] : memref<4x5x80xi32, #tpu.memory_space<vmem>> -> memref<1x5x80xi32, #tpu.memory_space<vmem>>
          %dma_wait3A_582 = tpu.memref_squeeze %dma_wait3A_581 : memref<1x5x80xi32, #tpu.memory_space<vmem>> -> memref<5x80xi32, #tpu.memory_space<vmem>>
          %dma_wait3A_583 = arith.constant 0 : i32
          %dma_wait3A_584 = arith.constant 0 : i32
          %dma_wait3A_585 = tpu.memref_slice %arg3[%add3A, %select_n3A_549, %dma_wait3A_583, %dma_wait3A_584] : memref<32x25x5x80xi32, #tpu.memory_space<hbm>> -> memref<1x1x5x80xi32, #tpu.memory_space<hbm>>
          %dma_wait3A_586 = tpu.memref_squeeze %dma_wait3A_585 : memref<1x1x5x80xi32, #tpu.memory_space<hbm>> -> memref<5x80xi32, #tpu.memory_space<hbm>>
          tpu.wait_dma2 semaphore(%arg14 : memref<!tpu.dma_semaphore, #tpu.memory_space<semaphore_mem>>) src(%dma_wait3A_586 : memref<5x80xi32, #tpu.memory_space<hbm>>) dst(%dma_wait3A_582 : memref<5x80xi32, #tpu.memory_space<vmem>>)
          %dma_wait3A_587 = arith.constant 0 : i32
          %dma_wait3A_588 = arith.constant 0 : i32
          %dma_wait3A_589 = tpu.memref_slice %arg9[%rem3A_554, %dma_wait3A_587, %dma_wait3A_588] : memref<4x5x80xi32, #tpu.memory_space<vmem>> -> memref<1x5x80xi32, #tpu.memory_space<vmem>>
          %dma_wait3A_590 = tpu.memref_squeeze %dma_wait3A_589 : memref<1x5x80xi32, #tpu.memory_space<vmem>> -> memref<5x80xi32, #tpu.memory_space<vmem>>
          %dma_wait3A_591 = arith.constant 0 : i32
          %dma_wait3A_592 = arith.constant 0 : i32
          %dma_wait3A_593 = tpu.memref_slice %arg4[%add3A, %select_n3A_549, %dma_wait3A_591, %dma_wait3A_592] : memref<32x25x5x80xi32, #tpu.memory_space<hbm>> -> memref<1x1x5x80xi32, #tpu.memory_space<hbm>>
          %dma_wait3A_594 = tpu.memref_squeeze %dma_wait3A_593 : memref<1x1x5x80xi32, #tpu.memory_space<hbm>> -> memref<5x80xi32, #tpu.memory_space<hbm>>
          %dma_wait3A_595 = arith.constant 0 : i32
          %dma_wait3A_596 = arith.constant 0 : i32
          %dma_wait3A_597 = tpu.memref_slice %arg9[%rem3A_554, %dma_wait3A_595, %dma_wait3A_596] : memref<4x5x80xi32, #tpu.memory_space<vmem>> -> memref<1x5x80xi32, #tpu.memory_space<vmem>>
          %dma_wait3A_598 = tpu.memref_squeeze %dma_wait3A_597 : memref<1x5x80xi32, #tpu.memory_space<vmem>> -> memref<5x80xi32, #tpu.memory_space<vmem>>
          %dma_wait3A_599 = arith.constant 0 : i32
          %dma_wait3A_600 = arith.constant 0 : i32
          %dma_wait3A_601 = tpu.memref_slice %arg4[%add3A, %select_n3A_549, %dma_wait3A_599, %dma_wait3A_600] : memref<32x25x5x80xi32, #tpu.memory_space<hbm>> -> memref<1x1x5x80xi32, #tpu.memory_space<hbm>>
          %dma_wait3A_602 = tpu.memref_squeeze %dma_wait3A_601 : memref<1x1x5x80xi32, #tpu.memory_space<hbm>> -> memref<5x80xi32, #tpu.memory_space<hbm>>
          tpu.wait_dma2 semaphore(%arg15 : memref<!tpu.dma_semaphore, #tpu.memory_space<semaphore_mem>>) src(%dma_wait3A_602 : memref<5x80xi32, #tpu.memory_space<hbm>>) dst(%dma_wait3A_598 : memref<5x80xi32, #tpu.memory_space<vmem>>)
        } else {
        }
        %dma_start3A_560 = arith.constant 1 : i32
        %dma_start3A_561 = arith.constant 0 : i32
        %dma_start3A_562 = arith.constant 0 : i32
        %dma_start3A_563 = tpu.memref_slice %arg10[%dma_start3A_560, %dma_start3A_561, %dma_start3A_562] : memref<4x80x128xf32, #tpu.memory_space<vmem>> -> memref<1x80x128xf32, #tpu.memory_space<vmem>>
        %dma_start3A_564 = tpu.memref_squeeze %dma_start3A_563 : memref<1x80x128xf32, #tpu.memory_space<vmem>> -> memref<80x128xf32, #tpu.memory_space<vmem>>
        %dma_start3A_565 = arith.constant 0 : i32
        %dma_start3A_566 = tpu.memref_slice %arg8[%rem3A_554, %sub3A_552, %dma_start3A_565] : memref<4x5x80xi32, #tpu.memory_space<vmem>> -> memref<1x1x80xi32, #tpu.memory_space<vmem>>
        %dma_start3A_567 = tpu.memref_squeeze %dma_start3A_566 : memref<1x1x80xi32, #tpu.memory_space<vmem>> -> memref<80xi32, #tpu.memory_space<vmem>>
        %dma_start3A_568 = arith.constant 0 : i32
        %dma_start3A_569 = arith.constant 0 : i32
        %dma_start3A_570 = tpu.memref_slice %arg2[%dma_start3A_568, %dma_start3A_569] : memref<10000x128xf32, #tpu.memory_space<hbm>> -> memref<10000x128xf32, #tpu.memory_space<hbm>>
        tpu.enqueue_indirect_dma source(%dma_start3A_570 : memref<10000x128xf32, #tpu.memory_space<hbm>>) target(%dma_start3A_564 : memref<80x128xf32, #tpu.memory_space<vmem>>) offsets(%dma_start3A_567 : memref<80xi32, #tpu.memory_space<vmem>>) semaphore(%arg12 : memref<!tpu.dma_semaphore, #tpu.memory_space<semaphore_mem>>)
      } else {
      }
      %dma_wait3A_502 = arith.constant 3 : i32
      %dma_wait3A_503 = arith.constant 0 : i32
      %dma_wait3A_504 = arith.constant 0 : i32
      %dma_wait3A_505 = tpu.memref_slice %arg10[%dma_wait3A_502, %dma_wait3A_503, %dma_wait3A_504] : memref<4x80x128xf32, #tpu.memory_space<vmem>> -> memref<1x80x128xf32, #tpu.memory_space<vmem>>
      %dma_wait3A_506 = tpu.memref_squeeze %dma_wait3A_505 : memref<1x80x128xf32, #tpu.memory_space<vmem>> -> memref<80x128xf32, #tpu.memory_space<vmem>>
      %dma_wait3A_507 = arith.constant 0 : i32
      %dma_wait3A_508 = tpu.memref_slice %arg8[%rem3A_479, %sub3A_477, %dma_wait3A_507] : memref<4x5x80xi32, #tpu.memory_space<vmem>> -> memref<1x1x80xi32, #tpu.memory_space<vmem>>
      %dma_wait3A_509 = tpu.memref_squeeze %dma_wait3A_508 : memref<1x1x80xi32, #tpu.memory_space<vmem>> -> memref<80xi32, #tpu.memory_space<vmem>>
      %dma_wait3A_510 = arith.constant 0 : i32
      %dma_wait3A_511 = arith.constant 0 : i32
      %dma_wait3A_512 = tpu.memref_slice %arg2[%dma_wait3A_510, %dma_wait3A_511] : memref<10000x128xf32, #tpu.memory_space<hbm>> -> memref<10000x128xf32, #tpu.memory_space<hbm>>
      tpu.wait_indirect_dma semaphore(%arg12 : memref<!tpu.dma_semaphore, #tpu.memory_space<semaphore_mem>>) src(%dma_wait3A_512 : memref<10000x128xf32, #tpu.memory_space<hbm>>) dst(%dma_wait3A_506 : memref<80x128xf32, #tpu.memory_space<vmem>>)
      %dma_start3A_513 = arith.constant 3 : i32
      %dma_start3A_514 = arith.constant 0 : i32
      %dma_start3A_515 = arith.constant 0 : i32
      %dma_start3A_516 = tpu.memref_slice %arg10[%dma_start3A_513, %dma_start3A_514, %dma_start3A_515] : memref<4x80x128xf32, #tpu.memory_space<vmem>> -> memref<1x80x128xf32, #tpu.memory_space<vmem>>
      %dma_start3A_517 = tpu.memref_squeeze %dma_start3A_516 : memref<1x80x128xf32, #tpu.memory_space<vmem>> -> memref<80x128xf32, #tpu.memory_space<vmem>>
      %dma_start3A_518 = arith.constant 0 : i32
      %dma_start3A_519 = tpu.memref_slice %arg9[%rem3A_479, %sub3A_477, %dma_start3A_518] : memref<4x5x80xi32, #tpu.memory_space<vmem>> -> memref<1x1x80xi32, #tpu.memory_space<vmem>>
      %dma_start3A_520 = tpu.memref_squeeze %dma_start3A_519 : memref<1x1x80xi32, #tpu.memory_space<vmem>> -> memref<80xi32, #tpu.memory_space<vmem>>
      %dma_start3A_521 = arith.constant 0 : i32
      %dma_start3A_522 = arith.constant 0 : i32
      %dma_start3A_523 = tpu.memref_slice %arg11[%dma_start3A_521, %dma_start3A_522] : memref<10000x128xf32, #tpu.memory_space<vmem_shared>> -> memref<10000x128xf32, #tpu.memory_space<vmem_shared>>
      tpu.enqueue_indirect_dma source(%dma_start3A_517 : memref<80x128xf32, #tpu.memory_space<vmem>>) target(%dma_start3A_523 : memref<10000x128xf32, #tpu.memory_space<vmem_shared>>) offsets(%dma_start3A_520 : memref<80xi32, #tpu.memory_space<vmem>>) semaphore(%arg13 : memref<!tpu.dma_semaphore, #tpu.memory_space<semaphore_mem>>) {add = true}
    }
    %scan3A_117 = arith.constant 31 : i32
    %cond3A_118 = arith.constant 1 : i32
    %dma_wait3A_119 = arith.constant 2 : i32
    %dma_wait3A_120 = arith.constant 0 : i32
    %dma_wait3A_121 = arith.constant 2 : i32
    %dma_wait3A_122 = arith.constant 0 : i32
    %dma_wait3A_123 = arith.constant 0 : i32
    %dma_wait3A_124 = tpu.memref_slice %arg10[%dma_wait3A_119, %dma_wait3A_122, %dma_wait3A_123] : memref<4x80x128xf32, #tpu.memory_space<vmem>> -> memref<1x80x128xf32, #tpu.memory_space<vmem>>
    %dma_wait3A_125 = tpu.memref_squeeze %dma_wait3A_124 : memref<1x80x128xf32, #tpu.memory_space<vmem>> -> memref<80x128xf32, #tpu.memory_space<vmem>>
    %dma_wait3A_126 = arith.constant 0 : i32
    %dma_wait3A_127 = tpu.memref_slice %arg9[%dma_wait3A_120, %dma_wait3A_121, %dma_wait3A_126] : memref<4x5x80xi32, #tpu.memory_space<vmem>> -> memref<1x1x80xi32, #tpu.memory_space<vmem>>
    %dma_wait3A_128 = tpu.memref_squeeze %dma_wait3A_127 : memref<1x1x80xi32, #tpu.memory_space<vmem>> -> memref<80xi32, #tpu.memory_space<vmem>>
    %dma_wait3A_129 = arith.constant 0 : i32
    %dma_wait3A_130 = arith.constant 0 : i32
    %dma_wait3A_131 = tpu.memref_slice %arg11[%dma_wait3A_129, %dma_wait3A_130] : memref<10000x128xf32, #tpu.memory_space<vmem_shared>> -> memref<10000x128xf32, #tpu.memory_space<vmem_shared>>
    tpu.wait_indirect_dma semaphore(%arg13 : memref<!tpu.dma_semaphore, #tpu.memory_space<semaphore_mem>>) src(%dma_wait3A_125 : memref<80x128xf32, #tpu.memory_space<vmem>>) dst(%dma_wait3A_131 : memref<10000x128xf32, #tpu.memory_space<vmem_shared>>)
    %and3A = arith.constant false
    %and3A_132 = arith.constant false
    %and3A_133 = arith.andi %and3A, %and3A_132 : i1
    %convert_element_type3A_134 = arith.extui %and3A_133 : i1 to i32
    %cond3A_135 = arith.constant 0 : i32
    %cond3A_136 = arith.cmpi ne, %convert_element_type3A_134, %cond3A_135 : i32
    scf.if %cond3A_136 {
      %dma_start3A_223 = arith.constant 25 : i32
      %dma_start3A_224 = arith.constant 1 : i32
      %dma_start3A_225 = arith.constant 0 : i32
      %dma_start3A_226 = arith.constant 0 : i32
      %dma_start3A_227 = tpu.memref_slice %arg8[%dma_start3A_224, %dma_start3A_225, %dma_start3A_226] : memref<4x5x80xi32, #tpu.memory_space<vmem>> -> memref<1x5x80xi32, #tpu.memory_space<vmem>>
      %dma_start3A_228 = tpu.memref_squeeze %dma_start3A_227 : memref<1x5x80xi32, #tpu.memory_space<vmem>> -> memref<5x80xi32, #tpu.memory_space<vmem>>
      %dma_start3A_229 = arith.constant 0 : i32
      %dma_start3A_230 = arith.constant 0 : i32
      %dma_start3A_231 = tpu.memref_slice %arg3[%add3A, %dma_start3A_223, %dma_start3A_229, %dma_start3A_230] : memref<32x25x5x80xi32, #tpu.memory_space<hbm>> -> memref<1x1x5x80xi32, #tpu.memory_space<hbm>>
      %dma_start3A_232 = tpu.memref_squeeze %dma_start3A_231 : memref<1x1x5x80xi32, #tpu.memory_space<hbm>> -> memref<5x80xi32, #tpu.memory_space<hbm>>
      %dma_start3A_233 = arith.constant 0 : i32
      %dma_start3A_234 = arith.constant 0 : i32
      %dma_start3A_235 = tpu.memref_slice %arg8[%dma_start3A_224, %dma_start3A_233, %dma_start3A_234] : memref<4x5x80xi32, #tpu.memory_space<vmem>> -> memref<1x5x80xi32, #tpu.memory_space<vmem>>
      %dma_start3A_236 = tpu.memref_squeeze %dma_start3A_235 : memref<1x5x80xi32, #tpu.memory_space<vmem>> -> memref<5x80xi32, #tpu.memory_space<vmem>>
      %dma_start3A_237 = arith.constant 0 : i32
      %dma_start3A_238 = arith.constant 0 : i32
      %dma_start3A_239 = tpu.memref_slice %arg3[%add3A, %dma_start3A_223, %dma_start3A_237, %dma_start3A_238] : memref<32x25x5x80xi32, #tpu.memory_space<hbm>> -> memref<1x1x5x80xi32, #tpu.memory_space<hbm>>
      %dma_start3A_240 = tpu.memref_squeeze %dma_start3A_239 : memref<1x1x5x80xi32, #tpu.memory_space<hbm>> -> memref<5x80xi32, #tpu.memory_space<hbm>>
      tpu.enqueue_dma source(%dma_start3A_240 : memref<5x80xi32, #tpu.memory_space<hbm>>) target(%dma_start3A_236 : memref<5x80xi32, #tpu.memory_space<vmem>>) target_semaphore(%arg14 : memref<!tpu.dma_semaphore, #tpu.memory_space<semaphore_mem>>)
      %dma_start3A_241 = arith.constant 25 : i32
      %dma_start3A_242 = arith.constant 1 : i32
      %dma_start3A_243 = arith.constant 0 : i32
      %dma_start3A_244 = arith.constant 0 : i32
      %dma_start3A_245 = tpu.memref_slice %arg9[%dma_start3A_242, %dma_start3A_243, %dma_start3A_244] : memref<4x5x80xi32, #tpu.memory_space<vmem>> -> memref<1x5x80xi32, #tpu.memory_space<vmem>>
      %dma_start3A_246 = tpu.memref_squeeze %dma_start3A_245 : memref<1x5x80xi32, #tpu.memory_space<vmem>> -> memref<5x80xi32, #tpu.memory_space<vmem>>
      %dma_start3A_247 = arith.constant 0 : i32
      %dma_start3A_248 = arith.constant 0 : i32
      %dma_start3A_249 = tpu.memref_slice %arg4[%add3A, %dma_start3A_241, %dma_start3A_247, %dma_start3A_248] : memref<32x25x5x80xi32, #tpu.memory_space<hbm>> -> memref<1x1x5x80xi32, #tpu.memory_space<hbm>>
      %dma_start3A_250 = tpu.memref_squeeze %dma_start3A_249 : memref<1x1x5x80xi32, #tpu.memory_space<hbm>> -> memref<5x80xi32, #tpu.memory_space<hbm>>
      %dma_start3A_251 = arith.constant 0 : i32
      %dma_start3A_252 = arith.constant 0 : i32
      %dma_start3A_253 = tpu.memref_slice %arg9[%dma_start3A_242, %dma_start3A_251, %dma_start3A_252] : memref<4x5x80xi32, #tpu.memory_space<vmem>> -> memref<1x5x80xi32, #tpu.memory_space<vmem>>
      %dma_start3A_254 = tpu.memref_squeeze %dma_start3A_253 : memref<1x5x80xi32, #tpu.memory_space<vmem>> -> memref<5x80xi32, #tpu.memory_space<vmem>>
      %dma_start3A_255 = arith.constant 0 : i32
      %dma_start3A_256 = arith.constant 0 : i32
      %dma_start3A_257 = tpu.memref_slice %arg4[%add3A, %dma_start3A_241, %dma_start3A_255, %dma_start3A_256] : memref<32x25x5x80xi32, #tpu.memory_space<hbm>> -> memref<1x1x5x80xi32, #tpu.memory_space<hbm>>
      %dma_start3A_258 = tpu.memref_squeeze %dma_start3A_257 : memref<1x1x5x80xi32, #tpu.memory_space<hbm>> -> memref<5x80xi32, #tpu.memory_space<hbm>>
      tpu.enqueue_dma source(%dma_start3A_258 : memref<5x80xi32, #tpu.memory_space<hbm>>) target(%dma_start3A_254 : memref<5x80xi32, #tpu.memory_space<vmem>>) target_semaphore(%arg15 : memref<!tpu.dma_semaphore, #tpu.memory_space<semaphore_mem>>)
    } else {
    }
    %cond3A_137 = arith.constant 0 : i32
    %dma_wait3A_138 = arith.constant 0 : i32
    %dma_wait3A_139 = arith.constant 4 : i32
    %dma_wait3A_140 = arith.constant 0 : i32
    %dma_wait3A_141 = arith.constant 0 : i32
    %dma_wait3A_142 = arith.constant 0 : i32
    %dma_wait3A_143 = tpu.memref_slice %arg10[%dma_wait3A_140, %dma_wait3A_141, %dma_wait3A_142] : memref<4x80x128xf32, #tpu.memory_space<vmem>> -> memref<1x80x128xf32, #tpu.memory_space<vmem>>
    %dma_wait3A_144 = tpu.memref_squeeze %dma_wait3A_143 : memref<1x80x128xf32, #tpu.memory_space<vmem>> -> memref<80x128xf32, #tpu.memory_space<vmem>>
    %dma_wait3A_145 = arith.constant 0 : i32
    %dma_wait3A_146 = tpu.memref_slice %arg8[%dma_wait3A_138, %dma_wait3A_139, %dma_wait3A_145] : memref<4x5x80xi32, #tpu.memory_space<vmem>> -> memref<1x1x80xi32, #tpu.memory_space<vmem>>
    %dma_wait3A_147 = tpu.memref_squeeze %dma_wait3A_146 : memref<1x1x80xi32, #tpu.memory_space<vmem>> -> memref<80xi32, #tpu.memory_space<vmem>>
    %dma_wait3A_148 = arith.constant 0 : i32
    %dma_wait3A_149 = arith.constant 0 : i32
    %dma_wait3A_150 = tpu.memref_slice %arg2[%dma_wait3A_148, %dma_wait3A_149] : memref<10000x128xf32, #tpu.memory_space<hbm>> -> memref<10000x128xf32, #tpu.memory_space<hbm>>
    tpu.wait_indirect_dma semaphore(%arg12 : memref<!tpu.dma_semaphore, #tpu.memory_space<semaphore_mem>>) src(%dma_wait3A_150 : memref<10000x128xf32, #tpu.memory_space<hbm>>) dst(%dma_wait3A_144 : memref<80x128xf32, #tpu.memory_space<vmem>>)
    %dma_start3A_151 = arith.constant 0 : i32
    %dma_start3A_152 = arith.constant 0 : i32
    %dma_start3A_153 = arith.constant 4 : i32
    %dma_start3A_154 = arith.constant 0 : i32
    %dma_start3A_155 = arith.constant 0 : i32
    %dma_start3A_156 = tpu.memref_slice %arg10[%dma_start3A_151, %dma_start3A_154, %dma_start3A_155] : memref<4x80x128xf32, #tpu.memory_space<vmem>> -> memref<1x80x128xf32, #tpu.memory_space<vmem>>
    %dma_start3A_157 = tpu.memref_squeeze %dma_start3A_156 : memref<1x80x128xf32, #tpu.memory_space<vmem>> -> memref<80x128xf32, #tpu.memory_space<vmem>>
    %dma_start3A_158 = arith.constant 0 : i32
    %dma_start3A_159 = tpu.memref_slice %arg9[%dma_start3A_152, %dma_start3A_153, %dma_start3A_158] : memref<4x5x80xi32, #tpu.memory_space<vmem>> -> memref<1x1x80xi32, #tpu.memory_space<vmem>>
    %dma_start3A_160 = tpu.memref_squeeze %dma_start3A_159 : memref<1x1x80xi32, #tpu.memory_space<vmem>> -> memref<80xi32, #tpu.memory_space<vmem>>
    %dma_start3A_161 = arith.constant 0 : i32
    %dma_start3A_162 = arith.constant 0 : i32
    %dma_start3A_163 = tpu.memref_slice %arg11[%dma_start3A_161, %dma_start3A_162] : memref<10000x128xf32, #tpu.memory_space<vmem_shared>> -> memref<10000x128xf32, #tpu.memory_space<vmem_shared>>
    tpu.enqueue_indirect_dma source(%dma_start3A_157 : memref<80x128xf32, #tpu.memory_space<vmem>>) target(%dma_start3A_163 : memref<10000x128xf32, #tpu.memory_space<vmem_shared>>) offsets(%dma_start3A_160 : memref<80xi32, #tpu.memory_space<vmem>>) semaphore(%arg13 : memref<!tpu.dma_semaphore, #tpu.memory_space<semaphore_mem>>) {add = true}
    %dma_wait3A_164 = arith.constant 3 : i32
    %dma_wait3A_165 = arith.constant 0 : i32
    %dma_wait3A_166 = arith.constant 3 : i32
    %dma_wait3A_167 = arith.constant 0 : i32
    %dma_wait3A_168 = arith.constant 0 : i32
    %dma_wait3A_169 = tpu.memref_slice %arg10[%dma_wait3A_164, %dma_wait3A_167, %dma_wait3A_168] : memref<4x80x128xf32, #tpu.memory_space<vmem>> -> memref<1x80x128xf32, #tpu.memory_space<vmem>>
    %dma_wait3A_170 = tpu.memref_squeeze %dma_wait3A_169 : memref<1x80x128xf32, #tpu.memory_space<vmem>> -> memref<80x128xf32, #tpu.memory_space<vmem>>
    %dma_wait3A_171 = arith.constant 0 : i32
    %dma_wait3A_172 = tpu.memref_slice %arg9[%dma_wait3A_165, %dma_wait3A_166, %dma_wait3A_171] : memref<4x5x80xi32, #tpu.memory_space<vmem>> -> memref<1x1x80xi32, #tpu.memory_space<vmem>>
    %dma_wait3A_173 = tpu.memref_squeeze %dma_wait3A_172 : memref<1x1x80xi32, #tpu.memory_space<vmem>> -> memref<80xi32, #tpu.memory_space<vmem>>
    %dma_wait3A_174 = arith.constant 0 : i32
    %dma_wait3A_175 = arith.constant 0 : i32
    %dma_wait3A_176 = tpu.memref_slice %arg11[%dma_wait3A_174, %dma_wait3A_175] : memref<10000x128xf32, #tpu.memory_space<vmem_shared>> -> memref<10000x128xf32, #tpu.memory_space<vmem_shared>>
    tpu.wait_indirect_dma semaphore(%arg13 : memref<!tpu.dma_semaphore, #tpu.memory_space<semaphore_mem>>) src(%dma_wait3A_170 : memref<80x128xf32, #tpu.memory_space<vmem>>) dst(%dma_wait3A_176 : memref<10000x128xf32, #tpu.memory_space<vmem_shared>>)
    %dma_wait3A_177 = arith.constant 0 : i32
    %dma_wait3A_178 = arith.constant 0 : i32
    %dma_wait3A_179 = arith.constant 4 : i32
    %dma_wait3A_180 = arith.constant 0 : i32
    %dma_wait3A_181 = arith.constant 0 : i32
    %dma_wait3A_182 = tpu.memref_slice %arg10[%dma_wait3A_177, %dma_wait3A_180, %dma_wait3A_181] : memref<4x80x128xf32, #tpu.memory_space<vmem>> -> memref<1x80x128xf32, #tpu.memory_space<vmem>>
    %dma_wait3A_183 = tpu.memref_squeeze %dma_wait3A_182 : memref<1x80x128xf32, #tpu.memory_space<vmem>> -> memref<80x128xf32, #tpu.memory_space<vmem>>
    %dma_wait3A_184 = arith.constant 0 : i32
    %dma_wait3A_185 = tpu.memref_slice %arg9[%dma_wait3A_178, %dma_wait3A_179, %dma_wait3A_184] : memref<4x5x80xi32, #tpu.memory_space<vmem>> -> memref<1x1x80xi32, #tpu.memory_space<vmem>>
    %dma_wait3A_186 = tpu.memref_squeeze %dma_wait3A_185 : memref<1x1x80xi32, #tpu.memory_space<vmem>> -> memref<80xi32, #tpu.memory_space<vmem>>
    %dma_wait3A_187 = arith.constant 0 : i32
    %dma_wait3A_188 = arith.constant 0 : i32
    %dma_wait3A_189 = tpu.memref_slice %arg11[%dma_wait3A_187, %dma_wait3A_188] : memref<10000x128xf32, #tpu.memory_space<vmem_shared>> -> memref<10000x128xf32, #tpu.memory_space<vmem_shared>>
    tpu.wait_indirect_dma semaphore(%arg13 : memref<!tpu.dma_semaphore, #tpu.memory_space<semaphore_mem>>) src(%dma_wait3A_183 : memref<80x128xf32, #tpu.memory_space<vmem>>) dst(%dma_wait3A_189 : memref<10000x128xf32, #tpu.memory_space<vmem_shared>>)
    %barrier3A_190 = arith.constant 0 : index
    tpu.barrier barrier_id(%barrier3A_190)
    %eq3A_191 = arith.constant 0 : i32
    %eq3A_192 = arith.cmpi eq, %arg0, %eq3A_191 : i32
    %lt3A_193 = arith.constant 15 : i32
    %lt3A_194 = arith.cmpi slt, %arg1, %lt3A_193 : i32
    %and3A_195 = arith.andi %eq3A_192, %lt3A_194 : i1
    %convert_element_type3A_196 = arith.extui %and3A_195 : i1 to i32
    %cond3A_197 = arith.constant 0 : i32
    %cond3A_198 = arith.cmpi ne, %convert_element_type3A_196, %cond3A_197 : i32
    scf.if %cond3A_198 {
      %mul3A_223 = arith.constant 632 : i32
      %mul3A_224 = arith.muli %arg1, %mul3A_223 : i32
      %mul3A_225 = arith.constant 632 : i32
      %mul3A_226 = arith.muli %arg1, %mul3A_225 : i32
      "tpu.region"() ({
        %run_scoped3A = tpu.sem_alloc : memref<!tpu.dma_semaphore, #tpu.memory_space<semaphore_mem>>
        %dma_start3A_227 = arith.constant 0 : i32
        %dma_start3A_228 = tpu.memref_slice %arg6[%mul3A_226, %dma_start3A_227] : memref<10000x128xf32, #tpu.memory_space<hbm>> -> memref<632x128xf32, #tpu.memory_space<hbm>>
        %dma_start3A_229 = arith.constant 0 : i32
        %dma_start3A_230 = tpu.memref_slice %arg11[%mul3A_224, %dma_start3A_229] : memref<10000x128xf32, #tpu.memory_space<vmem_shared>> -> memref<632x128xf32, #tpu.memory_space<vmem_shared>>
        tpu.enqueue_dma source(%dma_start3A_230 : memref<632x128xf32, #tpu.memory_space<vmem_shared>>) target(%dma_start3A_228 : memref<632x128xf32, #tpu.memory_space<hbm>>) target_semaphore(%run_scoped3A : memref<!tpu.dma_semaphore, #tpu.memory_space<semaphore_mem>>)
        %dma_wait3A_231 = arith.constant 0 : i32
        %dma_wait3A_232 = tpu.memref_slice %arg6[%mul3A_226, %dma_wait3A_231] : memref<10000x128xf32, #tpu.memory_space<hbm>> -> memref<632x128xf32, #tpu.memory_space<hbm>>
        %dma_wait3A_233 = arith.constant 0 : i32
        %dma_wait3A_234 = tpu.memref_slice %arg11[%mul3A_224, %dma_wait3A_233] : memref<10000x128xf32, #tpu.memory_space<vmem_shared>> -> memref<632x128xf32, #tpu.memory_space<vmem_shared>>
        tpu.wait_dma2 semaphore(%run_scoped3A : memref<!tpu.dma_semaphore, #tpu.memory_space<semaphore_mem>>) src(%dma_wait3A_234 : memref<632x128xf32, #tpu.memory_space<vmem_shared>>) dst(%dma_wait3A_232 : memref<632x128xf32, #tpu.memory_space<hbm>>)
        tpu.yield
      }) : () -> ()
    } else {
    }
    %eq3A_199 = arith.constant 0 : i32
    %eq3A_200 = arith.cmpi eq, %arg0, %eq3A_199 : i32
    %eq3A_201 = arith.constant 15 : i32
    %eq3A_202 = arith.cmpi eq, %arg1, %eq3A_201 : i32
    %and3A_203 = arith.andi %eq3A_200, %eq3A_202 : i1
    %convert_element_type3A_204 = arith.extui %and3A_203 : i1 to i32
    %cond3A_205 = arith.constant 0 : i32
    %cond3A_206 = arith.cmpi ne, %convert_element_type3A_204, %cond3A_205 : i32
    scf.if %cond3A_206 {
      "tpu.region"() ({
        %run_scoped3A = tpu.sem_alloc : memref<!tpu.dma_semaphore, #tpu.memory_space<semaphore_mem>>
        %dma_start3A_223 = arith.constant 9480 : i32
        %dma_start3A_224 = arith.constant 0 : i32
        %dma_start3A_225 = tpu.memref_slice %arg6[%dma_start3A_223, %dma_start3A_224] : memref<10000x128xf32, #tpu.memory_space<hbm>> -> memref<520x128xf32, #tpu.memory_space<hbm>>
        %dma_start3A_226 = arith.constant 9480 : i32
        %dma_start3A_227 = arith.constant 0 : i32
        %dma_start3A_228 = tpu.memref_slice %arg11[%dma_start3A_226, %dma_start3A_227] : memref<10000x128xf32, #tpu.memory_space<vmem_shared>> -> memref<520x128xf32, #tpu.memory_space<vmem_shared>>
        tpu.enqueue_dma source(%dma_start3A_228 : memref<520x128xf32, #tpu.memory_space<vmem_shared>>) target(%dma_start3A_225 : memref<520x128xf32, #tpu.memory_space<hbm>>) target_semaphore(%run_scoped3A : memref<!tpu.dma_semaphore, #tpu.memory_space<semaphore_mem>>)
        %dma_wait3A_229 = arith.constant 9480 : i32
        %dma_wait3A_230 = arith.constant 0 : i32
        %dma_wait3A_231 = tpu.memref_slice %arg6[%dma_wait3A_229, %dma_wait3A_230] : memref<10000x128xf32, #tpu.memory_space<hbm>> -> memref<520x128xf32, #tpu.memory_space<hbm>>
        %dma_wait3A_232 = arith.constant 9480 : i32
        %dma_wait3A_233 = arith.constant 0 : i32
        %dma_wait3A_234 = tpu.memref_slice %arg11[%dma_wait3A_232, %dma_wait3A_233] : memref<10000x128xf32, #tpu.memory_space<vmem_shared>> -> memref<520x128xf32, #tpu.memory_space<vmem_shared>>
        tpu.wait_dma2 semaphore(%run_scoped3A : memref<!tpu.dma_semaphore, #tpu.memory_space<semaphore_mem>>) src(%dma_wait3A_234 : memref<520x128xf32, #tpu.memory_space<vmem_shared>>) dst(%dma_wait3A_231 : memref<520x128xf32, #tpu.memory_space<hbm>>)
        tpu.yield
      }) : () -> ()
    } else {
    }
    %eq3A_207 = arith.constant 1 : i32
    %eq3A_208 = arith.cmpi eq, %arg0, %eq3A_207 : i32
    %lt3A_209 = arith.constant 15 : i32
    %lt3A_210 = arith.cmpi slt, %arg1, %lt3A_209 : i32
    %and3A_211 = arith.andi %eq3A_208, %lt3A_210 : i1
    %convert_element_type3A_212 = arith.extui %and3A_211 : i1 to i32
    %cond3A_213 = arith.constant 0 : i32
    %cond3A_214 = arith.cmpi ne, %convert_element_type3A_212, %cond3A_213 : i32
    scf.if %cond3A_214 {
      %mul3A_223 = arith.constant 632 : i32
      %mul3A_224 = arith.muli %arg1, %mul3A_223 : i32
      %mul3A_225 = arith.constant 632 : i32
      %mul3A_226 = arith.muli %arg1, %mul3A_225 : i32
      "tpu.region"() ({
        %run_scoped3A = tpu.sem_alloc : memref<!tpu.dma_semaphore, #tpu.memory_space<semaphore_mem>>
        %dma_start3A_227 = arith.constant 0 : i32
        %dma_start3A_228 = tpu.memref_slice %arg7[%mul3A_226, %dma_start3A_227] : memref<10000x128xf32, #tpu.memory_space<hbm>> -> memref<632x128xf32, #tpu.memory_space<hbm>>
        %dma_start3A_229 = arith.constant 0 : i32
        %dma_start3A_230 = tpu.memref_slice %arg11[%mul3A_224, %dma_start3A_229] : memref<10000x128xf32, #tpu.memory_space<vmem_shared>> -> memref<632x128xf32, #tpu.memory_space<vmem_shared>>
        tpu.enqueue_dma source(%dma_start3A_230 : memref<632x128xf32, #tpu.memory_space<vmem_shared>>) target(%dma_start3A_228 : memref<632x128xf32, #tpu.memory_space<hbm>>) target_semaphore(%run_scoped3A : memref<!tpu.dma_semaphore, #tpu.memory_space<semaphore_mem>>)
        %dma_wait3A_231 = arith.constant 0 : i32
        %dma_wait3A_232 = tpu.memref_slice %arg7[%mul3A_226, %dma_wait3A_231] : memref<10000x128xf32, #tpu.memory_space<hbm>> -> memref<632x128xf32, #tpu.memory_space<hbm>>
        %dma_wait3A_233 = arith.constant 0 : i32
        %dma_wait3A_234 = tpu.memref_slice %arg11[%mul3A_224, %dma_wait3A_233] : memref<10000x128xf32, #tpu.memory_space<vmem_shared>> -> memref<632x128xf32, #tpu.memory_space<vmem_shared>>
        tpu.wait_dma2 semaphore(%run_scoped3A : memref<!tpu.dma_semaphore, #tpu.memory_space<semaphore_mem>>) src(%dma_wait3A_234 : memref<632x128xf32, #tpu.memory_space<vmem_shared>>) dst(%dma_wait3A_232 : memref<632x128xf32, #tpu.memory_space<hbm>>)
        tpu.yield
      }) : () -> ()
    } else {
    }
    %eq3A_215 = arith.constant 1 : i32
    %eq3A_216 = arith.cmpi eq, %arg0, %eq3A_215 : i32
    %eq3A_217 = arith.constant 15 : i32
    %eq3A_218 = arith.cmpi eq, %arg1, %eq3A_217 : i32
    %and3A_219 = arith.andi %eq3A_216, %eq3A_218 : i1
    %convert_element_type3A_220 = arith.extui %and3A_219 : i1 to i32
    %cond3A_221 = arith.constant 0 : i32
    %cond3A_222 = arith.cmpi ne, %convert_element_type3A_220, %cond3A_221 : i32
    scf.if %cond3A_222 {
      "tpu.region"() ({
        %run_scoped3A = tpu.sem_alloc : memref<!tpu.dma_semaphore, #tpu.memory_space<semaphore_mem>>
        %dma_start3A_223 = arith.constant 9480 : i32
        %dma_start3A_224 = arith.constant 0 : i32
        %dma_start3A_225 = tpu.memref_slice %arg7[%dma_start3A_223, %dma_start3A_224] : memref<10000x128xf32, #tpu.memory_space<hbm>> -> memref<520x128xf32, #tpu.memory_space<hbm>>
        %dma_start3A_226 = arith.constant 9480 : i32
        %dma_start3A_227 = arith.constant 0 : i32
        %dma_start3A_228 = tpu.memref_slice %arg11[%dma_start3A_226, %dma_start3A_227] : memref<10000x128xf32, #tpu.memory_space<vmem_shared>> -> memref<520x128xf32, #tpu.memory_space<vmem_shared>>
        tpu.enqueue_dma source(%dma_start3A_228 : memref<520x128xf32, #tpu.memory_space<vmem_shared>>) target(%dma_start3A_225 : memref<520x128xf32, #tpu.memory_space<hbm>>) target_semaphore(%run_scoped3A : memref<!tpu.dma_semaphore, #tpu.memory_space<semaphore_mem>>)
        %dma_wait3A_229 = arith.constant 9480 : i32
        %dma_wait3A_230 = arith.constant 0 : i32
        %dma_wait3A_231 = tpu.memref_slice %arg7[%dma_wait3A_229, %dma_wait3A_230] : memref<10000x128xf32, #tpu.memory_space<hbm>> -> memref<520x128xf32, #tpu.memory_space<hbm>>
        %dma_wait3A_232 = arith.constant 9480 : i32
        %dma_wait3A_233 = arith.constant 0 : i32
        %dma_wait3A_234 = tpu.memref_slice %arg11[%dma_wait3A_232, %dma_wait3A_233] : memref<10000x128xf32, #tpu.memory_space<vmem_shared>> -> memref<520x128xf32, #tpu.memory_space<vmem_shared>>
        tpu.wait_dma2 semaphore(%run_scoped3A : memref<!tpu.dma_semaphore, #tpu.memory_space<semaphore_mem>>) src(%dma_wait3A_234 : memref<520x128xf32, #tpu.memory_space<vmem_shared>>) dst(%dma_wait3A_231 : memref<520x128xf32, #tpu.memory_space<hbm>>)
        tpu.yield
      }) : () -> ()
    } else {
    }
    return
  }
}

#map = affine_map<(d0, d1) -> (0, 0)>
#map1 = affine_map<(d0, d1) -> (0, 0, 0, 0)>
module attributes {stable_mosaic.version = 14 : i64} {
  func.func @run(%arg0: i32, %arg1: i32, %arg2: memref<10000x128xf32, #tpu.memory_space<hbm>>, %arg3: memref<32x25x5x80xi32, #tpu.memory_space<hbm>>, %arg4: memref<32x25x5x80xi32, #tpu.memory_space<hbm>>, %arg5: memref<10000x128xf32, #tpu.memory_space<hbm>>, %arg6: memref<10000x128xf32, #tpu.memory_space<hbm>>, %arg7: memref<10000x128xf32, #tpu.memory_space<hbm>>, %arg8: memref<4x5x80xi32, #tpu.memory_space<vmem>>, %arg9: memref<4x5x80xi32, #tpu.memory_space<vmem>>, %arg10: memref<4x80x128xf32, #tpu.memory_space<vmem>>, %arg11: memref<10000x128xf32, #tpu.memory_space<vmem_shared>>, %arg12: memref<!tpu.dma_semaphore, #tpu.memory_space<semaphore_mem>>, %arg13: memref<!tpu.dma_semaphore, #tpu.memory_space<semaphore_mem>>, %arg14: memref<!tpu.dma_semaphore, #tpu.memory_space<semaphore_mem>>, %arg15: memref<!tpu.dma_semaphore, #tpu.memory_space<semaphore_mem>>, %arg16: memref<!tpu.dma_semaphore, #tpu.memory_space<semaphore_mem>>) attributes {dimension_semantics = [#tpu.dimension_semantics<core_parallel>, #tpu.dimension_semantics<subcore_parallel>], iteration_bounds = array<i64: 2, 16>, scalar_prefetch = 0 : i64, scratch_operands = 9 : i64, tpu.core_type = #tpu.core_type<sc_vector_subcore>, window_params = [{transform_indices = #map}, {transform_indices = #map1}, {transform_indices = #map1}, {transform_indices = #map}, {transform_indices = #map}, {transform_indices = #map}]} {
    %mul3A = arith.constant 16 : i32
    %mul3A_0 = arith.muli %arg0, %mul3A : i32
    %add3A = arith.addi %mul3A_0, %arg1 : i32
    %dma_start3A = arith.constant 0 : i32
    %dma_start3A_1 = arith.constant 0 : i32
    %dma_start3A_2 = arith.constant 0 : i32
    %dma_start3A_3 = arith.constant 0 : i32
    %dma_start3A_4 = tpu.memref_slice %arg8[%dma_start3A_1, %dma_start3A_2, %dma_start3A_3] : memref<4x5x80xi32, #tpu.memory_space<vmem>> -> memref<1x5x80xi32, #tpu.memory_space<vmem>>
    %dma_start3A_5 = tpu.memref_squeeze %dma_start3A_4 : memref<1x5x80xi32, #tpu.memory_space<vmem>> -> memref<5x80xi32, #tpu.memory_space<vmem>>
    %dma_start3A_6 = arith.constant 0 : i32
    %dma_start3A_7 = arith.constant 0 : i32
    %dma_start3A_8 = tpu.memref_slice %arg3[%add3A, %dma_start3A, %dma_start3A_6, %dma_start3A_7] : memref<32x25x5x80xi32, #tpu.memory_space<hbm>> -> memref<1x1x5x80xi32, #tpu.memory_space<hbm>>
    %dma_start3A_9 = tpu.memref_squeeze %dma_start3A_8 : memref<1x1x5x80xi32, #tpu.memory_space<hbm>> -> memref<5x80xi32, #tpu.memory_space<hbm>>
    %dma_start3A_10 = arith.constant 0 : i32
    %dma_start3A_11 = arith.constant 0 : i32
    %dma_start3A_12 = tpu.memref_slice %arg8[%dma_start3A_1, %dma_start3A_10, %dma_start3A_11] : memref<4x5x80xi32, #tpu.memory_space<vmem>> -> memref<1x5x80xi32, #tpu.memory_space<vmem>>
    %dma_start3A_13 = tpu.memref_squeeze %dma_start3A_12 : memref<1x5x80xi32, #tpu.memory_space<vmem>> -> memref<5x80xi32, #tpu.memory_space<vmem>>
    %dma_start3A_14 = arith.constant 0 : i32
    %dma_start3A_15 = arith.constant 0 : i32
    %dma_start3A_16 = tpu.memref_slice %arg3[%add3A, %dma_start3A, %dma_start3A_14, %dma_start3A_15] : memref<32x25x5x80xi32, #tpu.memory_space<hbm>> -> memref<1x1x5x80xi32, #tpu.memory_space<hbm>>
    %dma_start3A_17 = tpu.memref_squeeze %dma_start3A_16 : memref<1x1x5x80xi32, #tpu.memory_space<hbm>> -> memref<5x80xi32, #tpu.memory_space<hbm>>
    tpu.enqueue_dma source(%dma_start3A_17 : memref<5x80xi32, #tpu.memory_space<hbm>>) target(%dma_start3A_13 : memref<5x80xi32, #tpu.memory_space<vmem>>) target_semaphore(%arg14 : memref<!tpu.dma_semaphore, #tpu.memory_space<semaphore_mem>>)
    %dma_start3A_18 = arith.constant 0 : i32
    %dma_start3A_19 = arith.constant 0 : i32
    %dma_start3A_20 = arith.constant 0 : i32
    %dma_start3A_21 = arith.constant 0 : i32
    %dma_start3A_22 = tpu.memref_slice %arg9[%dma_start3A_19, %dma_start3A_20, %dma_start3A_21] : memref<4x5x80xi32, #tpu.memory_space<vmem>> -> memref<1x5x80xi32, #tpu.memory_space<vmem>>
    %dma_start3A_23 = tpu.memref_squeeze %dma_start3A_22 : memref<1x5x80xi32, #tpu.memory_space<vmem>> -> memref<5x80xi32, #tpu.memory_space<vmem>>
    %dma_start3A_24 = arith.constant 0 : i32
    %dma_start3A_25 = arith.constant 0 : i32
    %dma_start3A_26 = tpu.memref_slice %arg4[%add3A, %dma_start3A_18, %dma_start3A_24, %dma_start3A_25] : memref<32x25x5x80xi32, #tpu.memory_space<hbm>> -> memref<1x1x5x80xi32, #tpu.memory_space<hbm>>
    %dma_start3A_27 = tpu.memref_squeeze %dma_start3A_26 : memref<1x1x5x80xi32, #tpu.memory_space<hbm>> -> memref<5x80xi32, #tpu.memory_space<hbm>>
    %dma_start3A_28 = arith.constant 0 : i32
    %dma_start3A_29 = arith.constant 0 : i32
    %dma_start3A_30 = tpu.memref_slice %arg9[%dma_start3A_19, %dma_start3A_28, %dma_start3A_29] : memref<4x5x80xi32, #tpu.memory_space<vmem>> -> memref<1x5x80xi32, #tpu.memory_space<vmem>>
    %dma_start3A_31 = tpu.memref_squeeze %dma_start3A_30 : memref<1x5x80xi32, #tpu.memory_space<vmem>> -> memref<5x80xi32, #tpu.memory_space<vmem>>
    %dma_start3A_32 = arith.constant 0 : i32
    %dma_start3A_33 = arith.constant 0 : i32
    %dma_start3A_34 = tpu.memref_slice %arg4[%add3A, %dma_start3A_18, %dma_start3A_32, %dma_start3A_33] : memref<32x25x5x80xi32, #tpu.memory_space<hbm>> -> memref<1x1x5x80xi32, #tpu.memory_space<hbm>>
    %dma_start3A_35 = tpu.memref_squeeze %dma_start3A_34 : memref<1x1x5x80xi32, #tpu.memory_space<hbm>> -> memref<5x80xi32, #tpu.memory_space<hbm>>
    tpu.enqueue_dma source(%dma_start3A_35 : memref<5x80xi32, #tpu.memory_space<hbm>>) target(%dma_start3A_31 : memref<5x80xi32, #tpu.memory_space<vmem>>) target_semaphore(%arg15 : memref<!tpu.dma_semaphore, #tpu.memory_space<semaphore_mem>>)
    %lt3A = arith.constant 15 : i32
    %lt3A_36 = arith.cmpi slt, %arg1, %lt3A : i32
    %convert_element_type3A = arith.extui %lt3A_36 : i1 to i32
    %cond3A = arith.constant 0 : i32
    %cond3A_37 = arith.cmpi ne, %convert_element_type3A, %cond3A : i32
    scf.if %cond3A_37 {
      %mul3A_223 = arith.constant 632 : i32
      %mul3A_224 = arith.muli %arg1, %mul3A_223 : i32
      %mul3A_225 = arith.constant 632 : i32
      %mul3A_226 = arith.muli %arg1, %mul3A_225 : i32
      %dma_start3A_227 = arith.constant 0 : i32
      %dma_start3A_228 = tpu.memref_slice %arg11[%mul3A_226, %dma_start3A_227] : memref<10000x128xf32, #tpu.memory_space<vmem_shared>> -> memref<632x128xf32, #tpu.memory_space<vmem_shared>>
      %dma_start3A_229 = arith.constant 0 : i32
      %dma_start3A_230 = tpu.memref_slice %arg5[%mul3A_224, %dma_start3A_229] : memref<10000x128xf32, #tpu.memory_space<hbm>> -> memref<632x128xf32, #tpu.memory_space<hbm>>
      tpu.enqueue_dma source(%dma_start3A_230 : memref<632x128xf32, #tpu.memory_space<hbm>>) target(%dma_start3A_228 : memref<632x128xf32, #tpu.memory_space<vmem_shared>>) target_semaphore(%arg16 : memref<!tpu.dma_semaphore, #tpu.memory_space<semaphore_mem>>)
    } else {
    }
    %eq3A = arith.constant 15 : i32
    %eq3A_38 = arith.cmpi eq, %arg1, %eq3A : i32
    %convert_element_type3A_39 = arith.extui %eq3A_38 : i1 to i32
    %cond3A_40 = arith.constant 0 : i32
    %cond3A_41 = arith.cmpi ne, %convert_element_type3A_39, %cond3A_40 : i32
    scf.if %cond3A_41 {
      %dma_start3A_223 = arith.constant 9480 : i32
      %dma_start3A_224 = arith.constant 0 : i32
      %dma_start3A_225 = tpu.memref_slice %arg11[%dma_start3A_223, %dma_start3A_224] : memref<10000x128xf32, #tpu.memory_space<vmem_shared>> -> memref<520x128xf32, #tpu.memory_space<vmem_shared>>
      %dma_start3A_226 = arith.constant 9480 : i32
      %dma_start3A_227 = arith.constant 0 : i32
      %dma_start3A_228 = tpu.memref_slice %arg5[%dma_start3A_226, %dma_start3A_227] : memref<10000x128xf32, #tpu.memory_space<hbm>> -> memref<520x128xf32, #tpu.memory_space<hbm>>
      tpu.enqueue_dma source(%dma_start3A_228 : memref<520x128xf32, #tpu.memory_space<hbm>>) target(%dma_start3A_225 : memref<520x128xf32, #tpu.memory_space<vmem_shared>>) target_semaphore(%arg16 : memref<!tpu.dma_semaphore, #tpu.memory_space<semaphore_mem>>)
    } else {
    }
    %dma_wait3A = arith.constant 0 : i32
    %dma_wait3A_42 = arith.constant 0 : i32
    %dma_wait3A_43 = arith.constant 0 : i32
    %dma_wait3A_44 = arith.constant 0 : i32
    %dma_wait3A_45 = tpu.memref_slice %arg8[%dma_wait3A_42, %dma_wait3A_43, %dma_wait3A_44] : memref<4x5x80xi32, #tpu.memory_space<vmem>> -> memref<1x5x80xi32, #tpu.memory_space<vmem>>
    %dma_wait3A_46 = tpu.memref_squeeze %dma_wait3A_45 : memref<1x5x80xi32, #tpu.memory_space<vmem>> -> memref<5x80xi32, #tpu.memory_space<vmem>>
    %dma_wait3A_47 = arith.constant 0 : i32
    %dma_wait3A_48 = arith.constant 0 : i32
    %dma_wait3A_49 = tpu.memref_slice %arg3[%add3A, %dma_wait3A, %dma_wait3A_47, %dma_wait3A_48] : memref<32x25x5x80xi32, #tpu.memory_space<hbm>> -> memref<1x1x5x80xi32, #tpu.memory_space<hbm>>
    %dma_wait3A_50 = tpu.memref_squeeze %dma_wait3A_49 : memref<1x1x5x80xi32, #tpu.memory_space<hbm>> -> memref<5x80xi32, #tpu.memory_space<hbm>>
    %dma_wait3A_51 = arith.constant 0 : i32
    %dma_wait3A_52 = arith.constant 0 : i32
    %dma_wait3A_53 = tpu.memref_slice %arg8[%dma_wait3A_42, %dma_wait3A_51, %dma_wait3A_52] : memref<4x5x80xi32, #tpu.memory_space<vmem>> -> memref<1x5x80xi32, #tpu.memory_space<vmem>>
    %dma_wait3A_54 = tpu.memref_squeeze %dma_wait3A_53 : memref<1x5x80xi32, #tpu.memory_space<vmem>> -> memref<5x80xi32, #tpu.memory_space<vmem>>
    %dma_wait3A_55 = arith.constant 0 : i32
    %dma_wait3A_56 = arith.constant 0 : i32
    %dma_wait3A_57 = tpu.memref_slice %arg3[%add3A, %dma_wait3A, %dma_wait3A_55, %dma_wait3A_56] : memref<32x25x5x80xi32, #tpu.memory_space<hbm>> -> memref<1x1x5x80xi32, #tpu.memory_space<hbm>>
    %dma_wait3A_58 = tpu.memref_squeeze %dma_wait3A_57 : memref<1x1x5x80xi32, #tpu.memory_space<hbm>> -> memref<5x80xi32, #tpu.memory_space<hbm>>
    tpu.wait_dma2 semaphore(%arg14 : memref<!tpu.dma_semaphore, #tpu.memory_space<semaphore_mem>>) src(%dma_wait3A_58 : memref<5x80xi32, #tpu.memory_space<hbm>>) dst(%dma_wait3A_54 : memref<5x80xi32, #tpu.memory_space<vmem>>)
    %dma_wait3A_59 = arith.constant 0 : i32
    %dma_wait3A_60 = arith.constant 0 : i32
    %dma_wait3A_61 = arith.constant 0 : i32
    %dma_wait3A_62 = arith.constant 0 : i32
    %dma_wait3A_63 = tpu.memref_slice %arg9[%dma_wait3A_60, %dma_wait3A_61, %dma_wait3A_62] : memref<4x5x80xi32, #tpu.memory_space<vmem>> -> memref<1x5x80xi32, #tpu.memory_space<vmem>>
    %dma_wait3A_64 = tpu.memref_squeeze %dma_wait3A_63 : memref<1x5x80xi32, #tpu.memory_space<vmem>> -> memref<5x80xi32, #tpu.memory_space<vmem>>
    %dma_wait3A_65 = arith.constant 0 : i32
    %dma_wait3A_66 = arith.constant 0 : i32
    %dma_wait3A_67 = tpu.memref_slice %arg4[%add3A, %dma_wait3A_59, %dma_wait3A_65, %dma_wait3A_66] : memref<32x25x5x80xi32, #tpu.memory_space<hbm>> -> memref<1x1x5x80xi32, #tpu.memory_space<hbm>>
    %dma_wait3A_68 = tpu.memref_squeeze %dma_wait3A_67 : memref<1x1x5x80xi32, #tpu.memory_space<hbm>> -> memref<5x80xi32, #tpu.memory_space<hbm>>
    %dma_wait3A_69 = arith.constant 0 : i32
    %dma_wait3A_70 = arith.constant 0 : i32
    %dma_wait3A_71 = tpu.memref_slice %arg9[%dma_wait3A_60, %dma_wait3A_69, %dma_wait3A_70] : memref<4x5x80xi32, #tpu.memory_space<vmem>> -> memref<1x5x80xi32, #tpu.memory_space<vmem>>
    %dma_wait3A_72 = tpu.memref_squeeze %dma_wait3A_71 : memref<1x5x80xi32, #tpu.memory_space<vmem>> -> memref<5x80xi32, #tpu.memory_space<vmem>>
    %dma_wait3A_73 = arith.constant 0 : i32
    %dma_wait3A_74 = arith.constant 0 : i32
    %dma_wait3A_75 = tpu.memref_slice %arg4[%add3A, %dma_wait3A_59, %dma_wait3A_73, %dma_wait3A_74] : memref<32x25x5x80xi32, #tpu.memory_space<hbm>> -> memref<1x1x5x80xi32, #tpu.memory_space<hbm>>
    %dma_wait3A_76 = tpu.memref_squeeze %dma_wait3A_75 : memref<1x1x5x80xi32, #tpu.memory_space<hbm>> -> memref<5x80xi32, #tpu.memory_space<hbm>>
    tpu.wait_dma2 semaphore(%arg15 : memref<!tpu.dma_semaphore, #tpu.memory_space<semaphore_mem>>) src(%dma_wait3A_76 : memref<5x80xi32, #tpu.memory_space<hbm>>) dst(%dma_wait3A_72 : memref<5x80xi32, #tpu.memory_space<vmem>>)
    %dma_start3A_77 = arith.constant 0 : i32
    %dma_start3A_78 = arith.constant 0 : i32
    %dma_start3A_79 = arith.constant 0 : i32
    %dma_start3A_80 = arith.constant 0 : i32
    %dma_start3A_81 = arith.constant 0 : i32
    %dma_start3A_82 = tpu.memref_slice %arg10[%dma_start3A_79, %dma_start3A_80, %dma_start3A_81] : memref<4x80x128xf32, #tpu.memory_space<vmem>> -> memref<1x80x128xf32, #tpu.memory_space<vmem>>
    %dma_start3A_83 = tpu.memref_squeeze %dma_start3A_82 : memref<1x80x128xf32, #tpu.memory_space<vmem>> -> memref<80x128xf32, #tpu.memory_space<vmem>>
    %dma_start3A_84 = arith.constant 0 : i32
    %dma_start3A_85 = tpu.memref_slice %arg8[%dma_start3A_77, %dma_start3A_78, %dma_start3A_84] : memref<4x5x80xi32, #tpu.memory_space<vmem>> -> memref<1x1x80xi32, #tpu.memory_space<vmem>>
    %dma_start3A_86 = tpu.memref_squeeze %dma_start3A_85 : memref<1x1x80xi32, #tpu.memory_space<vmem>> -> memref<80xi32, #tpu.memory_space<vmem>>
    %dma_start3A_87 = arith.constant 0 : i32
    %dma_start3A_88 = arith.constant 0 : i32
    %dma_start3A_89 = tpu.memref_slice %arg2[%dma_start3A_87, %dma_start3A_88] : memref<10000x128xf32, #tpu.memory_space<hbm>> -> memref<10000x128xf32, #tpu.memory_space<hbm>>
    tpu.enqueue_indirect_dma source(%dma_start3A_89 : memref<10000x128xf32, #tpu.memory_space<hbm>>) target(%dma_start3A_83 : memref<80x128xf32, #tpu.memory_space<vmem>>) offsets(%dma_start3A_86 : memref<80xi32, #tpu.memory_space<vmem>>) semaphore(%arg12 : memref<!tpu.dma_semaphore, #tpu.memory_space<semaphore_mem>>)
    %dma_start3A_90 = arith.constant 0 : i32
    %dma_start3A_91 = arith.constant 1 : i32
    %dma_start3A_92 = arith.constant 1 : i32
    %dma_start3A_93 = arith.constant 0 : i32
    %dma_start3A_94 = arith.constant 0 : i32
    %dma_start3A_95 = tpu.memref_slice %arg10[%dma_start3A_92, %dma_start3A_93, %dma_start3A_94] : memref<4x80x128xf32, #tpu.memory_space<vmem>> -> memref<1x80x128xf32, #tpu.memory_space<vmem>>
    %dma_start3A_96 = tpu.memref_squeeze %dma_start3A_95 : memref<1x80x128xf32, #tpu.memory_space<vmem>> -> memref<80x128xf32, #tpu.memory_space<vmem>>
    %dma_start3A_97 = arith.constant 0 : i32
    %dma_start3A_98 = tpu.memref_slice %arg8[%dma_start3A_90, %dma_start3A_91, %dma_start3A_97] : memref<4x5x80xi32, #tpu.memory_space<vmem>> -> memref<1x1x80xi32, #tpu.memory_space<vmem>>
    %dma_start3A_99 = tpu.memref_squeeze %dma_start3A_98 : memref<1x1x80xi32, #tpu.memory_space<vmem>> -> memref<80xi32, #tpu.memory_space<vmem>>
    %dma_start3A_100 = arith.constant 0 : i32
    %dma_start3A_101 = arith.constant 0 : i32
    %dma_start3A_102 = tpu.memref_slice %arg2[%dma_start3A_100, %dma_start3A_101] : memref<10000x128xf32, #tpu.memory_space<hbm>> -> memref<10000x128xf32, #tpu.memory_space<hbm>>
    tpu.enqueue_indirect_dma source(%dma_start3A_102 : memref<10000x128xf32, #tpu.memory_space<hbm>>) target(%dma_start3A_96 : memref<80x128xf32, #tpu.memory_space<vmem>>) offsets(%dma_start3A_99 : memref<80xi32, #tpu.memory_space<vmem>>) semaphore(%arg12 : memref<!tpu.dma_semaphore, #tpu.memory_space<semaphore_mem>>)
    %lt3A_103 = arith.constant 15 : i32
    %lt3A_104 = arith.cmpi slt, %arg1, %lt3A_103 : i32
    %convert_element_type3A_105 = arith.extui %lt3A_104 : i1 to i32
    %cond3A_106 = arith.constant 0 : i32
    %cond3A_107 = arith.cmpi ne, %convert_element_type3A_105, %cond3A_106 : i32
    scf.if %cond3A_107 {
      %mul3A_223 = arith.constant 632 : i32
      %mul3A_224 = arith.muli %arg1, %mul3A_223 : i32
      %mul3A_225 = arith.constant 632 : i32
      %mul3A_226 = arith.muli %arg1, %mul3A_225 : i32
      %dma_wait3A_227 = arith.constant 0 : i32
      %dma_wait3A_228 = tpu.memref_slice %arg11[%mul3A_226, %dma_wait3A_227] : memref<10000x128xf32, #tpu.memory_space<vmem_shared>> -> memref<632x128xf32, #tpu.memory_space<vmem_shared>>
      %dma_wait3A_229 = arith.constant 0 : i32
      %dma_wait3A_230 = tpu.memref_slice %arg5[%mul3A_224, %dma_wait3A_229] : memref<10000x128xf32, #tpu.memory_space<hbm>> -> memref<632x128xf32, #tpu.memory_space<hbm>>
      tpu.wait_dma2 semaphore(%arg16 : memref<!tpu.dma_semaphore, #tpu.memory_space<semaphore_mem>>) src(%dma_wait3A_230 : memref<632x128xf32, #tpu.memory_space<hbm>>) dst(%dma_wait3A_228 : memref<632x128xf32, #tpu.memory_space<vmem_shared>>)
    } else {
    }
    %eq3A_108 = arith.constant 15 : i32
    %eq3A_109 = arith.cmpi eq, %arg1, %eq3A_108 : i32
    %convert_element_type3A_110 = arith.extui %eq3A_109 : i1 to i32
    %cond3A_111 = arith.constant 0 : i32
    %cond3A_112 = arith.cmpi ne, %convert_element_type3A_110, %cond3A_111 : i32
    scf.if %cond3A_112 {
      %dma_wait3A_223 = arith.constant 9480 : i32
      %dma_wait3A_224 = arith.constant 0 : i32
      %dma_wait3A_225 = tpu.memref_slice %arg11[%dma_wait3A_223, %dma_wait3A_224] : memref<10000x128xf32, #tpu.memory_space<vmem_shared>> -> memref<520x128xf32, #tpu.memory_space<vmem_shared>>
      %dma_wait3A_226 = arith.constant 9480 : i32
      %dma_wait3A_227 = arith.constant 0 : i32
      %dma_wait3A_228 = tpu.memref_slice %arg5[%dma_wait3A_226, %dma_wait3A_227] : memref<10000x128xf32, #tpu.memory_space<hbm>> -> memref<520x128xf32, #tpu.memory_space<hbm>>
      tpu.wait_dma2 semaphore(%arg16 : memref<!tpu.dma_semaphore, #tpu.memory_space<semaphore_mem>>) src(%dma_wait3A_228 : memref<520x128xf32, #tpu.memory_space<hbm>>) dst(%dma_wait3A_225 : memref<520x128xf32, #tpu.memory_space<vmem_shared>>)
    } else {
    }
    %barrier3A = arith.constant 0 : index
    tpu.barrier barrier_id(%barrier3A)
    %scan3A = arith.constant 0 : i32
    %scan3A_113 = arith.constant 0 : i32
    %scan3A_114 = arith.constant 31 : i32
    %scan3A_115 = arith.addi %scan3A_113, %scan3A_114 : i32
    %scan3A_116 = arith.constant 1 : i32
    scf.for %scan3A_223 = %scan3A_113 to %scan3A_115 step %scan3A_116  : i32 {
      %mul3A_224 = arith.constant 4 : i32
      %mul3A_225 = arith.muli %mul3A_224, %scan3A_223 : i32
      %add3A_226 = arith.constant 0 : i32
      %add3A_227 = arith.addi %mul3A_225, %add3A_226 : i32
      %jit3A = arith.constant 5 : i32
      %div3A = arith.divsi %add3A_227, %jit3A : i32
      %sign3A = arith.constant 0 : i32
      %sign3A_228 = arith.cmpi sgt, %add3A_227, %sign3A : i32
      %sign3A_229 = arith.extui %sign3A_228 : i1 to i32
      %sign3A_230 = arith.constant 0 : i32
      %sign3A_231 = arith.cmpi slt, %add3A_227, %sign3A_230 : i32
      %sign3A_232 = arith.extui %sign3A_231 : i1 to i32
      %sign3A_233 = arith.subi %sign3A_229, %sign3A_232 : i32
      %sign3A_234 = arith.constant 0 : i32
      %sign3A_235 = arith.cmpi sgt, %jit3A, %sign3A_234 : i32
      %sign3A_236 = arith.extui %sign3A_235 : i1 to i32
      %sign3A_237 = arith.constant 0 : i32
      %sign3A_238 = arith.cmpi slt, %jit3A, %sign3A_237 : i32
      %sign3A_239 = arith.extui %sign3A_238 : i1 to i32
      %sign3A_240 = arith.subi %sign3A_236, %sign3A_239 : i32
      %ne3A = arith.cmpi ne, %sign3A_233, %sign3A_240 : i32
      %rem3A = arith.remsi %add3A_227, %jit3A : i32
      %ne3A_241 = arith.constant 0 : i32
      %ne3A_242 = arith.cmpi ne, %rem3A, %ne3A_241 : i32
      %and3A_243 = arith.andi %ne3A, %ne3A_242 : i1
      %sub3A = arith.constant 1 : i32
      %sub3A_244 = arith.subi %div3A, %sub3A : i32
      %select_n3A = arith.select %and3A_243, %sub3A_244, %div3A : i32
      %mul3A_245 = arith.constant 5 : i32
      %mul3A_246 = arith.muli %select_n3A, %mul3A_245 : i32
      %sub3A_247 = arith.subi %add3A_227, %mul3A_246 : i32
      %rem3A_248 = arith.constant 4 : i32
      %rem3A_249 = arith.remsi %select_n3A, %rem3A_248 : i32
      %ge3A = arith.constant 2 : i32
      %ge3A_250 = arith.cmpi sge, %add3A_227, %ge3A : i32
      %convert_element_type3A_251 = arith.extui %ge3A_250 : i1 to i32
      %cond3A_252 = arith.constant 0 : i32
      %cond3A_253 = arith.cmpi ne, %convert_element_type3A_251, %cond3A_252 : i32
      scf.if %cond3A_253 {
        %sub3A_524 = arith.constant 2 : i32
        %sub3A_525 = arith.subi %add3A_227, %sub3A_524 : i32
        %jit3A_526 = arith.constant 5 : i32
        %div3A_527 = arith.divsi %sub3A_525, %jit3A_526 : i32
        %sign3A_528 = arith.constant 0 : i32
        %sign3A_529 = arith.cmpi sgt, %sub3A_525, %sign3A_528 : i32
        %sign3A_530 = arith.extui %sign3A_529 : i1 to i32
        %sign3A_531 = arith.constant 0 : i32
        %sign3A_532 = arith.cmpi slt, %sub3A_525, %sign3A_531 : i32
        %sign3A_533 = arith.extui %sign3A_532 : i1 to i32
        %sign3A_534 = arith.subi %sign3A_530, %sign3A_533 : i32
        %sign3A_535 = arith.constant 0 : i32
        %sign3A_536 = arith.cmpi sgt, %jit3A_526, %sign3A_535 : i32
        %sign3A_537 = arith.extui %sign3A_536 : i1 to i32
        %sign3A_538 = arith.constant 0 : i32
        %sign3A_539 = arith.cmpi slt, %jit3A_526, %sign3A_538 : i32
        %sign3A_540 = arith.extui %sign3A_539 : i1 to i32
        %sign3A_541 = arith.subi %sign3A_537, %sign3A_540 : i32
        %ne3A_542 = arith.cmpi ne, %sign3A_534, %sign3A_541 : i32
        %rem3A_543 = arith.remsi %sub3A_525, %jit3A_526 : i32
        %ne3A_544 = arith.constant 0 : i32
        %ne3A_545 = arith.cmpi ne, %rem3A_543, %ne3A_544 : i32
        %and3A_546 = arith.andi %ne3A_542, %ne3A_545 : i1
        %sub3A_547 = arith.constant 1 : i32
        %sub3A_548 = arith.subi %div3A_527, %sub3A_547 : i32
        %select_n3A_549 = arith.select %and3A_546, %sub3A_548, %div3A_527 : i32
        %mul3A_550 = arith.constant 5 : i32
        %mul3A_551 = arith.muli %select_n3A_549, %mul3A_550 : i32
        %sub3A_552 = arith.subi %sub3A_525, %mul3A_551 : i32
        %rem3A_553 = arith.constant 4 : i32
        %rem3A_554 = arith.remsi %select_n3A_549, %rem3A_553 : i32
        %dma_wait3A_555 = arith.constant 2 : i32
        %dma_wait3A_556 = arith.constant 0 : i32
        %dma_wait3A_557 = arith.constant 0 : i32
        %dma_wait3A_558 = tpu.memref_slice %arg10[%dma_wait3A_555, %dma_wait3A_556, %dma_wait3A_557] : memref<4x80x128xf32, #tpu.memory_space<vmem>> -> memref<1x80x128xf32, #tpu.memory_space<vmem>>
        %dma_wait3A_559 = tpu.memref_squeeze %dma_wait3A_558 : memref<1x80x128xf32, #tpu.memory_space<vmem>> -> memref<80x128xf32, #tpu.memory_space<vmem>>
        %dma_wait3A_560 = arith.constant 0 : i32
        %dma_wait3A_561 = tpu.memref_slice %arg9[%rem3A_554, %sub3A_552, %dma_wait3A_560] : memref<4x5x80xi32, #tpu.memory_space<vmem>> -> memref<1x1x80xi32, #tpu.memory_space<vmem>>
        %dma_wait3A_562 = tpu.memref_squeeze %dma_wait3A_561 : memref<1x1x80xi32, #tpu.memory_space<vmem>> -> memref<80xi32, #tpu.memory_space<vmem>>
        %dma_wait3A_563 = arith.constant 0 : i32
        %dma_wait3A_564 = arith.constant 0 : i32
        %dma_wait3A_565 = tpu.memref_slice %arg11[%dma_wait3A_563, %dma_wait3A_564] : memref<10000x128xf32, #tpu.memory_space<vmem_shared>> -> memref<10000x128xf32, #tpu.memory_space<vmem_shared>>
        tpu.wait_indirect_dma semaphore(%arg13 : memref<!tpu.dma_semaphore, #tpu.memory_space<semaphore_mem>>) src(%dma_wait3A_559 : memref<80x128xf32, #tpu.memory_space<vmem>>) dst(%dma_wait3A_565 : memref<10000x128xf32, #tpu.memory_space<vmem_shared>>)
      } else {
      }
      %eq3A_254 = arith.constant 0 : i32
      %eq3A_255 = arith.cmpi eq, %sub3A_247, %eq3A_254 : i32
      %add3A_256 = arith.constant 1 : i32
      %add3A_257 = arith.addi %select_n3A, %add3A_256 : i32
      %lt3A_258 = arith.constant 25 : i32
      %lt3A_259 = arith.cmpi slt, %add3A_257, %lt3A_258 : i32
      %and3A_260 = arith.andi %eq3A_255, %lt3A_259 : i1
      %convert_element_type3A_261 = arith.extui %and3A_260 : i1 to i32
      %cond3A_262 = arith.constant 0 : i32
      %cond3A_263 = arith.cmpi ne, %convert_element_type3A_261, %cond3A_262 : i32
      scf.if %cond3A_263 {
        %add3A_524 = arith.constant 1 : i32
        %add3A_525 = arith.addi %select_n3A, %add3A_524 : i32
        %rem3A_526 = arith.constant 4 : i32
        %rem3A_527 = arith.remsi %add3A_525, %rem3A_526 : i32
        %add3A_528 = arith.constant 1 : i32
        %add3A_529 = arith.addi %select_n3A, %add3A_528 : i32
        %dma_start3A_530 = arith.constant 0 : i32
        %dma_start3A_531 = arith.constant 0 : i32
        %dma_start3A_532 = tpu.memref_slice %arg8[%rem3A_527, %dma_start3A_530, %dma_start3A_531] : memref<4x5x80xi32, #tpu.memory_space<vmem>> -> memref<1x5x80xi32, #tpu.memory_space<vmem>>
        %dma_start3A_533 = tpu.memref_squeeze %dma_start3A_532 : memref<1x5x80xi32, #tpu.memory_space<vmem>> -> memref<5x80xi32, #tpu.memory_space<vmem>>
        %dma_start3A_534 = arith.constant 0 : i32
        %dma_start3A_535 = arith.constant 0 : i32
        %dma_start3A_536 = tpu.memref_slice %arg3[%add3A, %add3A_529, %dma_start3A_534, %dma_start3A_535] : memref<32x25x5x80xi32, #tpu.memory_space<hbm>> -> memref<1x1x5x80xi32, #tpu.memory_space<hbm>>
        %dma_start3A_537 = tpu.memref_squeeze %dma_start3A_536 : memref<1x1x5x80xi32, #tpu.memory_space<hbm>> -> memref<5x80xi32, #tpu.memory_space<hbm>>
        %dma_start3A_538 = arith.constant 0 : i32
        %dma_start3A_539 = arith.constant 0 : i32
        %dma_start3A_540 = tpu.memref_slice %arg8[%rem3A_527, %dma_start3A_538, %dma_start3A_539] : memref<4x5x80xi32, #tpu.memory_space<vmem>> -> memref<1x5x80xi32, #tpu.memory_space<vmem>>
        %dma_start3A_541 = tpu.memref_squeeze %dma_start3A_540 : memref<1x5x80xi32, #tpu.memory_space<vmem>> -> memref<5x80xi32, #tpu.memory_space<vmem>>
        %dma_start3A_542 = arith.constant 0 : i32
        %dma_start3A_543 = arith.constant 0 : i32
        %dma_start3A_544 = tpu.memref_slice %arg3[%add3A, %add3A_529, %dma_start3A_542, %dma_start3A_543] : memref<32x25x5x80xi32, #tpu.memory_space<hbm>> -> memref<1x1x5x80xi32, #tpu.memory_space<hbm>>
        %dma_start3A_545 = tpu.memref_squeeze %dma_start3A_544 : memref<1x1x5x80xi32, #tpu.memory_space<hbm>> -> memref<5x80xi32, #tpu.memory_space<hbm>>
        tpu.enqueue_dma source(%dma_start3A_545 : memref<5x80xi32, #tpu.memory_space<hbm>>) target(%dma_start3A_541 : memref<5x80xi32, #tpu.memory_space<vmem>>) target_semaphore(%arg14 : memref<!tpu.dma_semaphore, #tpu.memory_space<semaphore_mem>>)
        %add3A_546 = arith.constant 1 : i32
        %add3A_547 = arith.addi %select_n3A, %add3A_546 : i32
        %dma_start3A_548 = arith.constant 0 : i32
        %dma_start3A_549 = arith.constant 0 : i32
        %dma_start3A_550 = tpu.memref_slice %arg9[%rem3A_527, %dma_start3A_548, %dma_start3A_549] : memref<4x5x80xi32, #tpu.memory_space<vmem>> -> memref<1x5x80xi32, #tpu.memory_space<vmem>>
        %dma_start3A_551 = tpu.memref_squeeze %dma_start3A_550 : memref<1x5x80xi32, #tpu.memory_space<vmem>> -> memref<5x80xi32, #tpu.memory_space<vmem>>
        %dma_start3A_552 = arith.constant 0 : i32
        %dma_start3A_553 = arith.constant 0 : i32
        %dma_start3A_554 = tpu.memref_slice %arg4[%add3A, %add3A_547, %dma_start3A_552, %dma_start3A_553] : memref<32x25x5x80xi32, #tpu.memory_space<hbm>> -> memref<1x1x5x80xi32, #tpu.memory_space<hbm>>
        %dma_start3A_555 = tpu.memref_squeeze %dma_start3A_554 : memref<1x1x5x80xi32, #tpu.memory_space<hbm>> -> memref<5x80xi32, #tpu.memory_space<hbm>>
        %dma_start3A_556 = arith.constant 0 : i32
        %dma_start3A_557 = arith.constant 0 : i32
        %dma_start3A_558 = tpu.memref_slice %arg9[%rem3A_527, %dma_start3A_556, %dma_start3A_557] : memref<4x5x80xi32, #tpu.memory_space<vmem>> -> memref<1x5x80xi32, #tpu.memory_space<vmem>>
        %dma_start3A_559 = tpu.memref_squeeze %dma_start3A_558 : memref<1x5x80xi32, #tpu.memory_space<vmem>> -> memref<5x80xi32, #tpu.memory_space<vmem>>
        %dma_start3A_560 = arith.constant 0 : i32
        %dma_start3A_561 = arith.constant 0 : i32
        %dma_start3A_562 = tpu.memref_slice %arg4[%add3A, %add3A_547, %dma_start3A_560, %dma_start3A_561] : memref<32x25x5x80xi32, #tpu.memory_space<hbm>> -> memref<1x1x5x80xi32, #tpu.memory_space<hbm>>
        %dma_start3A_563 = tpu.memref_squeeze %dma_start3A_562 : memref<1x1x5x80xi32, #tpu.memory_space<hbm>> -> memref<5x80xi32, #tpu.memory_space<hbm>>
        tpu.enqueue_dma source(%dma_start3A_563 : memref<5x80xi32, #tpu.memory_space<hbm>>) target(%dma_start3A_559 : memref<5x80xi32, #tpu.memory_space<vmem>>) target_semaphore(%arg15 : memref<!tpu.dma_semaphore, #tpu.memory_space<semaphore_mem>>)
      } else {
      }
      %add3A_264 = arith.constant 2 : i32
      %add3A_265 = arith.addi %add3A_227, %add3A_264 : i32
      %lt3A_266 = arith.constant 125 : i32
      %lt3A_267 = arith.cmpi slt, %add3A_265, %lt3A_266 : i32
      %convert_element_type3A_268 = arith.extui %lt3A_267 : i1 to i32
      %cond3A_269 = arith.constant 0 : i32
      %cond3A_270 = arith.cmpi ne, %convert_element_type3A_268, %cond3A_269 : i32
      scf.if %cond3A_270 {
        %add3A_524 = arith.constant 2 : i32
        %add3A_525 = arith.addi %add3A_227, %add3A_524 : i32
        %jit3A_526 = arith.constant 5 : i32
        %div3A_527 = arith.divsi %add3A_525, %jit3A_526 : i32
        %sign3A_528 = arith.constant 0 : i32
        %sign3A_529 = arith.cmpi sgt, %add3A_525, %sign3A_528 : i32
        %sign3A_530 = arith.extui %sign3A_529 : i1 to i32
        %sign3A_531 = arith.constant 0 : i32
        %sign3A_532 = arith.cmpi slt, %add3A_525, %sign3A_531 : i32
        %sign3A_533 = arith.extui %sign3A_532 : i1 to i32
        %sign3A_534 = arith.subi %sign3A_530, %sign3A_533 : i32
        %sign3A_535 = arith.constant 0 : i32
        %sign3A_536 = arith.cmpi sgt, %jit3A_526, %sign3A_535 : i32
        %sign3A_537 = arith.extui %sign3A_536 : i1 to i32
        %sign3A_538 = arith.constant 0 : i32
        %sign3A_539 = arith.cmpi slt, %jit3A_526, %sign3A_538 : i32
        %sign3A_540 = arith.extui %sign3A_539 : i1 to i32
        %sign3A_541 = arith.subi %sign3A_537, %sign3A_540 : i32
        %ne3A_542 = arith.cmpi ne, %sign3A_534, %sign3A_541 : i32
        %rem3A_543 = arith.remsi %add3A_525, %jit3A_526 : i32
        %ne3A_544 = arith.constant 0 : i32
        %ne3A_545 = arith.cmpi ne, %rem3A_543, %ne3A_544 : i32
        %and3A_546 = arith.andi %ne3A_542, %ne3A_545 : i1
        %sub3A_547 = arith.constant 1 : i32
        %sub3A_548 = arith.subi %div3A_527, %sub3A_547 : i32
        %select_n3A_549 = arith.select %and3A_546, %sub3A_548, %div3A_527 : i32
        %mul3A_550 = arith.constant 5 : i32
        %mul3A_551 = arith.muli %select_n3A_549, %mul3A_550 : i32
        %sub3A_552 = arith.subi %add3A_525, %mul3A_551 : i32
        %rem3A_553 = arith.constant 4 : i32
        %rem3A_554 = arith.remsi %select_n3A_549, %rem3A_553 : i32
        %eq3A_555 = arith.constant 0 : i32
        %eq3A_556 = arith.cmpi eq, %sub3A_552, %eq3A_555 : i32
        %convert_element_type3A_557 = arith.extui %eq3A_556 : i1 to i32
        %cond3A_558 = arith.constant 0 : i32
        %cond3A_559 = arith.cmpi ne, %convert_element_type3A_557, %cond3A_558 : i32
        scf.if %cond3A_559 {
          %dma_wait3A_571 = arith.constant 0 : i32
          %dma_wait3A_572 = arith.constant 0 : i32
          %dma_wait3A_573 = tpu.memref_slice %arg8[%rem3A_554, %dma_wait3A_571, %dma_wait3A_572] : memref<4x5x80xi32, #tpu.memory_space<vmem>> -> memref<1x5x80xi32, #tpu.memory_space<vmem>>
          %dma_wait3A_574 = tpu.memref_squeeze %dma_wait3A_573 : memref<1x5x80xi32, #tpu.memory_space<vmem>> -> memref<5x80xi32, #tpu.memory_space<vmem>>
          %dma_wait3A_575 = arith.constant 0 : i32
          %dma_wait3A_576 = arith.constant 0 : i32
          %dma_wait3A_577 = tpu.memref_slice %arg3[%add3A, %select_n3A_549, %dma_wait3A_575, %dma_wait3A_576] : memref<32x25x5x80xi32, #tpu.memory_space<hbm>> -> memref<1x1x5x80xi32, #tpu.memory_space<hbm>>
          %dma_wait3A_578 = tpu.memref_squeeze %dma_wait3A_577 : memref<1x1x5x80xi32, #tpu.memory_space<hbm>> -> memref<5x80xi32, #tpu.memory_space<hbm>>
          %dma_wait3A_579 = arith.constant 0 : i32
          %dma_wait3A_580 = arith.constant 0 : i32
          %dma_wait3A_581 = tpu.memref_slice %arg8[%rem3A_554, %dma_wait3A_579, %dma_wait3A_580] : memref<4x5x80xi32, #tpu.memory_space<vmem>> -> memref<1x5x80xi32, #tpu.memory_space<vmem>>
          %dma_wait3A_582 = tpu.memref_squeeze %dma_wait3A_581 : memref<1x5x80xi32, #tpu.memory_space<vmem>> -> memref<5x80xi32, #tpu.memory_space<vmem>>
          %dma_wait3A_583 = arith.constant 0 : i32
          %dma_wait3A_584 = arith.constant 0 : i32
          %dma_wait3A_585 = tpu.memref_slice %arg3[%add3A, %select_n3A_549, %dma_wait3A_583, %dma_wait3A_584] : memref<32x25x5x80xi32, #tpu.memory_space<hbm>> -> memref<1x1x5x80xi32, #tpu.memory_space<hbm>>
          %dma_wait3A_586 = tpu.memref_squeeze %dma_wait3A_585 : memref<1x1x5x80xi32, #tpu.memory_space<hbm>> -> memref<5x80xi32, #tpu.memory_space<hbm>>
          tpu.wait_dma2 semaphore(%arg14 : memref<!tpu.dma_semaphore, #tpu.memory_space<semaphore_mem>>) src(%dma_wait3A_586 : memref<5x80xi32, #tpu.memory_space<hbm>>) dst(%dma_wait3A_582 : memref<5x80xi32, #tpu.memory_space<vmem>>)
          %dma_wait3A_587 = arith.constant 0 : i32
          %dma_wait3A_588 = arith.constant 0 : i32
          %dma_wait3A_589 = tpu.memref_slice %arg9[%rem3A_554, %dma_wait3A_587, %dma_wait3A_588] : memref<4x5x80xi32, #tpu.memory_space<vmem>> -> memref<1x5x80xi32, #tpu.memory_space<vmem>>
          %dma_wait3A_590 = tpu.memref_squeeze %dma_wait3A_589 : memref<1x5x80xi32, #tpu.memory_space<vmem>> -> memref<5x80xi32, #tpu.memory_space<vmem>>
          %dma_wait3A_591 = arith.constant 0 : i32
          %dma_wait3A_592 = arith.constant 0 : i32
          %dma_wait3A_593 = tpu.memref_slice %arg4[%add3A, %select_n3A_549, %dma_wait3A_591, %dma_wait3A_592] : memref<32x25x5x80xi32, #tpu.memory_space<hbm>> -> memref<1x1x5x80xi32, #tpu.memory_space<hbm>>
          %dma_wait3A_594 = tpu.memref_squeeze %dma_wait3A_593 : memref<1x1x5x80xi32, #tpu.memory_space<hbm>> -> memref<5x80xi32, #tpu.memory_space<hbm>>
          %dma_wait3A_595 = arith.constant 0 : i32
          %dma_wait3A_596 = arith.constant 0 : i32
          %dma_wait3A_597 = tpu.memref_slice %arg9[%rem3A_554, %dma_wait3A_595, %dma_wait3A_596] : memref<4x5x80xi32, #tpu.memory_space<vmem>> -> memref<1x5x80xi32, #tpu.memory_space<vmem>>
          %dma_wait3A_598 = tpu.memref_squeeze %dma_wait3A_597 : memref<1x5x80xi32, #tpu.memory_space<vmem>> -> memref<5x80xi32, #tpu.memory_space<vmem>>
          %dma_wait3A_599 = arith.constant 0 : i32
          %dma_wait3A_600 = arith.constant 0 : i32
          %dma_wait3A_601 = tpu.memref_slice %arg4[%add3A, %select_n3A_549, %dma_wait3A_599, %dma_wait3A_600] : memref<32x25x5x80xi32, #tpu.memory_space<hbm>> -> memref<1x1x5x80xi32, #tpu.memory_space<hbm>>
          %dma_wait3A_602 = tpu.memref_squeeze %dma_wait3A_601 : memref<1x1x5x80xi32, #tpu.memory_space<hbm>> -> memref<5x80xi32, #tpu.memory_space<hbm>>
          tpu.wait_dma2 semaphore(%arg15 : memref<!tpu.dma_semaphore, #tpu.memory_space<semaphore_mem>>) src(%dma_wait3A_602 : memref<5x80xi32, #tpu.memory_space<hbm>>) dst(%dma_wait3A_598 : memref<5x80xi32, #tpu.memory_space<vmem>>)
        } else {
        }
        %dma_start3A_560 = arith.constant 2 : i32
        %dma_start3A_561 = arith.constant 0 : i32
        %dma_start3A_562 = arith.constant 0 : i32
        %dma_start3A_563 = tpu.memref_slice %arg10[%dma_start3A_560, %dma_start3A_561, %dma_start3A_562] : memref<4x80x128xf32, #tpu.memory_space<vmem>> -> memref<1x80x128xf32, #tpu.memory_space<vmem>>
        %dma_start3A_564 = tpu.memref_squeeze %dma_start3A_563 : memref<1x80x128xf32, #tpu.memory_space<vmem>> -> memref<80x128xf32, #tpu.memory_space<vmem>>
        %dma_start3A_565 = arith.constant 0 : i32
        %dma_start3A_566 = tpu.memref_slice %arg8[%rem3A_554, %sub3A_552, %dma_start3A_565] : memref<4x5x80xi32, #tpu.memory_space<vmem>> -> memref<1x1x80xi32, #tpu.memory_space<vmem>>
        %dma_start3A_567 = tpu.memref_squeeze %dma_start3A_566 : memref<1x1x80xi32, #tpu.memory_space<vmem>> -> memref<80xi32, #tpu.memory_space<vmem>>
        %dma_start3A_568 = arith.constant 0 : i32
        %dma_start3A_569 = arith.constant 0 : i32
        %dma_start3A_570 = tpu.memref_slice %arg2[%dma_start3A_568, %dma_start3A_569] : memref<10000x128xf32, #tpu.memory_space<hbm>> -> memref<10000x128xf32, #tpu.memory_space<hbm>>
        tpu.enqueue_indirect_dma source(%dma_start3A_570 : memref<10000x128xf32, #tpu.memory_space<hbm>>) target(%dma_start3A_564 : memref<80x128xf32, #tpu.memory_space<vmem>>) offsets(%dma_start3A_567 : memref<80xi32, #tpu.memory_space<vmem>>) semaphore(%arg12 : memref<!tpu.dma_semaphore, #tpu.memory_space<semaphore_mem>>)
      } else {
      }
      %dma_wait3A_271 = arith.constant 0 : i32
      %dma_wait3A_272 = arith.constant 0 : i32
      %dma_wait3A_273 = arith.constant 0 : i32
      %dma_wait3A_274 = tpu.memref_slice %arg10[%dma_wait3A_271, %dma_wait3A_272, %dma_wait3A_273] : memref<4x80x128xf32, #tpu.memory_space<vmem>> -> memref<1x80x128xf32, #tpu.memory_space<vmem>>
      %dma_wait3A_275 = tpu.memref_squeeze %dma_wait3A_274 : memref<1x80x128xf32, #tpu.memory_space<vmem>> -> memref<80x128xf32, #tpu.memory_space<vmem>>
      %dma_wait3A_276 = arith.constant 0 : i32
      %dma_wait3A_277 = tpu.memref_slice %arg8[%rem3A_249, %sub3A_247, %dma_wait3A_276] : memref<4x5x80xi32, #tpu.memory_space<vmem>> -> memref<1x1x80xi32, #tpu.memory_space<vmem>>
      %dma_wait3A_278 = tpu.memref_squeeze %dma_wait3A_277 : memref<1x1x80xi32, #tpu.memory_space<vmem>> -> memref<80xi32, #tpu.memory_space<vmem>>
      %dma_wait3A_279 = arith.constant 0 : i32
      %dma_wait3A_280 = arith.constant 0 : i32
      %dma_wait3A_281 = tpu.memref_slice %arg2[%dma_wait3A_279, %dma_wait3A_280] : memref<10000x128xf32, #tpu.memory_space<hbm>> -> memref<10000x128xf32, #tpu.memory_space<hbm>>
      tpu.wait_indirect_dma semaphore(%arg12 : memref<!tpu.dma_semaphore, #tpu.memory_space<semaphore_mem>>) src(%dma_wait3A_281 : memref<10000x128xf32, #tpu.memory_space<hbm>>) dst(%dma_wait3A_275 : memref<80x128xf32, #tpu.memory_space<vmem>>)
      %dma_start3A_282 = arith.constant 0 : i32
      %dma_start3A_283 = arith.constant 0 : i32
      %dma_start3A_284 = arith.constant 0 : i32
      %dma_start3A_285 = tpu.memref_slice %arg10[%dma_start3A_282, %dma_start3A_283, %dma_start3A_284] : memref<4x80x128xf32, #tpu.memory_space<vmem>> -> memref<1x80x128xf32, #tpu.memory_space<vmem>>
      %dma_start3A_286 = tpu.memref_squeeze %dma_start3A_285 : memref<1x80x128xf32, #tpu.memory_space<vmem>> -> memref<80x128xf32, #tpu.memory_space<vmem>>
      %dma_start3A_287 = arith.constant 0 : i32
      %dma_start3A_288 = tpu.memref_slice %arg9[%rem3A_249, %sub3A_247, %dma_start3A_287] : memref<4x5x80xi32, #tpu.memory_space<vmem>> -> memref<1x1x80xi32, #tpu.memory_space<vmem>>
      %dma_start3A_289 = tpu.memref_squeeze %dma_start3A_288 : memref<1x1x80xi32, #tpu.memory_space<vmem>> -> memref<80xi32, #tpu.memory_space<vmem>>
      %dma_start3A_290 = arith.constant 0 : i32
      %dma_start3A_291 = arith.constant 0 : i32
      %dma_start3A_292 = tpu.memref_slice %arg11[%dma_start3A_290, %dma_start3A_291] : memref<10000x128xf32, #tpu.memory_space<vmem_shared>> -> memref<10000x128xf32, #tpu.memory_space<vmem_shared>>
      tpu.enqueue_indirect_dma source(%dma_start3A_286 : memref<80x128xf32, #tpu.memory_space<vmem>>) target(%dma_start3A_292 : memref<10000x128xf32, #tpu.memory_space<vmem_shared>>) offsets(%dma_start3A_289 : memref<80xi32, #tpu.memory_space<vmem>>) semaphore(%arg13 : memref<!tpu.dma_semaphore, #tpu.memory_space<semaphore_mem>>) {add = true}
      %mul3A_293 = arith.constant 4 : i32
      %mul3A_294 = arith.muli %mul3A_293, %scan3A_223 : i32
      %add3A_295 = arith.constant 1 : i32
      %add3A_296 = arith.addi %mul3A_294, %add3A_295 : i32
      %jit3A_297 = arith.constant 5 : i32
      %div3A_298 = arith.divsi %add3A_296, %jit3A_297 : i32
      %sign3A_299 = arith.constant 0 : i32
      %sign3A_300 = arith.cmpi sgt, %add3A_296, %sign3A_299 : i32
      %sign3A_301 = arith.extui %sign3A_300 : i1 to i32
      %sign3A_302 = arith.constant 0 : i32
      %sign3A_303 = arith.cmpi slt, %add3A_296, %sign3A_302 : i32
      %sign3A_304 = arith.extui %sign3A_303 : i1 to i32
      %sign3A_305 = arith.subi %sign3A_301, %sign3A_304 : i32
      %sign3A_306 = arith.constant 0 : i32
      %sign3A_307 = arith.cmpi sgt, %jit3A_297, %sign3A_306 : i32
      %sign3A_308 = arith.extui %sign3A_307 : i1 to i32
      %sign3A_309 = arith.constant 0 : i32
      %sign3A_310 = arith.cmpi slt, %jit3A_297, %sign3A_309 : i32
      %sign3A_311 = arith.extui %sign3A_310 : i1 to i32
      %sign3A_312 = arith.subi %sign3A_308, %sign3A_311 : i32
      %ne3A_313 = arith.cmpi ne, %sign3A_305, %sign3A_312 : i32
      %rem3A_314 = arith.remsi %add3A_296, %jit3A_297 : i32
      %ne3A_315 = arith.constant 0 : i32
      %ne3A_316 = arith.cmpi ne, %rem3A_314, %ne3A_315 : i32
      %and3A_317 = arith.andi %ne3A_313, %ne3A_316 : i1
      %sub3A_318 = arith.constant 1 : i32
      %sub3A_319 = arith.subi %div3A_298, %sub3A_318 : i32
      %select_n3A_320 = arith.select %and3A_317, %sub3A_319, %div3A_298 : i32
      %mul3A_321 = arith.constant 5 : i32
      %mul3A_322 = arith.muli %select_n3A_320, %mul3A_321 : i32
      %sub3A_323 = arith.subi %add3A_296, %mul3A_322 : i32
      %rem3A_324 = arith.constant 4 : i32
      %rem3A_325 = arith.remsi %select_n3A_320, %rem3A_324 : i32
      %ge3A_326 = arith.constant 2 : i32
      %ge3A_327 = arith.cmpi sge, %add3A_296, %ge3A_326 : i32
      %convert_element_type3A_328 = arith.extui %ge3A_327 : i1 to i32
      %cond3A_329 = arith.constant 0 : i32
      %cond3A_330 = arith.cmpi ne, %convert_element_type3A_328, %cond3A_329 : i32
      scf.if %cond3A_330 {
        %sub3A_524 = arith.constant 2 : i32
        %sub3A_525 = arith.subi %add3A_296, %sub3A_524 : i32
        %jit3A_526 = arith.constant 5 : i32
        %div3A_527 = arith.divsi %sub3A_525, %jit3A_526 : i32
        %sign3A_528 = arith.constant 0 : i32
        %sign3A_529 = arith.cmpi sgt, %sub3A_525, %sign3A_528 : i32
        %sign3A_530 = arith.extui %sign3A_529 : i1 to i32
        %sign3A_531 = arith.constant 0 : i32
        %sign3A_532 = arith.cmpi slt, %sub3A_525, %sign3A_531 : i32
        %sign3A_533 = arith.extui %sign3A_532 : i1 to i32
        %sign3A_534 = arith.subi %sign3A_530, %sign3A_533 : i32
        %sign3A_535 = arith.constant 0 : i32
        %sign3A_536 = arith.cmpi sgt, %jit3A_526, %sign3A_535 : i32
        %sign3A_537 = arith.extui %sign3A_536 : i1 to i32
        %sign3A_538 = arith.constant 0 : i32
        %sign3A_539 = arith.cmpi slt, %jit3A_526, %sign3A_538 : i32
        %sign3A_540 = arith.extui %sign3A_539 : i1 to i32
        %sign3A_541 = arith.subi %sign3A_537, %sign3A_540 : i32
        %ne3A_542 = arith.cmpi ne, %sign3A_534, %sign3A_541 : i32
        %rem3A_543 = arith.remsi %sub3A_525, %jit3A_526 : i32
        %ne3A_544 = arith.constant 0 : i32
        %ne3A_545 = arith.cmpi ne, %rem3A_543, %ne3A_544 : i32
        %and3A_546 = arith.andi %ne3A_542, %ne3A_545 : i1
        %sub3A_547 = arith.constant 1 : i32
        %sub3A_548 = arith.subi %div3A_527, %sub3A_547 : i32
        %select_n3A_549 = arith.select %and3A_546, %sub3A_548, %div3A_527 : i32
        %mul3A_550 = arith.constant 5 : i32
        %mul3A_551 = arith.muli %select_n3A_549, %mul3A_550 : i32
        %sub3A_552 = arith.subi %sub3A_525, %mul3A_551 : i32
        %rem3A_553 = arith.constant 4 : i32
        %rem3A_554 = arith.remsi %select_n3A_549, %rem3A_553 : i32
        %dma_wait3A_555 = arith.constant 3 : i32
        %dma_wait3A_556 = arith.constant 0 : i32
        %dma_wait3A_557 = arith.constant 0 : i32
        %dma_wait3A_558 = tpu.memref_slice %arg10[%dma_wait3A_555, %dma_wait3A_556, %dma_wait3A_557] : memref<4x80x128xf32, #tpu.memory_space<vmem>> -> memref<1x80x128xf32, #tpu.memory_space<vmem>>
        %dma_wait3A_559 = tpu.memref_squeeze %dma_wait3A_558 : memref<1x80x128xf32, #tpu.memory_space<vmem>> -> memref<80x128xf32, #tpu.memory_space<vmem>>
        %dma_wait3A_560 = arith.constant 0 : i32
        %dma_wait3A_561 = tpu.memref_slice %arg9[%rem3A_554, %sub3A_552, %dma_wait3A_560] : memref<4x5x80xi32, #tpu.memory_space<vmem>> -> memref<1x1x80xi32, #tpu.memory_space<vmem>>
        %dma_wait3A_562 = tpu.memref_squeeze %dma_wait3A_561 : memref<1x1x80xi32, #tpu.memory_space<vmem>> -> memref<80xi32, #tpu.memory_space<vmem>>
        %dma_wait3A_563 = arith.constant 0 : i32
        %dma_wait3A_564 = arith.constant 0 : i32
        %dma_wait3A_565 = tpu.memref_slice %arg11[%dma_wait3A_563, %dma_wait3A_564] : memref<10000x128xf32, #tpu.memory_space<vmem_shared>> -> memref<10000x128xf32, #tpu.memory_space<vmem_shared>>
        tpu.wait_indirect_dma semaphore(%arg13 : memref<!tpu.dma_semaphore, #tpu.memory_space<semaphore_mem>>) src(%dma_wait3A_559 : memref<80x128xf32, #tpu.memory_space<vmem>>) dst(%dma_wait3A_565 : memref<10000x128xf32, #tpu.memory_space<vmem_shared>>)
      } else {
      }
      %eq3A_331 = arith.constant 0 : i32
      %eq3A_332 = arith.cmpi eq, %sub3A_323, %eq3A_331 : i32
      %add3A_333 = arith.constant 1 : i32
      %add3A_334 = arith.addi %select_n3A_320, %add3A_333 : i32
      %lt3A_335 = arith.constant 25 : i32
      %lt3A_336 = arith.cmpi slt, %add3A_334, %lt3A_335 : i32
      %and3A_337 = arith.andi %eq3A_332, %lt3A_336 : i1
      %convert_element_type3A_338 = arith.extui %and3A_337 : i1 to i32
      %cond3A_339 = arith.constant 0 : i32
      %cond3A_340 = arith.cmpi ne, %convert_element_type3A_338, %cond3A_339 : i32
      scf.if %cond3A_340 {
        %add3A_524 = arith.constant 1 : i32
        %add3A_525 = arith.addi %select_n3A_320, %add3A_524 : i32
        %rem3A_526 = arith.constant 4 : i32
        %rem3A_527 = arith.remsi %add3A_525, %rem3A_526 : i32
        %add3A_528 = arith.constant 1 : i32
        %add3A_529 = arith.addi %select_n3A_320, %add3A_528 : i32
        %dma_start3A_530 = arith.constant 0 : i32
        %dma_start3A_531 = arith.constant 0 : i32
        %dma_start3A_532 = tpu.memref_slice %arg8[%rem3A_527, %dma_start3A_530, %dma_start3A_531] : memref<4x5x80xi32, #tpu.memory_space<vmem>> -> memref<1x5x80xi32, #tpu.memory_space<vmem>>
        %dma_start3A_533 = tpu.memref_squeeze %dma_start3A_532 : memref<1x5x80xi32, #tpu.memory_space<vmem>> -> memref<5x80xi32, #tpu.memory_space<vmem>>
        %dma_start3A_534 = arith.constant 0 : i32
        %dma_start3A_535 = arith.constant 0 : i32
        %dma_start3A_536 = tpu.memref_slice %arg3[%add3A, %add3A_529, %dma_start3A_534, %dma_start3A_535] : memref<32x25x5x80xi32, #tpu.memory_space<hbm>> -> memref<1x1x5x80xi32, #tpu.memory_space<hbm>>
        %dma_start3A_537 = tpu.memref_squeeze %dma_start3A_536 : memref<1x1x5x80xi32, #tpu.memory_space<hbm>> -> memref<5x80xi32, #tpu.memory_space<hbm>>
        %dma_start3A_538 = arith.constant 0 : i32
        %dma_start3A_539 = arith.constant 0 : i32
        %dma_start3A_540 = tpu.memref_slice %arg8[%rem3A_527, %dma_start3A_538, %dma_start3A_539] : memref<4x5x80xi32, #tpu.memory_space<vmem>> -> memref<1x5x80xi32, #tpu.memory_space<vmem>>
        %dma_start3A_541 = tpu.memref_squeeze %dma_start3A_540 : memref<1x5x80xi32, #tpu.memory_space<vmem>> -> memref<5x80xi32, #tpu.memory_space<vmem>>
        %dma_start3A_542 = arith.constant 0 : i32
        %dma_start3A_543 = arith.constant 0 : i32
        %dma_start3A_544 = tpu.memref_slice %arg3[%add3A, %add3A_529, %dma_start3A_542, %dma_start3A_543] : memref<32x25x5x80xi32, #tpu.memory_space<hbm>> -> memref<1x1x5x80xi32, #tpu.memory_space<hbm>>
        %dma_start3A_545 = tpu.memref_squeeze %dma_start3A_544 : memref<1x1x5x80xi32, #tpu.memory_space<hbm>> -> memref<5x80xi32, #tpu.memory_space<hbm>>
        tpu.enqueue_dma source(%dma_start3A_545 : memref<5x80xi32, #tpu.memory_space<hbm>>) target(%dma_start3A_541 : memref<5x80xi32, #tpu.memory_space<vmem>>) target_semaphore(%arg14 : memref<!tpu.dma_semaphore, #tpu.memory_space<semaphore_mem>>)
        %add3A_546 = arith.constant 1 : i32
        %add3A_547 = arith.addi %select_n3A_320, %add3A_546 : i32
        %dma_start3A_548 = arith.constant 0 : i32
        %dma_start3A_549 = arith.constant 0 : i32
        %dma_start3A_550 = tpu.memref_slice %arg9[%rem3A_527, %dma_start3A_548, %dma_start3A_549] : memref<4x5x80xi32, #tpu.memory_space<vmem>> -> memref<1x5x80xi32, #tpu.memory_space<vmem>>
        %dma_start3A_551 = tpu.memref_squeeze %dma_start3A_550 : memref<1x5x80xi32, #tpu.memory_space<vmem>> -> memref<5x80xi32, #tpu.memory_space<vmem>>
        %dma_start3A_552 = arith.constant 0 : i32
        %dma_start3A_553 = arith.constant 0 : i32
        %dma_start3A_554 = tpu.memref_slice %arg4[%add3A, %add3A_547, %dma_start3A_552, %dma_start3A_553] : memref<32x25x5x80xi32, #tpu.memory_space<hbm>> -> memref<1x1x5x80xi32, #tpu.memory_space<hbm>>
        %dma_start3A_555 = tpu.memref_squeeze %dma_start3A_554 : memref<1x1x5x80xi32, #tpu.memory_space<hbm>> -> memref<5x80xi32, #tpu.memory_space<hbm>>
        %dma_start3A_556 = arith.constant 0 : i32
        %dma_start3A_557 = arith.constant 0 : i32
        %dma_start3A_558 = tpu.memref_slice %arg9[%rem3A_527, %dma_start3A_556, %dma_start3A_557] : memref<4x5x80xi32, #tpu.memory_space<vmem>> -> memref<1x5x80xi32, #tpu.memory_space<vmem>>
        %dma_start3A_559 = tpu.memref_squeeze %dma_start3A_558 : memref<1x5x80xi32, #tpu.memory_space<vmem>> -> memref<5x80xi32, #tpu.memory_space<vmem>>
        %dma_start3A_560 = arith.constant 0 : i32
        %dma_start3A_561 = arith.constant 0 : i32
        %dma_start3A_562 = tpu.memref_slice %arg4[%add3A, %add3A_547, %dma_start3A_560, %dma_start3A_561] : memref<32x25x5x80xi32, #tpu.memory_space<hbm>> -> memref<1x1x5x80xi32, #tpu.memory_space<hbm>>
        %dma_start3A_563 = tpu.memref_squeeze %dma_start3A_562 : memref<1x1x5x80xi32, #tpu.memory_space<hbm>> -> memref<5x80xi32, #tpu.memory_space<hbm>>
        tpu.enqueue_dma source(%dma_start3A_563 : memref<5x80xi32, #tpu.memory_space<hbm>>) target(%dma_start3A_559 : memref<5x80xi32, #tpu.memory_space<vmem>>) target_semaphore(%arg15 : memref<!tpu.dma_semaphore, #tpu.memory_space<semaphore_mem>>)
      } else {
      }
      %add3A_341 = arith.constant 2 : i32
      %add3A_342 = arith.addi %add3A_296, %add3A_341 : i32
      %lt3A_343 = arith.constant 125 : i32
      %lt3A_344 = arith.cmpi slt, %add3A_342, %lt3A_343 : i32
      %convert_element_type3A_345 = arith.extui %lt3A_344 : i1 to i32
      %cond3A_346 = arith.constant 0 : i32
      %cond3A_347 = arith.cmpi ne, %convert_element_type3A_345, %cond3A_346 : i32
      scf.if %cond3A_347 {
        %add3A_524 = arith.constant 2 : i32
        %add3A_525 = arith.addi %add3A_296, %add3A_524 : i32
        %jit3A_526 = arith.constant 5 : i32
        %div3A_527 = arith.divsi %add3A_525, %jit3A_526 : i32
        %sign3A_528 = arith.constant 0 : i32
        %sign3A_529 = arith.cmpi sgt, %add3A_525, %sign3A_528 : i32
        %sign3A_530 = arith.extui %sign3A_529 : i1 to i32
        %sign3A_531 = arith.constant 0 : i32
        %sign3A_532 = arith.cmpi slt, %add3A_525, %sign3A_531 : i32
        %sign3A_533 = arith.extui %sign3A_532 : i1 to i32
        %sign3A_534 = arith.subi %sign3A_530, %sign3A_533 : i32
        %sign3A_535 = arith.constant 0 : i32
        %sign3A_536 = arith.cmpi sgt, %jit3A_526, %sign3A_535 : i32
        %sign3A_537 = arith.extui %sign3A_536 : i1 to i32
        %sign3A_538 = arith.constant 0 : i32
        %sign3A_539 = arith.cmpi slt, %jit3A_526, %sign3A_538 : i32
        %sign3A_540 = arith.extui %sign3A_539 : i1 to i32
        %sign3A_541 = arith.subi %sign3A_537, %sign3A_540 : i32
        %ne3A_542 = arith.cmpi ne, %sign3A_534, %sign3A_541 : i32
        %rem3A_543 = arith.remsi %add3A_525, %jit3A_526 : i32
        %ne3A_544 = arith.constant 0 : i32
        %ne3A_545 = arith.cmpi ne, %rem3A_543, %ne3A_544 : i32
        %and3A_546 = arith.andi %ne3A_542, %ne3A_545 : i1
        %sub3A_547 = arith.constant 1 : i32
        %sub3A_548 = arith.subi %div3A_527, %sub3A_547 : i32
        %select_n3A_549 = arith.select %and3A_546, %sub3A_548, %div3A_527 : i32
        %mul3A_550 = arith.constant 5 : i32
        %mul3A_551 = arith.muli %select_n3A_549, %mul3A_550 : i32
        %sub3A_552 = arith.subi %add3A_525, %mul3A_551 : i32
        %rem3A_553 = arith.constant 4 : i32
        %rem3A_554 = arith.remsi %select_n3A_549, %rem3A_553 : i32
        %eq3A_555 = arith.constant 0 : i32
        %eq3A_556 = arith.cmpi eq, %sub3A_552, %eq3A_555 : i32
        %convert_element_type3A_557 = arith.extui %eq3A_556 : i1 to i32
        %cond3A_558 = arith.constant 0 : i32
        %cond3A_559 = arith.cmpi ne, %convert_element_type3A_557, %cond3A_558 : i32
        scf.if %cond3A_559 {
          %dma_wait3A_571 = arith.constant 0 : i32
          %dma_wait3A_572 = arith.constant 0 : i32
          %dma_wait3A_573 = tpu.memref_slice %arg8[%rem3A_554, %dma_wait3A_571, %dma_wait3A_572] : memref<4x5x80xi32, #tpu.memory_space<vmem>> -> memref<1x5x80xi32, #tpu.memory_space<vmem>>
          %dma_wait3A_574 = tpu.memref_squeeze %dma_wait3A_573 : memref<1x5x80xi32, #tpu.memory_space<vmem>> -> memref<5x80xi32, #tpu.memory_space<vmem>>
          %dma_wait3A_575 = arith.constant 0 : i32
          %dma_wait3A_576 = arith.constant 0 : i32
          %dma_wait3A_577 = tpu.memref_slice %arg3[%add3A, %select_n3A_549, %dma_wait3A_575, %dma_wait3A_576] : memref<32x25x5x80xi32, #tpu.memory_space<hbm>> -> memref<1x1x5x80xi32, #tpu.memory_space<hbm>>
          %dma_wait3A_578 = tpu.memref_squeeze %dma_wait3A_577 : memref<1x1x5x80xi32, #tpu.memory_space<hbm>> -> memref<5x80xi32, #tpu.memory_space<hbm>>
          %dma_wait3A_579 = arith.constant 0 : i32
          %dma_wait3A_580 = arith.constant 0 : i32
          %dma_wait3A_581 = tpu.memref_slice %arg8[%rem3A_554, %dma_wait3A_579, %dma_wait3A_580] : memref<4x5x80xi32, #tpu.memory_space<vmem>> -> memref<1x5x80xi32, #tpu.memory_space<vmem>>
          %dma_wait3A_582 = tpu.memref_squeeze %dma_wait3A_581 : memref<1x5x80xi32, #tpu.memory_space<vmem>> -> memref<5x80xi32, #tpu.memory_space<vmem>>
          %dma_wait3A_583 = arith.constant 0 : i32
          %dma_wait3A_584 = arith.constant 0 : i32
          %dma_wait3A_585 = tpu.memref_slice %arg3[%add3A, %select_n3A_549, %dma_wait3A_583, %dma_wait3A_584] : memref<32x25x5x80xi32, #tpu.memory_space<hbm>> -> memref<1x1x5x80xi32, #tpu.memory_space<hbm>>
          %dma_wait3A_586 = tpu.memref_squeeze %dma_wait3A_585 : memref<1x1x5x80xi32, #tpu.memory_space<hbm>> -> memref<5x80xi32, #tpu.memory_space<hbm>>
          tpu.wait_dma2 semaphore(%arg14 : memref<!tpu.dma_semaphore, #tpu.memory_space<semaphore_mem>>) src(%dma_wait3A_586 : memref<5x80xi32, #tpu.memory_space<hbm>>) dst(%dma_wait3A_582 : memref<5x80xi32, #tpu.memory_space<vmem>>)
          %dma_wait3A_587 = arith.constant 0 : i32
          %dma_wait3A_588 = arith.constant 0 : i32
          %dma_wait3A_589 = tpu.memref_slice %arg9[%rem3A_554, %dma_wait3A_587, %dma_wait3A_588] : memref<4x5x80xi32, #tpu.memory_space<vmem>> -> memref<1x5x80xi32, #tpu.memory_space<vmem>>
          %dma_wait3A_590 = tpu.memref_squeeze %dma_wait3A_589 : memref<1x5x80xi32, #tpu.memory_space<vmem>> -> memref<5x80xi32, #tpu.memory_space<vmem>>
          %dma_wait3A_591 = arith.constant 0 : i32
          %dma_wait3A_592 = arith.constant 0 : i32
          %dma_wait3A_593 = tpu.memref_slice %arg4[%add3A, %select_n3A_549, %dma_wait3A_591, %dma_wait3A_592] : memref<32x25x5x80xi32, #tpu.memory_space<hbm>> -> memref<1x1x5x80xi32, #tpu.memory_space<hbm>>
          %dma_wait3A_594 = tpu.memref_squeeze %dma_wait3A_593 : memref<1x1x5x80xi32, #tpu.memory_space<hbm>> -> memref<5x80xi32, #tpu.memory_space<hbm>>
          %dma_wait3A_595 = arith.constant 0 : i32
          %dma_wait3A_596 = arith.constant 0 : i32
          %dma_wait3A_597 = tpu.memref_slice %arg9[%rem3A_554, %dma_wait3A_595, %dma_wait3A_596] : memref<4x5x80xi32, #tpu.memory_space<vmem>> -> memref<1x5x80xi32, #tpu.memory_space<vmem>>
          %dma_wait3A_598 = tpu.memref_squeeze %dma_wait3A_597 : memref<1x5x80xi32, #tpu.memory_space<vmem>> -> memref<5x80xi32, #tpu.memory_space<vmem>>
          %dma_wait3A_599 = arith.constant 0 : i32
          %dma_wait3A_600 = arith.constant 0 : i32
          %dma_wait3A_601 = tpu.memref_slice %arg4[%add3A, %select_n3A_549, %dma_wait3A_599, %dma_wait3A_600] : memref<32x25x5x80xi32, #tpu.memory_space<hbm>> -> memref<1x1x5x80xi32, #tpu.memory_space<hbm>>
          %dma_wait3A_602 = tpu.memref_squeeze %dma_wait3A_601 : memref<1x1x5x80xi32, #tpu.memory_space<hbm>> -> memref<5x80xi32, #tpu.memory_space<hbm>>
          tpu.wait_dma2 semaphore(%arg15 : memref<!tpu.dma_semaphore, #tpu.memory_space<semaphore_mem>>) src(%dma_wait3A_602 : memref<5x80xi32, #tpu.memory_space<hbm>>) dst(%dma_wait3A_598 : memref<5x80xi32, #tpu.memory_space<vmem>>)
        } else {
        }
        %dma_start3A_560 = arith.constant 3 : i32
        %dma_start3A_561 = arith.constant 0 : i32
        %dma_start3A_562 = arith.constant 0 : i32
        %dma_start3A_563 = tpu.memref_slice %arg10[%dma_start3A_560, %dma_start3A_561, %dma_start3A_562] : memref<4x80x128xf32, #tpu.memory_space<vmem>> -> memref<1x80x128xf32, #tpu.memory_space<vmem>>
        %dma_start3A_564 = tpu.memref_squeeze %dma_start3A_563 : memref<1x80x128xf32, #tpu.memory_space<vmem>> -> memref<80x128xf32, #tpu.memory_space<vmem>>
        %dma_start3A_565 = arith.constant 0 : i32
        %dma_start3A_566 = tpu.memref_slice %arg8[%rem3A_554, %sub3A_552, %dma_start3A_565] : memref<4x5x80xi32, #tpu.memory_space<vmem>> -> memref<1x1x80xi32, #tpu.memory_space<vmem>>
        %dma_start3A_567 = tpu.memref_squeeze %dma_start3A_566 : memref<1x1x80xi32, #tpu.memory_space<vmem>> -> memref<80xi32, #tpu.memory_space<vmem>>
        %dma_start3A_568 = arith.constant 0 : i32
        %dma_start3A_569 = arith.constant 0 : i32
        %dma_start3A_570 = tpu.memref_slice %arg2[%dma_start3A_568, %dma_start3A_569] : memref<10000x128xf32, #tpu.memory_space<hbm>> -> memref<10000x128xf32, #tpu.memory_space<hbm>>
        tpu.enqueue_indirect_dma source(%dma_start3A_570 : memref<10000x128xf32, #tpu.memory_space<hbm>>) target(%dma_start3A_564 : memref<80x128xf32, #tpu.memory_space<vmem>>) offsets(%dma_start3A_567 : memref<80xi32, #tpu.memory_space<vmem>>) semaphore(%arg12 : memref<!tpu.dma_semaphore, #tpu.memory_space<semaphore_mem>>)
      } else {
      }
      %dma_wait3A_348 = arith.constant 1 : i32
      %dma_wait3A_349 = arith.constant 0 : i32
      %dma_wait3A_350 = arith.constant 0 : i32
      %dma_wait3A_351 = tpu.memref_slice %arg10[%dma_wait3A_348, %dma_wait3A_349, %dma_wait3A_350] : memref<4x80x128xf32, #tpu.memory_space<vmem>> -> memref<1x80x128xf32, #tpu.memory_space<vmem>>
      %dma_wait3A_352 = tpu.memref_squeeze %dma_wait3A_351 : memref<1x80x128xf32, #tpu.memory_space<vmem>> -> memref<80x128xf32, #tpu.memory_space<vmem>>
      %dma_wait3A_353 = arith.constant 0 : i32
      %dma_wait3A_354 = tpu.memref_slice %arg8[%rem3A_325, %sub3A_323, %dma_wait3A_353] : memref<4x5x80xi32, #tpu.memory_space<vmem>> -> memref<1x1x80xi32, #tpu.memory_space<vmem>>
      %dma_wait3A_355 = tpu.memref_squeeze %dma_wait3A_354 : memref<1x1x80xi32, #tpu.memory_space<vmem>> -> memref<80xi32, #tpu.memory_space<vmem>>
      %dma_wait3A_356 = arith.constant 0 : i32
      %dma_wait3A_357 = arith.constant 0 : i32
      %dma_wait3A_358 = tpu.memref_slice %arg2[%dma_wait3A_356, %dma_wait3A_357] : memref<10000x128xf32, #tpu.memory_space<hbm>> -> memref<10000x128xf32, #tpu.memory_space<hbm>>
      tpu.wait_indirect_dma semaphore(%arg12 : memref<!tpu.dma_semaphore, #tpu.memory_space<semaphore_mem>>) src(%dma_wait3A_358 : memref<10000x128xf32, #tpu.memory_space<hbm>>) dst(%dma_wait3A_352 : memref<80x128xf32, #tpu.memory_space<vmem>>)
      %dma_start3A_359 = arith.constant 1 : i32
      %dma_start3A_360 = arith.constant 0 : i32
      %dma_start3A_361 = arith.constant 0 : i32
      %dma_start3A_362 = tpu.memref_slice %arg10[%dma_start3A_359, %dma_start3A_360, %dma_start3A_361] : memref<4x80x128xf32, #tpu.memory_space<vmem>> -> memref<1x80x128xf32, #tpu.memory_space<vmem>>
      %dma_start3A_363 = tpu.memref_squeeze %dma_start3A_362 : memref<1x80x128xf32, #tpu.memory_space<vmem>> -> memref<80x128xf32, #tpu.memory_space<vmem>>
      %dma_start3A_364 = arith.constant 0 : i32
      %dma_start3A_365 = tpu.memref_slice %arg9[%rem3A_325, %sub3A_323, %dma_start3A_364] : memref<4x5x80xi32, #tpu.memory_space<vmem>> -> memref<1x1x80xi32, #tpu.memory_space<vmem>>
      %dma_start3A_366 = tpu.memref_squeeze %dma_start3A_365 : memref<1x1x80xi32, #tpu.memory_space<vmem>> -> memref<80xi32, #tpu.memory_space<vmem>>
      %dma_start3A_367 = arith.constant 0 : i32
      %dma_start3A_368 = arith.constant 0 : i32
      %dma_start3A_369 = tpu.memref_slice %arg11[%dma_start3A_367, %dma_start3A_368] : memref<10000x128xf32, #tpu.memory_space<vmem_shared>> -> memref<10000x128xf32, #tpu.memory_space<vmem_shared>>
      tpu.enqueue_indirect_dma source(%dma_start3A_363 : memref<80x128xf32, #tpu.memory_space<vmem>>) target(%dma_start3A_369 : memref<10000x128xf32, #tpu.memory_space<vmem_shared>>) offsets(%dma_start3A_366 : memref<80xi32, #tpu.memory_space<vmem>>) semaphore(%arg13 : memref<!tpu.dma_semaphore, #tpu.memory_space<semaphore_mem>>) {add = true}
      %mul3A_370 = arith.constant 4 : i32
      %mul3A_371 = arith.muli %mul3A_370, %scan3A_223 : i32
      %add3A_372 = arith.constant 2 : i32
      %add3A_373 = arith.addi %mul3A_371, %add3A_372 : i32
      %jit3A_374 = arith.constant 5 : i32
      %div3A_375 = arith.divsi %add3A_373, %jit3A_374 : i32
      %sign3A_376 = arith.constant 0 : i32
      %sign3A_377 = arith.cmpi sgt, %add3A_373, %sign3A_376 : i32
      %sign3A_378 = arith.extui %sign3A_377 : i1 to i32
      %sign3A_379 = arith.constant 0 : i32
      %sign3A_380 = arith.cmpi slt, %add3A_373, %sign3A_379 : i32
      %sign3A_381 = arith.extui %sign3A_380 : i1 to i32
      %sign3A_382 = arith.subi %sign3A_378, %sign3A_381 : i32
      %sign3A_383 = arith.constant 0 : i32
      %sign3A_384 = arith.cmpi sgt, %jit3A_374, %sign3A_383 : i32
      %sign3A_385 = arith.extui %sign3A_384 : i1 to i32
      %sign3A_386 = arith.constant 0 : i32
      %sign3A_387 = arith.cmpi slt, %jit3A_374, %sign3A_386 : i32
      %sign3A_388 = arith.extui %sign3A_387 : i1 to i32
      %sign3A_389 = arith.subi %sign3A_385, %sign3A_388 : i32
      %ne3A_390 = arith.cmpi ne, %sign3A_382, %sign3A_389 : i32
      %rem3A_391 = arith.remsi %add3A_373, %jit3A_374 : i32
      %ne3A_392 = arith.constant 0 : i32
      %ne3A_393 = arith.cmpi ne, %rem3A_391, %ne3A_392 : i32
      %and3A_394 = arith.andi %ne3A_390, %ne3A_393 : i1
      %sub3A_395 = arith.constant 1 : i32
      %sub3A_396 = arith.subi %div3A_375, %sub3A_395 : i32
      %select_n3A_397 = arith.select %and3A_394, %sub3A_396, %div3A_375 : i32
      %mul3A_398 = arith.constant 5 : i32
      %mul3A_399 = arith.muli %select_n3A_397, %mul3A_398 : i32
      %sub3A_400 = arith.subi %add3A_373, %mul3A_399 : i32
      %rem3A_401 = arith.constant 4 : i32
      %rem3A_402 = arith.remsi %select_n3A_397, %rem3A_401 : i32
      %ge3A_403 = arith.constant 2 : i32
      %ge3A_404 = arith.cmpi sge, %add3A_373, %ge3A_403 : i32
      %convert_element_type3A_405 = arith.extui %ge3A_404 : i1 to i32
      %cond3A_406 = arith.constant 0 : i32
      %cond3A_407 = arith.cmpi ne, %convert_element_type3A_405, %cond3A_406 : i32
      scf.if %cond3A_407 {
        %sub3A_524 = arith.constant 2 : i32
        %sub3A_525 = arith.subi %add3A_373, %sub3A_524 : i32
        %jit3A_526 = arith.constant 5 : i32
        %div3A_527 = arith.divsi %sub3A_525, %jit3A_526 : i32
        %sign3A_528 = arith.constant 0 : i32
        %sign3A_529 = arith.cmpi sgt, %sub3A_525, %sign3A_528 : i32
        %sign3A_530 = arith.extui %sign3A_529 : i1 to i32
        %sign3A_531 = arith.constant 0 : i32
        %sign3A_532 = arith.cmpi slt, %sub3A_525, %sign3A_531 : i32
        %sign3A_533 = arith.extui %sign3A_532 : i1 to i32
        %sign3A_534 = arith.subi %sign3A_530, %sign3A_533 : i32
        %sign3A_535 = arith.constant 0 : i32
        %sign3A_536 = arith.cmpi sgt, %jit3A_526, %sign3A_535 : i32
        %sign3A_537 = arith.extui %sign3A_536 : i1 to i32
        %sign3A_538 = arith.constant 0 : i32
        %sign3A_539 = arith.cmpi slt, %jit3A_526, %sign3A_538 : i32
        %sign3A_540 = arith.extui %sign3A_539 : i1 to i32
        %sign3A_541 = arith.subi %sign3A_537, %sign3A_540 : i32
        %ne3A_542 = arith.cmpi ne, %sign3A_534, %sign3A_541 : i32
        %rem3A_543 = arith.remsi %sub3A_525, %jit3A_526 : i32
        %ne3A_544 = arith.constant 0 : i32
        %ne3A_545 = arith.cmpi ne, %rem3A_543, %ne3A_544 : i32
        %and3A_546 = arith.andi %ne3A_542, %ne3A_545 : i1
        %sub3A_547 = arith.constant 1 : i32
        %sub3A_548 = arith.subi %div3A_527, %sub3A_547 : i32
        %select_n3A_549 = arith.select %and3A_546, %sub3A_548, %div3A_527 : i32
        %mul3A_550 = arith.constant 5 : i32
        %mul3A_551 = arith.muli %select_n3A_549, %mul3A_550 : i32
        %sub3A_552 = arith.subi %sub3A_525, %mul3A_551 : i32
        %rem3A_553 = arith.constant 4 : i32
        %rem3A_554 = arith.remsi %select_n3A_549, %rem3A_553 : i32
        %dma_wait3A_555 = arith.constant 0 : i32
        %dma_wait3A_556 = arith.constant 0 : i32
        %dma_wait3A_557 = arith.constant 0 : i32
        %dma_wait3A_558 = tpu.memref_slice %arg10[%dma_wait3A_555, %dma_wait3A_556, %dma_wait3A_557] : memref<4x80x128xf32, #tpu.memory_space<vmem>> -> memref<1x80x128xf32, #tpu.memory_space<vmem>>
        %dma_wait3A_559 = tpu.memref_squeeze %dma_wait3A_558 : memref<1x80x128xf32, #tpu.memory_space<vmem>> -> memref<80x128xf32, #tpu.memory_space<vmem>>
        %dma_wait3A_560 = arith.constant 0 : i32
        %dma_wait3A_561 = tpu.memref_slice %arg9[%rem3A_554, %sub3A_552, %dma_wait3A_560] : memref<4x5x80xi32, #tpu.memory_space<vmem>> -> memref<1x1x80xi32, #tpu.memory_space<vmem>>
        %dma_wait3A_562 = tpu.memref_squeeze %dma_wait3A_561 : memref<1x1x80xi32, #tpu.memory_space<vmem>> -> memref<80xi32, #tpu.memory_space<vmem>>
        %dma_wait3A_563 = arith.constant 0 : i32
        %dma_wait3A_564 = arith.constant 0 : i32
        %dma_wait3A_565 = tpu.memref_slice %arg11[%dma_wait3A_563, %dma_wait3A_564] : memref<10000x128xf32, #tpu.memory_space<vmem_shared>> -> memref<10000x128xf32, #tpu.memory_space<vmem_shared>>
        tpu.wait_indirect_dma semaphore(%arg13 : memref<!tpu.dma_semaphore, #tpu.memory_space<semaphore_mem>>) src(%dma_wait3A_559 : memref<80x128xf32, #tpu.memory_space<vmem>>) dst(%dma_wait3A_565 : memref<10000x128xf32, #tpu.memory_space<vmem_shared>>)
      } else {
      }
      %eq3A_408 = arith.constant 0 : i32
      %eq3A_409 = arith.cmpi eq, %sub3A_400, %eq3A_408 : i32
      %add3A_410 = arith.constant 1 : i32
      %add3A_411 = arith.addi %select_n3A_397, %add3A_410 : i32
      %lt3A_412 = arith.constant 25 : i32
      %lt3A_413 = arith.cmpi slt, %add3A_411, %lt3A_412 : i32
      %and3A_414 = arith.andi %eq3A_409, %lt3A_413 : i1
      %convert_element_type3A_415 = arith.extui %and3A_414 : i1 to i32
      %cond3A_416 = arith.constant 0 : i32
      %cond3A_417 = arith.cmpi ne, %convert_element_type3A_415, %cond3A_416 : i32
      scf.if %cond3A_417 {
        %add3A_524 = arith.constant 1 : i32
        %add3A_525 = arith.addi %select_n3A_397, %add3A_524 : i32
        %rem3A_526 = arith.constant 4 : i32
        %rem3A_527 = arith.remsi %add3A_525, %rem3A_526 : i32
        %add3A_528 = arith.constant 1 : i32
        %add3A_529 = arith.addi %select_n3A_397, %add3A_528 : i32
        %dma_start3A_530 = arith.constant 0 : i32
        %dma_start3A_531 = arith.constant 0 : i32
        %dma_start3A_532 = tpu.memref_slice %arg8[%rem3A_527, %dma_start3A_530, %dma_start3A_531] : memref<4x5x80xi32, #tpu.memory_space<vmem>> -> memref<1x5x80xi32, #tpu.memory_space<vmem>>
        %dma_start3A_533 = tpu.memref_squeeze %dma_start3A_532 : memref<1x5x80xi32, #tpu.memory_space<vmem>> -> memref<5x80xi32, #tpu.memory_space<vmem>>
        %dma_start3A_534 = arith.constant 0 : i32
        %dma_start3A_535 = arith.constant 0 : i32
        %dma_start3A_536 = tpu.memref_slice %arg3[%add3A, %add3A_529, %dma_start3A_534, %dma_start3A_535] : memref<32x25x5x80xi32, #tpu.memory_space<hbm>> -> memref<1x1x5x80xi32, #tpu.memory_space<hbm>>
        %dma_start3A_537 = tpu.memref_squeeze %dma_start3A_536 : memref<1x1x5x80xi32, #tpu.memory_space<hbm>> -> memref<5x80xi32, #tpu.memory_space<hbm>>
        %dma_start3A_538 = arith.constant 0 : i32
        %dma_start3A_539 = arith.constant 0 : i32
        %dma_start3A_540 = tpu.memref_slice %arg8[%rem3A_527, %dma_start3A_538, %dma_start3A_539] : memref<4x5x80xi32, #tpu.memory_space<vmem>> -> memref<1x5x80xi32, #tpu.memory_space<vmem>>
        %dma_start3A_541 = tpu.memref_squeeze %dma_start3A_540 : memref<1x5x80xi32, #tpu.memory_space<vmem>> -> memref<5x80xi32, #tpu.memory_space<vmem>>
        %dma_start3A_542 = arith.constant 0 : i32
        %dma_start3A_543 = arith.constant 0 : i32
        %dma_start3A_544 = tpu.memref_slice %arg3[%add3A, %add3A_529, %dma_start3A_542, %dma_start3A_543] : memref<32x25x5x80xi32, #tpu.memory_space<hbm>> -> memref<1x1x5x80xi32, #tpu.memory_space<hbm>>
        %dma_start3A_545 = tpu.memref_squeeze %dma_start3A_544 : memref<1x1x5x80xi32, #tpu.memory_space<hbm>> -> memref<5x80xi32, #tpu.memory_space<hbm>>
        tpu.enqueue_dma source(%dma_start3A_545 : memref<5x80xi32, #tpu.memory_space<hbm>>) target(%dma_start3A_541 : memref<5x80xi32, #tpu.memory_space<vmem>>) target_semaphore(%arg14 : memref<!tpu.dma_semaphore, #tpu.memory_space<semaphore_mem>>)
        %add3A_546 = arith.constant 1 : i32
        %add3A_547 = arith.addi %select_n3A_397, %add3A_546 : i32
        %dma_start3A_548 = arith.constant 0 : i32
        %dma_start3A_549 = arith.constant 0 : i32
        %dma_start3A_550 = tpu.memref_slice %arg9[%rem3A_527, %dma_start3A_548, %dma_start3A_549] : memref<4x5x80xi32, #tpu.memory_space<vmem>> -> memref<1x5x80xi32, #tpu.memory_space<vmem>>
        %dma_start3A_551 = tpu.memref_squeeze %dma_start3A_550 : memref<1x5x80xi32, #tpu.memory_space<vmem>> -> memref<5x80xi32, #tpu.memory_space<vmem>>
        %dma_start3A_552 = arith.constant 0 : i32
        %dma_start3A_553 = arith.constant 0 : i32
        %dma_start3A_554 = tpu.memref_slice %arg4[%add3A, %add3A_547, %dma_start3A_552, %dma_start3A_553] : memref<32x25x5x80xi32, #tpu.memory_space<hbm>> -> memref<1x1x5x80xi32, #tpu.memory_space<hbm>>
        %dma_start3A_555 = tpu.memref_squeeze %dma_start3A_554 : memref<1x1x5x80xi32, #tpu.memory_space<hbm>> -> memref<5x80xi32, #tpu.memory_space<hbm>>
        %dma_start3A_556 = arith.constant 0 : i32
        %dma_start3A_557 = arith.constant 0 : i32
        %dma_start3A_558 = tpu.memref_slice %arg9[%rem3A_527, %dma_start3A_556, %dma_start3A_557] : memref<4x5x80xi32, #tpu.memory_space<vmem>> -> memref<1x5x80xi32, #tpu.memory_space<vmem>>
        %dma_start3A_559 = tpu.memref_squeeze %dma_start3A_558 : memref<1x5x80xi32, #tpu.memory_space<vmem>> -> memref<5x80xi32, #tpu.memory_space<vmem>>
        %dma_start3A_560 = arith.constant 0 : i32
        %dma_start3A_561 = arith.constant 0 : i32
        %dma_start3A_562 = tpu.memref_slice %arg4[%add3A, %add3A_547, %dma_start3A_560, %dma_start3A_561] : memref<32x25x5x80xi32, #tpu.memory_space<hbm>> -> memref<1x1x5x80xi32, #tpu.memory_space<hbm>>
        %dma_start3A_563 = tpu.memref_squeeze %dma_start3A_562 : memref<1x1x5x80xi32, #tpu.memory_space<hbm>> -> memref<5x80xi32, #tpu.memory_space<hbm>>
        tpu.enqueue_dma source(%dma_start3A_563 : memref<5x80xi32, #tpu.memory_space<hbm>>) target(%dma_start3A_559 : memref<5x80xi32, #tpu.memory_space<vmem>>) target_semaphore(%arg15 : memref<!tpu.dma_semaphore, #tpu.memory_space<semaphore_mem>>)
      } else {
      }
      %add3A_418 = arith.constant 2 : i32
      %add3A_419 = arith.addi %add3A_373, %add3A_418 : i32
      %lt3A_420 = arith.constant 125 : i32
      %lt3A_421 = arith.cmpi slt, %add3A_419, %lt3A_420 : i32
      %convert_element_type3A_422 = arith.extui %lt3A_421 : i1 to i32
      %cond3A_423 = arith.constant 0 : i32
      %cond3A_424 = arith.cmpi ne, %convert_element_type3A_422, %cond3A_423 : i32
      scf.if %cond3A_424 {
        %add3A_524 = arith.constant 2 : i32
        %add3A_525 = arith.addi %add3A_373, %add3A_524 : i32
        %jit3A_526 = arith.constant 5 : i32
        %div3A_527 = arith.divsi %add3A_525, %jit3A_526 : i32
        %sign3A_528 = arith.constant 0 : i32
        %sign3A_529 = arith.cmpi sgt, %add3A_525, %sign3A_528 : i32
        %sign3A_530 = arith.extui %sign3A_529 : i1 to i32
        %sign3A_531 = arith.constant 0 : i32
        %sign3A_532 = arith.cmpi slt, %add3A_525, %sign3A_531 : i32
        %sign3A_533 = arith.extui %sign3A_532 : i1 to i32
        %sign3A_534 = arith.subi %sign3A_530, %sign3A_533 : i32
        %sign3A_535 = arith.constant 0 : i32
        %sign3A_536 = arith.cmpi sgt, %jit3A_526, %sign3A_535 : i32
        %sign3A_537 = arith.extui %sign3A_536 : i1 to i32
        %sign3A_538 = arith.constant 0 : i32
        %sign3A_539 = arith.cmpi slt, %jit3A_526, %sign3A_538 : i32
        %sign3A_540 = arith.extui %sign3A_539 : i1 to i32
        %sign3A_541 = arith.subi %sign3A_537, %sign3A_540 : i32
        %ne3A_542 = arith.cmpi ne, %sign3A_534, %sign3A_541 : i32
        %rem3A_543 = arith.remsi %add3A_525, %jit3A_526 : i32
        %ne3A_544 = arith.constant 0 : i32
        %ne3A_545 = arith.cmpi ne, %rem3A_543, %ne3A_544 : i32
        %and3A_546 = arith.andi %ne3A_542, %ne3A_545 : i1
        %sub3A_547 = arith.constant 1 : i32
        %sub3A_548 = arith.subi %div3A_527, %sub3A_547 : i32
        %select_n3A_549 = arith.select %and3A_546, %sub3A_548, %div3A_527 : i32
        %mul3A_550 = arith.constant 5 : i32
        %mul3A_551 = arith.muli %select_n3A_549, %mul3A_550 : i32
        %sub3A_552 = arith.subi %add3A_525, %mul3A_551 : i32
        %rem3A_553 = arith.constant 4 : i32
        %rem3A_554 = arith.remsi %select_n3A_549, %rem3A_553 : i32
        %eq3A_555 = arith.constant 0 : i32
        %eq3A_556 = arith.cmpi eq, %sub3A_552, %eq3A_555 : i32
        %convert_element_type3A_557 = arith.extui %eq3A_556 : i1 to i32
        %cond3A_558 = arith.constant 0 : i32
        %cond3A_559 = arith.cmpi ne, %convert_element_type3A_557, %cond3A_558 : i32
        scf.if %cond3A_559 {
          %dma_wait3A_571 = arith.constant 0 : i32
          %dma_wait3A_572 = arith.constant 0 : i32
          %dma_wait3A_573 = tpu.memref_slice %arg8[%rem3A_554, %dma_wait3A_571, %dma_wait3A_572] : memref<4x5x80xi32, #tpu.memory_space<vmem>> -> memref<1x5x80xi32, #tpu.memory_space<vmem>>
          %dma_wait3A_574 = tpu.memref_squeeze %dma_wait3A_573 : memref<1x5x80xi32, #tpu.memory_space<vmem>> -> memref<5x80xi32, #tpu.memory_space<vmem>>
          %dma_wait3A_575 = arith.constant 0 : i32
          %dma_wait3A_576 = arith.constant 0 : i32
          %dma_wait3A_577 = tpu.memref_slice %arg3[%add3A, %select_n3A_549, %dma_wait3A_575, %dma_wait3A_576] : memref<32x25x5x80xi32, #tpu.memory_space<hbm>> -> memref<1x1x5x80xi32, #tpu.memory_space<hbm>>
          %dma_wait3A_578 = tpu.memref_squeeze %dma_wait3A_577 : memref<1x1x5x80xi32, #tpu.memory_space<hbm>> -> memref<5x80xi32, #tpu.memory_space<hbm>>
          %dma_wait3A_579 = arith.constant 0 : i32
          %dma_wait3A_580 = arith.constant 0 : i32
          %dma_wait3A_581 = tpu.memref_slice %arg8[%rem3A_554, %dma_wait3A_579, %dma_wait3A_580] : memref<4x5x80xi32, #tpu.memory_space<vmem>> -> memref<1x5x80xi32, #tpu.memory_space<vmem>>
          %dma_wait3A_582 = tpu.memref_squeeze %dma_wait3A_581 : memref<1x5x80xi32, #tpu.memory_space<vmem>> -> memref<5x80xi32, #tpu.memory_space<vmem>>
          %dma_wait3A_583 = arith.constant 0 : i32
          %dma_wait3A_584 = arith.constant 0 : i32
          %dma_wait3A_585 = tpu.memref_slice %arg3[%add3A, %select_n3A_549, %dma_wait3A_583, %dma_wait3A_584] : memref<32x25x5x80xi32, #tpu.memory_space<hbm>> -> memref<1x1x5x80xi32, #tpu.memory_space<hbm>>
          %dma_wait3A_586 = tpu.memref_squeeze %dma_wait3A_585 : memref<1x1x5x80xi32, #tpu.memory_space<hbm>> -> memref<5x80xi32, #tpu.memory_space<hbm>>
          tpu.wait_dma2 semaphore(%arg14 : memref<!tpu.dma_semaphore, #tpu.memory_space<semaphore_mem>>) src(%dma_wait3A_586 : memref<5x80xi32, #tpu.memory_space<hbm>>) dst(%dma_wait3A_582 : memref<5x80xi32, #tpu.memory_space<vmem>>)
          %dma_wait3A_587 = arith.constant 0 : i32
          %dma_wait3A_588 = arith.constant 0 : i32
          %dma_wait3A_589 = tpu.memref_slice %arg9[%rem3A_554, %dma_wait3A_587, %dma_wait3A_588] : memref<4x5x80xi32, #tpu.memory_space<vmem>> -> memref<1x5x80xi32, #tpu.memory_space<vmem>>
          %dma_wait3A_590 = tpu.memref_squeeze %dma_wait3A_589 : memref<1x5x80xi32, #tpu.memory_space<vmem>> -> memref<5x80xi32, #tpu.memory_space<vmem>>
          %dma_wait3A_591 = arith.constant 0 : i32
          %dma_wait3A_592 = arith.constant 0 : i32
          %dma_wait3A_593 = tpu.memref_slice %arg4[%add3A, %select_n3A_549, %dma_wait3A_591, %dma_wait3A_592] : memref<32x25x5x80xi32, #tpu.memory_space<hbm>> -> memref<1x1x5x80xi32, #tpu.memory_space<hbm>>
          %dma_wait3A_594 = tpu.memref_squeeze %dma_wait3A_593 : memref<1x1x5x80xi32, #tpu.memory_space<hbm>> -> memref<5x80xi32, #tpu.memory_space<hbm>>
          %dma_wait3A_595 = arith.constant 0 : i32
          %dma_wait3A_596 = arith.constant 0 : i32
          %dma_wait3A_597 = tpu.memref_slice %arg9[%rem3A_554, %dma_wait3A_595, %dma_wait3A_596] : memref<4x5x80xi32, #tpu.memory_space<vmem>> -> memref<1x5x80xi32, #tpu.memory_space<vmem>>
          %dma_wait3A_598 = tpu.memref_squeeze %dma_wait3A_597 : memref<1x5x80xi32, #tpu.memory_space<vmem>> -> memref<5x80xi32, #tpu.memory_space<vmem>>
          %dma_wait3A_599 = arith.constant 0 : i32
          %dma_wait3A_600 = arith.constant 0 : i32
          %dma_wait3A_601 = tpu.memref_slice %arg4[%add3A, %select_n3A_549, %dma_wait3A_599, %dma_wait3A_600] : memref<32x25x5x80xi32, #tpu.memory_space<hbm>> -> memref<1x1x5x80xi32, #tpu.memory_space<hbm>>
          %dma_wait3A_602 = tpu.memref_squeeze %dma_wait3A_601 : memref<1x1x5x80xi32, #tpu.memory_space<hbm>> -> memref<5x80xi32, #tpu.memory_space<hbm>>
          tpu.wait_dma2 semaphore(%arg15 : memref<!tpu.dma_semaphore, #tpu.memory_space<semaphore_mem>>) src(%dma_wait3A_602 : memref<5x80xi32, #tpu.memory_space<hbm>>) dst(%dma_wait3A_598 : memref<5x80xi32, #tpu.memory_space<vmem>>)
        } else {
        }
        %dma_start3A_560 = arith.constant 0 : i32
        %dma_start3A_561 = arith.constant 0 : i32
        %dma_start3A_562 = arith.constant 0 : i32
        %dma_start3A_563 = tpu.memref_slice %arg10[%dma_start3A_560, %dma_start3A_561, %dma_start3A_562] : memref<4x80x128xf32, #tpu.memory_space<vmem>> -> memref<1x80x128xf32, #tpu.memory_space<vmem>>
        %dma_start3A_564 = tpu.memref_squeeze %dma_start3A_563 : memref<1x80x128xf32, #tpu.memory_space<vmem>> -> memref<80x128xf32, #tpu.memory_space<vmem>>
        %dma_start3A_565 = arith.constant 0 : i32
        %dma_start3A_566 = tpu.memref_slice %arg8[%rem3A_554, %sub3A_552, %dma_start3A_565] : memref<4x5x80xi32, #tpu.memory_space<vmem>> -> memref<1x1x80xi32, #tpu.memory_space<vmem>>
        %dma_start3A_567 = tpu.memref_squeeze %dma_start3A_566 : memref<1x1x80xi32, #tpu.memory_space<vmem>> -> memref<80xi32, #tpu.memory_space<vmem>>
        %dma_start3A_568 = arith.constant 0 : i32
        %dma_start3A_569 = arith.constant 0 : i32
        %dma_start3A_570 = tpu.memref_slice %arg2[%dma_start3A_568, %dma_start3A_569] : memref<10000x128xf32, #tpu.memory_space<hbm>> -> memref<10000x128xf32, #tpu.memory_space<hbm>>
        tpu.enqueue_indirect_dma source(%dma_start3A_570 : memref<10000x128xf32, #tpu.memory_space<hbm>>) target(%dma_start3A_564 : memref<80x128xf32, #tpu.memory_space<vmem>>) offsets(%dma_start3A_567 : memref<80xi32, #tpu.memory_space<vmem>>) semaphore(%arg12 : memref<!tpu.dma_semaphore, #tpu.memory_space<semaphore_mem>>)
      } else {
      }
      %dma_wait3A_425 = arith.constant 2 : i32
      %dma_wait3A_426 = arith.constant 0 : i32
      %dma_wait3A_427 = arith.constant 0 : i32
      %dma_wait3A_428 = tpu.memref_slice %arg10[%dma_wait3A_425, %dma_wait3A_426, %dma_wait3A_427] : memref<4x80x128xf32, #tpu.memory_space<vmem>> -> memref<1x80x128xf32, #tpu.memory_space<vmem>>
      %dma_wait3A_429 = tpu.memref_squeeze %dma_wait3A_428 : memref<1x80x128xf32, #tpu.memory_space<vmem>> -> memref<80x128xf32, #tpu.memory_space<vmem>>
      %dma_wait3A_430 = arith.constant 0 : i32
      %dma_wait3A_431 = tpu.memref_slice %arg8[%rem3A_402, %sub3A_400, %dma_wait3A_430] : memref<4x5x80xi32, #tpu.memory_space<vmem>> -> memref<1x1x80xi32, #tpu.memory_space<vmem>>
      %dma_wait3A_432 = tpu.memref_squeeze %dma_wait3A_431 : memref<1x1x80xi32, #tpu.memory_space<vmem>> -> memref<80xi32, #tpu.memory_space<vmem>>
      %dma_wait3A_433 = arith.constant 0 : i32
      %dma_wait3A_434 = arith.constant 0 : i32
      %dma_wait3A_435 = tpu.memref_slice %arg2[%dma_wait3A_433, %dma_wait3A_434] : memref<10000x128xf32, #tpu.memory_space<hbm>> -> memref<10000x128xf32, #tpu.memory_space<hbm>>
      tpu.wait_indirect_dma semaphore(%arg12 : memref<!tpu.dma_semaphore, #tpu.memory_space<semaphore_mem>>) src(%dma_wait3A_435 : memref<10000x128xf32, #tpu.memory_space<hbm>>) dst(%dma_wait3A_429 : memref<80x128xf32, #tpu.memory_space<vmem>>)
      %dma_start3A_436 = arith.constant 2 : i32
      %dma_start3A_437 = arith.constant 0 : i32
      %dma_start3A_438 = arith.constant 0 : i32
      %dma_start3A_439 = tpu.memref_slice %arg10[%dma_start3A_436, %dma_start3A_437, %dma_start3A_438] : memref<4x80x128xf32, #tpu.memory_space<vmem>> -> memref<1x80x128xf32, #tpu.memory_space<vmem>>
      %dma_start3A_440 = tpu.memref_squeeze %dma_start3A_439 : memref<1x80x128xf32, #tpu.memory_space<vmem>> -> memref<80x128xf32, #tpu.memory_space<vmem>>
      %dma_start3A_441 = arith.constant 0 : i32
      %dma_start3A_442 = tpu.memref_slice %arg9[%rem3A_402, %sub3A_400, %dma_start3A_441] : memref<4x5x80xi32, #tpu.memory_space<vmem>> -> memref<1x1x80xi32, #tpu.memory_space<vmem>>
      %dma_start3A_443 = tpu.memref_squeeze %dma_start3A_442 : memref<1x1x80xi32, #tpu.memory_space<vmem>> -> memref<80xi32, #tpu.memory_space<vmem>>
      %dma_start3A_444 = arith.constant 0 : i32
      %dma_start3A_445 = arith.constant 0 : i32
      %dma_start3A_446 = tpu.memref_slice %arg11[%dma_start3A_444, %dma_start3A_445] : memref<10000x128xf32, #tpu.memory_space<vmem_shared>> -> memref<10000x128xf32, #tpu.memory_space<vmem_shared>>
      tpu.enqueue_indirect_dma source(%dma_start3A_440 : memref<80x128xf32, #tpu.memory_space<vmem>>) target(%dma_start3A_446 : memref<10000x128xf32, #tpu.memory_space<vmem_shared>>) offsets(%dma_start3A_443 : memref<80xi32, #tpu.memory_space<vmem>>) semaphore(%arg13 : memref<!tpu.dma_semaphore, #tpu.memory_space<semaphore_mem>>) {add = true}
      %mul3A_447 = arith.constant 4 : i32
      %mul3A_448 = arith.muli %mul3A_447, %scan3A_223 : i32
      %add3A_449 = arith.constant 3 : i32
      %add3A_450 = arith.addi %mul3A_448, %add3A_449 : i32
      %jit3A_451 = arith.constant 5 : i32
      %div3A_452 = arith.divsi %add3A_450, %jit3A_451 : i32
      %sign3A_453 = arith.constant 0 : i32
      %sign3A_454 = arith.cmpi sgt, %add3A_450, %sign3A_453 : i32
      %sign3A_455 = arith.extui %sign3A_454 : i1 to i32
      %sign3A_456 = arith.constant 0 : i32
      %sign3A_457 = arith.cmpi slt, %add3A_450, %sign3A_456 : i32
      %sign3A_458 = arith.extui %sign3A_457 : i1 to i32
      %sign3A_459 = arith.subi %sign3A_455, %sign3A_458 : i32
      %sign3A_460 = arith.constant 0 : i32
      %sign3A_461 = arith.cmpi sgt, %jit3A_451, %sign3A_460 : i32
      %sign3A_462 = arith.extui %sign3A_461 : i1 to i32
      %sign3A_463 = arith.constant 0 : i32
      %sign3A_464 = arith.cmpi slt, %jit3A_451, %sign3A_463 : i32
      %sign3A_465 = arith.extui %sign3A_464 : i1 to i32
      %sign3A_466 = arith.subi %sign3A_462, %sign3A_465 : i32
      %ne3A_467 = arith.cmpi ne, %sign3A_459, %sign3A_466 : i32
      %rem3A_468 = arith.remsi %add3A_450, %jit3A_451 : i32
      %ne3A_469 = arith.constant 0 : i32
      %ne3A_470 = arith.cmpi ne, %rem3A_468, %ne3A_469 : i32
      %and3A_471 = arith.andi %ne3A_467, %ne3A_470 : i1
      %sub3A_472 = arith.constant 1 : i32
      %sub3A_473 = arith.subi %div3A_452, %sub3A_472 : i32
      %select_n3A_474 = arith.select %and3A_471, %sub3A_473, %div3A_452 : i32
      %mul3A_475 = arith.constant 5 : i32
      %mul3A_476 = arith.muli %select_n3A_474, %mul3A_475 : i32
      %sub3A_477 = arith.subi %add3A_450, %mul3A_476 : i32
      %rem3A_478 = arith.constant 4 : i32
      %rem3A_479 = arith.remsi %select_n3A_474, %rem3A_478 : i32
      %ge3A_480 = arith.constant 2 : i32
      %ge3A_481 = arith.cmpi sge, %add3A_450, %ge3A_480 : i32
      %convert_element_type3A_482 = arith.extui %ge3A_481 : i1 to i32
      %cond3A_483 = arith.constant 0 : i32
      %cond3A_484 = arith.cmpi ne, %convert_element_type3A_482, %cond3A_483 : i32
      scf.if %cond3A_484 {
        %sub3A_524 = arith.constant 2 : i32
        %sub3A_525 = arith.subi %add3A_450, %sub3A_524 : i32
        %jit3A_526 = arith.constant 5 : i32
        %div3A_527 = arith.divsi %sub3A_525, %jit3A_526 : i32
        %sign3A_528 = arith.constant 0 : i32
        %sign3A_529 = arith.cmpi sgt, %sub3A_525, %sign3A_528 : i32
        %sign3A_530 = arith.extui %sign3A_529 : i1 to i32
        %sign3A_531 = arith.constant 0 : i32
        %sign3A_532 = arith.cmpi slt, %sub3A_525, %sign3A_531 : i32
        %sign3A_533 = arith.extui %sign3A_532 : i1 to i32
        %sign3A_534 = arith.subi %sign3A_530, %sign3A_533 : i32
        %sign3A_535 = arith.constant 0 : i32
        %sign3A_536 = arith.cmpi sgt, %jit3A_526, %sign3A_535 : i32
        %sign3A_537 = arith.extui %sign3A_536 : i1 to i32
        %sign3A_538 = arith.constant 0 : i32
        %sign3A_539 = arith.cmpi slt, %jit3A_526, %sign3A_538 : i32
        %sign3A_540 = arith.extui %sign3A_539 : i1 to i32
        %sign3A_541 = arith.subi %sign3A_537, %sign3A_540 : i32
        %ne3A_542 = arith.cmpi ne, %sign3A_534, %sign3A_541 : i32
        %rem3A_543 = arith.remsi %sub3A_525, %jit3A_526 : i32
        %ne3A_544 = arith.constant 0 : i32
        %ne3A_545 = arith.cmpi ne, %rem3A_543, %ne3A_544 : i32
        %and3A_546 = arith.andi %ne3A_542, %ne3A_545 : i1
        %sub3A_547 = arith.constant 1 : i32
        %sub3A_548 = arith.subi %div3A_527, %sub3A_547 : i32
        %select_n3A_549 = arith.select %and3A_546, %sub3A_548, %div3A_527 : i32
        %mul3A_550 = arith.constant 5 : i32
        %mul3A_551 = arith.muli %select_n3A_549, %mul3A_550 : i32
        %sub3A_552 = arith.subi %sub3A_525, %mul3A_551 : i32
        %rem3A_553 = arith.constant 4 : i32
        %rem3A_554 = arith.remsi %select_n3A_549, %rem3A_553 : i32
        %dma_wait3A_555 = arith.constant 1 : i32
        %dma_wait3A_556 = arith.constant 0 : i32
        %dma_wait3A_557 = arith.constant 0 : i32
        %dma_wait3A_558 = tpu.memref_slice %arg10[%dma_wait3A_555, %dma_wait3A_556, %dma_wait3A_557] : memref<4x80x128xf32, #tpu.memory_space<vmem>> -> memref<1x80x128xf32, #tpu.memory_space<vmem>>
        %dma_wait3A_559 = tpu.memref_squeeze %dma_wait3A_558 : memref<1x80x128xf32, #tpu.memory_space<vmem>> -> memref<80x128xf32, #tpu.memory_space<vmem>>
        %dma_wait3A_560 = arith.constant 0 : i32
        %dma_wait3A_561 = tpu.memref_slice %arg9[%rem3A_554, %sub3A_552, %dma_wait3A_560] : memref<4x5x80xi32, #tpu.memory_space<vmem>> -> memref<1x1x80xi32, #tpu.memory_space<vmem>>
        %dma_wait3A_562 = tpu.memref_squeeze %dma_wait3A_561 : memref<1x1x80xi32, #tpu.memory_space<vmem>> -> memref<80xi32, #tpu.memory_space<vmem>>
        %dma_wait3A_563 = arith.constant 0 : i32
        %dma_wait3A_564 = arith.constant 0 : i32
        %dma_wait3A_565 = tpu.memref_slice %arg11[%dma_wait3A_563, %dma_wait3A_564] : memref<10000x128xf32, #tpu.memory_space<vmem_shared>> -> memref<10000x128xf32, #tpu.memory_space<vmem_shared>>
        tpu.wait_indirect_dma semaphore(%arg13 : memref<!tpu.dma_semaphore, #tpu.memory_space<semaphore_mem>>) src(%dma_wait3A_559 : memref<80x128xf32, #tpu.memory_space<vmem>>) dst(%dma_wait3A_565 : memref<10000x128xf32, #tpu.memory_space<vmem_shared>>)
      } else {
      }
      %eq3A_485 = arith.constant 0 : i32
      %eq3A_486 = arith.cmpi eq, %sub3A_477, %eq3A_485 : i32
      %add3A_487 = arith.constant 1 : i32
      %add3A_488 = arith.addi %select_n3A_474, %add3A_487 : i32
      %lt3A_489 = arith.constant 25 : i32
      %lt3A_490 = arith.cmpi slt, %add3A_488, %lt3A_489 : i32
      %and3A_491 = arith.andi %eq3A_486, %lt3A_490 : i1
      %convert_element_type3A_492 = arith.extui %and3A_491 : i1 to i32
      %cond3A_493 = arith.constant 0 : i32
      %cond3A_494 = arith.cmpi ne, %convert_element_type3A_492, %cond3A_493 : i32
      scf.if %cond3A_494 {
        %add3A_524 = arith.constant 1 : i32
        %add3A_525 = arith.addi %select_n3A_474, %add3A_524 : i32
        %rem3A_526 = arith.constant 4 : i32
        %rem3A_527 = arith.remsi %add3A_525, %rem3A_526 : i32
        %add3A_528 = arith.constant 1 : i32
        %add3A_529 = arith.addi %select_n3A_474, %add3A_528 : i32
        %dma_start3A_530 = arith.constant 0 : i32
        %dma_start3A_531 = arith.constant 0 : i32
        %dma_start3A_532 = tpu.memref_slice %arg8[%rem3A_527, %dma_start3A_530, %dma_start3A_531] : memref<4x5x80xi32, #tpu.memory_space<vmem>> -> memref<1x5x80xi32, #tpu.memory_space<vmem>>
        %dma_start3A_533 = tpu.memref_squeeze %dma_start3A_532 : memref<1x5x80xi32, #tpu.memory_space<vmem>> -> memref<5x80xi32, #tpu.memory_space<vmem>>
        %dma_start3A_534 = arith.constant 0 : i32
        %dma_start3A_535 = arith.constant 0 : i32
        %dma_start3A_536 = tpu.memref_slice %arg3[%add3A, %add3A_529, %dma_start3A_534, %dma_start3A_535] : memref<32x25x5x80xi32, #tpu.memory_space<hbm>> -> memref<1x1x5x80xi32, #tpu.memory_space<hbm>>
        %dma_start3A_537 = tpu.memref_squeeze %dma_start3A_536 : memref<1x1x5x80xi32, #tpu.memory_space<hbm>> -> memref<5x80xi32, #tpu.memory_space<hbm>>
        %dma_start3A_538 = arith.constant 0 : i32
        %dma_start3A_539 = arith.constant 0 : i32
        %dma_start3A_540 = tpu.memref_slice %arg8[%rem3A_527, %dma_start3A_538, %dma_start3A_539] : memref<4x5x80xi32, #tpu.memory_space<vmem>> -> memref<1x5x80xi32, #tpu.memory_space<vmem>>
        %dma_start3A_541 = tpu.memref_squeeze %dma_start3A_540 : memref<1x5x80xi32, #tpu.memory_space<vmem>> -> memref<5x80xi32, #tpu.memory_space<vmem>>
        %dma_start3A_542 = arith.constant 0 : i32
        %dma_start3A_543 = arith.constant 0 : i32
        %dma_start3A_544 = tpu.memref_slice %arg3[%add3A, %add3A_529, %dma_start3A_542, %dma_start3A_543] : memref<32x25x5x80xi32, #tpu.memory_space<hbm>> -> memref<1x1x5x80xi32, #tpu.memory_space<hbm>>
        %dma_start3A_545 = tpu.memref_squeeze %dma_start3A_544 : memref<1x1x5x80xi32, #tpu.memory_space<hbm>> -> memref<5x80xi32, #tpu.memory_space<hbm>>
        tpu.enqueue_dma source(%dma_start3A_545 : memref<5x80xi32, #tpu.memory_space<hbm>>) target(%dma_start3A_541 : memref<5x80xi32, #tpu.memory_space<vmem>>) target_semaphore(%arg14 : memref<!tpu.dma_semaphore, #tpu.memory_space<semaphore_mem>>)
        %add3A_546 = arith.constant 1 : i32
        %add3A_547 = arith.addi %select_n3A_474, %add3A_546 : i32
        %dma_start3A_548 = arith.constant 0 : i32
        %dma_start3A_549 = arith.constant 0 : i32
        %dma_start3A_550 = tpu.memref_slice %arg9[%rem3A_527, %dma_start3A_548, %dma_start3A_549] : memref<4x5x80xi32, #tpu.memory_space<vmem>> -> memref<1x5x80xi32, #tpu.memory_space<vmem>>
        %dma_start3A_551 = tpu.memref_squeeze %dma_start3A_550 : memref<1x5x80xi32, #tpu.memory_space<vmem>> -> memref<5x80xi32, #tpu.memory_space<vmem>>
        %dma_start3A_552 = arith.constant 0 : i32
        %dma_start3A_553 = arith.constant 0 : i32
        %dma_start3A_554 = tpu.memref_slice %arg4[%add3A, %add3A_547, %dma_start3A_552, %dma_start3A_553] : memref<32x25x5x80xi32, #tpu.memory_space<hbm>> -> memref<1x1x5x80xi32, #tpu.memory_space<hbm>>
        %dma_start3A_555 = tpu.memref_squeeze %dma_start3A_554 : memref<1x1x5x80xi32, #tpu.memory_space<hbm>> -> memref<5x80xi32, #tpu.memory_space<hbm>>
        %dma_start3A_556 = arith.constant 0 : i32
        %dma_start3A_557 = arith.constant 0 : i32
        %dma_start3A_558 = tpu.memref_slice %arg9[%rem3A_527, %dma_start3A_556, %dma_start3A_557] : memref<4x5x80xi32, #tpu.memory_space<vmem>> -> memref<1x5x80xi32, #tpu.memory_space<vmem>>
        %dma_start3A_559 = tpu.memref_squeeze %dma_start3A_558 : memref<1x5x80xi32, #tpu.memory_space<vmem>> -> memref<5x80xi32, #tpu.memory_space<vmem>>
        %dma_start3A_560 = arith.constant 0 : i32
        %dma_start3A_561 = arith.constant 0 : i32
        %dma_start3A_562 = tpu.memref_slice %arg4[%add3A, %add3A_547, %dma_start3A_560, %dma_start3A_561] : memref<32x25x5x80xi32, #tpu.memory_space<hbm>> -> memref<1x1x5x80xi32, #tpu.memory_space<hbm>>
        %dma_start3A_563 = tpu.memref_squeeze %dma_start3A_562 : memref<1x1x5x80xi32, #tpu.memory_space<hbm>> -> memref<5x80xi32, #tpu.memory_space<hbm>>
        tpu.enqueue_dma source(%dma_start3A_563 : memref<5x80xi32, #tpu.memory_space<hbm>>) target(%dma_start3A_559 : memref<5x80xi32, #tpu.memory_space<vmem>>) target_semaphore(%arg15 : memref<!tpu.dma_semaphore, #tpu.memory_space<semaphore_mem>>)
      } else {
      }
      %add3A_495 = arith.constant 2 : i32
      %add3A_496 = arith.addi %add3A_450, %add3A_495 : i32
      %lt3A_497 = arith.constant 125 : i32
      %lt3A_498 = arith.cmpi slt, %add3A_496, %lt3A_497 : i32
      %convert_element_type3A_499 = arith.extui %lt3A_498 : i1 to i32
      %cond3A_500 = arith.constant 0 : i32
      %cond3A_501 = arith.cmpi ne, %convert_element_type3A_499, %cond3A_500 : i32
      scf.if %cond3A_501 {
        %add3A_524 = arith.constant 2 : i32
        %add3A_525 = arith.addi %add3A_450, %add3A_524 : i32
        %jit3A_526 = arith.constant 5 : i32
        %div3A_527 = arith.divsi %add3A_525, %jit3A_526 : i32
        %sign3A_528 = arith.constant 0 : i32
        %sign3A_529 = arith.cmpi sgt, %add3A_525, %sign3A_528 : i32
        %sign3A_530 = arith.extui %sign3A_529 : i1 to i32
        %sign3A_531 = arith.constant 0 : i32
        %sign3A_532 = arith.cmpi slt, %add3A_525, %sign3A_531 : i32
        %sign3A_533 = arith.extui %sign3A_532 : i1 to i32
        %sign3A_534 = arith.subi %sign3A_530, %sign3A_533 : i32
        %sign3A_535 = arith.constant 0 : i32
        %sign3A_536 = arith.cmpi sgt, %jit3A_526, %sign3A_535 : i32
        %sign3A_537 = arith.extui %sign3A_536 : i1 to i32
        %sign3A_538 = arith.constant 0 : i32
        %sign3A_539 = arith.cmpi slt, %jit3A_526, %sign3A_538 : i32
        %sign3A_540 = arith.extui %sign3A_539 : i1 to i32
        %sign3A_541 = arith.subi %sign3A_537, %sign3A_540 : i32
        %ne3A_542 = arith.cmpi ne, %sign3A_534, %sign3A_541 : i32
        %rem3A_543 = arith.remsi %add3A_525, %jit3A_526 : i32
        %ne3A_544 = arith.constant 0 : i32
        %ne3A_545 = arith.cmpi ne, %rem3A_543, %ne3A_544 : i32
        %and3A_546 = arith.andi %ne3A_542, %ne3A_545 : i1
        %sub3A_547 = arith.constant 1 : i32
        %sub3A_548 = arith.subi %div3A_527, %sub3A_547 : i32
        %select_n3A_549 = arith.select %and3A_546, %sub3A_548, %div3A_527 : i32
        %mul3A_550 = arith.constant 5 : i32
        %mul3A_551 = arith.muli %select_n3A_549, %mul3A_550 : i32
        %sub3A_552 = arith.subi %add3A_525, %mul3A_551 : i32
        %rem3A_553 = arith.constant 4 : i32
        %rem3A_554 = arith.remsi %select_n3A_549, %rem3A_553 : i32
        %eq3A_555 = arith.constant 0 : i32
        %eq3A_556 = arith.cmpi eq, %sub3A_552, %eq3A_555 : i32
        %convert_element_type3A_557 = arith.extui %eq3A_556 : i1 to i32
        %cond3A_558 = arith.constant 0 : i32
        %cond3A_559 = arith.cmpi ne, %convert_element_type3A_557, %cond3A_558 : i32
        scf.if %cond3A_559 {
          %dma_wait3A_571 = arith.constant 0 : i32
          %dma_wait3A_572 = arith.constant 0 : i32
          %dma_wait3A_573 = tpu.memref_slice %arg8[%rem3A_554, %dma_wait3A_571, %dma_wait3A_572] : memref<4x5x80xi32, #tpu.memory_space<vmem>> -> memref<1x5x80xi32, #tpu.memory_space<vmem>>
          %dma_wait3A_574 = tpu.memref_squeeze %dma_wait3A_573 : memref<1x5x80xi32, #tpu.memory_space<vmem>> -> memref<5x80xi32, #tpu.memory_space<vmem>>
          %dma_wait3A_575 = arith.constant 0 : i32
          %dma_wait3A_576 = arith.constant 0 : i32
          %dma_wait3A_577 = tpu.memref_slice %arg3[%add3A, %select_n3A_549, %dma_wait3A_575, %dma_wait3A_576] : memref<32x25x5x80xi32, #tpu.memory_space<hbm>> -> memref<1x1x5x80xi32, #tpu.memory_space<hbm>>
          %dma_wait3A_578 = tpu.memref_squeeze %dma_wait3A_577 : memref<1x1x5x80xi32, #tpu.memory_space<hbm>> -> memref<5x80xi32, #tpu.memory_space<hbm>>
          %dma_wait3A_579 = arith.constant 0 : i32
          %dma_wait3A_580 = arith.constant 0 : i32
          %dma_wait3A_581 = tpu.memref_slice %arg8[%rem3A_554, %dma_wait3A_579, %dma_wait3A_580] : memref<4x5x80xi32, #tpu.memory_space<vmem>> -> memref<1x5x80xi32, #tpu.memory_space<vmem>>
          %dma_wait3A_582 = tpu.memref_squeeze %dma_wait3A_581 : memref<1x5x80xi32, #tpu.memory_space<vmem>> -> memref<5x80xi32, #tpu.memory_space<vmem>>
          %dma_wait3A_583 = arith.constant 0 : i32
          %dma_wait3A_584 = arith.constant 0 : i32
          %dma_wait3A_585 = tpu.memref_slice %arg3[%add3A, %select_n3A_549, %dma_wait3A_583, %dma_wait3A_584] : memref<32x25x5x80xi32, #tpu.memory_space<hbm>> -> memref<1x1x5x80xi32, #tpu.memory_space<hbm>>
          %dma_wait3A_586 = tpu.memref_squeeze %dma_wait3A_585 : memref<1x1x5x80xi32, #tpu.memory_space<hbm>> -> memref<5x80xi32, #tpu.memory_space<hbm>>
          tpu.wait_dma2 semaphore(%arg14 : memref<!tpu.dma_semaphore, #tpu.memory_space<semaphore_mem>>) src(%dma_wait3A_586 : memref<5x80xi32, #tpu.memory_space<hbm>>) dst(%dma_wait3A_582 : memref<5x80xi32, #tpu.memory_space<vmem>>)
          %dma_wait3A_587 = arith.constant 0 : i32
          %dma_wait3A_588 = arith.constant 0 : i32
          %dma_wait3A_589 = tpu.memref_slice %arg9[%rem3A_554, %dma_wait3A_587, %dma_wait3A_588] : memref<4x5x80xi32, #tpu.memory_space<vmem>> -> memref<1x5x80xi32, #tpu.memory_space<vmem>>
          %dma_wait3A_590 = tpu.memref_squeeze %dma_wait3A_589 : memref<1x5x80xi32, #tpu.memory_space<vmem>> -> memref<5x80xi32, #tpu.memory_space<vmem>>
          %dma_wait3A_591 = arith.constant 0 : i32
          %dma_wait3A_592 = arith.constant 0 : i32
          %dma_wait3A_593 = tpu.memref_slice %arg4[%add3A, %select_n3A_549, %dma_wait3A_591, %dma_wait3A_592] : memref<32x25x5x80xi32, #tpu.memory_space<hbm>> -> memref<1x1x5x80xi32, #tpu.memory_space<hbm>>
          %dma_wait3A_594 = tpu.memref_squeeze %dma_wait3A_593 : memref<1x1x5x80xi32, #tpu.memory_space<hbm>> -> memref<5x80xi32, #tpu.memory_space<hbm>>
          %dma_wait3A_595 = arith.constant 0 : i32
          %dma_wait3A_596 = arith.constant 0 : i32
          %dma_wait3A_597 = tpu.memref_slice %arg9[%rem3A_554, %dma_wait3A_595, %dma_wait3A_596] : memref<4x5x80xi32, #tpu.memory_space<vmem>> -> memref<1x5x80xi32, #tpu.memory_space<vmem>>
          %dma_wait3A_598 = tpu.memref_squeeze %dma_wait3A_597 : memref<1x5x80xi32, #tpu.memory_space<vmem>> -> memref<5x80xi32, #tpu.memory_space<vmem>>
          %dma_wait3A_599 = arith.constant 0 : i32
          %dma_wait3A_600 = arith.constant 0 : i32
          %dma_wait3A_601 = tpu.memref_slice %arg4[%add3A, %select_n3A_549, %dma_wait3A_599, %dma_wait3A_600] : memref<32x25x5x80xi32, #tpu.memory_space<hbm>> -> memref<1x1x5x80xi32, #tpu.memory_space<hbm>>
          %dma_wait3A_602 = tpu.memref_squeeze %dma_wait3A_601 : memref<1x1x5x80xi32, #tpu.memory_space<hbm>> -> memref<5x80xi32, #tpu.memory_space<hbm>>
          tpu.wait_dma2 semaphore(%arg15 : memref<!tpu.dma_semaphore, #tpu.memory_space<semaphore_mem>>) src(%dma_wait3A_602 : memref<5x80xi32, #tpu.memory_space<hbm>>) dst(%dma_wait3A_598 : memref<5x80xi32, #tpu.memory_space<vmem>>)
        } else {
        }
        %dma_start3A_560 = arith.constant 1 : i32
        %dma_start3A_561 = arith.constant 0 : i32
        %dma_start3A_562 = arith.constant 0 : i32
        %dma_start3A_563 = tpu.memref_slice %arg10[%dma_start3A_560, %dma_start3A_561, %dma_start3A_562] : memref<4x80x128xf32, #tpu.memory_space<vmem>> -> memref<1x80x128xf32, #tpu.memory_space<vmem>>
        %dma_start3A_564 = tpu.memref_squeeze %dma_start3A_563 : memref<1x80x128xf32, #tpu.memory_space<vmem>> -> memref<80x128xf32, #tpu.memory_space<vmem>>
        %dma_start3A_565 = arith.constant 0 : i32
        %dma_start3A_566 = tpu.memref_slice %arg8[%rem3A_554, %sub3A_552, %dma_start3A_565] : memref<4x5x80xi32, #tpu.memory_space<vmem>> -> memref<1x1x80xi32, #tpu.memory_space<vmem>>
        %dma_start3A_567 = tpu.memref_squeeze %dma_start3A_566 : memref<1x1x80xi32, #tpu.memory_space<vmem>> -> memref<80xi32, #tpu.memory_space<vmem>>
        %dma_start3A_568 = arith.constant 0 : i32
        %dma_start3A_569 = arith.constant 0 : i32
        %dma_start3A_570 = tpu.memref_slice %arg2[%dma_start3A_568, %dma_start3A_569] : memref<10000x128xf32, #tpu.memory_space<hbm>> -> memref<10000x128xf32, #tpu.memory_space<hbm>>
        tpu.enqueue_indirect_dma source(%dma_start3A_570 : memref<10000x128xf32, #tpu.memory_space<hbm>>) target(%dma_start3A_564 : memref<80x128xf32, #tpu.memory_space<vmem>>) offsets(%dma_start3A_567 : memref<80xi32, #tpu.memory_space<vmem>>) semaphore(%arg12 : memref<!tpu.dma_semaphore, #tpu.memory_space<semaphore_mem>>)
      } else {
      }
      %dma_wait3A_502 = arith.constant 3 : i32
      %dma_wait3A_503 = arith.constant 0 : i32
      %dma_wait3A_504 = arith.constant 0 : i32
      %dma_wait3A_505 = tpu.memref_slice %arg10[%dma_wait3A_502, %dma_wait3A_503, %dma_wait3A_504] : memref<4x80x128xf32, #tpu.memory_space<vmem>> -> memref<1x80x128xf32, #tpu.memory_space<vmem>>
      %dma_wait3A_506 = tpu.memref_squeeze %dma_wait3A_505 : memref<1x80x128xf32, #tpu.memory_space<vmem>> -> memref<80x128xf32, #tpu.memory_space<vmem>>
      %dma_wait3A_507 = arith.constant 0 : i32
      %dma_wait3A_508 = tpu.memref_slice %arg8[%rem3A_479, %sub3A_477, %dma_wait3A_507] : memref<4x5x80xi32, #tpu.memory_space<vmem>> -> memref<1x1x80xi32, #tpu.memory_space<vmem>>
      %dma_wait3A_509 = tpu.memref_squeeze %dma_wait3A_508 : memref<1x1x80xi32, #tpu.memory_space<vmem>> -> memref<80xi32, #tpu.memory_space<vmem>>
      %dma_wait3A_510 = arith.constant 0 : i32
      %dma_wait3A_511 = arith.constant 0 : i32
      %dma_wait3A_512 = tpu.memref_slice %arg2[%dma_wait3A_510, %dma_wait3A_511] : memref<10000x128xf32, #tpu.memory_space<hbm>> -> memref<10000x128xf32, #tpu.memory_space<hbm>>
      tpu.wait_indirect_dma semaphore(%arg12 : memref<!tpu.dma_semaphore, #tpu.memory_space<semaphore_mem>>) src(%dma_wait3A_512 : memref<10000x128xf32, #tpu.memory_space<hbm>>) dst(%dma_wait3A_506 : memref<80x128xf32, #tpu.memory_space<vmem>>)
      %dma_start3A_513 = arith.constant 3 : i32
      %dma_start3A_514 = arith.constant 0 : i32
      %dma_start3A_515 = arith.constant 0 : i32
      %dma_start3A_516 = tpu.memref_slice %arg10[%dma_start3A_513, %dma_start3A_514, %dma_start3A_515] : memref<4x80x128xf32, #tpu.memory_space<vmem>> -> memref<1x80x128xf32, #tpu.memory_space<vmem>>
      %dma_start3A_517 = tpu.memref_squeeze %dma_start3A_516 : memref<1x80x128xf32, #tpu.memory_space<vmem>> -> memref<80x128xf32, #tpu.memory_space<vmem>>
      %dma_start3A_518 = arith.constant 0 : i32
      %dma_start3A_519 = tpu.memref_slice %arg9[%rem3A_479, %sub3A_477, %dma_start3A_518] : memref<4x5x80xi32, #tpu.memory_space<vmem>> -> memref<1x1x80xi32, #tpu.memory_space<vmem>>
      %dma_start3A_520 = tpu.memref_squeeze %dma_start3A_519 : memref<1x1x80xi32, #tpu.memory_space<vmem>> -> memref<80xi32, #tpu.memory_space<vmem>>
      %dma_start3A_521 = arith.constant 0 : i32
      %dma_start3A_522 = arith.constant 0 : i32
      %dma_start3A_523 = tpu.memref_slice %arg11[%dma_start3A_521, %dma_start3A_522] : memref<10000x128xf32, #tpu.memory_space<vmem_shared>> -> memref<10000x128xf32, #tpu.memory_space<vmem_shared>>
      tpu.enqueue_indirect_dma source(%dma_start3A_517 : memref<80x128xf32, #tpu.memory_space<vmem>>) target(%dma_start3A_523 : memref<10000x128xf32, #tpu.memory_space<vmem_shared>>) offsets(%dma_start3A_520 : memref<80xi32, #tpu.memory_space<vmem>>) semaphore(%arg13 : memref<!tpu.dma_semaphore, #tpu.memory_space<semaphore_mem>>) {add = true}
    }
    %scan3A_117 = arith.constant 31 : i32
    %cond3A_118 = arith.constant 1 : i32
    %dma_wait3A_119 = arith.constant 2 : i32
    %dma_wait3A_120 = arith.constant 0 : i32
    %dma_wait3A_121 = arith.constant 2 : i32
    %dma_wait3A_122 = arith.constant 0 : i32
    %dma_wait3A_123 = arith.constant 0 : i32
    %dma_wait3A_124 = tpu.memref_slice %arg10[%dma_wait3A_119, %dma_wait3A_122, %dma_wait3A_123] : memref<4x80x128xf32, #tpu.memory_space<vmem>> -> memref<1x80x128xf32, #tpu.memory_space<vmem>>
    %dma_wait3A_125 = tpu.memref_squeeze %dma_wait3A_124 : memref<1x80x128xf32, #tpu.memory_space<vmem>> -> memref<80x128xf32, #tpu.memory_space<vmem>>
    %dma_wait3A_126 = arith.constant 0 : i32
    %dma_wait3A_127 = tpu.memref_slice %arg9[%dma_wait3A_120, %dma_wait3A_121, %dma_wait3A_126] : memref<4x5x80xi32, #tpu.memory_space<vmem>> -> memref<1x1x80xi32, #tpu.memory_space<vmem>>
    %dma_wait3A_128 = tpu.memref_squeeze %dma_wait3A_127 : memref<1x1x80xi32, #tpu.memory_space<vmem>> -> memref<80xi32, #tpu.memory_space<vmem>>
    %dma_wait3A_129 = arith.constant 0 : i32
    %dma_wait3A_130 = arith.constant 0 : i32
    %dma_wait3A_131 = tpu.memref_slice %arg11[%dma_wait3A_129, %dma_wait3A_130] : memref<10000x128xf32, #tpu.memory_space<vmem_shared>> -> memref<10000x128xf32, #tpu.memory_space<vmem_shared>>
    tpu.wait_indirect_dma semaphore(%arg13 : memref<!tpu.dma_semaphore, #tpu.memory_space<semaphore_mem>>) src(%dma_wait3A_125 : memref<80x128xf32, #tpu.memory_space<vmem>>) dst(%dma_wait3A_131 : memref<10000x128xf32, #tpu.memory_space<vmem_shared>>)
    %and3A = arith.constant false
    %and3A_132 = arith.constant false
    %and3A_133 = arith.andi %and3A, %and3A_132 : i1
    %convert_element_type3A_134 = arith.extui %and3A_133 : i1 to i32
    %cond3A_135 = arith.constant 0 : i32
    %cond3A_136 = arith.cmpi ne, %convert_element_type3A_134, %cond3A_135 : i32
    scf.if %cond3A_136 {
      %dma_start3A_223 = arith.constant 25 : i32
      %dma_start3A_224 = arith.constant 1 : i32
      %dma_start3A_225 = arith.constant 0 : i32
      %dma_start3A_226 = arith.constant 0 : i32
      %dma_start3A_227 = tpu.memref_slice %arg8[%dma_start3A_224, %dma_start3A_225, %dma_start3A_226] : memref<4x5x80xi32, #tpu.memory_space<vmem>> -> memref<1x5x80xi32, #tpu.memory_space<vmem>>
      %dma_start3A_228 = tpu.memref_squeeze %dma_start3A_227 : memref<1x5x80xi32, #tpu.memory_space<vmem>> -> memref<5x80xi32, #tpu.memory_space<vmem>>
      %dma_start3A_229 = arith.constant 0 : i32
      %dma_start3A_230 = arith.constant 0 : i32
      %dma_start3A_231 = tpu.memref_slice %arg3[%add3A, %dma_start3A_223, %dma_start3A_229, %dma_start3A_230] : memref<32x25x5x80xi32, #tpu.memory_space<hbm>> -> memref<1x1x5x80xi32, #tpu.memory_space<hbm>>
      %dma_start3A_232 = tpu.memref_squeeze %dma_start3A_231 : memref<1x1x5x80xi32, #tpu.memory_space<hbm>> -> memref<5x80xi32, #tpu.memory_space<hbm>>
      %dma_start3A_233 = arith.constant 0 : i32
      %dma_start3A_234 = arith.constant 0 : i32
      %dma_start3A_235 = tpu.memref_slice %arg8[%dma_start3A_224, %dma_start3A_233, %dma_start3A_234] : memref<4x5x80xi32, #tpu.memory_space<vmem>> -> memref<1x5x80xi32, #tpu.memory_space<vmem>>
      %dma_start3A_236 = tpu.memref_squeeze %dma_start3A_235 : memref<1x5x80xi32, #tpu.memory_space<vmem>> -> memref<5x80xi32, #tpu.memory_space<vmem>>
      %dma_start3A_237 = arith.constant 0 : i32
      %dma_start3A_238 = arith.constant 0 : i32
      %dma_start3A_239 = tpu.memref_slice %arg3[%add3A, %dma_start3A_223, %dma_start3A_237, %dma_start3A_238] : memref<32x25x5x80xi32, #tpu.memory_space<hbm>> -> memref<1x1x5x80xi32, #tpu.memory_space<hbm>>
      %dma_start3A_240 = tpu.memref_squeeze %dma_start3A_239 : memref<1x1x5x80xi32, #tpu.memory_space<hbm>> -> memref<5x80xi32, #tpu.memory_space<hbm>>
      tpu.enqueue_dma source(%dma_start3A_240 : memref<5x80xi32, #tpu.memory_space<hbm>>) target(%dma_start3A_236 : memref<5x80xi32, #tpu.memory_space<vmem>>) target_semaphore(%arg14 : memref<!tpu.dma_semaphore, #tpu.memory_space<semaphore_mem>>)
      %dma_start3A_241 = arith.constant 25 : i32
      %dma_start3A_242 = arith.constant 1 : i32
      %dma_start3A_243 = arith.constant 0 : i32
      %dma_start3A_244 = arith.constant 0 : i32
      %dma_start3A_245 = tpu.memref_slice %arg9[%dma_start3A_242, %dma_start3A_243, %dma_start3A_244] : memref<4x5x80xi32, #tpu.memory_space<vmem>> -> memref<1x5x80xi32, #tpu.memory_space<vmem>>
      %dma_start3A_246 = tpu.memref_squeeze %dma_start3A_245 : memref<1x5x80xi32, #tpu.memory_space<vmem>> -> memref<5x80xi32, #tpu.memory_space<vmem>>
      %dma_start3A_247 = arith.constant 0 : i32
      %dma_start3A_248 = arith.constant 0 : i32
      %dma_start3A_249 = tpu.memref_slice %arg4[%add3A, %dma_start3A_241, %dma_start3A_247, %dma_start3A_248] : memref<32x25x5x80xi32, #tpu.memory_space<hbm>> -> memref<1x1x5x80xi32, #tpu.memory_space<hbm>>
      %dma_start3A_250 = tpu.memref_squeeze %dma_start3A_249 : memref<1x1x5x80xi32, #tpu.memory_space<hbm>> -> memref<5x80xi32, #tpu.memory_space<hbm>>
      %dma_start3A_251 = arith.constant 0 : i32
      %dma_start3A_252 = arith.constant 0 : i32
      %dma_start3A_253 = tpu.memref_slice %arg9[%dma_start3A_242, %dma_start3A_251, %dma_start3A_252] : memref<4x5x80xi32, #tpu.memory_space<vmem>> -> memref<1x5x80xi32, #tpu.memory_space<vmem>>
      %dma_start3A_254 = tpu.memref_squeeze %dma_start3A_253 : memref<1x5x80xi32, #tpu.memory_space<vmem>> -> memref<5x80xi32, #tpu.memory_space<vmem>>
      %dma_start3A_255 = arith.constant 0 : i32
      %dma_start3A_256 = arith.constant 0 : i32
      %dma_start3A_257 = tpu.memref_slice %arg4[%add3A, %dma_start3A_241, %dma_start3A_255, %dma_start3A_256] : memref<32x25x5x80xi32, #tpu.memory_space<hbm>> -> memref<1x1x5x80xi32, #tpu.memory_space<hbm>>
      %dma_start3A_258 = tpu.memref_squeeze %dma_start3A_257 : memref<1x1x5x80xi32, #tpu.memory_space<hbm>> -> memref<5x80xi32, #tpu.memory_space<hbm>>
      tpu.enqueue_dma source(%dma_start3A_258 : memref<5x80xi32, #tpu.memory_space<hbm>>) target(%dma_start3A_254 : memref<5x80xi32, #tpu.memory_space<vmem>>) target_semaphore(%arg15 : memref<!tpu.dma_semaphore, #tpu.memory_space<semaphore_mem>>)
    } else {
    }
    %cond3A_137 = arith.constant 0 : i32
    %dma_wait3A_138 = arith.constant 0 : i32
    %dma_wait3A_139 = arith.constant 4 : i32
    %dma_wait3A_140 = arith.constant 0 : i32
    %dma_wait3A_141 = arith.constant 0 : i32
    %dma_wait3A_142 = arith.constant 0 : i32
    %dma_wait3A_143 = tpu.memref_slice %arg10[%dma_wait3A_140, %dma_wait3A_141, %dma_wait3A_142] : memref<4x80x128xf32, #tpu.memory_space<vmem>> -> memref<1x80x128xf32, #tpu.memory_space<vmem>>
    %dma_wait3A_144 = tpu.memref_squeeze %dma_wait3A_143 : memref<1x80x128xf32, #tpu.memory_space<vmem>> -> memref<80x128xf32, #tpu.memory_space<vmem>>
    %dma_wait3A_145 = arith.constant 0 : i32
    %dma_wait3A_146 = tpu.memref_slice %arg8[%dma_wait3A_138, %dma_wait3A_139, %dma_wait3A_145] : memref<4x5x80xi32, #tpu.memory_space<vmem>> -> memref<1x1x80xi32, #tpu.memory_space<vmem>>
    %dma_wait3A_147 = tpu.memref_squeeze %dma_wait3A_146 : memref<1x1x80xi32, #tpu.memory_space<vmem>> -> memref<80xi32, #tpu.memory_space<vmem>>
    %dma_wait3A_148 = arith.constant 0 : i32
    %dma_wait3A_149 = arith.constant 0 : i32
    %dma_wait3A_150 = tpu.memref_slice %arg2[%dma_wait3A_148, %dma_wait3A_149] : memref<10000x128xf32, #tpu.memory_space<hbm>> -> memref<10000x128xf32, #tpu.memory_space<hbm>>
    tpu.wait_indirect_dma semaphore(%arg12 : memref<!tpu.dma_semaphore, #tpu.memory_space<semaphore_mem>>) src(%dma_wait3A_150 : memref<10000x128xf32, #tpu.memory_space<hbm>>) dst(%dma_wait3A_144 : memref<80x128xf32, #tpu.memory_space<vmem>>)
    %dma_start3A_151 = arith.constant 0 : i32
    %dma_start3A_152 = arith.constant 0 : i32
    %dma_start3A_153 = arith.constant 4 : i32
    %dma_start3A_154 = arith.constant 0 : i32
    %dma_start3A_155 = arith.constant 0 : i32
    %dma_start3A_156 = tpu.memref_slice %arg10[%dma_start3A_151, %dma_start3A_154, %dma_start3A_155] : memref<4x80x128xf32, #tpu.memory_space<vmem>> -> memref<1x80x128xf32, #tpu.memory_space<vmem>>
    %dma_start3A_157 = tpu.memref_squeeze %dma_start3A_156 : memref<1x80x128xf32, #tpu.memory_space<vmem>> -> memref<80x128xf32, #tpu.memory_space<vmem>>
    %dma_start3A_158 = arith.constant 0 : i32
    %dma_start3A_159 = tpu.memref_slice %arg9[%dma_start3A_152, %dma_start3A_153, %dma_start3A_158] : memref<4x5x80xi32, #tpu.memory_space<vmem>> -> memref<1x1x80xi32, #tpu.memory_space<vmem>>
    %dma_start3A_160 = tpu.memref_squeeze %dma_start3A_159 : memref<1x1x80xi32, #tpu.memory_space<vmem>> -> memref<80xi32, #tpu.memory_space<vmem>>
    %dma_start3A_161 = arith.constant 0 : i32
    %dma_start3A_162 = arith.constant 0 : i32
    %dma_start3A_163 = tpu.memref_slice %arg11[%dma_start3A_161, %dma_start3A_162] : memref<10000x128xf32, #tpu.memory_space<vmem_shared>> -> memref<10000x128xf32, #tpu.memory_space<vmem_shared>>
    tpu.enqueue_indirect_dma source(%dma_start3A_157 : memref<80x128xf32, #tpu.memory_space<vmem>>) target(%dma_start3A_163 : memref<10000x128xf32, #tpu.memory_space<vmem_shared>>) offsets(%dma_start3A_160 : memref<80xi32, #tpu.memory_space<vmem>>) semaphore(%arg13 : memref<!tpu.dma_semaphore, #tpu.memory_space<semaphore_mem>>) {add = true}
    %dma_wait3A_164 = arith.constant 3 : i32
    %dma_wait3A_165 = arith.constant 0 : i32
    %dma_wait3A_166 = arith.constant 3 : i32
    %dma_wait3A_167 = arith.constant 0 : i32
    %dma_wait3A_168 = arith.constant 0 : i32
    %dma_wait3A_169 = tpu.memref_slice %arg10[%dma_wait3A_164, %dma_wait3A_167, %dma_wait3A_168] : memref<4x80x128xf32, #tpu.memory_space<vmem>> -> memref<1x80x128xf32, #tpu.memory_space<vmem>>
    %dma_wait3A_170 = tpu.memref_squeeze %dma_wait3A_169 : memref<1x80x128xf32, #tpu.memory_space<vmem>> -> memref<80x128xf32, #tpu.memory_space<vmem>>
    %dma_wait3A_171 = arith.constant 0 : i32
    %dma_wait3A_172 = tpu.memref_slice %arg9[%dma_wait3A_165, %dma_wait3A_166, %dma_wait3A_171] : memref<4x5x80xi32, #tpu.memory_space<vmem>> -> memref<1x1x80xi32, #tpu.memory_space<vmem>>
    %dma_wait3A_173 = tpu.memref_squeeze %dma_wait3A_172 : memref<1x1x80xi32, #tpu.memory_space<vmem>> -> memref<80xi32, #tpu.memory_space<vmem>>
    %dma_wait3A_174 = arith.constant 0 : i32
    %dma_wait3A_175 = arith.constant 0 : i32
    %dma_wait3A_176 = tpu.memref_slice %arg11[%dma_wait3A_174, %dma_wait3A_175] : memref<10000x128xf32, #tpu.memory_space<vmem_shared>> -> memref<10000x128xf32, #tpu.memory_space<vmem_shared>>
    tpu.wait_indirect_dma semaphore(%arg13 : memref<!tpu.dma_semaphore, #tpu.memory_space<semaphore_mem>>) src(%dma_wait3A_170 : memref<80x128xf32, #tpu.memory_space<vmem>>) dst(%dma_wait3A_176 : memref<10000x128xf32, #tpu.memory_space<vmem_shared>>)
    %dma_wait3A_177 = arith.constant 0 : i32
    %dma_wait3A_178 = arith.constant 0 : i32
    %dma_wait3A_179 = arith.constant 4 : i32
    %dma_wait3A_180 = arith.constant 0 : i32
    %dma_wait3A_181 = arith.constant 0 : i32
    %dma_wait3A_182 = tpu.memref_slice %arg10[%dma_wait3A_177, %dma_wait3A_180, %dma_wait3A_181] : memref<4x80x128xf32, #tpu.memory_space<vmem>> -> memref<1x80x128xf32, #tpu.memory_space<vmem>>
    %dma_wait3A_183 = tpu.memref_squeeze %dma_wait3A_182 : memref<1x80x128xf32, #tpu.memory_space<vmem>> -> memref<80x128xf32, #tpu.memory_space<vmem>>
    %dma_wait3A_184 = arith.constant 0 : i32
    %dma_wait3A_185 = tpu.memref_slice %arg9[%dma_wait3A_178, %dma_wait3A_179, %dma_wait3A_184] : memref<4x5x80xi32, #tpu.memory_space<vmem>> -> memref<1x1x80xi32, #tpu.memory_space<vmem>>
    %dma_wait3A_186 = tpu.memref_squeeze %dma_wait3A_185 : memref<1x1x80xi32, #tpu.memory_space<vmem>> -> memref<80xi32, #tpu.memory_space<vmem>>
    %dma_wait3A_187 = arith.constant 0 : i32
    %dma_wait3A_188 = arith.constant 0 : i32
    %dma_wait3A_189 = tpu.memref_slice %arg11[%dma_wait3A_187, %dma_wait3A_188] : memref<10000x128xf32, #tpu.memory_space<vmem_shared>> -> memref<10000x128xf32, #tpu.memory_space<vmem_shared>>
    tpu.wait_indirect_dma semaphore(%arg13 : memref<!tpu.dma_semaphore, #tpu.memory_space<semaphore_mem>>) src(%dma_wait3A_183 : memref<80x128xf32, #tpu.memory_space<vmem>>) dst(%dma_wait3A_189 : memref<10000x128xf32, #tpu.memory_space<vmem_shared>>)
    %barrier3A_190 = arith.constant 0 : index
    tpu.barrier barrier_id(%barrier3A_190)
    %eq3A_191 = arith.constant 0 : i32
    %eq3A_192 = arith.cmpi eq, %arg0, %eq3A_191 : i32
    %lt3A_193 = arith.constant 15 : i32
    %lt3A_194 = arith.cmpi slt, %arg1, %lt3A_193 : i32
    %and3A_195 = arith.andi %eq3A_192, %lt3A_194 : i1
    %convert_element_type3A_196 = arith.extui %and3A_195 : i1 to i32
    %cond3A_197 = arith.constant 0 : i32
    %cond3A_198 = arith.cmpi ne, %convert_element_type3A_196, %cond3A_197 : i32
    scf.if %cond3A_198 {
      %mul3A_223 = arith.constant 632 : i32
      %mul3A_224 = arith.muli %arg1, %mul3A_223 : i32
      %mul3A_225 = arith.constant 632 : i32
      %mul3A_226 = arith.muli %arg1, %mul3A_225 : i32
      "tpu.region"() ({
        %run_scoped3A = tpu.sem_alloc : memref<!tpu.dma_semaphore, #tpu.memory_space<semaphore_mem>>
        %dma_start3A_227 = arith.constant 0 : i32
        %dma_start3A_228 = tpu.memref_slice %arg6[%mul3A_226, %dma_start3A_227] : memref<10000x128xf32, #tpu.memory_space<hbm>> -> memref<632x128xf32, #tpu.memory_space<hbm>>
        %dma_start3A_229 = arith.constant 0 : i32
        %dma_start3A_230 = tpu.memref_slice %arg11[%mul3A_224, %dma_start3A_229] : memref<10000x128xf32, #tpu.memory_space<vmem_shared>> -> memref<632x128xf32, #tpu.memory_space<vmem_shared>>
        tpu.enqueue_dma source(%dma_start3A_230 : memref<632x128xf32, #tpu.memory_space<vmem_shared>>) target(%dma_start3A_228 : memref<632x128xf32, #tpu.memory_space<hbm>>) target_semaphore(%run_scoped3A : memref<!tpu.dma_semaphore, #tpu.memory_space<semaphore_mem>>)
        %dma_wait3A_231 = arith.constant 0 : i32
        %dma_wait3A_232 = tpu.memref_slice %arg6[%mul3A_226, %dma_wait3A_231] : memref<10000x128xf32, #tpu.memory_space<hbm>> -> memref<632x128xf32, #tpu.memory_space<hbm>>
        %dma_wait3A_233 = arith.constant 0 : i32
        %dma_wait3A_234 = tpu.memref_slice %arg11[%mul3A_224, %dma_wait3A_233] : memref<10000x128xf32, #tpu.memory_space<vmem_shared>> -> memref<632x128xf32, #tpu.memory_space<vmem_shared>>
        tpu.wait_dma2 semaphore(%run_scoped3A : memref<!tpu.dma_semaphore, #tpu.memory_space<semaphore_mem>>) src(%dma_wait3A_234 : memref<632x128xf32, #tpu.memory_space<vmem_shared>>) dst(%dma_wait3A_232 : memref<632x128xf32, #tpu.memory_space<hbm>>)
        tpu.yield
      }) : () -> ()
    } else {
    }
    %eq3A_199 = arith.constant 0 : i32
    %eq3A_200 = arith.cmpi eq, %arg0, %eq3A_199 : i32
    %eq3A_201 = arith.constant 15 : i32
    %eq3A_202 = arith.cmpi eq, %arg1, %eq3A_201 : i32
    %and3A_203 = arith.andi %eq3A_200, %eq3A_202 : i1
    %convert_element_type3A_204 = arith.extui %and3A_203 : i1 to i32
    %cond3A_205 = arith.constant 0 : i32
    %cond3A_206 = arith.cmpi ne, %convert_element_type3A_204, %cond3A_205 : i32
    scf.if %cond3A_206 {
      "tpu.region"() ({
        %run_scoped3A = tpu.sem_alloc : memref<!tpu.dma_semaphore, #tpu.memory_space<semaphore_mem>>
        %dma_start3A_223 = arith.constant 9480 : i32
        %dma_start3A_224 = arith.constant 0 : i32
        %dma_start3A_225 = tpu.memref_slice %arg6[%dma_start3A_223, %dma_start3A_224] : memref<10000x128xf32, #tpu.memory_space<hbm>> -> memref<520x128xf32, #tpu.memory_space<hbm>>
        %dma_start3A_226 = arith.constant 9480 : i32
        %dma_start3A_227 = arith.constant 0 : i32
        %dma_start3A_228 = tpu.memref_slice %arg11[%dma_start3A_226, %dma_start3A_227] : memref<10000x128xf32, #tpu.memory_space<vmem_shared>> -> memref<520x128xf32, #tpu.memory_space<vmem_shared>>
        tpu.enqueue_dma source(%dma_start3A_228 : memref<520x128xf32, #tpu.memory_space<vmem_shared>>) target(%dma_start3A_225 : memref<520x128xf32, #tpu.memory_space<hbm>>) target_semaphore(%run_scoped3A : memref<!tpu.dma_semaphore, #tpu.memory_space<semaphore_mem>>)
        %dma_wait3A_229 = arith.constant 9480 : i32
        %dma_wait3A_230 = arith.constant 0 : i32
        %dma_wait3A_231 = tpu.memref_slice %arg6[%dma_wait3A_229, %dma_wait3A_230] : memref<10000x128xf32, #tpu.memory_space<hbm>> -> memref<520x128xf32, #tpu.memory_space<hbm>>
        %dma_wait3A_232 = arith.constant 9480 : i32
        %dma_wait3A_233 = arith.constant 0 : i32
        %dma_wait3A_234 = tpu.memref_slice %arg11[%dma_wait3A_232, %dma_wait3A_233] : memref<10000x128xf32, #tpu.memory_space<vmem_shared>> -> memref<520x128xf32, #tpu.memory_space<vmem_shared>>
        tpu.wait_dma2 semaphore(%run_scoped3A : memref<!tpu.dma_semaphore, #tpu.memory_space<semaphore_mem>>) src(%dma_wait3A_234 : memref<520x128xf32, #tpu.memory_space<vmem_shared>>) dst(%dma_wait3A_231 : memref<520x128xf32, #tpu.memory_space<hbm>>)
        tpu.yield
      }) : () -> ()
    } else {
    }
    %eq3A_207 = arith.constant 1 : i32
    %eq3A_208 = arith.cmpi eq, %arg0, %eq3A_207 : i32
    %lt3A_209 = arith.constant 15 : i32
    %lt3A_210 = arith.cmpi slt, %arg1, %lt3A_209 : i32
    %and3A_211 = arith.andi %eq3A_208, %lt3A_210 : i1
    %convert_element_type3A_212 = arith.extui %and3A_211 : i1 to i32
    %cond3A_213 = arith.constant 0 : i32
    %cond3A_214 = arith.cmpi ne, %convert_element_type3A_212, %cond3A_213 : i32
    scf.if %cond3A_214 {
      %mul3A_223 = arith.constant 632 : i32
      %mul3A_224 = arith.muli %arg1, %mul3A_223 : i32
      %mul3A_225 = arith.constant 632 : i32
      %mul3A_226 = arith.muli %arg1, %mul3A_225 : i32
      "tpu.region"() ({
        %run_scoped3A = tpu.sem_alloc : memref<!tpu.dma_semaphore, #tpu.memory_space<semaphore_mem>>
        %dma_start3A_227 = arith.constant 0 : i32
        %dma_start3A_228 = tpu.memref_slice %arg7[%mul3A_226, %dma_start3A_227] : memref<10000x128xf32, #tpu.memory_space<hbm>> -> memref<632x128xf32, #tpu.memory_space<hbm>>
        %dma_start3A_229 = arith.constant 0 : i32
        %dma_start3A_230 = tpu.memref_slice %arg11[%mul3A_224, %dma_start3A_229] : memref<10000x128xf32, #tpu.memory_space<vmem_shared>> -> memref<632x128xf32, #tpu.memory_space<vmem_shared>>
        tpu.enqueue_dma source(%dma_start3A_230 : memref<632x128xf32, #tpu.memory_space<vmem_shared>>) target(%dma_start3A_228 : memref<632x128xf32, #tpu.memory_space<hbm>>) target_semaphore(%run_scoped3A : memref<!tpu.dma_semaphore, #tpu.memory_space<semaphore_mem>>)
        %dma_wait3A_231 = arith.constant 0 : i32
        %dma_wait3A_232 = tpu.memref_slice %arg7[%mul3A_226, %dma_wait3A_231] : memref<10000x128xf32, #tpu.memory_space<hbm>> -> memref<632x128xf32, #tpu.memory_space<hbm>>
        %dma_wait3A_233 = arith.constant 0 : i32
        %dma_wait3A_234 = tpu.memref_slice %arg11[%mul3A_224, %dma_wait3A_233] : memref<10000x128xf32, #tpu.memory_space<vmem_shared>> -> memref<632x128xf32, #tpu.memory_space<vmem_shared>>
        tpu.wait_dma2 semaphore(%run_scoped3A : memref<!tpu.dma_semaphore, #tpu.memory_space<semaphore_mem>>) src(%dma_wait3A_234 : memref<632x128xf32, #tpu.memory_space<vmem_shared>>) dst(%dma_wait3A_232 : memref<632x128xf32, #tpu.memory_space<hbm>>)
        tpu.yield
      }) : () -> ()
    } else {
    }
    %eq3A_215 = arith.constant 1 : i32
    %eq3A_216 = arith.cmpi eq, %arg0, %eq3A_215 : i32
    %eq3A_217 = arith.constant 15 : i32
    %eq3A_218 = arith.cmpi eq, %arg1, %eq3A_217 : i32
    %and3A_219 = arith.andi %eq3A_216, %eq3A_218 : i1
    %convert_element_type3A_220 = arith.extui %and3A_219 : i1 to i32
    %cond3A_221 = arith.constant 0 : i32
    %cond3A_222 = arith.cmpi ne, %convert_element_type3A_220, %cond3A_221 : i32
    scf.if %cond3A_222 {
      "tpu.region"() ({
        %run_scoped3A = tpu.sem_alloc : memref<!tpu.dma_semaphore, #tpu.memory_space<semaphore_mem>>
        %dma_start3A_223 = arith.constant 9480 : i32
        %dma_start3A_224 = arith.constant 0 : i32
        %dma_start3A_225 = tpu.memref_slice %arg7[%dma_start3A_223, %dma_start3A_224] : memref<10000x128xf32, #tpu.memory_space<hbm>> -> memref<520x128xf32, #tpu.memory_space<hbm>>
        %dma_start3A_226 = arith.constant 9480 : i32
        %dma_start3A_227 = arith.constant 0 : i32
        %dma_start3A_228 = tpu.memref_slice %arg11[%dma_start3A_226, %dma_start3A_227] : memref<10000x128xf32, #tpu.memory_space<vmem_shared>> -> memref<520x128xf32, #tpu.memory_space<vmem_shared>>
        tpu.enqueue_dma source(%dma_start3A_228 : memref<520x128xf32, #tpu.memory_space<vmem_shared>>) target(%dma_start3A_225 : memref<520x128xf32, #tpu.memory_space<hbm>>) target_semaphore(%run_scoped3A : memref<!tpu.dma_semaphore, #tpu.memory_space<semaphore_mem>>)
        %dma_wait3A_229 = arith.constant 9480 : i32
        %dma_wait3A_230 = arith.constant 0 : i32
        %dma_wait3A_231 = tpu.memref_slice %arg7[%dma_wait3A_229, %dma_wait3A_230] : memref<10000x128xf32, #tpu.memory_space<hbm>> -> memref<520x128xf32, #tpu.memory_space<hbm>>
        %dma_wait3A_232 = arith.constant 9480 : i32
        %dma_wait3A_233 = arith.constant 0 : i32
        %dma_wait3A_234 = tpu.memref_slice %arg11[%dma_wait3A_232, %dma_wait3A_233] : memref<10000x128xf32, #tpu.memory_space<vmem_shared>> -> memref<520x128xf32, #tpu.memory_space<vmem_shared>>
        tpu.wait_dma2 semaphore(%run_scoped3A : memref<!tpu.dma_semaphore, #tpu.memory_space<semaphore_mem>>) src(%dma_wait3A_234 : memref<520x128xf32, #tpu.memory_space<vmem_shared>>) dst(%dma_wait3A_231 : memref<520x128xf32, #tpu.memory_space<hbm>>)
        tpu.yield
      }) : () -> ()
    } else {
    }
    return
  }
}

#map = affine_map<(d0, d1) -> (0, 0)>
#map1 = affine_map<(d0, d1) -> (0, 0, 0, 0)>
module attributes {stable_mosaic.version = 14 : i64} {
  func.func @run(%arg0: i32, %arg1: i32, %arg2: memref<10000x128xf32, #tpu.memory_space<hbm>>, %arg3: memref<32x25x5x80xi32, #tpu.memory_space<hbm>>, %arg4: memref<32x25x5x80xi32, #tpu.memory_space<hbm>>, %arg5: memref<10000x128xf32, #tpu.memory_space<hbm>>, %arg6: memref<10000x128xf32, #tpu.memory_space<hbm>>, %arg7: memref<10000x128xf32, #tpu.memory_space<hbm>>, %arg8: memref<4x5x80xi32, #tpu.memory_space<vmem>>, %arg9: memref<4x5x80xi32, #tpu.memory_space<vmem>>, %arg10: memref<4x80x128xf32, #tpu.memory_space<vmem>>, %arg11: memref<10000x128xf32, #tpu.memory_space<vmem_shared>>, %arg12: memref<!tpu.dma_semaphore, #tpu.memory_space<semaphore_mem>>, %arg13: memref<!tpu.dma_semaphore, #tpu.memory_space<semaphore_mem>>, %arg14: memref<!tpu.dma_semaphore, #tpu.memory_space<semaphore_mem>>, %arg15: memref<!tpu.dma_semaphore, #tpu.memory_space<semaphore_mem>>, %arg16: memref<!tpu.dma_semaphore, #tpu.memory_space<semaphore_mem>>) attributes {dimension_semantics = [#tpu.dimension_semantics<core_parallel>, #tpu.dimension_semantics<subcore_parallel>], iteration_bounds = array<i64: 2, 16>, scalar_prefetch = 0 : i64, scratch_operands = 9 : i64, tpu.core_type = #tpu.core_type<sc_vector_subcore>, window_params = [{transform_indices = #map}, {transform_indices = #map1}, {transform_indices = #map1}, {transform_indices = #map}, {transform_indices = #map}, {transform_indices = #map}]} {
    %mul3A = arith.constant 16 : i32
    %mul3A_0 = arith.muli %arg0, %mul3A : i32
    %add3A = arith.addi %mul3A_0, %arg1 : i32
    %dma_start3A = arith.constant 0 : i32
    %dma_start3A_1 = arith.constant 0 : i32
    %dma_start3A_2 = arith.constant 0 : i32
    %dma_start3A_3 = arith.constant 0 : i32
    %dma_start3A_4 = tpu.memref_slice %arg8[%dma_start3A_1, %dma_start3A_2, %dma_start3A_3] : memref<4x5x80xi32, #tpu.memory_space<vmem>> -> memref<1x5x80xi32, #tpu.memory_space<vmem>>
    %dma_start3A_5 = tpu.memref_squeeze %dma_start3A_4 : memref<1x5x80xi32, #tpu.memory_space<vmem>> -> memref<5x80xi32, #tpu.memory_space<vmem>>
    %dma_start3A_6 = arith.constant 0 : i32
    %dma_start3A_7 = arith.constant 0 : i32
    %dma_start3A_8 = tpu.memref_slice %arg3[%add3A, %dma_start3A, %dma_start3A_6, %dma_start3A_7] : memref<32x25x5x80xi32, #tpu.memory_space<hbm>> -> memref<1x1x5x80xi32, #tpu.memory_space<hbm>>
    %dma_start3A_9 = tpu.memref_squeeze %dma_start3A_8 : memref<1x1x5x80xi32, #tpu.memory_space<hbm>> -> memref<5x80xi32, #tpu.memory_space<hbm>>
    %dma_start3A_10 = arith.constant 0 : i32
    %dma_start3A_11 = arith.constant 0 : i32
    %dma_start3A_12 = tpu.memref_slice %arg8[%dma_start3A_1, %dma_start3A_10, %dma_start3A_11] : memref<4x5x80xi32, #tpu.memory_space<vmem>> -> memref<1x5x80xi32, #tpu.memory_space<vmem>>
    %dma_start3A_13 = tpu.memref_squeeze %dma_start3A_12 : memref<1x5x80xi32, #tpu.memory_space<vmem>> -> memref<5x80xi32, #tpu.memory_space<vmem>>
    %dma_start3A_14 = arith.constant 0 : i32
    %dma_start3A_15 = arith.constant 0 : i32
    %dma_start3A_16 = tpu.memref_slice %arg3[%add3A, %dma_start3A, %dma_start3A_14, %dma_start3A_15] : memref<32x25x5x80xi32, #tpu.memory_space<hbm>> -> memref<1x1x5x80xi32, #tpu.memory_space<hbm>>
    %dma_start3A_17 = tpu.memref_squeeze %dma_start3A_16 : memref<1x1x5x80xi32, #tpu.memory_space<hbm>> -> memref<5x80xi32, #tpu.memory_space<hbm>>
    tpu.enqueue_dma source(%dma_start3A_17 : memref<5x80xi32, #tpu.memory_space<hbm>>) target(%dma_start3A_13 : memref<5x80xi32, #tpu.memory_space<vmem>>) target_semaphore(%arg14 : memref<!tpu.dma_semaphore, #tpu.memory_space<semaphore_mem>>)
    %dma_start3A_18 = arith.constant 0 : i32
    %dma_start3A_19 = arith.constant 0 : i32
    %dma_start3A_20 = arith.constant 0 : i32
    %dma_start3A_21 = arith.constant 0 : i32
    %dma_start3A_22 = tpu.memref_slice %arg9[%dma_start3A_19, %dma_start3A_20, %dma_start3A_21] : memref<4x5x80xi32, #tpu.memory_space<vmem>> -> memref<1x5x80xi32, #tpu.memory_space<vmem>>
    %dma_start3A_23 = tpu.memref_squeeze %dma_start3A_22 : memref<1x5x80xi32, #tpu.memory_space<vmem>> -> memref<5x80xi32, #tpu.memory_space<vmem>>
    %dma_start3A_24 = arith.constant 0 : i32
    %dma_start3A_25 = arith.constant 0 : i32
    %dma_start3A_26 = tpu.memref_slice %arg4[%add3A, %dma_start3A_18, %dma_start3A_24, %dma_start3A_25] : memref<32x25x5x80xi32, #tpu.memory_space<hbm>> -> memref<1x1x5x80xi32, #tpu.memory_space<hbm>>
    %dma_start3A_27 = tpu.memref_squeeze %dma_start3A_26 : memref<1x1x5x80xi32, #tpu.memory_space<hbm>> -> memref<5x80xi32, #tpu.memory_space<hbm>>
    %dma_start3A_28 = arith.constant 0 : i32
    %dma_start3A_29 = arith.constant 0 : i32
    %dma_start3A_30 = tpu.memref_slice %arg9[%dma_start3A_19, %dma_start3A_28, %dma_start3A_29] : memref<4x5x80xi32, #tpu.memory_space<vmem>> -> memref<1x5x80xi32, #tpu.memory_space<vmem>>
    %dma_start3A_31 = tpu.memref_squeeze %dma_start3A_30 : memref<1x5x80xi32, #tpu.memory_space<vmem>> -> memref<5x80xi32, #tpu.memory_space<vmem>>
    %dma_start3A_32 = arith.constant 0 : i32
    %dma_start3A_33 = arith.constant 0 : i32
    %dma_start3A_34 = tpu.memref_slice %arg4[%add3A, %dma_start3A_18, %dma_start3A_32, %dma_start3A_33] : memref<32x25x5x80xi32, #tpu.memory_space<hbm>> -> memref<1x1x5x80xi32, #tpu.memory_space<hbm>>
    %dma_start3A_35 = tpu.memref_squeeze %dma_start3A_34 : memref<1x1x5x80xi32, #tpu.memory_space<hbm>> -> memref<5x80xi32, #tpu.memory_space<hbm>>
    tpu.enqueue_dma source(%dma_start3A_35 : memref<5x80xi32, #tpu.memory_space<hbm>>) target(%dma_start3A_31 : memref<5x80xi32, #tpu.memory_space<vmem>>) target_semaphore(%arg15 : memref<!tpu.dma_semaphore, #tpu.memory_space<semaphore_mem>>)
    %lt3A = arith.constant 15 : i32
    %lt3A_36 = arith.cmpi slt, %arg1, %lt3A : i32
    %convert_element_type3A = arith.extui %lt3A_36 : i1 to i32
    %cond3A = arith.constant 0 : i32
    %cond3A_37 = arith.cmpi ne, %convert_element_type3A, %cond3A : i32
    scf.if %cond3A_37 {
      %mul3A_223 = arith.constant 632 : i32
      %mul3A_224 = arith.muli %arg1, %mul3A_223 : i32
      %mul3A_225 = arith.constant 632 : i32
      %mul3A_226 = arith.muli %arg1, %mul3A_225 : i32
      %dma_start3A_227 = arith.constant 0 : i32
      %dma_start3A_228 = tpu.memref_slice %arg11[%mul3A_226, %dma_start3A_227] : memref<10000x128xf32, #tpu.memory_space<vmem_shared>> -> memref<632x128xf32, #tpu.memory_space<vmem_shared>>
      %dma_start3A_229 = arith.constant 0 : i32
      %dma_start3A_230 = tpu.memref_slice %arg5[%mul3A_224, %dma_start3A_229] : memref<10000x128xf32, #tpu.memory_space<hbm>> -> memref<632x128xf32, #tpu.memory_space<hbm>>
      tpu.enqueue_dma source(%dma_start3A_230 : memref<632x128xf32, #tpu.memory_space<hbm>>) target(%dma_start3A_228 : memref<632x128xf32, #tpu.memory_space<vmem_shared>>) target_semaphore(%arg16 : memref<!tpu.dma_semaphore, #tpu.memory_space<semaphore_mem>>)
    } else {
    }
    %eq3A = arith.constant 15 : i32
    %eq3A_38 = arith.cmpi eq, %arg1, %eq3A : i32
    %convert_element_type3A_39 = arith.extui %eq3A_38 : i1 to i32
    %cond3A_40 = arith.constant 0 : i32
    %cond3A_41 = arith.cmpi ne, %convert_element_type3A_39, %cond3A_40 : i32
    scf.if %cond3A_41 {
      %dma_start3A_223 = arith.constant 9480 : i32
      %dma_start3A_224 = arith.constant 0 : i32
      %dma_start3A_225 = tpu.memref_slice %arg11[%dma_start3A_223, %dma_start3A_224] : memref<10000x128xf32, #tpu.memory_space<vmem_shared>> -> memref<520x128xf32, #tpu.memory_space<vmem_shared>>
      %dma_start3A_226 = arith.constant 9480 : i32
      %dma_start3A_227 = arith.constant 0 : i32
      %dma_start3A_228 = tpu.memref_slice %arg5[%dma_start3A_226, %dma_start3A_227] : memref<10000x128xf32, #tpu.memory_space<hbm>> -> memref<520x128xf32, #tpu.memory_space<hbm>>
      tpu.enqueue_dma source(%dma_start3A_228 : memref<520x128xf32, #tpu.memory_space<hbm>>) target(%dma_start3A_225 : memref<520x128xf32, #tpu.memory_space<vmem_shared>>) target_semaphore(%arg16 : memref<!tpu.dma_semaphore, #tpu.memory_space<semaphore_mem>>)
    } else {
    }
    %dma_wait3A = arith.constant 0 : i32
    %dma_wait3A_42 = arith.constant 0 : i32
    %dma_wait3A_43 = arith.constant 0 : i32
    %dma_wait3A_44 = arith.constant 0 : i32
    %dma_wait3A_45 = tpu.memref_slice %arg8[%dma_wait3A_42, %dma_wait3A_43, %dma_wait3A_44] : memref<4x5x80xi32, #tpu.memory_space<vmem>> -> memref<1x5x80xi32, #tpu.memory_space<vmem>>
    %dma_wait3A_46 = tpu.memref_squeeze %dma_wait3A_45 : memref<1x5x80xi32, #tpu.memory_space<vmem>> -> memref<5x80xi32, #tpu.memory_space<vmem>>
    %dma_wait3A_47 = arith.constant 0 : i32
    %dma_wait3A_48 = arith.constant 0 : i32
    %dma_wait3A_49 = tpu.memref_slice %arg3[%add3A, %dma_wait3A, %dma_wait3A_47, %dma_wait3A_48] : memref<32x25x5x80xi32, #tpu.memory_space<hbm>> -> memref<1x1x5x80xi32, #tpu.memory_space<hbm>>
    %dma_wait3A_50 = tpu.memref_squeeze %dma_wait3A_49 : memref<1x1x5x80xi32, #tpu.memory_space<hbm>> -> memref<5x80xi32, #tpu.memory_space<hbm>>
    %dma_wait3A_51 = arith.constant 0 : i32
    %dma_wait3A_52 = arith.constant 0 : i32
    %dma_wait3A_53 = tpu.memref_slice %arg8[%dma_wait3A_42, %dma_wait3A_51, %dma_wait3A_52] : memref<4x5x80xi32, #tpu.memory_space<vmem>> -> memref<1x5x80xi32, #tpu.memory_space<vmem>>
    %dma_wait3A_54 = tpu.memref_squeeze %dma_wait3A_53 : memref<1x5x80xi32, #tpu.memory_space<vmem>> -> memref<5x80xi32, #tpu.memory_space<vmem>>
    %dma_wait3A_55 = arith.constant 0 : i32
    %dma_wait3A_56 = arith.constant 0 : i32
    %dma_wait3A_57 = tpu.memref_slice %arg3[%add3A, %dma_wait3A, %dma_wait3A_55, %dma_wait3A_56] : memref<32x25x5x80xi32, #tpu.memory_space<hbm>> -> memref<1x1x5x80xi32, #tpu.memory_space<hbm>>
    %dma_wait3A_58 = tpu.memref_squeeze %dma_wait3A_57 : memref<1x1x5x80xi32, #tpu.memory_space<hbm>> -> memref<5x80xi32, #tpu.memory_space<hbm>>
    tpu.wait_dma2 semaphore(%arg14 : memref<!tpu.dma_semaphore, #tpu.memory_space<semaphore_mem>>) src(%dma_wait3A_58 : memref<5x80xi32, #tpu.memory_space<hbm>>) dst(%dma_wait3A_54 : memref<5x80xi32, #tpu.memory_space<vmem>>)
    %dma_wait3A_59 = arith.constant 0 : i32
    %dma_wait3A_60 = arith.constant 0 : i32
    %dma_wait3A_61 = arith.constant 0 : i32
    %dma_wait3A_62 = arith.constant 0 : i32
    %dma_wait3A_63 = tpu.memref_slice %arg9[%dma_wait3A_60, %dma_wait3A_61, %dma_wait3A_62] : memref<4x5x80xi32, #tpu.memory_space<vmem>> -> memref<1x5x80xi32, #tpu.memory_space<vmem>>
    %dma_wait3A_64 = tpu.memref_squeeze %dma_wait3A_63 : memref<1x5x80xi32, #tpu.memory_space<vmem>> -> memref<5x80xi32, #tpu.memory_space<vmem>>
    %dma_wait3A_65 = arith.constant 0 : i32
    %dma_wait3A_66 = arith.constant 0 : i32
    %dma_wait3A_67 = tpu.memref_slice %arg4[%add3A, %dma_wait3A_59, %dma_wait3A_65, %dma_wait3A_66] : memref<32x25x5x80xi32, #tpu.memory_space<hbm>> -> memref<1x1x5x80xi32, #tpu.memory_space<hbm>>
    %dma_wait3A_68 = tpu.memref_squeeze %dma_wait3A_67 : memref<1x1x5x80xi32, #tpu.memory_space<hbm>> -> memref<5x80xi32, #tpu.memory_space<hbm>>
    %dma_wait3A_69 = arith.constant 0 : i32
    %dma_wait3A_70 = arith.constant 0 : i32
    %dma_wait3A_71 = tpu.memref_slice %arg9[%dma_wait3A_60, %dma_wait3A_69, %dma_wait3A_70] : memref<4x5x80xi32, #tpu.memory_space<vmem>> -> memref<1x5x80xi32, #tpu.memory_space<vmem>>
    %dma_wait3A_72 = tpu.memref_squeeze %dma_wait3A_71 : memref<1x5x80xi32, #tpu.memory_space<vmem>> -> memref<5x80xi32, #tpu.memory_space<vmem>>
    %dma_wait3A_73 = arith.constant 0 : i32
    %dma_wait3A_74 = arith.constant 0 : i32
    %dma_wait3A_75 = tpu.memref_slice %arg4[%add3A, %dma_wait3A_59, %dma_wait3A_73, %dma_wait3A_74] : memref<32x25x5x80xi32, #tpu.memory_space<hbm>> -> memref<1x1x5x80xi32, #tpu.memory_space<hbm>>
    %dma_wait3A_76 = tpu.memref_squeeze %dma_wait3A_75 : memref<1x1x5x80xi32, #tpu.memory_space<hbm>> -> memref<5x80xi32, #tpu.memory_space<hbm>>
    tpu.wait_dma2 semaphore(%arg15 : memref<!tpu.dma_semaphore, #tpu.memory_space<semaphore_mem>>) src(%dma_wait3A_76 : memref<5x80xi32, #tpu.memory_space<hbm>>) dst(%dma_wait3A_72 : memref<5x80xi32, #tpu.memory_space<vmem>>)
    %dma_start3A_77 = arith.constant 0 : i32
    %dma_start3A_78 = arith.constant 0 : i32
    %dma_start3A_79 = arith.constant 0 : i32
    %dma_start3A_80 = arith.constant 0 : i32
    %dma_start3A_81 = arith.constant 0 : i32
    %dma_start3A_82 = tpu.memref_slice %arg10[%dma_start3A_79, %dma_start3A_80, %dma_start3A_81] : memref<4x80x128xf32, #tpu.memory_space<vmem>> -> memref<1x80x128xf32, #tpu.memory_space<vmem>>
    %dma_start3A_83 = tpu.memref_squeeze %dma_start3A_82 : memref<1x80x128xf32, #tpu.memory_space<vmem>> -> memref<80x128xf32, #tpu.memory_space<vmem>>
    %dma_start3A_84 = arith.constant 0 : i32
    %dma_start3A_85 = tpu.memref_slice %arg8[%dma_start3A_77, %dma_start3A_78, %dma_start3A_84] : memref<4x5x80xi32, #tpu.memory_space<vmem>> -> memref<1x1x80xi32, #tpu.memory_space<vmem>>
    %dma_start3A_86 = tpu.memref_squeeze %dma_start3A_85 : memref<1x1x80xi32, #tpu.memory_space<vmem>> -> memref<80xi32, #tpu.memory_space<vmem>>
    %dma_start3A_87 = arith.constant 0 : i32
    %dma_start3A_88 = arith.constant 0 : i32
    %dma_start3A_89 = tpu.memref_slice %arg2[%dma_start3A_87, %dma_start3A_88] : memref<10000x128xf32, #tpu.memory_space<hbm>> -> memref<10000x128xf32, #tpu.memory_space<hbm>>
    tpu.enqueue_indirect_dma source(%dma_start3A_89 : memref<10000x128xf32, #tpu.memory_space<hbm>>) target(%dma_start3A_83 : memref<80x128xf32, #tpu.memory_space<vmem>>) offsets(%dma_start3A_86 : memref<80xi32, #tpu.memory_space<vmem>>) semaphore(%arg12 : memref<!tpu.dma_semaphore, #tpu.memory_space<semaphore_mem>>)
    %dma_start3A_90 = arith.constant 0 : i32
    %dma_start3A_91 = arith.constant 1 : i32
    %dma_start3A_92 = arith.constant 1 : i32
    %dma_start3A_93 = arith.constant 0 : i32
    %dma_start3A_94 = arith.constant 0 : i32
    %dma_start3A_95 = tpu.memref_slice %arg10[%dma_start3A_92, %dma_start3A_93, %dma_start3A_94] : memref<4x80x128xf32, #tpu.memory_space<vmem>> -> memref<1x80x128xf32, #tpu.memory_space<vmem>>
    %dma_start3A_96 = tpu.memref_squeeze %dma_start3A_95 : memref<1x80x128xf32, #tpu.memory_space<vmem>> -> memref<80x128xf32, #tpu.memory_space<vmem>>
    %dma_start3A_97 = arith.constant 0 : i32
    %dma_start3A_98 = tpu.memref_slice %arg8[%dma_start3A_90, %dma_start3A_91, %dma_start3A_97] : memref<4x5x80xi32, #tpu.memory_space<vmem>> -> memref<1x1x80xi32, #tpu.memory_space<vmem>>
    %dma_start3A_99 = tpu.memref_squeeze %dma_start3A_98 : memref<1x1x80xi32, #tpu.memory_space<vmem>> -> memref<80xi32, #tpu.memory_space<vmem>>
    %dma_start3A_100 = arith.constant 0 : i32
    %dma_start3A_101 = arith.constant 0 : i32
    %dma_start3A_102 = tpu.memref_slice %arg2[%dma_start3A_100, %dma_start3A_101] : memref<10000x128xf32, #tpu.memory_space<hbm>> -> memref<10000x128xf32, #tpu.memory_space<hbm>>
    tpu.enqueue_indirect_dma source(%dma_start3A_102 : memref<10000x128xf32, #tpu.memory_space<hbm>>) target(%dma_start3A_96 : memref<80x128xf32, #tpu.memory_space<vmem>>) offsets(%dma_start3A_99 : memref<80xi32, #tpu.memory_space<vmem>>) semaphore(%arg12 : memref<!tpu.dma_semaphore, #tpu.memory_space<semaphore_mem>>)
    %lt3A_103 = arith.constant 15 : i32
    %lt3A_104 = arith.cmpi slt, %arg1, %lt3A_103 : i32
    %convert_element_type3A_105 = arith.extui %lt3A_104 : i1 to i32
    %cond3A_106 = arith.constant 0 : i32
    %cond3A_107 = arith.cmpi ne, %convert_element_type3A_105, %cond3A_106 : i32
    scf.if %cond3A_107 {
      %mul3A_223 = arith.constant 632 : i32
      %mul3A_224 = arith.muli %arg1, %mul3A_223 : i32
      %mul3A_225 = arith.constant 632 : i32
      %mul3A_226 = arith.muli %arg1, %mul3A_225 : i32
      %dma_wait3A_227 = arith.constant 0 : i32
      %dma_wait3A_228 = tpu.memref_slice %arg11[%mul3A_226, %dma_wait3A_227] : memref<10000x128xf32, #tpu.memory_space<vmem_shared>> -> memref<632x128xf32, #tpu.memory_space<vmem_shared>>
      %dma_wait3A_229 = arith.constant 0 : i32
      %dma_wait3A_230 = tpu.memref_slice %arg5[%mul3A_224, %dma_wait3A_229] : memref<10000x128xf32, #tpu.memory_space<hbm>> -> memref<632x128xf32, #tpu.memory_space<hbm>>
      tpu.wait_dma2 semaphore(%arg16 : memref<!tpu.dma_semaphore, #tpu.memory_space<semaphore_mem>>) src(%dma_wait3A_230 : memref<632x128xf32, #tpu.memory_space<hbm>>) dst(%dma_wait3A_228 : memref<632x128xf32, #tpu.memory_space<vmem_shared>>)
    } else {
    }
    %eq3A_108 = arith.constant 15 : i32
    %eq3A_109 = arith.cmpi eq, %arg1, %eq3A_108 : i32
    %convert_element_type3A_110 = arith.extui %eq3A_109 : i1 to i32
    %cond3A_111 = arith.constant 0 : i32
    %cond3A_112 = arith.cmpi ne, %convert_element_type3A_110, %cond3A_111 : i32
    scf.if %cond3A_112 {
      %dma_wait3A_223 = arith.constant 9480 : i32
      %dma_wait3A_224 = arith.constant 0 : i32
      %dma_wait3A_225 = tpu.memref_slice %arg11[%dma_wait3A_223, %dma_wait3A_224] : memref<10000x128xf32, #tpu.memory_space<vmem_shared>> -> memref<520x128xf32, #tpu.memory_space<vmem_shared>>
      %dma_wait3A_226 = arith.constant 9480 : i32
      %dma_wait3A_227 = arith.constant 0 : i32
      %dma_wait3A_228 = tpu.memref_slice %arg5[%dma_wait3A_226, %dma_wait3A_227] : memref<10000x128xf32, #tpu.memory_space<hbm>> -> memref<520x128xf32, #tpu.memory_space<hbm>>
      tpu.wait_dma2 semaphore(%arg16 : memref<!tpu.dma_semaphore, #tpu.memory_space<semaphore_mem>>) src(%dma_wait3A_228 : memref<520x128xf32, #tpu.memory_space<hbm>>) dst(%dma_wait3A_225 : memref<520x128xf32, #tpu.memory_space<vmem_shared>>)
    } else {
    }
    %barrier3A = arith.constant 0 : index
    tpu.barrier barrier_id(%barrier3A)
    %scan3A = arith.constant 0 : i32
    %scan3A_113 = arith.constant 0 : i32
    %scan3A_114 = arith.constant 31 : i32
    %scan3A_115 = arith.addi %scan3A_113, %scan3A_114 : i32
    %scan3A_116 = arith.constant 1 : i32
    scf.for %scan3A_223 = %scan3A_113 to %scan3A_115 step %scan3A_116  : i32 {
      %mul3A_224 = arith.constant 4 : i32
      %mul3A_225 = arith.muli %mul3A_224, %scan3A_223 : i32
      %add3A_226 = arith.constant 0 : i32
      %add3A_227 = arith.addi %mul3A_225, %add3A_226 : i32
      %jit3A = arith.constant 5 : i32
      %div3A = arith.divsi %add3A_227, %jit3A : i32
      %sign3A = arith.constant 0 : i32
      %sign3A_228 = arith.cmpi sgt, %add3A_227, %sign3A : i32
      %sign3A_229 = arith.extui %sign3A_228 : i1 to i32
      %sign3A_230 = arith.constant 0 : i32
      %sign3A_231 = arith.cmpi slt, %add3A_227, %sign3A_230 : i32
      %sign3A_232 = arith.extui %sign3A_231 : i1 to i32
      %sign3A_233 = arith.subi %sign3A_229, %sign3A_232 : i32
      %sign3A_234 = arith.constant 0 : i32
      %sign3A_235 = arith.cmpi sgt, %jit3A, %sign3A_234 : i32
      %sign3A_236 = arith.extui %sign3A_235 : i1 to i32
      %sign3A_237 = arith.constant 0 : i32
      %sign3A_238 = arith.cmpi slt, %jit3A, %sign3A_237 : i32
      %sign3A_239 = arith.extui %sign3A_238 : i1 to i32
      %sign3A_240 = arith.subi %sign3A_236, %sign3A_239 : i32
      %ne3A = arith.cmpi ne, %sign3A_233, %sign3A_240 : i32
      %rem3A = arith.remsi %add3A_227, %jit3A : i32
      %ne3A_241 = arith.constant 0 : i32
      %ne3A_242 = arith.cmpi ne, %rem3A, %ne3A_241 : i32
      %and3A_243 = arith.andi %ne3A, %ne3A_242 : i1
      %sub3A = arith.constant 1 : i32
      %sub3A_244 = arith.subi %div3A, %sub3A : i32
      %select_n3A = arith.select %and3A_243, %sub3A_244, %div3A : i32
      %mul3A_245 = arith.constant 5 : i32
      %mul3A_246 = arith.muli %select_n3A, %mul3A_245 : i32
      %sub3A_247 = arith.subi %add3A_227, %mul3A_246 : i32
      %rem3A_248 = arith.constant 4 : i32
      %rem3A_249 = arith.remsi %select_n3A, %rem3A_248 : i32
      %ge3A = arith.constant 2 : i32
      %ge3A_250 = arith.cmpi sge, %add3A_227, %ge3A : i32
      %convert_element_type3A_251 = arith.extui %ge3A_250 : i1 to i32
      %cond3A_252 = arith.constant 0 : i32
      %cond3A_253 = arith.cmpi ne, %convert_element_type3A_251, %cond3A_252 : i32
      scf.if %cond3A_253 {
        %sub3A_524 = arith.constant 2 : i32
        %sub3A_525 = arith.subi %add3A_227, %sub3A_524 : i32
        %jit3A_526 = arith.constant 5 : i32
        %div3A_527 = arith.divsi %sub3A_525, %jit3A_526 : i32
        %sign3A_528 = arith.constant 0 : i32
        %sign3A_529 = arith.cmpi sgt, %sub3A_525, %sign3A_528 : i32
        %sign3A_530 = arith.extui %sign3A_529 : i1 to i32
        %sign3A_531 = arith.constant 0 : i32
        %sign3A_532 = arith.cmpi slt, %sub3A_525, %sign3A_531 : i32
        %sign3A_533 = arith.extui %sign3A_532 : i1 to i32
        %sign3A_534 = arith.subi %sign3A_530, %sign3A_533 : i32
        %sign3A_535 = arith.constant 0 : i32
        %sign3A_536 = arith.cmpi sgt, %jit3A_526, %sign3A_535 : i32
        %sign3A_537 = arith.extui %sign3A_536 : i1 to i32
        %sign3A_538 = arith.constant 0 : i32
        %sign3A_539 = arith.cmpi slt, %jit3A_526, %sign3A_538 : i32
        %sign3A_540 = arith.extui %sign3A_539 : i1 to i32
        %sign3A_541 = arith.subi %sign3A_537, %sign3A_540 : i32
        %ne3A_542 = arith.cmpi ne, %sign3A_534, %sign3A_541 : i32
        %rem3A_543 = arith.remsi %sub3A_525, %jit3A_526 : i32
        %ne3A_544 = arith.constant 0 : i32
        %ne3A_545 = arith.cmpi ne, %rem3A_543, %ne3A_544 : i32
        %and3A_546 = arith.andi %ne3A_542, %ne3A_545 : i1
        %sub3A_547 = arith.constant 1 : i32
        %sub3A_548 = arith.subi %div3A_527, %sub3A_547 : i32
        %select_n3A_549 = arith.select %and3A_546, %sub3A_548, %div3A_527 : i32
        %mul3A_550 = arith.constant 5 : i32
        %mul3A_551 = arith.muli %select_n3A_549, %mul3A_550 : i32
        %sub3A_552 = arith.subi %sub3A_525, %mul3A_551 : i32
        %rem3A_553 = arith.constant 4 : i32
        %rem3A_554 = arith.remsi %select_n3A_549, %rem3A_553 : i32
        %dma_wait3A_555 = arith.constant 2 : i32
        %dma_wait3A_556 = arith.constant 0 : i32
        %dma_wait3A_557 = arith.constant 0 : i32
        %dma_wait3A_558 = tpu.memref_slice %arg10[%dma_wait3A_555, %dma_wait3A_556, %dma_wait3A_557] : memref<4x80x128xf32, #tpu.memory_space<vmem>> -> memref<1x80x128xf32, #tpu.memory_space<vmem>>
        %dma_wait3A_559 = tpu.memref_squeeze %dma_wait3A_558 : memref<1x80x128xf32, #tpu.memory_space<vmem>> -> memref<80x128xf32, #tpu.memory_space<vmem>>
        %dma_wait3A_560 = arith.constant 0 : i32
        %dma_wait3A_561 = tpu.memref_slice %arg9[%rem3A_554, %sub3A_552, %dma_wait3A_560] : memref<4x5x80xi32, #tpu.memory_space<vmem>> -> memref<1x1x80xi32, #tpu.memory_space<vmem>>
        %dma_wait3A_562 = tpu.memref_squeeze %dma_wait3A_561 : memref<1x1x80xi32, #tpu.memory_space<vmem>> -> memref<80xi32, #tpu.memory_space<vmem>>
        %dma_wait3A_563 = arith.constant 0 : i32
        %dma_wait3A_564 = arith.constant 0 : i32
        %dma_wait3A_565 = tpu.memref_slice %arg11[%dma_wait3A_563, %dma_wait3A_564] : memref<10000x128xf32, #tpu.memory_space<vmem_shared>> -> memref<10000x128xf32, #tpu.memory_space<vmem_shared>>
        tpu.wait_indirect_dma semaphore(%arg13 : memref<!tpu.dma_semaphore, #tpu.memory_space<semaphore_mem>>) src(%dma_wait3A_559 : memref<80x128xf32, #tpu.memory_space<vmem>>) dst(%dma_wait3A_565 : memref<10000x128xf32, #tpu.memory_space<vmem_shared>>)
      } else {
      }
      %eq3A_254 = arith.constant 0 : i32
      %eq3A_255 = arith.cmpi eq, %sub3A_247, %eq3A_254 : i32
      %add3A_256 = arith.constant 1 : i32
      %add3A_257 = arith.addi %select_n3A, %add3A_256 : i32
      %lt3A_258 = arith.constant 25 : i32
      %lt3A_259 = arith.cmpi slt, %add3A_257, %lt3A_258 : i32
      %and3A_260 = arith.andi %eq3A_255, %lt3A_259 : i1
      %convert_element_type3A_261 = arith.extui %and3A_260 : i1 to i32
      %cond3A_262 = arith.constant 0 : i32
      %cond3A_263 = arith.cmpi ne, %convert_element_type3A_261, %cond3A_262 : i32
      scf.if %cond3A_263 {
        %add3A_524 = arith.constant 1 : i32
        %add3A_525 = arith.addi %select_n3A, %add3A_524 : i32
        %rem3A_526 = arith.constant 4 : i32
        %rem3A_527 = arith.remsi %add3A_525, %rem3A_526 : i32
        %add3A_528 = arith.constant 1 : i32
        %add3A_529 = arith.addi %select_n3A, %add3A_528 : i32
        %dma_start3A_530 = arith.constant 0 : i32
        %dma_start3A_531 = arith.constant 0 : i32
        %dma_start3A_532 = tpu.memref_slice %arg8[%rem3A_527, %dma_start3A_530, %dma_start3A_531] : memref<4x5x80xi32, #tpu.memory_space<vmem>> -> memref<1x5x80xi32, #tpu.memory_space<vmem>>
        %dma_start3A_533 = tpu.memref_squeeze %dma_start3A_532 : memref<1x5x80xi32, #tpu.memory_space<vmem>> -> memref<5x80xi32, #tpu.memory_space<vmem>>
        %dma_start3A_534 = arith.constant 0 : i32
        %dma_start3A_535 = arith.constant 0 : i32
        %dma_start3A_536 = tpu.memref_slice %arg3[%add3A, %add3A_529, %dma_start3A_534, %dma_start3A_535] : memref<32x25x5x80xi32, #tpu.memory_space<hbm>> -> memref<1x1x5x80xi32, #tpu.memory_space<hbm>>
        %dma_start3A_537 = tpu.memref_squeeze %dma_start3A_536 : memref<1x1x5x80xi32, #tpu.memory_space<hbm>> -> memref<5x80xi32, #tpu.memory_space<hbm>>
        %dma_start3A_538 = arith.constant 0 : i32
        %dma_start3A_539 = arith.constant 0 : i32
        %dma_start3A_540 = tpu.memref_slice %arg8[%rem3A_527, %dma_start3A_538, %dma_start3A_539] : memref<4x5x80xi32, #tpu.memory_space<vmem>> -> memref<1x5x80xi32, #tpu.memory_space<vmem>>
        %dma_start3A_541 = tpu.memref_squeeze %dma_start3A_540 : memref<1x5x80xi32, #tpu.memory_space<vmem>> -> memref<5x80xi32, #tpu.memory_space<vmem>>
        %dma_start3A_542 = arith.constant 0 : i32
        %dma_start3A_543 = arith.constant 0 : i32
        %dma_start3A_544 = tpu.memref_slice %arg3[%add3A, %add3A_529, %dma_start3A_542, %dma_start3A_543] : memref<32x25x5x80xi32, #tpu.memory_space<hbm>> -> memref<1x1x5x80xi32, #tpu.memory_space<hbm>>
        %dma_start3A_545 = tpu.memref_squeeze %dma_start3A_544 : memref<1x1x5x80xi32, #tpu.memory_space<hbm>> -> memref<5x80xi32, #tpu.memory_space<hbm>>
        tpu.enqueue_dma source(%dma_start3A_545 : memref<5x80xi32, #tpu.memory_space<hbm>>) target(%dma_start3A_541 : memref<5x80xi32, #tpu.memory_space<vmem>>) target_semaphore(%arg14 : memref<!tpu.dma_semaphore, #tpu.memory_space<semaphore_mem>>)
        %add3A_546 = arith.constant 1 : i32
        %add3A_547 = arith.addi %select_n3A, %add3A_546 : i32
        %dma_start3A_548 = arith.constant 0 : i32
        %dma_start3A_549 = arith.constant 0 : i32
        %dma_start3A_550 = tpu.memref_slice %arg9[%rem3A_527, %dma_start3A_548, %dma_start3A_549] : memref<4x5x80xi32, #tpu.memory_space<vmem>> -> memref<1x5x80xi32, #tpu.memory_space<vmem>>
        %dma_start3A_551 = tpu.memref_squeeze %dma_start3A_550 : memref<1x5x80xi32, #tpu.memory_space<vmem>> -> memref<5x80xi32, #tpu.memory_space<vmem>>
        %dma_start3A_552 = arith.constant 0 : i32
        %dma_start3A_553 = arith.constant 0 : i32
        %dma_start3A_554 = tpu.memref_slice %arg4[%add3A, %add3A_547, %dma_start3A_552, %dma_start3A_553] : memref<32x25x5x80xi32, #tpu.memory_space<hbm>> -> memref<1x1x5x80xi32, #tpu.memory_space<hbm>>
        %dma_start3A_555 = tpu.memref_squeeze %dma_start3A_554 : memref<1x1x5x80xi32, #tpu.memory_space<hbm>> -> memref<5x80xi32, #tpu.memory_space<hbm>>
        %dma_start3A_556 = arith.constant 0 : i32
        %dma_start3A_557 = arith.constant 0 : i32
        %dma_start3A_558 = tpu.memref_slice %arg9[%rem3A_527, %dma_start3A_556, %dma_start3A_557] : memref<4x5x80xi32, #tpu.memory_space<vmem>> -> memref<1x5x80xi32, #tpu.memory_space<vmem>>
        %dma_start3A_559 = tpu.memref_squeeze %dma_start3A_558 : memref<1x5x80xi32, #tpu.memory_space<vmem>> -> memref<5x80xi32, #tpu.memory_space<vmem>>
        %dma_start3A_560 = arith.constant 0 : i32
        %dma_start3A_561 = arith.constant 0 : i32
        %dma_start3A_562 = tpu.memref_slice %arg4[%add3A, %add3A_547, %dma_start3A_560, %dma_start3A_561] : memref<32x25x5x80xi32, #tpu.memory_space<hbm>> -> memref<1x1x5x80xi32, #tpu.memory_space<hbm>>
        %dma_start3A_563 = tpu.memref_squeeze %dma_start3A_562 : memref<1x1x5x80xi32, #tpu.memory_space<hbm>> -> memref<5x80xi32, #tpu.memory_space<hbm>>
        tpu.enqueue_dma source(%dma_start3A_563 : memref<5x80xi32, #tpu.memory_space<hbm>>) target(%dma_start3A_559 : memref<5x80xi32, #tpu.memory_space<vmem>>) target_semaphore(%arg15 : memref<!tpu.dma_semaphore, #tpu.memory_space<semaphore_mem>>)
      } else {
      }
      %add3A_264 = arith.constant 2 : i32
      %add3A_265 = arith.addi %add3A_227, %add3A_264 : i32
      %lt3A_266 = arith.constant 125 : i32
      %lt3A_267 = arith.cmpi slt, %add3A_265, %lt3A_266 : i32
      %convert_element_type3A_268 = arith.extui %lt3A_267 : i1 to i32
      %cond3A_269 = arith.constant 0 : i32
      %cond3A_270 = arith.cmpi ne, %convert_element_type3A_268, %cond3A_269 : i32
      scf.if %cond3A_270 {
        %add3A_524 = arith.constant 2 : i32
        %add3A_525 = arith.addi %add3A_227, %add3A_524 : i32
        %jit3A_526 = arith.constant 5 : i32
        %div3A_527 = arith.divsi %add3A_525, %jit3A_526 : i32
        %sign3A_528 = arith.constant 0 : i32
        %sign3A_529 = arith.cmpi sgt, %add3A_525, %sign3A_528 : i32
        %sign3A_530 = arith.extui %sign3A_529 : i1 to i32
        %sign3A_531 = arith.constant 0 : i32
        %sign3A_532 = arith.cmpi slt, %add3A_525, %sign3A_531 : i32
        %sign3A_533 = arith.extui %sign3A_532 : i1 to i32
        %sign3A_534 = arith.subi %sign3A_530, %sign3A_533 : i32
        %sign3A_535 = arith.constant 0 : i32
        %sign3A_536 = arith.cmpi sgt, %jit3A_526, %sign3A_535 : i32
        %sign3A_537 = arith.extui %sign3A_536 : i1 to i32
        %sign3A_538 = arith.constant 0 : i32
        %sign3A_539 = arith.cmpi slt, %jit3A_526, %sign3A_538 : i32
        %sign3A_540 = arith.extui %sign3A_539 : i1 to i32
        %sign3A_541 = arith.subi %sign3A_537, %sign3A_540 : i32
        %ne3A_542 = arith.cmpi ne, %sign3A_534, %sign3A_541 : i32
        %rem3A_543 = arith.remsi %add3A_525, %jit3A_526 : i32
        %ne3A_544 = arith.constant 0 : i32
        %ne3A_545 = arith.cmpi ne, %rem3A_543, %ne3A_544 : i32
        %and3A_546 = arith.andi %ne3A_542, %ne3A_545 : i1
        %sub3A_547 = arith.constant 1 : i32
        %sub3A_548 = arith.subi %div3A_527, %sub3A_547 : i32
        %select_n3A_549 = arith.select %and3A_546, %sub3A_548, %div3A_527 : i32
        %mul3A_550 = arith.constant 5 : i32
        %mul3A_551 = arith.muli %select_n3A_549, %mul3A_550 : i32
        %sub3A_552 = arith.subi %add3A_525, %mul3A_551 : i32
        %rem3A_553 = arith.constant 4 : i32
        %rem3A_554 = arith.remsi %select_n3A_549, %rem3A_553 : i32
        %eq3A_555 = arith.constant 0 : i32
        %eq3A_556 = arith.cmpi eq, %sub3A_552, %eq3A_555 : i32
        %convert_element_type3A_557 = arith.extui %eq3A_556 : i1 to i32
        %cond3A_558 = arith.constant 0 : i32
        %cond3A_559 = arith.cmpi ne, %convert_element_type3A_557, %cond3A_558 : i32
        scf.if %cond3A_559 {
          %dma_wait3A_571 = arith.constant 0 : i32
          %dma_wait3A_572 = arith.constant 0 : i32
          %dma_wait3A_573 = tpu.memref_slice %arg8[%rem3A_554, %dma_wait3A_571, %dma_wait3A_572] : memref<4x5x80xi32, #tpu.memory_space<vmem>> -> memref<1x5x80xi32, #tpu.memory_space<vmem>>
          %dma_wait3A_574 = tpu.memref_squeeze %dma_wait3A_573 : memref<1x5x80xi32, #tpu.memory_space<vmem>> -> memref<5x80xi32, #tpu.memory_space<vmem>>
          %dma_wait3A_575 = arith.constant 0 : i32
          %dma_wait3A_576 = arith.constant 0 : i32
          %dma_wait3A_577 = tpu.memref_slice %arg3[%add3A, %select_n3A_549, %dma_wait3A_575, %dma_wait3A_576] : memref<32x25x5x80xi32, #tpu.memory_space<hbm>> -> memref<1x1x5x80xi32, #tpu.memory_space<hbm>>
          %dma_wait3A_578 = tpu.memref_squeeze %dma_wait3A_577 : memref<1x1x5x80xi32, #tpu.memory_space<hbm>> -> memref<5x80xi32, #tpu.memory_space<hbm>>
          %dma_wait3A_579 = arith.constant 0 : i32
          %dma_wait3A_580 = arith.constant 0 : i32
          %dma_wait3A_581 = tpu.memref_slice %arg8[%rem3A_554, %dma_wait3A_579, %dma_wait3A_580] : memref<4x5x80xi32, #tpu.memory_space<vmem>> -> memref<1x5x80xi32, #tpu.memory_space<vmem>>
          %dma_wait3A_582 = tpu.memref_squeeze %dma_wait3A_581 : memref<1x5x80xi32, #tpu.memory_space<vmem>> -> memref<5x80xi32, #tpu.memory_space<vmem>>
          %dma_wait3A_583 = arith.constant 0 : i32
          %dma_wait3A_584 = arith.constant 0 : i32
          %dma_wait3A_585 = tpu.memref_slice %arg3[%add3A, %select_n3A_549, %dma_wait3A_583, %dma_wait3A_584] : memref<32x25x5x80xi32, #tpu.memory_space<hbm>> -> memref<1x1x5x80xi32, #tpu.memory_space<hbm>>
          %dma_wait3A_586 = tpu.memref_squeeze %dma_wait3A_585 : memref<1x1x5x80xi32, #tpu.memory_space<hbm>> -> memref<5x80xi32, #tpu.memory_space<hbm>>
          tpu.wait_dma2 semaphore(%arg14 : memref<!tpu.dma_semaphore, #tpu.memory_space<semaphore_mem>>) src(%dma_wait3A_586 : memref<5x80xi32, #tpu.memory_space<hbm>>) dst(%dma_wait3A_582 : memref<5x80xi32, #tpu.memory_space<vmem>>)
          %dma_wait3A_587 = arith.constant 0 : i32
          %dma_wait3A_588 = arith.constant 0 : i32
          %dma_wait3A_589 = tpu.memref_slice %arg9[%rem3A_554, %dma_wait3A_587, %dma_wait3A_588] : memref<4x5x80xi32, #tpu.memory_space<vmem>> -> memref<1x5x80xi32, #tpu.memory_space<vmem>>
          %dma_wait3A_590 = tpu.memref_squeeze %dma_wait3A_589 : memref<1x5x80xi32, #tpu.memory_space<vmem>> -> memref<5x80xi32, #tpu.memory_space<vmem>>
          %dma_wait3A_591 = arith.constant 0 : i32
          %dma_wait3A_592 = arith.constant 0 : i32
          %dma_wait3A_593 = tpu.memref_slice %arg4[%add3A, %select_n3A_549, %dma_wait3A_591, %dma_wait3A_592] : memref<32x25x5x80xi32, #tpu.memory_space<hbm>> -> memref<1x1x5x80xi32, #tpu.memory_space<hbm>>
          %dma_wait3A_594 = tpu.memref_squeeze %dma_wait3A_593 : memref<1x1x5x80xi32, #tpu.memory_space<hbm>> -> memref<5x80xi32, #tpu.memory_space<hbm>>
          %dma_wait3A_595 = arith.constant 0 : i32
          %dma_wait3A_596 = arith.constant 0 : i32
          %dma_wait3A_597 = tpu.memref_slice %arg9[%rem3A_554, %dma_wait3A_595, %dma_wait3A_596] : memref<4x5x80xi32, #tpu.memory_space<vmem>> -> memref<1x5x80xi32, #tpu.memory_space<vmem>>
          %dma_wait3A_598 = tpu.memref_squeeze %dma_wait3A_597 : memref<1x5x80xi32, #tpu.memory_space<vmem>> -> memref<5x80xi32, #tpu.memory_space<vmem>>
          %dma_wait3A_599 = arith.constant 0 : i32
          %dma_wait3A_600 = arith.constant 0 : i32
          %dma_wait3A_601 = tpu.memref_slice %arg4[%add3A, %select_n3A_549, %dma_wait3A_599, %dma_wait3A_600] : memref<32x25x5x80xi32, #tpu.memory_space<hbm>> -> memref<1x1x5x80xi32, #tpu.memory_space<hbm>>
          %dma_wait3A_602 = tpu.memref_squeeze %dma_wait3A_601 : memref<1x1x5x80xi32, #tpu.memory_space<hbm>> -> memref<5x80xi32, #tpu.memory_space<hbm>>
          tpu.wait_dma2 semaphore(%arg15 : memref<!tpu.dma_semaphore, #tpu.memory_space<semaphore_mem>>) src(%dma_wait3A_602 : memref<5x80xi32, #tpu.memory_space<hbm>>) dst(%dma_wait3A_598 : memref<5x80xi32, #tpu.memory_space<vmem>>)
        } else {
        }
        %dma_start3A_560 = arith.constant 2 : i32
        %dma_start3A_561 = arith.constant 0 : i32
        %dma_start3A_562 = arith.constant 0 : i32
        %dma_start3A_563 = tpu.memref_slice %arg10[%dma_start3A_560, %dma_start3A_561, %dma_start3A_562] : memref<4x80x128xf32, #tpu.memory_space<vmem>> -> memref<1x80x128xf32, #tpu.memory_space<vmem>>
        %dma_start3A_564 = tpu.memref_squeeze %dma_start3A_563 : memref<1x80x128xf32, #tpu.memory_space<vmem>> -> memref<80x128xf32, #tpu.memory_space<vmem>>
        %dma_start3A_565 = arith.constant 0 : i32
        %dma_start3A_566 = tpu.memref_slice %arg8[%rem3A_554, %sub3A_552, %dma_start3A_565] : memref<4x5x80xi32, #tpu.memory_space<vmem>> -> memref<1x1x80xi32, #tpu.memory_space<vmem>>
        %dma_start3A_567 = tpu.memref_squeeze %dma_start3A_566 : memref<1x1x80xi32, #tpu.memory_space<vmem>> -> memref<80xi32, #tpu.memory_space<vmem>>
        %dma_start3A_568 = arith.constant 0 : i32
        %dma_start3A_569 = arith.constant 0 : i32
        %dma_start3A_570 = tpu.memref_slice %arg2[%dma_start3A_568, %dma_start3A_569] : memref<10000x128xf32, #tpu.memory_space<hbm>> -> memref<10000x128xf32, #tpu.memory_space<hbm>>
        tpu.enqueue_indirect_dma source(%dma_start3A_570 : memref<10000x128xf32, #tpu.memory_space<hbm>>) target(%dma_start3A_564 : memref<80x128xf32, #tpu.memory_space<vmem>>) offsets(%dma_start3A_567 : memref<80xi32, #tpu.memory_space<vmem>>) semaphore(%arg12 : memref<!tpu.dma_semaphore, #tpu.memory_space<semaphore_mem>>)
      } else {
      }
      %dma_wait3A_271 = arith.constant 0 : i32
      %dma_wait3A_272 = arith.constant 0 : i32
      %dma_wait3A_273 = arith.constant 0 : i32
      %dma_wait3A_274 = tpu.memref_slice %arg10[%dma_wait3A_271, %dma_wait3A_272, %dma_wait3A_273] : memref<4x80x128xf32, #tpu.memory_space<vmem>> -> memref<1x80x128xf32, #tpu.memory_space<vmem>>
      %dma_wait3A_275 = tpu.memref_squeeze %dma_wait3A_274 : memref<1x80x128xf32, #tpu.memory_space<vmem>> -> memref<80x128xf32, #tpu.memory_space<vmem>>
      %dma_wait3A_276 = arith.constant 0 : i32
      %dma_wait3A_277 = tpu.memref_slice %arg8[%rem3A_249, %sub3A_247, %dma_wait3A_276] : memref<4x5x80xi32, #tpu.memory_space<vmem>> -> memref<1x1x80xi32, #tpu.memory_space<vmem>>
      %dma_wait3A_278 = tpu.memref_squeeze %dma_wait3A_277 : memref<1x1x80xi32, #tpu.memory_space<vmem>> -> memref<80xi32, #tpu.memory_space<vmem>>
      %dma_wait3A_279 = arith.constant 0 : i32
      %dma_wait3A_280 = arith.constant 0 : i32
      %dma_wait3A_281 = tpu.memref_slice %arg2[%dma_wait3A_279, %dma_wait3A_280] : memref<10000x128xf32, #tpu.memory_space<hbm>> -> memref<10000x128xf32, #tpu.memory_space<hbm>>
      tpu.wait_indirect_dma semaphore(%arg12 : memref<!tpu.dma_semaphore, #tpu.memory_space<semaphore_mem>>) src(%dma_wait3A_281 : memref<10000x128xf32, #tpu.memory_space<hbm>>) dst(%dma_wait3A_275 : memref<80x128xf32, #tpu.memory_space<vmem>>)
      %dma_start3A_282 = arith.constant 0 : i32
      %dma_start3A_283 = arith.constant 0 : i32
      %dma_start3A_284 = arith.constant 0 : i32
      %dma_start3A_285 = tpu.memref_slice %arg10[%dma_start3A_282, %dma_start3A_283, %dma_start3A_284] : memref<4x80x128xf32, #tpu.memory_space<vmem>> -> memref<1x80x128xf32, #tpu.memory_space<vmem>>
      %dma_start3A_286 = tpu.memref_squeeze %dma_start3A_285 : memref<1x80x128xf32, #tpu.memory_space<vmem>> -> memref<80x128xf32, #tpu.memory_space<vmem>>
      %dma_start3A_287 = arith.constant 0 : i32
      %dma_start3A_288 = tpu.memref_slice %arg9[%rem3A_249, %sub3A_247, %dma_start3A_287] : memref<4x5x80xi32, #tpu.memory_space<vmem>> -> memref<1x1x80xi32, #tpu.memory_space<vmem>>
      %dma_start3A_289 = tpu.memref_squeeze %dma_start3A_288 : memref<1x1x80xi32, #tpu.memory_space<vmem>> -> memref<80xi32, #tpu.memory_space<vmem>>
      %dma_start3A_290 = arith.constant 0 : i32
      %dma_start3A_291 = arith.constant 0 : i32
      %dma_start3A_292 = tpu.memref_slice %arg11[%dma_start3A_290, %dma_start3A_291] : memref<10000x128xf32, #tpu.memory_space<vmem_shared>> -> memref<10000x128xf32, #tpu.memory_space<vmem_shared>>
      tpu.enqueue_indirect_dma source(%dma_start3A_286 : memref<80x128xf32, #tpu.memory_space<vmem>>) target(%dma_start3A_292 : memref<10000x128xf32, #tpu.memory_space<vmem_shared>>) offsets(%dma_start3A_289 : memref<80xi32, #tpu.memory_space<vmem>>) semaphore(%arg13 : memref<!tpu.dma_semaphore, #tpu.memory_space<semaphore_mem>>) {add = true}
      %mul3A_293 = arith.constant 4 : i32
      %mul3A_294 = arith.muli %mul3A_293, %scan3A_223 : i32
      %add3A_295 = arith.constant 1 : i32
      %add3A_296 = arith.addi %mul3A_294, %add3A_295 : i32
      %jit3A_297 = arith.constant 5 : i32
      %div3A_298 = arith.divsi %add3A_296, %jit3A_297 : i32
      %sign3A_299 = arith.constant 0 : i32
      %sign3A_300 = arith.cmpi sgt, %add3A_296, %sign3A_299 : i32
      %sign3A_301 = arith.extui %sign3A_300 : i1 to i32
      %sign3A_302 = arith.constant 0 : i32
      %sign3A_303 = arith.cmpi slt, %add3A_296, %sign3A_302 : i32
      %sign3A_304 = arith.extui %sign3A_303 : i1 to i32
      %sign3A_305 = arith.subi %sign3A_301, %sign3A_304 : i32
      %sign3A_306 = arith.constant 0 : i32
      %sign3A_307 = arith.cmpi sgt, %jit3A_297, %sign3A_306 : i32
      %sign3A_308 = arith.extui %sign3A_307 : i1 to i32
      %sign3A_309 = arith.constant 0 : i32
      %sign3A_310 = arith.cmpi slt, %jit3A_297, %sign3A_309 : i32
      %sign3A_311 = arith.extui %sign3A_310 : i1 to i32
      %sign3A_312 = arith.subi %sign3A_308, %sign3A_311 : i32
      %ne3A_313 = arith.cmpi ne, %sign3A_305, %sign3A_312 : i32
      %rem3A_314 = arith.remsi %add3A_296, %jit3A_297 : i32
      %ne3A_315 = arith.constant 0 : i32
      %ne3A_316 = arith.cmpi ne, %rem3A_314, %ne3A_315 : i32
      %and3A_317 = arith.andi %ne3A_313, %ne3A_316 : i1
      %sub3A_318 = arith.constant 1 : i32
      %sub3A_319 = arith.subi %div3A_298, %sub3A_318 : i32
      %select_n3A_320 = arith.select %and3A_317, %sub3A_319, %div3A_298 : i32
      %mul3A_321 = arith.constant 5 : i32
      %mul3A_322 = arith.muli %select_n3A_320, %mul3A_321 : i32
      %sub3A_323 = arith.subi %add3A_296, %mul3A_322 : i32
      %rem3A_324 = arith.constant 4 : i32
      %rem3A_325 = arith.remsi %select_n3A_320, %rem3A_324 : i32
      %ge3A_326 = arith.constant 2 : i32
      %ge3A_327 = arith.cmpi sge, %add3A_296, %ge3A_326 : i32
      %convert_element_type3A_328 = arith.extui %ge3A_327 : i1 to i32
      %cond3A_329 = arith.constant 0 : i32
      %cond3A_330 = arith.cmpi ne, %convert_element_type3A_328, %cond3A_329 : i32
      scf.if %cond3A_330 {
        %sub3A_524 = arith.constant 2 : i32
        %sub3A_525 = arith.subi %add3A_296, %sub3A_524 : i32
        %jit3A_526 = arith.constant 5 : i32
        %div3A_527 = arith.divsi %sub3A_525, %jit3A_526 : i32
        %sign3A_528 = arith.constant 0 : i32
        %sign3A_529 = arith.cmpi sgt, %sub3A_525, %sign3A_528 : i32
        %sign3A_530 = arith.extui %sign3A_529 : i1 to i32
        %sign3A_531 = arith.constant 0 : i32
        %sign3A_532 = arith.cmpi slt, %sub3A_525, %sign3A_531 : i32
        %sign3A_533 = arith.extui %sign3A_532 : i1 to i32
        %sign3A_534 = arith.subi %sign3A_530, %sign3A_533 : i32
        %sign3A_535 = arith.constant 0 : i32
        %sign3A_536 = arith.cmpi sgt, %jit3A_526, %sign3A_535 : i32
        %sign3A_537 = arith.extui %sign3A_536 : i1 to i32
        %sign3A_538 = arith.constant 0 : i32
        %sign3A_539 = arith.cmpi slt, %jit3A_526, %sign3A_538 : i32
        %sign3A_540 = arith.extui %sign3A_539 : i1 to i32
        %sign3A_541 = arith.subi %sign3A_537, %sign3A_540 : i32
        %ne3A_542 = arith.cmpi ne, %sign3A_534, %sign3A_541 : i32
        %rem3A_543 = arith.remsi %sub3A_525, %jit3A_526 : i32
        %ne3A_544 = arith.constant 0 : i32
        %ne3A_545 = arith.cmpi ne, %rem3A_543, %ne3A_544 : i32
        %and3A_546 = arith.andi %ne3A_542, %ne3A_545 : i1
        %sub3A_547 = arith.constant 1 : i32
        %sub3A_548 = arith.subi %div3A_527, %sub3A_547 : i32
        %select_n3A_549 = arith.select %and3A_546, %sub3A_548, %div3A_527 : i32
        %mul3A_550 = arith.constant 5 : i32
        %mul3A_551 = arith.muli %select_n3A_549, %mul3A_550 : i32
        %sub3A_552 = arith.subi %sub3A_525, %mul3A_551 : i32
        %rem3A_553 = arith.constant 4 : i32
        %rem3A_554 = arith.remsi %select_n3A_549, %rem3A_553 : i32
        %dma_wait3A_555 = arith.constant 3 : i32
        %dma_wait3A_556 = arith.constant 0 : i32
        %dma_wait3A_557 = arith.constant 0 : i32
        %dma_wait3A_558 = tpu.memref_slice %arg10[%dma_wait3A_555, %dma_wait3A_556, %dma_wait3A_557] : memref<4x80x128xf32, #tpu.memory_space<vmem>> -> memref<1x80x128xf32, #tpu.memory_space<vmem>>
        %dma_wait3A_559 = tpu.memref_squeeze %dma_wait3A_558 : memref<1x80x128xf32, #tpu.memory_space<vmem>> -> memref<80x128xf32, #tpu.memory_space<vmem>>
        %dma_wait3A_560 = arith.constant 0 : i32
        %dma_wait3A_561 = tpu.memref_slice %arg9[%rem3A_554, %sub3A_552, %dma_wait3A_560] : memref<4x5x80xi32, #tpu.memory_space<vmem>> -> memref<1x1x80xi32, #tpu.memory_space<vmem>>
        %dma_wait3A_562 = tpu.memref_squeeze %dma_wait3A_561 : memref<1x1x80xi32, #tpu.memory_space<vmem>> -> memref<80xi32, #tpu.memory_space<vmem>>
        %dma_wait3A_563 = arith.constant 0 : i32
        %dma_wait3A_564 = arith.constant 0 : i32
        %dma_wait3A_565 = tpu.memref_slice %arg11[%dma_wait3A_563, %dma_wait3A_564] : memref<10000x128xf32, #tpu.memory_space<vmem_shared>> -> memref<10000x128xf32, #tpu.memory_space<vmem_shared>>
        tpu.wait_indirect_dma semaphore(%arg13 : memref<!tpu.dma_semaphore, #tpu.memory_space<semaphore_mem>>) src(%dma_wait3A_559 : memref<80x128xf32, #tpu.memory_space<vmem>>) dst(%dma_wait3A_565 : memref<10000x128xf32, #tpu.memory_space<vmem_shared>>)
      } else {
      }
      %eq3A_331 = arith.constant 0 : i32
      %eq3A_332 = arith.cmpi eq, %sub3A_323, %eq3A_331 : i32
      %add3A_333 = arith.constant 1 : i32
      %add3A_334 = arith.addi %select_n3A_320, %add3A_333 : i32
      %lt3A_335 = arith.constant 25 : i32
      %lt3A_336 = arith.cmpi slt, %add3A_334, %lt3A_335 : i32
      %and3A_337 = arith.andi %eq3A_332, %lt3A_336 : i1
      %convert_element_type3A_338 = arith.extui %and3A_337 : i1 to i32
      %cond3A_339 = arith.constant 0 : i32
      %cond3A_340 = arith.cmpi ne, %convert_element_type3A_338, %cond3A_339 : i32
      scf.if %cond3A_340 {
        %add3A_524 = arith.constant 1 : i32
        %add3A_525 = arith.addi %select_n3A_320, %add3A_524 : i32
        %rem3A_526 = arith.constant 4 : i32
        %rem3A_527 = arith.remsi %add3A_525, %rem3A_526 : i32
        %add3A_528 = arith.constant 1 : i32
        %add3A_529 = arith.addi %select_n3A_320, %add3A_528 : i32
        %dma_start3A_530 = arith.constant 0 : i32
        %dma_start3A_531 = arith.constant 0 : i32
        %dma_start3A_532 = tpu.memref_slice %arg8[%rem3A_527, %dma_start3A_530, %dma_start3A_531] : memref<4x5x80xi32, #tpu.memory_space<vmem>> -> memref<1x5x80xi32, #tpu.memory_space<vmem>>
        %dma_start3A_533 = tpu.memref_squeeze %dma_start3A_532 : memref<1x5x80xi32, #tpu.memory_space<vmem>> -> memref<5x80xi32, #tpu.memory_space<vmem>>
        %dma_start3A_534 = arith.constant 0 : i32
        %dma_start3A_535 = arith.constant 0 : i32
        %dma_start3A_536 = tpu.memref_slice %arg3[%add3A, %add3A_529, %dma_start3A_534, %dma_start3A_535] : memref<32x25x5x80xi32, #tpu.memory_space<hbm>> -> memref<1x1x5x80xi32, #tpu.memory_space<hbm>>
        %dma_start3A_537 = tpu.memref_squeeze %dma_start3A_536 : memref<1x1x5x80xi32, #tpu.memory_space<hbm>> -> memref<5x80xi32, #tpu.memory_space<hbm>>
        %dma_start3A_538 = arith.constant 0 : i32
        %dma_start3A_539 = arith.constant 0 : i32
        %dma_start3A_540 = tpu.memref_slice %arg8[%rem3A_527, %dma_start3A_538, %dma_start3A_539] : memref<4x5x80xi32, #tpu.memory_space<vmem>> -> memref<1x5x80xi32, #tpu.memory_space<vmem>>
        %dma_start3A_541 = tpu.memref_squeeze %dma_start3A_540 : memref<1x5x80xi32, #tpu.memory_space<vmem>> -> memref<5x80xi32, #tpu.memory_space<vmem>>
        %dma_start3A_542 = arith.constant 0 : i32
        %dma_start3A_543 = arith.constant 0 : i32
        %dma_start3A_544 = tpu.memref_slice %arg3[%add3A, %add3A_529, %dma_start3A_542, %dma_start3A_543] : memref<32x25x5x80xi32, #tpu.memory_space<hbm>> -> memref<1x1x5x80xi32, #tpu.memory_space<hbm>>
        %dma_start3A_545 = tpu.memref_squeeze %dma_start3A_544 : memref<1x1x5x80xi32, #tpu.memory_space<hbm>> -> memref<5x80xi32, #tpu.memory_space<hbm>>
        tpu.enqueue_dma source(%dma_start3A_545 : memref<5x80xi32, #tpu.memory_space<hbm>>) target(%dma_start3A_541 : memref<5x80xi32, #tpu.memory_space<vmem>>) target_semaphore(%arg14 : memref<!tpu.dma_semaphore, #tpu.memory_space<semaphore_mem>>)
        %add3A_546 = arith.constant 1 : i32
        %add3A_547 = arith.addi %select_n3A_320, %add3A_546 : i32
        %dma_start3A_548 = arith.constant 0 : i32
        %dma_start3A_549 = arith.constant 0 : i32
        %dma_start3A_550 = tpu.memref_slice %arg9[%rem3A_527, %dma_start3A_548, %dma_start3A_549] : memref<4x5x80xi32, #tpu.memory_space<vmem>> -> memref<1x5x80xi32, #tpu.memory_space<vmem>>
        %dma_start3A_551 = tpu.memref_squeeze %dma_start3A_550 : memref<1x5x80xi32, #tpu.memory_space<vmem>> -> memref<5x80xi32, #tpu.memory_space<vmem>>
        %dma_start3A_552 = arith.constant 0 : i32
        %dma_start3A_553 = arith.constant 0 : i32
        %dma_start3A_554 = tpu.memref_slice %arg4[%add3A, %add3A_547, %dma_start3A_552, %dma_start3A_553] : memref<32x25x5x80xi32, #tpu.memory_space<hbm>> -> memref<1x1x5x80xi32, #tpu.memory_space<hbm>>
        %dma_start3A_555 = tpu.memref_squeeze %dma_start3A_554 : memref<1x1x5x80xi32, #tpu.memory_space<hbm>> -> memref<5x80xi32, #tpu.memory_space<hbm>>
        %dma_start3A_556 = arith.constant 0 : i32
        %dma_start3A_557 = arith.constant 0 : i32
        %dma_start3A_558 = tpu.memref_slice %arg9[%rem3A_527, %dma_start3A_556, %dma_start3A_557] : memref<4x5x80xi32, #tpu.memory_space<vmem>> -> memref<1x5x80xi32, #tpu.memory_space<vmem>>
        %dma_start3A_559 = tpu.memref_squeeze %dma_start3A_558 : memref<1x5x80xi32, #tpu.memory_space<vmem>> -> memref<5x80xi32, #tpu.memory_space<vmem>>
        %dma_start3A_560 = arith.constant 0 : i32
        %dma_start3A_561 = arith.constant 0 : i32
        %dma_start3A_562 = tpu.memref_slice %arg4[%add3A, %add3A_547, %dma_start3A_560, %dma_start3A_561] : memref<32x25x5x80xi32, #tpu.memory_space<hbm>> -> memref<1x1x5x80xi32, #tpu.memory_space<hbm>>
        %dma_start3A_563 = tpu.memref_squeeze %dma_start3A_562 : memref<1x1x5x80xi32, #tpu.memory_space<hbm>> -> memref<5x80xi32, #tpu.memory_space<hbm>>
        tpu.enqueue_dma source(%dma_start3A_563 : memref<5x80xi32, #tpu.memory_space<hbm>>) target(%dma_start3A_559 : memref<5x80xi32, #tpu.memory_space<vmem>>) target_semaphore(%arg15 : memref<!tpu.dma_semaphore, #tpu.memory_space<semaphore_mem>>)
      } else {
      }
      %add3A_341 = arith.constant 2 : i32
      %add3A_342 = arith.addi %add3A_296, %add3A_341 : i32
      %lt3A_343 = arith.constant 125 : i32
      %lt3A_344 = arith.cmpi slt, %add3A_342, %lt3A_343 : i32
      %convert_element_type3A_345 = arith.extui %lt3A_344 : i1 to i32
      %cond3A_346 = arith.constant 0 : i32
      %cond3A_347 = arith.cmpi ne, %convert_element_type3A_345, %cond3A_346 : i32
      scf.if %cond3A_347 {
        %add3A_524 = arith.constant 2 : i32
        %add3A_525 = arith.addi %add3A_296, %add3A_524 : i32
        %jit3A_526 = arith.constant 5 : i32
        %div3A_527 = arith.divsi %add3A_525, %jit3A_526 : i32
        %sign3A_528 = arith.constant 0 : i32
        %sign3A_529 = arith.cmpi sgt, %add3A_525, %sign3A_528 : i32
        %sign3A_530 = arith.extui %sign3A_529 : i1 to i32
        %sign3A_531 = arith.constant 0 : i32
        %sign3A_532 = arith.cmpi slt, %add3A_525, %sign3A_531 : i32
        %sign3A_533 = arith.extui %sign3A_532 : i1 to i32
        %sign3A_534 = arith.subi %sign3A_530, %sign3A_533 : i32
        %sign3A_535 = arith.constant 0 : i32
        %sign3A_536 = arith.cmpi sgt, %jit3A_526, %sign3A_535 : i32
        %sign3A_537 = arith.extui %sign3A_536 : i1 to i32
        %sign3A_538 = arith.constant 0 : i32
        %sign3A_539 = arith.cmpi slt, %jit3A_526, %sign3A_538 : i32
        %sign3A_540 = arith.extui %sign3A_539 : i1 to i32
        %sign3A_541 = arith.subi %sign3A_537, %sign3A_540 : i32
        %ne3A_542 = arith.cmpi ne, %sign3A_534, %sign3A_541 : i32
        %rem3A_543 = arith.remsi %add3A_525, %jit3A_526 : i32
        %ne3A_544 = arith.constant 0 : i32
        %ne3A_545 = arith.cmpi ne, %rem3A_543, %ne3A_544 : i32
        %and3A_546 = arith.andi %ne3A_542, %ne3A_545 : i1
        %sub3A_547 = arith.constant 1 : i32
        %sub3A_548 = arith.subi %div3A_527, %sub3A_547 : i32
        %select_n3A_549 = arith.select %and3A_546, %sub3A_548, %div3A_527 : i32
        %mul3A_550 = arith.constant 5 : i32
        %mul3A_551 = arith.muli %select_n3A_549, %mul3A_550 : i32
        %sub3A_552 = arith.subi %add3A_525, %mul3A_551 : i32
        %rem3A_553 = arith.constant 4 : i32
        %rem3A_554 = arith.remsi %select_n3A_549, %rem3A_553 : i32
        %eq3A_555 = arith.constant 0 : i32
        %eq3A_556 = arith.cmpi eq, %sub3A_552, %eq3A_555 : i32
        %convert_element_type3A_557 = arith.extui %eq3A_556 : i1 to i32
        %cond3A_558 = arith.constant 0 : i32
        %cond3A_559 = arith.cmpi ne, %convert_element_type3A_557, %cond3A_558 : i32
        scf.if %cond3A_559 {
          %dma_wait3A_571 = arith.constant 0 : i32
          %dma_wait3A_572 = arith.constant 0 : i32
          %dma_wait3A_573 = tpu.memref_slice %arg8[%rem3A_554, %dma_wait3A_571, %dma_wait3A_572] : memref<4x5x80xi32, #tpu.memory_space<vmem>> -> memref<1x5x80xi32, #tpu.memory_space<vmem>>
          %dma_wait3A_574 = tpu.memref_squeeze %dma_wait3A_573 : memref<1x5x80xi32, #tpu.memory_space<vmem>> -> memref<5x80xi32, #tpu.memory_space<vmem>>
          %dma_wait3A_575 = arith.constant 0 : i32
          %dma_wait3A_576 = arith.constant 0 : i32
          %dma_wait3A_577 = tpu.memref_slice %arg3[%add3A, %select_n3A_549, %dma_wait3A_575, %dma_wait3A_576] : memref<32x25x5x80xi32, #tpu.memory_space<hbm>> -> memref<1x1x5x80xi32, #tpu.memory_space<hbm>>
          %dma_wait3A_578 = tpu.memref_squeeze %dma_wait3A_577 : memref<1x1x5x80xi32, #tpu.memory_space<hbm>> -> memref<5x80xi32, #tpu.memory_space<hbm>>
          %dma_wait3A_579 = arith.constant 0 : i32
          %dma_wait3A_580 = arith.constant 0 : i32
          %dma_wait3A_581 = tpu.memref_slice %arg8[%rem3A_554, %dma_wait3A_579, %dma_wait3A_580] : memref<4x5x80xi32, #tpu.memory_space<vmem>> -> memref<1x5x80xi32, #tpu.memory_space<vmem>>
          %dma_wait3A_582 = tpu.memref_squeeze %dma_wait3A_581 : memref<1x5x80xi32, #tpu.memory_space<vmem>> -> memref<5x80xi32, #tpu.memory_space<vmem>>
          %dma_wait3A_583 = arith.constant 0 : i32
          %dma_wait3A_584 = arith.constant 0 : i32
          %dma_wait3A_585 = tpu.memref_slice %arg3[%add3A, %select_n3A_549, %dma_wait3A_583, %dma_wait3A_584] : memref<32x25x5x80xi32, #tpu.memory_space<hbm>> -> memref<1x1x5x80xi32, #tpu.memory_space<hbm>>
          %dma_wait3A_586 = tpu.memref_squeeze %dma_wait3A_585 : memref<1x1x5x80xi32, #tpu.memory_space<hbm>> -> memref<5x80xi32, #tpu.memory_space<hbm>>
          tpu.wait_dma2 semaphore(%arg14 : memref<!tpu.dma_semaphore, #tpu.memory_space<semaphore_mem>>) src(%dma_wait3A_586 : memref<5x80xi32, #tpu.memory_space<hbm>>) dst(%dma_wait3A_582 : memref<5x80xi32, #tpu.memory_space<vmem>>)
          %dma_wait3A_587 = arith.constant 0 : i32
          %dma_wait3A_588 = arith.constant 0 : i32
          %dma_wait3A_589 = tpu.memref_slice %arg9[%rem3A_554, %dma_wait3A_587, %dma_wait3A_588] : memref<4x5x80xi32, #tpu.memory_space<vmem>> -> memref<1x5x80xi32, #tpu.memory_space<vmem>>
          %dma_wait3A_590 = tpu.memref_squeeze %dma_wait3A_589 : memref<1x5x80xi32, #tpu.memory_space<vmem>> -> memref<5x80xi32, #tpu.memory_space<vmem>>
          %dma_wait3A_591 = arith.constant 0 : i32
          %dma_wait3A_592 = arith.constant 0 : i32
          %dma_wait3A_593 = tpu.memref_slice %arg4[%add3A, %select_n3A_549, %dma_wait3A_591, %dma_wait3A_592] : memref<32x25x5x80xi32, #tpu.memory_space<hbm>> -> memref<1x1x5x80xi32, #tpu.memory_space<hbm>>
          %dma_wait3A_594 = tpu.memref_squeeze %dma_wait3A_593 : memref<1x1x5x80xi32, #tpu.memory_space<hbm>> -> memref<5x80xi32, #tpu.memory_space<hbm>>
          %dma_wait3A_595 = arith.constant 0 : i32
          %dma_wait3A_596 = arith.constant 0 : i32
          %dma_wait3A_597 = tpu.memref_slice %arg9[%rem3A_554, %dma_wait3A_595, %dma_wait3A_596] : memref<4x5x80xi32, #tpu.memory_space<vmem>> -> memref<1x5x80xi32, #tpu.memory_space<vmem>>
          %dma_wait3A_598 = tpu.memref_squeeze %dma_wait3A_597 : memref<1x5x80xi32, #tpu.memory_space<vmem>> -> memref<5x80xi32, #tpu.memory_space<vmem>>
          %dma_wait3A_599 = arith.constant 0 : i32
          %dma_wait3A_600 = arith.constant 0 : i32
          %dma_wait3A_601 = tpu.memref_slice %arg4[%add3A, %select_n3A_549, %dma_wait3A_599, %dma_wait3A_600] : memref<32x25x5x80xi32, #tpu.memory_space<hbm>> -> memref<1x1x5x80xi32, #tpu.memory_space<hbm>>
          %dma_wait3A_602 = tpu.memref_squeeze %dma_wait3A_601 : memref<1x1x5x80xi32, #tpu.memory_space<hbm>> -> memref<5x80xi32, #tpu.memory_space<hbm>>
          tpu.wait_dma2 semaphore(%arg15 : memref<!tpu.dma_semaphore, #tpu.memory_space<semaphore_mem>>) src(%dma_wait3A_602 : memref<5x80xi32, #tpu.memory_space<hbm>>) dst(%dma_wait3A_598 : memref<5x80xi32, #tpu.memory_space<vmem>>)
        } else {
        }
        %dma_start3A_560 = arith.constant 3 : i32
        %dma_start3A_561 = arith.constant 0 : i32
        %dma_start3A_562 = arith.constant 0 : i32
        %dma_start3A_563 = tpu.memref_slice %arg10[%dma_start3A_560, %dma_start3A_561, %dma_start3A_562] : memref<4x80x128xf32, #tpu.memory_space<vmem>> -> memref<1x80x128xf32, #tpu.memory_space<vmem>>
        %dma_start3A_564 = tpu.memref_squeeze %dma_start3A_563 : memref<1x80x128xf32, #tpu.memory_space<vmem>> -> memref<80x128xf32, #tpu.memory_space<vmem>>
        %dma_start3A_565 = arith.constant 0 : i32
        %dma_start3A_566 = tpu.memref_slice %arg8[%rem3A_554, %sub3A_552, %dma_start3A_565] : memref<4x5x80xi32, #tpu.memory_space<vmem>> -> memref<1x1x80xi32, #tpu.memory_space<vmem>>
        %dma_start3A_567 = tpu.memref_squeeze %dma_start3A_566 : memref<1x1x80xi32, #tpu.memory_space<vmem>> -> memref<80xi32, #tpu.memory_space<vmem>>
        %dma_start3A_568 = arith.constant 0 : i32
        %dma_start3A_569 = arith.constant 0 : i32
        %dma_start3A_570 = tpu.memref_slice %arg2[%dma_start3A_568, %dma_start3A_569] : memref<10000x128xf32, #tpu.memory_space<hbm>> -> memref<10000x128xf32, #tpu.memory_space<hbm>>
        tpu.enqueue_indirect_dma source(%dma_start3A_570 : memref<10000x128xf32, #tpu.memory_space<hbm>>) target(%dma_start3A_564 : memref<80x128xf32, #tpu.memory_space<vmem>>) offsets(%dma_start3A_567 : memref<80xi32, #tpu.memory_space<vmem>>) semaphore(%arg12 : memref<!tpu.dma_semaphore, #tpu.memory_space<semaphore_mem>>)
      } else {
      }
      %dma_wait3A_348 = arith.constant 1 : i32
      %dma_wait3A_349 = arith.constant 0 : i32
      %dma_wait3A_350 = arith.constant 0 : i32
      %dma_wait3A_351 = tpu.memref_slice %arg10[%dma_wait3A_348, %dma_wait3A_349, %dma_wait3A_350] : memref<4x80x128xf32, #tpu.memory_space<vmem>> -> memref<1x80x128xf32, #tpu.memory_space<vmem>>
      %dma_wait3A_352 = tpu.memref_squeeze %dma_wait3A_351 : memref<1x80x128xf32, #tpu.memory_space<vmem>> -> memref<80x128xf32, #tpu.memory_space<vmem>>
      %dma_wait3A_353 = arith.constant 0 : i32
      %dma_wait3A_354 = tpu.memref_slice %arg8[%rem3A_325, %sub3A_323, %dma_wait3A_353] : memref<4x5x80xi32, #tpu.memory_space<vmem>> -> memref<1x1x80xi32, #tpu.memory_space<vmem>>
      %dma_wait3A_355 = tpu.memref_squeeze %dma_wait3A_354 : memref<1x1x80xi32, #tpu.memory_space<vmem>> -> memref<80xi32, #tpu.memory_space<vmem>>
      %dma_wait3A_356 = arith.constant 0 : i32
      %dma_wait3A_357 = arith.constant 0 : i32
      %dma_wait3A_358 = tpu.memref_slice %arg2[%dma_wait3A_356, %dma_wait3A_357] : memref<10000x128xf32, #tpu.memory_space<hbm>> -> memref<10000x128xf32, #tpu.memory_space<hbm>>
      tpu.wait_indirect_dma semaphore(%arg12 : memref<!tpu.dma_semaphore, #tpu.memory_space<semaphore_mem>>) src(%dma_wait3A_358 : memref<10000x128xf32, #tpu.memory_space<hbm>>) dst(%dma_wait3A_352 : memref<80x128xf32, #tpu.memory_space<vmem>>)
      %dma_start3A_359 = arith.constant 1 : i32
      %dma_start3A_360 = arith.constant 0 : i32
      %dma_start3A_361 = arith.constant 0 : i32
      %dma_start3A_362 = tpu.memref_slice %arg10[%dma_start3A_359, %dma_start3A_360, %dma_start3A_361] : memref<4x80x128xf32, #tpu.memory_space<vmem>> -> memref<1x80x128xf32, #tpu.memory_space<vmem>>
      %dma_start3A_363 = tpu.memref_squeeze %dma_start3A_362 : memref<1x80x128xf32, #tpu.memory_space<vmem>> -> memref<80x128xf32, #tpu.memory_space<vmem>>
      %dma_start3A_364 = arith.constant 0 : i32
      %dma_start3A_365 = tpu.memref_slice %arg9[%rem3A_325, %sub3A_323, %dma_start3A_364] : memref<4x5x80xi32, #tpu.memory_space<vmem>> -> memref<1x1x80xi32, #tpu.memory_space<vmem>>
      %dma_start3A_366 = tpu.memref_squeeze %dma_start3A_365 : memref<1x1x80xi32, #tpu.memory_space<vmem>> -> memref<80xi32, #tpu.memory_space<vmem>>
      %dma_start3A_367 = arith.constant 0 : i32
      %dma_start3A_368 = arith.constant 0 : i32
      %dma_start3A_369 = tpu.memref_slice %arg11[%dma_start3A_367, %dma_start3A_368] : memref<10000x128xf32, #tpu.memory_space<vmem_shared>> -> memref<10000x128xf32, #tpu.memory_space<vmem_shared>>
      tpu.enqueue_indirect_dma source(%dma_start3A_363 : memref<80x128xf32, #tpu.memory_space<vmem>>) target(%dma_start3A_369 : memref<10000x128xf32, #tpu.memory_space<vmem_shared>>) offsets(%dma_start3A_366 : memref<80xi32, #tpu.memory_space<vmem>>) semaphore(%arg13 : memref<!tpu.dma_semaphore, #tpu.memory_space<semaphore_mem>>) {add = true}
      %mul3A_370 = arith.constant 4 : i32
      %mul3A_371 = arith.muli %mul3A_370, %scan3A_223 : i32
      %add3A_372 = arith.constant 2 : i32
      %add3A_373 = arith.addi %mul3A_371, %add3A_372 : i32
      %jit3A_374 = arith.constant 5 : i32
      %div3A_375 = arith.divsi %add3A_373, %jit3A_374 : i32
      %sign3A_376 = arith.constant 0 : i32
      %sign3A_377 = arith.cmpi sgt, %add3A_373, %sign3A_376 : i32
      %sign3A_378 = arith.extui %sign3A_377 : i1 to i32
      %sign3A_379 = arith.constant 0 : i32
      %sign3A_380 = arith.cmpi slt, %add3A_373, %sign3A_379 : i32
      %sign3A_381 = arith.extui %sign3A_380 : i1 to i32
      %sign3A_382 = arith.subi %sign3A_378, %sign3A_381 : i32
      %sign3A_383 = arith.constant 0 : i32
      %sign3A_384 = arith.cmpi sgt, %jit3A_374, %sign3A_383 : i32
      %sign3A_385 = arith.extui %sign3A_384 : i1 to i32
      %sign3A_386 = arith.constant 0 : i32
      %sign3A_387 = arith.cmpi slt, %jit3A_374, %sign3A_386 : i32
      %sign3A_388 = arith.extui %sign3A_387 : i1 to i32
      %sign3A_389 = arith.subi %sign3A_385, %sign3A_388 : i32
      %ne3A_390 = arith.cmpi ne, %sign3A_382, %sign3A_389 : i32
      %rem3A_391 = arith.remsi %add3A_373, %jit3A_374 : i32
      %ne3A_392 = arith.constant 0 : i32
      %ne3A_393 = arith.cmpi ne, %rem3A_391, %ne3A_392 : i32
      %and3A_394 = arith.andi %ne3A_390, %ne3A_393 : i1
      %sub3A_395 = arith.constant 1 : i32
      %sub3A_396 = arith.subi %div3A_375, %sub3A_395 : i32
      %select_n3A_397 = arith.select %and3A_394, %sub3A_396, %div3A_375 : i32
      %mul3A_398 = arith.constant 5 : i32
      %mul3A_399 = arith.muli %select_n3A_397, %mul3A_398 : i32
      %sub3A_400 = arith.subi %add3A_373, %mul3A_399 : i32
      %rem3A_401 = arith.constant 4 : i32
      %rem3A_402 = arith.remsi %select_n3A_397, %rem3A_401 : i32
      %ge3A_403 = arith.constant 2 : i32
      %ge3A_404 = arith.cmpi sge, %add3A_373, %ge3A_403 : i32
      %convert_element_type3A_405 = arith.extui %ge3A_404 : i1 to i32
      %cond3A_406 = arith.constant 0 : i32
      %cond3A_407 = arith.cmpi ne, %convert_element_type3A_405, %cond3A_406 : i32
      scf.if %cond3A_407 {
        %sub3A_524 = arith.constant 2 : i32
        %sub3A_525 = arith.subi %add3A_373, %sub3A_524 : i32
        %jit3A_526 = arith.constant 5 : i32
        %div3A_527 = arith.divsi %sub3A_525, %jit3A_526 : i32
        %sign3A_528 = arith.constant 0 : i32
        %sign3A_529 = arith.cmpi sgt, %sub3A_525, %sign3A_528 : i32
        %sign3A_530 = arith.extui %sign3A_529 : i1 to i32
        %sign3A_531 = arith.constant 0 : i32
        %sign3A_532 = arith.cmpi slt, %sub3A_525, %sign3A_531 : i32
        %sign3A_533 = arith.extui %sign3A_532 : i1 to i32
        %sign3A_534 = arith.subi %sign3A_530, %sign3A_533 : i32
        %sign3A_535 = arith.constant 0 : i32
        %sign3A_536 = arith.cmpi sgt, %jit3A_526, %sign3A_535 : i32
        %sign3A_537 = arith.extui %sign3A_536 : i1 to i32
        %sign3A_538 = arith.constant 0 : i32
        %sign3A_539 = arith.cmpi slt, %jit3A_526, %sign3A_538 : i32
        %sign3A_540 = arith.extui %sign3A_539 : i1 to i32
        %sign3A_541 = arith.subi %sign3A_537, %sign3A_540 : i32
        %ne3A_542 = arith.cmpi ne, %sign3A_534, %sign3A_541 : i32
        %rem3A_543 = arith.remsi %sub3A_525, %jit3A_526 : i32
        %ne3A_544 = arith.constant 0 : i32
        %ne3A_545 = arith.cmpi ne, %rem3A_543, %ne3A_544 : i32
        %and3A_546 = arith.andi %ne3A_542, %ne3A_545 : i1
        %sub3A_547 = arith.constant 1 : i32
        %sub3A_548 = arith.subi %div3A_527, %sub3A_547 : i32
        %select_n3A_549 = arith.select %and3A_546, %sub3A_548, %div3A_527 : i32
        %mul3A_550 = arith.constant 5 : i32
        %mul3A_551 = arith.muli %select_n3A_549, %mul3A_550 : i32
        %sub3A_552 = arith.subi %sub3A_525, %mul3A_551 : i32
        %rem3A_553 = arith.constant 4 : i32
        %rem3A_554 = arith.remsi %select_n3A_549, %rem3A_553 : i32
        %dma_wait3A_555 = arith.constant 0 : i32
        %dma_wait3A_556 = arith.constant 0 : i32
        %dma_wait3A_557 = arith.constant 0 : i32
        %dma_wait3A_558 = tpu.memref_slice %arg10[%dma_wait3A_555, %dma_wait3A_556, %dma_wait3A_557] : memref<4x80x128xf32, #tpu.memory_space<vmem>> -> memref<1x80x128xf32, #tpu.memory_space<vmem>>
        %dma_wait3A_559 = tpu.memref_squeeze %dma_wait3A_558 : memref<1x80x128xf32, #tpu.memory_space<vmem>> -> memref<80x128xf32, #tpu.memory_space<vmem>>
        %dma_wait3A_560 = arith.constant 0 : i32
        %dma_wait3A_561 = tpu.memref_slice %arg9[%rem3A_554, %sub3A_552, %dma_wait3A_560] : memref<4x5x80xi32, #tpu.memory_space<vmem>> -> memref<1x1x80xi32, #tpu.memory_space<vmem>>
        %dma_wait3A_562 = tpu.memref_squeeze %dma_wait3A_561 : memref<1x1x80xi32, #tpu.memory_space<vmem>> -> memref<80xi32, #tpu.memory_space<vmem>>
        %dma_wait3A_563 = arith.constant 0 : i32
        %dma_wait3A_564 = arith.constant 0 : i32
        %dma_wait3A_565 = tpu.memref_slice %arg11[%dma_wait3A_563, %dma_wait3A_564] : memref<10000x128xf32, #tpu.memory_space<vmem_shared>> -> memref<10000x128xf32, #tpu.memory_space<vmem_shared>>
        tpu.wait_indirect_dma semaphore(%arg13 : memref<!tpu.dma_semaphore, #tpu.memory_space<semaphore_mem>>) src(%dma_wait3A_559 : memref<80x128xf32, #tpu.memory_space<vmem>>) dst(%dma_wait3A_565 : memref<10000x128xf32, #tpu.memory_space<vmem_shared>>)
      } else {
      }
      %eq3A_408 = arith.constant 0 : i32
      %eq3A_409 = arith.cmpi eq, %sub3A_400, %eq3A_408 : i32
      %add3A_410 = arith.constant 1 : i32
      %add3A_411 = arith.addi %select_n3A_397, %add3A_410 : i32
      %lt3A_412 = arith.constant 25 : i32
      %lt3A_413 = arith.cmpi slt, %add3A_411, %lt3A_412 : i32
      %and3A_414 = arith.andi %eq3A_409, %lt3A_413 : i1
      %convert_element_type3A_415 = arith.extui %and3A_414 : i1 to i32
      %cond3A_416 = arith.constant 0 : i32
      %cond3A_417 = arith.cmpi ne, %convert_element_type3A_415, %cond3A_416 : i32
      scf.if %cond3A_417 {
        %add3A_524 = arith.constant 1 : i32
        %add3A_525 = arith.addi %select_n3A_397, %add3A_524 : i32
        %rem3A_526 = arith.constant 4 : i32
        %rem3A_527 = arith.remsi %add3A_525, %rem3A_526 : i32
        %add3A_528 = arith.constant 1 : i32
        %add3A_529 = arith.addi %select_n3A_397, %add3A_528 : i32
        %dma_start3A_530 = arith.constant 0 : i32
        %dma_start3A_531 = arith.constant 0 : i32
        %dma_start3A_532 = tpu.memref_slice %arg8[%rem3A_527, %dma_start3A_530, %dma_start3A_531] : memref<4x5x80xi32, #tpu.memory_space<vmem>> -> memref<1x5x80xi32, #tpu.memory_space<vmem>>
        %dma_start3A_533 = tpu.memref_squeeze %dma_start3A_532 : memref<1x5x80xi32, #tpu.memory_space<vmem>> -> memref<5x80xi32, #tpu.memory_space<vmem>>
        %dma_start3A_534 = arith.constant 0 : i32
        %dma_start3A_535 = arith.constant 0 : i32
        %dma_start3A_536 = tpu.memref_slice %arg3[%add3A, %add3A_529, %dma_start3A_534, %dma_start3A_535] : memref<32x25x5x80xi32, #tpu.memory_space<hbm>> -> memref<1x1x5x80xi32, #tpu.memory_space<hbm>>
        %dma_start3A_537 = tpu.memref_squeeze %dma_start3A_536 : memref<1x1x5x80xi32, #tpu.memory_space<hbm>> -> memref<5x80xi32, #tpu.memory_space<hbm>>
        %dma_start3A_538 = arith.constant 0 : i32
        %dma_start3A_539 = arith.constant 0 : i32
        %dma_start3A_540 = tpu.memref_slice %arg8[%rem3A_527, %dma_start3A_538, %dma_start3A_539] : memref<4x5x80xi32, #tpu.memory_space<vmem>> -> memref<1x5x80xi32, #tpu.memory_space<vmem>>
        %dma_start3A_541 = tpu.memref_squeeze %dma_start3A_540 : memref<1x5x80xi32, #tpu.memory_space<vmem>> -> memref<5x80xi32, #tpu.memory_space<vmem>>
        %dma_start3A_542 = arith.constant 0 : i32
        %dma_start3A_543 = arith.constant 0 : i32
        %dma_start3A_544 = tpu.memref_slice %arg3[%add3A, %add3A_529, %dma_start3A_542, %dma_start3A_543] : memref<32x25x5x80xi32, #tpu.memory_space<hbm>> -> memref<1x1x5x80xi32, #tpu.memory_space<hbm>>
        %dma_start3A_545 = tpu.memref_squeeze %dma_start3A_544 : memref<1x1x5x80xi32, #tpu.memory_space<hbm>> -> memref<5x80xi32, #tpu.memory_space<hbm>>
        tpu.enqueue_dma source(%dma_start3A_545 : memref<5x80xi32, #tpu.memory_space<hbm>>) target(%dma_start3A_541 : memref<5x80xi32, #tpu.memory_space<vmem>>) target_semaphore(%arg14 : memref<!tpu.dma_semaphore, #tpu.memory_space<semaphore_mem>>)
        %add3A_546 = arith.constant 1 : i32
        %add3A_547 = arith.addi %select_n3A_397, %add3A_546 : i32
        %dma_start3A_548 = arith.constant 0 : i32
        %dma_start3A_549 = arith.constant 0 : i32
        %dma_start3A_550 = tpu.memref_slice %arg9[%rem3A_527, %dma_start3A_548, %dma_start3A_549] : memref<4x5x80xi32, #tpu.memory_space<vmem>> -> memref<1x5x80xi32, #tpu.memory_space<vmem>>
        %dma_start3A_551 = tpu.memref_squeeze %dma_start3A_550 : memref<1x5x80xi32, #tpu.memory_space<vmem>> -> memref<5x80xi32, #tpu.memory_space<vmem>>
        %dma_start3A_552 = arith.constant 0 : i32
        %dma_start3A_553 = arith.constant 0 : i32
        %dma_start3A_554 = tpu.memref_slice %arg4[%add3A, %add3A_547, %dma_start3A_552, %dma_start3A_553] : memref<32x25x5x80xi32, #tpu.memory_space<hbm>> -> memref<1x1x5x80xi32, #tpu.memory_space<hbm>>
        %dma_start3A_555 = tpu.memref_squeeze %dma_start3A_554 : memref<1x1x5x80xi32, #tpu.memory_space<hbm>> -> memref<5x80xi32, #tpu.memory_space<hbm>>
        %dma_start3A_556 = arith.constant 0 : i32
        %dma_start3A_557 = arith.constant 0 : i32
        %dma_start3A_558 = tpu.memref_slice %arg9[%rem3A_527, %dma_start3A_556, %dma_start3A_557] : memref<4x5x80xi32, #tpu.memory_space<vmem>> -> memref<1x5x80xi32, #tpu.memory_space<vmem>>
        %dma_start3A_559 = tpu.memref_squeeze %dma_start3A_558 : memref<1x5x80xi32, #tpu.memory_space<vmem>> -> memref<5x80xi32, #tpu.memory_space<vmem>>
        %dma_start3A_560 = arith.constant 0 : i32
        %dma_start3A_561 = arith.constant 0 : i32
        %dma_start3A_562 = tpu.memref_slice %arg4[%add3A, %add3A_547, %dma_start3A_560, %dma_start3A_561] : memref<32x25x5x80xi32, #tpu.memory_space<hbm>> -> memref<1x1x5x80xi32, #tpu.memory_space<hbm>>
        %dma_start3A_563 = tpu.memref_squeeze %dma_start3A_562 : memref<1x1x5x80xi32, #tpu.memory_space<hbm>> -> memref<5x80xi32, #tpu.memory_space<hbm>>
        tpu.enqueue_dma source(%dma_start3A_563 : memref<5x80xi32, #tpu.memory_space<hbm>>) target(%dma_start3A_559 : memref<5x80xi32, #tpu.memory_space<vmem>>) target_semaphore(%arg15 : memref<!tpu.dma_semaphore, #tpu.memory_space<semaphore_mem>>)
      } else {
      }
      %add3A_418 = arith.constant 2 : i32
      %add3A_419 = arith.addi %add3A_373, %add3A_418 : i32
      %lt3A_420 = arith.constant 125 : i32
      %lt3A_421 = arith.cmpi slt, %add3A_419, %lt3A_420 : i32
      %convert_element_type3A_422 = arith.extui %lt3A_421 : i1 to i32
      %cond3A_423 = arith.constant 0 : i32
      %cond3A_424 = arith.cmpi ne, %convert_element_type3A_422, %cond3A_423 : i32
      scf.if %cond3A_424 {
        %add3A_524 = arith.constant 2 : i32
        %add3A_525 = arith.addi %add3A_373, %add3A_524 : i32
        %jit3A_526 = arith.constant 5 : i32
        %div3A_527 = arith.divsi %add3A_525, %jit3A_526 : i32
        %sign3A_528 = arith.constant 0 : i32
        %sign3A_529 = arith.cmpi sgt, %add3A_525, %sign3A_528 : i32
        %sign3A_530 = arith.extui %sign3A_529 : i1 to i32
        %sign3A_531 = arith.constant 0 : i32
        %sign3A_532 = arith.cmpi slt, %add3A_525, %sign3A_531 : i32
        %sign3A_533 = arith.extui %sign3A_532 : i1 to i32
        %sign3A_534 = arith.subi %sign3A_530, %sign3A_533 : i32
        %sign3A_535 = arith.constant 0 : i32
        %sign3A_536 = arith.cmpi sgt, %jit3A_526, %sign3A_535 : i32
        %sign3A_537 = arith.extui %sign3A_536 : i1 to i32
        %sign3A_538 = arith.constant 0 : i32
        %sign3A_539 = arith.cmpi slt, %jit3A_526, %sign3A_538 : i32
        %sign3A_540 = arith.extui %sign3A_539 : i1 to i32
        %sign3A_541 = arith.subi %sign3A_537, %sign3A_540 : i32
        %ne3A_542 = arith.cmpi ne, %sign3A_534, %sign3A_541 : i32
        %rem3A_543 = arith.remsi %add3A_525, %jit3A_526 : i32
        %ne3A_544 = arith.constant 0 : i32
        %ne3A_545 = arith.cmpi ne, %rem3A_543, %ne3A_544 : i32
        %and3A_546 = arith.andi %ne3A_542, %ne3A_545 : i1
        %sub3A_547 = arith.constant 1 : i32
        %sub3A_548 = arith.subi %div3A_527, %sub3A_547 : i32
        %select_n3A_549 = arith.select %and3A_546, %sub3A_548, %div3A_527 : i32
        %mul3A_550 = arith.constant 5 : i32
        %mul3A_551 = arith.muli %select_n3A_549, %mul3A_550 : i32
        %sub3A_552 = arith.subi %add3A_525, %mul3A_551 : i32
        %rem3A_553 = arith.constant 4 : i32
        %rem3A_554 = arith.remsi %select_n3A_549, %rem3A_553 : i32
        %eq3A_555 = arith.constant 0 : i32
        %eq3A_556 = arith.cmpi eq, %sub3A_552, %eq3A_555 : i32
        %convert_element_type3A_557 = arith.extui %eq3A_556 : i1 to i32
        %cond3A_558 = arith.constant 0 : i32
        %cond3A_559 = arith.cmpi ne, %convert_element_type3A_557, %cond3A_558 : i32
        scf.if %cond3A_559 {
          %dma_wait3A_571 = arith.constant 0 : i32
          %dma_wait3A_572 = arith.constant 0 : i32
          %dma_wait3A_573 = tpu.memref_slice %arg8[%rem3A_554, %dma_wait3A_571, %dma_wait3A_572] : memref<4x5x80xi32, #tpu.memory_space<vmem>> -> memref<1x5x80xi32, #tpu.memory_space<vmem>>
          %dma_wait3A_574 = tpu.memref_squeeze %dma_wait3A_573 : memref<1x5x80xi32, #tpu.memory_space<vmem>> -> memref<5x80xi32, #tpu.memory_space<vmem>>
          %dma_wait3A_575 = arith.constant 0 : i32
          %dma_wait3A_576 = arith.constant 0 : i32
          %dma_wait3A_577 = tpu.memref_slice %arg3[%add3A, %select_n3A_549, %dma_wait3A_575, %dma_wait3A_576] : memref<32x25x5x80xi32, #tpu.memory_space<hbm>> -> memref<1x1x5x80xi32, #tpu.memory_space<hbm>>
          %dma_wait3A_578 = tpu.memref_squeeze %dma_wait3A_577 : memref<1x1x5x80xi32, #tpu.memory_space<hbm>> -> memref<5x80xi32, #tpu.memory_space<hbm>>
          %dma_wait3A_579 = arith.constant 0 : i32
          %dma_wait3A_580 = arith.constant 0 : i32
          %dma_wait3A_581 = tpu.memref_slice %arg8[%rem3A_554, %dma_wait3A_579, %dma_wait3A_580] : memref<4x5x80xi32, #tpu.memory_space<vmem>> -> memref<1x5x80xi32, #tpu.memory_space<vmem>>
          %dma_wait3A_582 = tpu.memref_squeeze %dma_wait3A_581 : memref<1x5x80xi32, #tpu.memory_space<vmem>> -> memref<5x80xi32, #tpu.memory_space<vmem>>
          %dma_wait3A_583 = arith.constant 0 : i32
          %dma_wait3A_584 = arith.constant 0 : i32
          %dma_wait3A_585 = tpu.memref_slice %arg3[%add3A, %select_n3A_549, %dma_wait3A_583, %dma_wait3A_584] : memref<32x25x5x80xi32, #tpu.memory_space<hbm>> -> memref<1x1x5x80xi32, #tpu.memory_space<hbm>>
          %dma_wait3A_586 = tpu.memref_squeeze %dma_wait3A_585 : memref<1x1x5x80xi32, #tpu.memory_space<hbm>> -> memref<5x80xi32, #tpu.memory_space<hbm>>
          tpu.wait_dma2 semaphore(%arg14 : memref<!tpu.dma_semaphore, #tpu.memory_space<semaphore_mem>>) src(%dma_wait3A_586 : memref<5x80xi32, #tpu.memory_space<hbm>>) dst(%dma_wait3A_582 : memref<5x80xi32, #tpu.memory_space<vmem>>)
          %dma_wait3A_587 = arith.constant 0 : i32
          %dma_wait3A_588 = arith.constant 0 : i32
          %dma_wait3A_589 = tpu.memref_slice %arg9[%rem3A_554, %dma_wait3A_587, %dma_wait3A_588] : memref<4x5x80xi32, #tpu.memory_space<vmem>> -> memref<1x5x80xi32, #tpu.memory_space<vmem>>
          %dma_wait3A_590 = tpu.memref_squeeze %dma_wait3A_589 : memref<1x5x80xi32, #tpu.memory_space<vmem>> -> memref<5x80xi32, #tpu.memory_space<vmem>>
          %dma_wait3A_591 = arith.constant 0 : i32
          %dma_wait3A_592 = arith.constant 0 : i32
          %dma_wait3A_593 = tpu.memref_slice %arg4[%add3A, %select_n3A_549, %dma_wait3A_591, %dma_wait3A_592] : memref<32x25x5x80xi32, #tpu.memory_space<hbm>> -> memref<1x1x5x80xi32, #tpu.memory_space<hbm>>
          %dma_wait3A_594 = tpu.memref_squeeze %dma_wait3A_593 : memref<1x1x5x80xi32, #tpu.memory_space<hbm>> -> memref<5x80xi32, #tpu.memory_space<hbm>>
          %dma_wait3A_595 = arith.constant 0 : i32
          %dma_wait3A_596 = arith.constant 0 : i32
          %dma_wait3A_597 = tpu.memref_slice %arg9[%rem3A_554, %dma_wait3A_595, %dma_wait3A_596] : memref<4x5x80xi32, #tpu.memory_space<vmem>> -> memref<1x5x80xi32, #tpu.memory_space<vmem>>
          %dma_wait3A_598 = tpu.memref_squeeze %dma_wait3A_597 : memref<1x5x80xi32, #tpu.memory_space<vmem>> -> memref<5x80xi32, #tpu.memory_space<vmem>>
          %dma_wait3A_599 = arith.constant 0 : i32
          %dma_wait3A_600 = arith.constant 0 : i32
          %dma_wait3A_601 = tpu.memref_slice %arg4[%add3A, %select_n3A_549, %dma_wait3A_599, %dma_wait3A_600] : memref<32x25x5x80xi32, #tpu.memory_space<hbm>> -> memref<1x1x5x80xi32, #tpu.memory_space<hbm>>
          %dma_wait3A_602 = tpu.memref_squeeze %dma_wait3A_601 : memref<1x1x5x80xi32, #tpu.memory_space<hbm>> -> memref<5x80xi32, #tpu.memory_space<hbm>>
          tpu.wait_dma2 semaphore(%arg15 : memref<!tpu.dma_semaphore, #tpu.memory_space<semaphore_mem>>) src(%dma_wait3A_602 : memref<5x80xi32, #tpu.memory_space<hbm>>) dst(%dma_wait3A_598 : memref<5x80xi32, #tpu.memory_space<vmem>>)
        } else {
        }
        %dma_start3A_560 = arith.constant 0 : i32
        %dma_start3A_561 = arith.constant 0 : i32
        %dma_start3A_562 = arith.constant 0 : i32
        %dma_start3A_563 = tpu.memref_slice %arg10[%dma_start3A_560, %dma_start3A_561, %dma_start3A_562] : memref<4x80x128xf32, #tpu.memory_space<vmem>> -> memref<1x80x128xf32, #tpu.memory_space<vmem>>
        %dma_start3A_564 = tpu.memref_squeeze %dma_start3A_563 : memref<1x80x128xf32, #tpu.memory_space<vmem>> -> memref<80x128xf32, #tpu.memory_space<vmem>>
        %dma_start3A_565 = arith.constant 0 : i32
        %dma_start3A_566 = tpu.memref_slice %arg8[%rem3A_554, %sub3A_552, %dma_start3A_565] : memref<4x5x80xi32, #tpu.memory_space<vmem>> -> memref<1x1x80xi32, #tpu.memory_space<vmem>>
        %dma_start3A_567 = tpu.memref_squeeze %dma_start3A_566 : memref<1x1x80xi32, #tpu.memory_space<vmem>> -> memref<80xi32, #tpu.memory_space<vmem>>
        %dma_start3A_568 = arith.constant 0 : i32
        %dma_start3A_569 = arith.constant 0 : i32
        %dma_start3A_570 = tpu.memref_slice %arg2[%dma_start3A_568, %dma_start3A_569] : memref<10000x128xf32, #tpu.memory_space<hbm>> -> memref<10000x128xf32, #tpu.memory_space<hbm>>
        tpu.enqueue_indirect_dma source(%dma_start3A_570 : memref<10000x128xf32, #tpu.memory_space<hbm>>) target(%dma_start3A_564 : memref<80x128xf32, #tpu.memory_space<vmem>>) offsets(%dma_start3A_567 : memref<80xi32, #tpu.memory_space<vmem>>) semaphore(%arg12 : memref<!tpu.dma_semaphore, #tpu.memory_space<semaphore_mem>>)
      } else {
      }
      %dma_wait3A_425 = arith.constant 2 : i32
      %dma_wait3A_426 = arith.constant 0 : i32
      %dma_wait3A_427 = arith.constant 0 : i32
      %dma_wait3A_428 = tpu.memref_slice %arg10[%dma_wait3A_425, %dma_wait3A_426, %dma_wait3A_427] : memref<4x80x128xf32, #tpu.memory_space<vmem>> -> memref<1x80x128xf32, #tpu.memory_space<vmem>>
      %dma_wait3A_429 = tpu.memref_squeeze %dma_wait3A_428 : memref<1x80x128xf32, #tpu.memory_space<vmem>> -> memref<80x128xf32, #tpu.memory_space<vmem>>
      %dma_wait3A_430 = arith.constant 0 : i32
      %dma_wait3A_431 = tpu.memref_slice %arg8[%rem3A_402, %sub3A_400, %dma_wait3A_430] : memref<4x5x80xi32, #tpu.memory_space<vmem>> -> memref<1x1x80xi32, #tpu.memory_space<vmem>>
      %dma_wait3A_432 = tpu.memref_squeeze %dma_wait3A_431 : memref<1x1x80xi32, #tpu.memory_space<vmem>> -> memref<80xi32, #tpu.memory_space<vmem>>
      %dma_wait3A_433 = arith.constant 0 : i32
      %dma_wait3A_434 = arith.constant 0 : i32
      %dma_wait3A_435 = tpu.memref_slice %arg2[%dma_wait3A_433, %dma_wait3A_434] : memref<10000x128xf32, #tpu.memory_space<hbm>> -> memref<10000x128xf32, #tpu.memory_space<hbm>>
      tpu.wait_indirect_dma semaphore(%arg12 : memref<!tpu.dma_semaphore, #tpu.memory_space<semaphore_mem>>) src(%dma_wait3A_435 : memref<10000x128xf32, #tpu.memory_space<hbm>>) dst(%dma_wait3A_429 : memref<80x128xf32, #tpu.memory_space<vmem>>)
      %dma_start3A_436 = arith.constant 2 : i32
      %dma_start3A_437 = arith.constant 0 : i32
      %dma_start3A_438 = arith.constant 0 : i32
      %dma_start3A_439 = tpu.memref_slice %arg10[%dma_start3A_436, %dma_start3A_437, %dma_start3A_438] : memref<4x80x128xf32, #tpu.memory_space<vmem>> -> memref<1x80x128xf32, #tpu.memory_space<vmem>>
      %dma_start3A_440 = tpu.memref_squeeze %dma_start3A_439 : memref<1x80x128xf32, #tpu.memory_space<vmem>> -> memref<80x128xf32, #tpu.memory_space<vmem>>
      %dma_start3A_441 = arith.constant 0 : i32
      %dma_start3A_442 = tpu.memref_slice %arg9[%rem3A_402, %sub3A_400, %dma_start3A_441] : memref<4x5x80xi32, #tpu.memory_space<vmem>> -> memref<1x1x80xi32, #tpu.memory_space<vmem>>
      %dma_start3A_443 = tpu.memref_squeeze %dma_start3A_442 : memref<1x1x80xi32, #tpu.memory_space<vmem>> -> memref<80xi32, #tpu.memory_space<vmem>>
      %dma_start3A_444 = arith.constant 0 : i32
      %dma_start3A_445 = arith.constant 0 : i32
      %dma_start3A_446 = tpu.memref_slice %arg11[%dma_start3A_444, %dma_start3A_445] : memref<10000x128xf32, #tpu.memory_space<vmem_shared>> -> memref<10000x128xf32, #tpu.memory_space<vmem_shared>>
      tpu.enqueue_indirect_dma source(%dma_start3A_440 : memref<80x128xf32, #tpu.memory_space<vmem>>) target(%dma_start3A_446 : memref<10000x128xf32, #tpu.memory_space<vmem_shared>>) offsets(%dma_start3A_443 : memref<80xi32, #tpu.memory_space<vmem>>) semaphore(%arg13 : memref<!tpu.dma_semaphore, #tpu.memory_space<semaphore_mem>>) {add = true}
      %mul3A_447 = arith.constant 4 : i32
      %mul3A_448 = arith.muli %mul3A_447, %scan3A_223 : i32
      %add3A_449 = arith.constant 3 : i32
      %add3A_450 = arith.addi %mul3A_448, %add3A_449 : i32
      %jit3A_451 = arith.constant 5 : i32
      %div3A_452 = arith.divsi %add3A_450, %jit3A_451 : i32
      %sign3A_453 = arith.constant 0 : i32
      %sign3A_454 = arith.cmpi sgt, %add3A_450, %sign3A_453 : i32
      %sign3A_455 = arith.extui %sign3A_454 : i1 to i32
      %sign3A_456 = arith.constant 0 : i32
      %sign3A_457 = arith.cmpi slt, %add3A_450, %sign3A_456 : i32
      %sign3A_458 = arith.extui %sign3A_457 : i1 to i32
      %sign3A_459 = arith.subi %sign3A_455, %sign3A_458 : i32
      %sign3A_460 = arith.constant 0 : i32
      %sign3A_461 = arith.cmpi sgt, %jit3A_451, %sign3A_460 : i32
      %sign3A_462 = arith.extui %sign3A_461 : i1 to i32
      %sign3A_463 = arith.constant 0 : i32
      %sign3A_464 = arith.cmpi slt, %jit3A_451, %sign3A_463 : i32
      %sign3A_465 = arith.extui %sign3A_464 : i1 to i32
      %sign3A_466 = arith.subi %sign3A_462, %sign3A_465 : i32
      %ne3A_467 = arith.cmpi ne, %sign3A_459, %sign3A_466 : i32
      %rem3A_468 = arith.remsi %add3A_450, %jit3A_451 : i32
      %ne3A_469 = arith.constant 0 : i32
      %ne3A_470 = arith.cmpi ne, %rem3A_468, %ne3A_469 : i32
      %and3A_471 = arith.andi %ne3A_467, %ne3A_470 : i1
      %sub3A_472 = arith.constant 1 : i32
      %sub3A_473 = arith.subi %div3A_452, %sub3A_472 : i32
      %select_n3A_474 = arith.select %and3A_471, %sub3A_473, %div3A_452 : i32
      %mul3A_475 = arith.constant 5 : i32
      %mul3A_476 = arith.muli %select_n3A_474, %mul3A_475 : i32
      %sub3A_477 = arith.subi %add3A_450, %mul3A_476 : i32
      %rem3A_478 = arith.constant 4 : i32
      %rem3A_479 = arith.remsi %select_n3A_474, %rem3A_478 : i32
      %ge3A_480 = arith.constant 2 : i32
      %ge3A_481 = arith.cmpi sge, %add3A_450, %ge3A_480 : i32
      %convert_element_type3A_482 = arith.extui %ge3A_481 : i1 to i32
      %cond3A_483 = arith.constant 0 : i32
      %cond3A_484 = arith.cmpi ne, %convert_element_type3A_482, %cond3A_483 : i32
      scf.if %cond3A_484 {
        %sub3A_524 = arith.constant 2 : i32
        %sub3A_525 = arith.subi %add3A_450, %sub3A_524 : i32
        %jit3A_526 = arith.constant 5 : i32
        %div3A_527 = arith.divsi %sub3A_525, %jit3A_526 : i32
        %sign3A_528 = arith.constant 0 : i32
        %sign3A_529 = arith.cmpi sgt, %sub3A_525, %sign3A_528 : i32
        %sign3A_530 = arith.extui %sign3A_529 : i1 to i32
        %sign3A_531 = arith.constant 0 : i32
        %sign3A_532 = arith.cmpi slt, %sub3A_525, %sign3A_531 : i32
        %sign3A_533 = arith.extui %sign3A_532 : i1 to i32
        %sign3A_534 = arith.subi %sign3A_530, %sign3A_533 : i32
        %sign3A_535 = arith.constant 0 : i32
        %sign3A_536 = arith.cmpi sgt, %jit3A_526, %sign3A_535 : i32
        %sign3A_537 = arith.extui %sign3A_536 : i1 to i32
        %sign3A_538 = arith.constant 0 : i32
        %sign3A_539 = arith.cmpi slt, %jit3A_526, %sign3A_538 : i32
        %sign3A_540 = arith.extui %sign3A_539 : i1 to i32
        %sign3A_541 = arith.subi %sign3A_537, %sign3A_540 : i32
        %ne3A_542 = arith.cmpi ne, %sign3A_534, %sign3A_541 : i32
        %rem3A_543 = arith.remsi %sub3A_525, %jit3A_526 : i32
        %ne3A_544 = arith.constant 0 : i32
        %ne3A_545 = arith.cmpi ne, %rem3A_543, %ne3A_544 : i32
        %and3A_546 = arith.andi %ne3A_542, %ne3A_545 : i1
        %sub3A_547 = arith.constant 1 : i32
        %sub3A_548 = arith.subi %div3A_527, %sub3A_547 : i32
        %select_n3A_549 = arith.select %and3A_546, %sub3A_548, %div3A_527 : i32
        %mul3A_550 = arith.constant 5 : i32
        %mul3A_551 = arith.muli %select_n3A_549, %mul3A_550 : i32
        %sub3A_552 = arith.subi %sub3A_525, %mul3A_551 : i32
        %rem3A_553 = arith.constant 4 : i32
        %rem3A_554 = arith.remsi %select_n3A_549, %rem3A_553 : i32
        %dma_wait3A_555 = arith.constant 1 : i32
        %dma_wait3A_556 = arith.constant 0 : i32
        %dma_wait3A_557 = arith.constant 0 : i32
        %dma_wait3A_558 = tpu.memref_slice %arg10[%dma_wait3A_555, %dma_wait3A_556, %dma_wait3A_557] : memref<4x80x128xf32, #tpu.memory_space<vmem>> -> memref<1x80x128xf32, #tpu.memory_space<vmem>>
        %dma_wait3A_559 = tpu.memref_squeeze %dma_wait3A_558 : memref<1x80x128xf32, #tpu.memory_space<vmem>> -> memref<80x128xf32, #tpu.memory_space<vmem>>
        %dma_wait3A_560 = arith.constant 0 : i32
        %dma_wait3A_561 = tpu.memref_slice %arg9[%rem3A_554, %sub3A_552, %dma_wait3A_560] : memref<4x5x80xi32, #tpu.memory_space<vmem>> -> memref<1x1x80xi32, #tpu.memory_space<vmem>>
        %dma_wait3A_562 = tpu.memref_squeeze %dma_wait3A_561 : memref<1x1x80xi32, #tpu.memory_space<vmem>> -> memref<80xi32, #tpu.memory_space<vmem>>
        %dma_wait3A_563 = arith.constant 0 : i32
        %dma_wait3A_564 = arith.constant 0 : i32
        %dma_wait3A_565 = tpu.memref_slice %arg11[%dma_wait3A_563, %dma_wait3A_564] : memref<10000x128xf32, #tpu.memory_space<vmem_shared>> -> memref<10000x128xf32, #tpu.memory_space<vmem_shared>>
        tpu.wait_indirect_dma semaphore(%arg13 : memref<!tpu.dma_semaphore, #tpu.memory_space<semaphore_mem>>) src(%dma_wait3A_559 : memref<80x128xf32, #tpu.memory_space<vmem>>) dst(%dma_wait3A_565 : memref<10000x128xf32, #tpu.memory_space<vmem_shared>>)
      } else {
      }
      %eq3A_485 = arith.constant 0 : i32
      %eq3A_486 = arith.cmpi eq, %sub3A_477, %eq3A_485 : i32
      %add3A_487 = arith.constant 1 : i32
      %add3A_488 = arith.addi %select_n3A_474, %add3A_487 : i32
      %lt3A_489 = arith.constant 25 : i32
      %lt3A_490 = arith.cmpi slt, %add3A_488, %lt3A_489 : i32
      %and3A_491 = arith.andi %eq3A_486, %lt3A_490 : i1
      %convert_element_type3A_492 = arith.extui %and3A_491 : i1 to i32
      %cond3A_493 = arith.constant 0 : i32
      %cond3A_494 = arith.cmpi ne, %convert_element_type3A_492, %cond3A_493 : i32
      scf.if %cond3A_494 {
        %add3A_524 = arith.constant 1 : i32
        %add3A_525 = arith.addi %select_n3A_474, %add3A_524 : i32
        %rem3A_526 = arith.constant 4 : i32
        %rem3A_527 = arith.remsi %add3A_525, %rem3A_526 : i32
        %add3A_528 = arith.constant 1 : i32
        %add3A_529 = arith.addi %select_n3A_474, %add3A_528 : i32
        %dma_start3A_530 = arith.constant 0 : i32
        %dma_start3A_531 = arith.constant 0 : i32
        %dma_start3A_532 = tpu.memref_slice %arg8[%rem3A_527, %dma_start3A_530, %dma_start3A_531] : memref<4x5x80xi32, #tpu.memory_space<vmem>> -> memref<1x5x80xi32, #tpu.memory_space<vmem>>
        %dma_start3A_533 = tpu.memref_squeeze %dma_start3A_532 : memref<1x5x80xi32, #tpu.memory_space<vmem>> -> memref<5x80xi32, #tpu.memory_space<vmem>>
        %dma_start3A_534 = arith.constant 0 : i32
        %dma_start3A_535 = arith.constant 0 : i32
        %dma_start3A_536 = tpu.memref_slice %arg3[%add3A, %add3A_529, %dma_start3A_534, %dma_start3A_535] : memref<32x25x5x80xi32, #tpu.memory_space<hbm>> -> memref<1x1x5x80xi32, #tpu.memory_space<hbm>>
        %dma_start3A_537 = tpu.memref_squeeze %dma_start3A_536 : memref<1x1x5x80xi32, #tpu.memory_space<hbm>> -> memref<5x80xi32, #tpu.memory_space<hbm>>
        %dma_start3A_538 = arith.constant 0 : i32
        %dma_start3A_539 = arith.constant 0 : i32
        %dma_start3A_540 = tpu.memref_slice %arg8[%rem3A_527, %dma_start3A_538, %dma_start3A_539] : memref<4x5x80xi32, #tpu.memory_space<vmem>> -> memref<1x5x80xi32, #tpu.memory_space<vmem>>
        %dma_start3A_541 = tpu.memref_squeeze %dma_start3A_540 : memref<1x5x80xi32, #tpu.memory_space<vmem>> -> memref<5x80xi32, #tpu.memory_space<vmem>>
        %dma_start3A_542 = arith.constant 0 : i32
        %dma_start3A_543 = arith.constant 0 : i32
        %dma_start3A_544 = tpu.memref_slice %arg3[%add3A, %add3A_529, %dma_start3A_542, %dma_start3A_543] : memref<32x25x5x80xi32, #tpu.memory_space<hbm>> -> memref<1x1x5x80xi32, #tpu.memory_space<hbm>>
        %dma_start3A_545 = tpu.memref_squeeze %dma_start3A_544 : memref<1x1x5x80xi32, #tpu.memory_space<hbm>> -> memref<5x80xi32, #tpu.memory_space<hbm>>
        tpu.enqueue_dma source(%dma_start3A_545 : memref<5x80xi32, #tpu.memory_space<hbm>>) target(%dma_start3A_541 : memref<5x80xi32, #tpu.memory_space<vmem>>) target_semaphore(%arg14 : memref<!tpu.dma_semaphore, #tpu.memory_space<semaphore_mem>>)
        %add3A_546 = arith.constant 1 : i32
        %add3A_547 = arith.addi %select_n3A_474, %add3A_546 : i32
        %dma_start3A_548 = arith.constant 0 : i32
        %dma_start3A_549 = arith.constant 0 : i32
        %dma_start3A_550 = tpu.memref_slice %arg9[%rem3A_527, %dma_start3A_548, %dma_start3A_549] : memref<4x5x80xi32, #tpu.memory_space<vmem>> -> memref<1x5x80xi32, #tpu.memory_space<vmem>>
        %dma_start3A_551 = tpu.memref_squeeze %dma_start3A_550 : memref<1x5x80xi32, #tpu.memory_space<vmem>> -> memref<5x80xi32, #tpu.memory_space<vmem>>
        %dma_start3A_552 = arith.constant 0 : i32
        %dma_start3A_553 = arith.constant 0 : i32
        %dma_start3A_554 = tpu.memref_slice %arg4[%add3A, %add3A_547, %dma_start3A_552, %dma_start3A_553] : memref<32x25x5x80xi32, #tpu.memory_space<hbm>> -> memref<1x1x5x80xi32, #tpu.memory_space<hbm>>
        %dma_start3A_555 = tpu.memref_squeeze %dma_start3A_554 : memref<1x1x5x80xi32, #tpu.memory_space<hbm>> -> memref<5x80xi32, #tpu.memory_space<hbm>>
        %dma_start3A_556 = arith.constant 0 : i32
        %dma_start3A_557 = arith.constant 0 : i32
        %dma_start3A_558 = tpu.memref_slice %arg9[%rem3A_527, %dma_start3A_556, %dma_start3A_557] : memref<4x5x80xi32, #tpu.memory_space<vmem>> -> memref<1x5x80xi32, #tpu.memory_space<vmem>>
        %dma_start3A_559 = tpu.memref_squeeze %dma_start3A_558 : memref<1x5x80xi32, #tpu.memory_space<vmem>> -> memref<5x80xi32, #tpu.memory_space<vmem>>
        %dma_start3A_560 = arith.constant 0 : i32
        %dma_start3A_561 = arith.constant 0 : i32
        %dma_start3A_562 = tpu.memref_slice %arg4[%add3A, %add3A_547, %dma_start3A_560, %dma_start3A_561] : memref<32x25x5x80xi32, #tpu.memory_space<hbm>> -> memref<1x1x5x80xi32, #tpu.memory_space<hbm>>
        %dma_start3A_563 = tpu.memref_squeeze %dma_start3A_562 : memref<1x1x5x80xi32, #tpu.memory_space<hbm>> -> memref<5x80xi32, #tpu.memory_space<hbm>>
        tpu.enqueue_dma source(%dma_start3A_563 : memref<5x80xi32, #tpu.memory_space<hbm>>) target(%dma_start3A_559 : memref<5x80xi32, #tpu.memory_space<vmem>>) target_semaphore(%arg15 : memref<!tpu.dma_semaphore, #tpu.memory_space<semaphore_mem>>)
      } else {
      }
      %add3A_495 = arith.constant 2 : i32
      %add3A_496 = arith.addi %add3A_450, %add3A_495 : i32
      %lt3A_497 = arith.constant 125 : i32
      %lt3A_498 = arith.cmpi slt, %add3A_496, %lt3A_497 : i32
      %convert_element_type3A_499 = arith.extui %lt3A_498 : i1 to i32
      %cond3A_500 = arith.constant 0 : i32
      %cond3A_501 = arith.cmpi ne, %convert_element_type3A_499, %cond3A_500 : i32
      scf.if %cond3A_501 {
        %add3A_524 = arith.constant 2 : i32
        %add3A_525 = arith.addi %add3A_450, %add3A_524 : i32
        %jit3A_526 = arith.constant 5 : i32
        %div3A_527 = arith.divsi %add3A_525, %jit3A_526 : i32
        %sign3A_528 = arith.constant 0 : i32
        %sign3A_529 = arith.cmpi sgt, %add3A_525, %sign3A_528 : i32
        %sign3A_530 = arith.extui %sign3A_529 : i1 to i32
        %sign3A_531 = arith.constant 0 : i32
        %sign3A_532 = arith.cmpi slt, %add3A_525, %sign3A_531 : i32
        %sign3A_533 = arith.extui %sign3A_532 : i1 to i32
        %sign3A_534 = arith.subi %sign3A_530, %sign3A_533 : i32
        %sign3A_535 = arith.constant 0 : i32
        %sign3A_536 = arith.cmpi sgt, %jit3A_526, %sign3A_535 : i32
        %sign3A_537 = arith.extui %sign3A_536 : i1 to i32
        %sign3A_538 = arith.constant 0 : i32
        %sign3A_539 = arith.cmpi slt, %jit3A_526, %sign3A_538 : i32
        %sign3A_540 = arith.extui %sign3A_539 : i1 to i32
        %sign3A_541 = arith.subi %sign3A_537, %sign3A_540 : i32
        %ne3A_542 = arith.cmpi ne, %sign3A_534, %sign3A_541 : i32
        %rem3A_543 = arith.remsi %add3A_525, %jit3A_526 : i32
        %ne3A_544 = arith.constant 0 : i32
        %ne3A_545 = arith.cmpi ne, %rem3A_543, %ne3A_544 : i32
        %and3A_546 = arith.andi %ne3A_542, %ne3A_545 : i1
        %sub3A_547 = arith.constant 1 : i32
        %sub3A_548 = arith.subi %div3A_527, %sub3A_547 : i32
        %select_n3A_549 = arith.select %and3A_546, %sub3A_548, %div3A_527 : i32
        %mul3A_550 = arith.constant 5 : i32
        %mul3A_551 = arith.muli %select_n3A_549, %mul3A_550 : i32
        %sub3A_552 = arith.subi %add3A_525, %mul3A_551 : i32
        %rem3A_553 = arith.constant 4 : i32
        %rem3A_554 = arith.remsi %select_n3A_549, %rem3A_553 : i32
        %eq3A_555 = arith.constant 0 : i32
        %eq3A_556 = arith.cmpi eq, %sub3A_552, %eq3A_555 : i32
        %convert_element_type3A_557 = arith.extui %eq3A_556 : i1 to i32
        %cond3A_558 = arith.constant 0 : i32
        %cond3A_559 = arith.cmpi ne, %convert_element_type3A_557, %cond3A_558 : i32
        scf.if %cond3A_559 {
          %dma_wait3A_571 = arith.constant 0 : i32
          %dma_wait3A_572 = arith.constant 0 : i32
          %dma_wait3A_573 = tpu.memref_slice %arg8[%rem3A_554, %dma_wait3A_571, %dma_wait3A_572] : memref<4x5x80xi32, #tpu.memory_space<vmem>> -> memref<1x5x80xi32, #tpu.memory_space<vmem>>
          %dma_wait3A_574 = tpu.memref_squeeze %dma_wait3A_573 : memref<1x5x80xi32, #tpu.memory_space<vmem>> -> memref<5x80xi32, #tpu.memory_space<vmem>>
          %dma_wait3A_575 = arith.constant 0 : i32
          %dma_wait3A_576 = arith.constant 0 : i32
          %dma_wait3A_577 = tpu.memref_slice %arg3[%add3A, %select_n3A_549, %dma_wait3A_575, %dma_wait3A_576] : memref<32x25x5x80xi32, #tpu.memory_space<hbm>> -> memref<1x1x5x80xi32, #tpu.memory_space<hbm>>
          %dma_wait3A_578 = tpu.memref_squeeze %dma_wait3A_577 : memref<1x1x5x80xi32, #tpu.memory_space<hbm>> -> memref<5x80xi32, #tpu.memory_space<hbm>>
          %dma_wait3A_579 = arith.constant 0 : i32
          %dma_wait3A_580 = arith.constant 0 : i32
          %dma_wait3A_581 = tpu.memref_slice %arg8[%rem3A_554, %dma_wait3A_579, %dma_wait3A_580] : memref<4x5x80xi32, #tpu.memory_space<vmem>> -> memref<1x5x80xi32, #tpu.memory_space<vmem>>
          %dma_wait3A_582 = tpu.memref_squeeze %dma_wait3A_581 : memref<1x5x80xi32, #tpu.memory_space<vmem>> -> memref<5x80xi32, #tpu.memory_space<vmem>>
          %dma_wait3A_583 = arith.constant 0 : i32
          %dma_wait3A_584 = arith.constant 0 : i32
          %dma_wait3A_585 = tpu.memref_slice %arg3[%add3A, %select_n3A_549, %dma_wait3A_583, %dma_wait3A_584] : memref<32x25x5x80xi32, #tpu.memory_space<hbm>> -> memref<1x1x5x80xi32, #tpu.memory_space<hbm>>
          %dma_wait3A_586 = tpu.memref_squeeze %dma_wait3A_585 : memref<1x1x5x80xi32, #tpu.memory_space<hbm>> -> memref<5x80xi32, #tpu.memory_space<hbm>>
          tpu.wait_dma2 semaphore(%arg14 : memref<!tpu.dma_semaphore, #tpu.memory_space<semaphore_mem>>) src(%dma_wait3A_586 : memref<5x80xi32, #tpu.memory_space<hbm>>) dst(%dma_wait3A_582 : memref<5x80xi32, #tpu.memory_space<vmem>>)
          %dma_wait3A_587 = arith.constant 0 : i32
          %dma_wait3A_588 = arith.constant 0 : i32
          %dma_wait3A_589 = tpu.memref_slice %arg9[%rem3A_554, %dma_wait3A_587, %dma_wait3A_588] : memref<4x5x80xi32, #tpu.memory_space<vmem>> -> memref<1x5x80xi32, #tpu.memory_space<vmem>>
          %dma_wait3A_590 = tpu.memref_squeeze %dma_wait3A_589 : memref<1x5x80xi32, #tpu.memory_space<vmem>> -> memref<5x80xi32, #tpu.memory_space<vmem>>
          %dma_wait3A_591 = arith.constant 0 : i32
          %dma_wait3A_592 = arith.constant 0 : i32
          %dma_wait3A_593 = tpu.memref_slice %arg4[%add3A, %select_n3A_549, %dma_wait3A_591, %dma_wait3A_592] : memref<32x25x5x80xi32, #tpu.memory_space<hbm>> -> memref<1x1x5x80xi32, #tpu.memory_space<hbm>>
          %dma_wait3A_594 = tpu.memref_squeeze %dma_wait3A_593 : memref<1x1x5x80xi32, #tpu.memory_space<hbm>> -> memref<5x80xi32, #tpu.memory_space<hbm>>
          %dma_wait3A_595 = arith.constant 0 : i32
          %dma_wait3A_596 = arith.constant 0 : i32
          %dma_wait3A_597 = tpu.memref_slice %arg9[%rem3A_554, %dma_wait3A_595, %dma_wait3A_596] : memref<4x5x80xi32, #tpu.memory_space<vmem>> -> memref<1x5x80xi32, #tpu.memory_space<vmem>>
          %dma_wait3A_598 = tpu.memref_squeeze %dma_wait3A_597 : memref<1x5x80xi32, #tpu.memory_space<vmem>> -> memref<5x80xi32, #tpu.memory_space<vmem>>
          %dma_wait3A_599 = arith.constant 0 : i32
          %dma_wait3A_600 = arith.constant 0 : i32
          %dma_wait3A_601 = tpu.memref_slice %arg4[%add3A, %select_n3A_549, %dma_wait3A_599, %dma_wait3A_600] : memref<32x25x5x80xi32, #tpu.memory_space<hbm>> -> memref<1x1x5x80xi32, #tpu.memory_space<hbm>>
          %dma_wait3A_602 = tpu.memref_squeeze %dma_wait3A_601 : memref<1x1x5x80xi32, #tpu.memory_space<hbm>> -> memref<5x80xi32, #tpu.memory_space<hbm>>
          tpu.wait_dma2 semaphore(%arg15 : memref<!tpu.dma_semaphore, #tpu.memory_space<semaphore_mem>>) src(%dma_wait3A_602 : memref<5x80xi32, #tpu.memory_space<hbm>>) dst(%dma_wait3A_598 : memref<5x80xi32, #tpu.memory_space<vmem>>)
        } else {
        }
        %dma_start3A_560 = arith.constant 1 : i32
        %dma_start3A_561 = arith.constant 0 : i32
        %dma_start3A_562 = arith.constant 0 : i32
        %dma_start3A_563 = tpu.memref_slice %arg10[%dma_start3A_560, %dma_start3A_561, %dma_start3A_562] : memref<4x80x128xf32, #tpu.memory_space<vmem>> -> memref<1x80x128xf32, #tpu.memory_space<vmem>>
        %dma_start3A_564 = tpu.memref_squeeze %dma_start3A_563 : memref<1x80x128xf32, #tpu.memory_space<vmem>> -> memref<80x128xf32, #tpu.memory_space<vmem>>
        %dma_start3A_565 = arith.constant 0 : i32
        %dma_start3A_566 = tpu.memref_slice %arg8[%rem3A_554, %sub3A_552, %dma_start3A_565] : memref<4x5x80xi32, #tpu.memory_space<vmem>> -> memref<1x1x80xi32, #tpu.memory_space<vmem>>
        %dma_start3A_567 = tpu.memref_squeeze %dma_start3A_566 : memref<1x1x80xi32, #tpu.memory_space<vmem>> -> memref<80xi32, #tpu.memory_space<vmem>>
        %dma_start3A_568 = arith.constant 0 : i32
        %dma_start3A_569 = arith.constant 0 : i32
        %dma_start3A_570 = tpu.memref_slice %arg2[%dma_start3A_568, %dma_start3A_569] : memref<10000x128xf32, #tpu.memory_space<hbm>> -> memref<10000x128xf32, #tpu.memory_space<hbm>>
        tpu.enqueue_indirect_dma source(%dma_start3A_570 : memref<10000x128xf32, #tpu.memory_space<hbm>>) target(%dma_start3A_564 : memref<80x128xf32, #tpu.memory_space<vmem>>) offsets(%dma_start3A_567 : memref<80xi32, #tpu.memory_space<vmem>>) semaphore(%arg12 : memref<!tpu.dma_semaphore, #tpu.memory_space<semaphore_mem>>)
      } else {
      }
      %dma_wait3A_502 = arith.constant 3 : i32
      %dma_wait3A_503 = arith.constant 0 : i32
      %dma_wait3A_504 = arith.constant 0 : i32
      %dma_wait3A_505 = tpu.memref_slice %arg10[%dma_wait3A_502, %dma_wait3A_503, %dma_wait3A_504] : memref<4x80x128xf32, #tpu.memory_space<vmem>> -> memref<1x80x128xf32, #tpu.memory_space<vmem>>
      %dma_wait3A_506 = tpu.memref_squeeze %dma_wait3A_505 : memref<1x80x128xf32, #tpu.memory_space<vmem>> -> memref<80x128xf32, #tpu.memory_space<vmem>>
      %dma_wait3A_507 = arith.constant 0 : i32
      %dma_wait3A_508 = tpu.memref_slice %arg8[%rem3A_479, %sub3A_477, %dma_wait3A_507] : memref<4x5x80xi32, #tpu.memory_space<vmem>> -> memref<1x1x80xi32, #tpu.memory_space<vmem>>
      %dma_wait3A_509 = tpu.memref_squeeze %dma_wait3A_508 : memref<1x1x80xi32, #tpu.memory_space<vmem>> -> memref<80xi32, #tpu.memory_space<vmem>>
      %dma_wait3A_510 = arith.constant 0 : i32
      %dma_wait3A_511 = arith.constant 0 : i32
      %dma_wait3A_512 = tpu.memref_slice %arg2[%dma_wait3A_510, %dma_wait3A_511] : memref<10000x128xf32, #tpu.memory_space<hbm>> -> memref<10000x128xf32, #tpu.memory_space<hbm>>
      tpu.wait_indirect_dma semaphore(%arg12 : memref<!tpu.dma_semaphore, #tpu.memory_space<semaphore_mem>>) src(%dma_wait3A_512 : memref<10000x128xf32, #tpu.memory_space<hbm>>) dst(%dma_wait3A_506 : memref<80x128xf32, #tpu.memory_space<vmem>>)
      %dma_start3A_513 = arith.constant 3 : i32
      %dma_start3A_514 = arith.constant 0 : i32
      %dma_start3A_515 = arith.constant 0 : i32
      %dma_start3A_516 = tpu.memref_slice %arg10[%dma_start3A_513, %dma_start3A_514, %dma_start3A_515] : memref<4x80x128xf32, #tpu.memory_space<vmem>> -> memref<1x80x128xf32, #tpu.memory_space<vmem>>
      %dma_start3A_517 = tpu.memref_squeeze %dma_start3A_516 : memref<1x80x128xf32, #tpu.memory_space<vmem>> -> memref<80x128xf32, #tpu.memory_space<vmem>>
      %dma_start3A_518 = arith.constant 0 : i32
      %dma_start3A_519 = tpu.memref_slice %arg9[%rem3A_479, %sub3A_477, %dma_start3A_518] : memref<4x5x80xi32, #tpu.memory_space<vmem>> -> memref<1x1x80xi32, #tpu.memory_space<vmem>>
      %dma_start3A_520 = tpu.memref_squeeze %dma_start3A_519 : memref<1x1x80xi32, #tpu.memory_space<vmem>> -> memref<80xi32, #tpu.memory_space<vmem>>
      %dma_start3A_521 = arith.constant 0 : i32
      %dma_start3A_522 = arith.constant 0 : i32
      %dma_start3A_523 = tpu.memref_slice %arg11[%dma_start3A_521, %dma_start3A_522] : memref<10000x128xf32, #tpu.memory_space<vmem_shared>> -> memref<10000x128xf32, #tpu.memory_space<vmem_shared>>
      tpu.enqueue_indirect_dma source(%dma_start3A_517 : memref<80x128xf32, #tpu.memory_space<vmem>>) target(%dma_start3A_523 : memref<10000x128xf32, #tpu.memory_space<vmem_shared>>) offsets(%dma_start3A_520 : memref<80xi32, #tpu.memory_space<vmem>>) semaphore(%arg13 : memref<!tpu.dma_semaphore, #tpu.memory_space<semaphore_mem>>) {add = true}
    }
    %scan3A_117 = arith.constant 31 : i32
    %cond3A_118 = arith.constant 1 : i32
    %dma_wait3A_119 = arith.constant 2 : i32
    %dma_wait3A_120 = arith.constant 0 : i32
    %dma_wait3A_121 = arith.constant 2 : i32
    %dma_wait3A_122 = arith.constant 0 : i32
    %dma_wait3A_123 = arith.constant 0 : i32
    %dma_wait3A_124 = tpu.memref_slice %arg10[%dma_wait3A_119, %dma_wait3A_122, %dma_wait3A_123] : memref<4x80x128xf32, #tpu.memory_space<vmem>> -> memref<1x80x128xf32, #tpu.memory_space<vmem>>
    %dma_wait3A_125 = tpu.memref_squeeze %dma_wait3A_124 : memref<1x80x128xf32, #tpu.memory_space<vmem>> -> memref<80x128xf32, #tpu.memory_space<vmem>>
    %dma_wait3A_126 = arith.constant 0 : i32
    %dma_wait3A_127 = tpu.memref_slice %arg9[%dma_wait3A_120, %dma_wait3A_121, %dma_wait3A_126] : memref<4x5x80xi32, #tpu.memory_space<vmem>> -> memref<1x1x80xi32, #tpu.memory_space<vmem>>
    %dma_wait3A_128 = tpu.memref_squeeze %dma_wait3A_127 : memref<1x1x80xi32, #tpu.memory_space<vmem>> -> memref<80xi32, #tpu.memory_space<vmem>>
    %dma_wait3A_129 = arith.constant 0 : i32
    %dma_wait3A_130 = arith.constant 0 : i32
    %dma_wait3A_131 = tpu.memref_slice %arg11[%dma_wait3A_129, %dma_wait3A_130] : memref<10000x128xf32, #tpu.memory_space<vmem_shared>> -> memref<10000x128xf32, #tpu.memory_space<vmem_shared>>
    tpu.wait_indirect_dma semaphore(%arg13 : memref<!tpu.dma_semaphore, #tpu.memory_space<semaphore_mem>>) src(%dma_wait3A_125 : memref<80x128xf32, #tpu.memory_space<vmem>>) dst(%dma_wait3A_131 : memref<10000x128xf32, #tpu.memory_space<vmem_shared>>)
    %and3A = arith.constant false
    %and3A_132 = arith.constant false
    %and3A_133 = arith.andi %and3A, %and3A_132 : i1
    %convert_element_type3A_134 = arith.extui %and3A_133 : i1 to i32
    %cond3A_135 = arith.constant 0 : i32
    %cond3A_136 = arith.cmpi ne, %convert_element_type3A_134, %cond3A_135 : i32
    scf.if %cond3A_136 {
      %dma_start3A_223 = arith.constant 25 : i32
      %dma_start3A_224 = arith.constant 1 : i32
      %dma_start3A_225 = arith.constant 0 : i32
      %dma_start3A_226 = arith.constant 0 : i32
      %dma_start3A_227 = tpu.memref_slice %arg8[%dma_start3A_224, %dma_start3A_225, %dma_start3A_226] : memref<4x5x80xi32, #tpu.memory_space<vmem>> -> memref<1x5x80xi32, #tpu.memory_space<vmem>>
      %dma_start3A_228 = tpu.memref_squeeze %dma_start3A_227 : memref<1x5x80xi32, #tpu.memory_space<vmem>> -> memref<5x80xi32, #tpu.memory_space<vmem>>
      %dma_start3A_229 = arith.constant 0 : i32
      %dma_start3A_230 = arith.constant 0 : i32
      %dma_start3A_231 = tpu.memref_slice %arg3[%add3A, %dma_start3A_223, %dma_start3A_229, %dma_start3A_230] : memref<32x25x5x80xi32, #tpu.memory_space<hbm>> -> memref<1x1x5x80xi32, #tpu.memory_space<hbm>>
      %dma_start3A_232 = tpu.memref_squeeze %dma_start3A_231 : memref<1x1x5x80xi32, #tpu.memory_space<hbm>> -> memref<5x80xi32, #tpu.memory_space<hbm>>
      %dma_start3A_233 = arith.constant 0 : i32
      %dma_start3A_234 = arith.constant 0 : i32
      %dma_start3A_235 = tpu.memref_slice %arg8[%dma_start3A_224, %dma_start3A_233, %dma_start3A_234] : memref<4x5x80xi32, #tpu.memory_space<vmem>> -> memref<1x5x80xi32, #tpu.memory_space<vmem>>
      %dma_start3A_236 = tpu.memref_squeeze %dma_start3A_235 : memref<1x5x80xi32, #tpu.memory_space<vmem>> -> memref<5x80xi32, #tpu.memory_space<vmem>>
      %dma_start3A_237 = arith.constant 0 : i32
      %dma_start3A_238 = arith.constant 0 : i32
      %dma_start3A_239 = tpu.memref_slice %arg3[%add3A, %dma_start3A_223, %dma_start3A_237, %dma_start3A_238] : memref<32x25x5x80xi32, #tpu.memory_space<hbm>> -> memref<1x1x5x80xi32, #tpu.memory_space<hbm>>
      %dma_start3A_240 = tpu.memref_squeeze %dma_start3A_239 : memref<1x1x5x80xi32, #tpu.memory_space<hbm>> -> memref<5x80xi32, #tpu.memory_space<hbm>>
      tpu.enqueue_dma source(%dma_start3A_240 : memref<5x80xi32, #tpu.memory_space<hbm>>) target(%dma_start3A_236 : memref<5x80xi32, #tpu.memory_space<vmem>>) target_semaphore(%arg14 : memref<!tpu.dma_semaphore, #tpu.memory_space<semaphore_mem>>)
      %dma_start3A_241 = arith.constant 25 : i32
      %dma_start3A_242 = arith.constant 1 : i32
      %dma_start3A_243 = arith.constant 0 : i32
      %dma_start3A_244 = arith.constant 0 : i32
      %dma_start3A_245 = tpu.memref_slice %arg9[%dma_start3A_242, %dma_start3A_243, %dma_start3A_244] : memref<4x5x80xi32, #tpu.memory_space<vmem>> -> memref<1x5x80xi32, #tpu.memory_space<vmem>>
      %dma_start3A_246 = tpu.memref_squeeze %dma_start3A_245 : memref<1x5x80xi32, #tpu.memory_space<vmem>> -> memref<5x80xi32, #tpu.memory_space<vmem>>
      %dma_start3A_247 = arith.constant 0 : i32
      %dma_start3A_248 = arith.constant 0 : i32
      %dma_start3A_249 = tpu.memref_slice %arg4[%add3A, %dma_start3A_241, %dma_start3A_247, %dma_start3A_248] : memref<32x25x5x80xi32, #tpu.memory_space<hbm>> -> memref<1x1x5x80xi32, #tpu.memory_space<hbm>>
      %dma_start3A_250 = tpu.memref_squeeze %dma_start3A_249 : memref<1x1x5x80xi32, #tpu.memory_space<hbm>> -> memref<5x80xi32, #tpu.memory_space<hbm>>
      %dma_start3A_251 = arith.constant 0 : i32
      %dma_start3A_252 = arith.constant 0 : i32
      %dma_start3A_253 = tpu.memref_slice %arg9[%dma_start3A_242, %dma_start3A_251, %dma_start3A_252] : memref<4x5x80xi32, #tpu.memory_space<vmem>> -> memref<1x5x80xi32, #tpu.memory_space<vmem>>
      %dma_start3A_254 = tpu.memref_squeeze %dma_start3A_253 : memref<1x5x80xi32, #tpu.memory_space<vmem>> -> memref<5x80xi32, #tpu.memory_space<vmem>>
      %dma_start3A_255 = arith.constant 0 : i32
      %dma_start3A_256 = arith.constant 0 : i32
      %dma_start3A_257 = tpu.memref_slice %arg4[%add3A, %dma_start3A_241, %dma_start3A_255, %dma_start3A_256] : memref<32x25x5x80xi32, #tpu.memory_space<hbm>> -> memref<1x1x5x80xi32, #tpu.memory_space<hbm>>
      %dma_start3A_258 = tpu.memref_squeeze %dma_start3A_257 : memref<1x1x5x80xi32, #tpu.memory_space<hbm>> -> memref<5x80xi32, #tpu.memory_space<hbm>>
      tpu.enqueue_dma source(%dma_start3A_258 : memref<5x80xi32, #tpu.memory_space<hbm>>) target(%dma_start3A_254 : memref<5x80xi32, #tpu.memory_space<vmem>>) target_semaphore(%arg15 : memref<!tpu.dma_semaphore, #tpu.memory_space<semaphore_mem>>)
    } else {
    }
    %cond3A_137 = arith.constant 0 : i32
    %dma_wait3A_138 = arith.constant 0 : i32
    %dma_wait3A_139 = arith.constant 4 : i32
    %dma_wait3A_140 = arith.constant 0 : i32
    %dma_wait3A_141 = arith.constant 0 : i32
    %dma_wait3A_142 = arith.constant 0 : i32
    %dma_wait3A_143 = tpu.memref_slice %arg10[%dma_wait3A_140, %dma_wait3A_141, %dma_wait3A_142] : memref<4x80x128xf32, #tpu.memory_space<vmem>> -> memref<1x80x128xf32, #tpu.memory_space<vmem>>
    %dma_wait3A_144 = tpu.memref_squeeze %dma_wait3A_143 : memref<1x80x128xf32, #tpu.memory_space<vmem>> -> memref<80x128xf32, #tpu.memory_space<vmem>>
    %dma_wait3A_145 = arith.constant 0 : i32
    %dma_wait3A_146 = tpu.memref_slice %arg8[%dma_wait3A_138, %dma_wait3A_139, %dma_wait3A_145] : memref<4x5x80xi32, #tpu.memory_space<vmem>> -> memref<1x1x80xi32, #tpu.memory_space<vmem>>
    %dma_wait3A_147 = tpu.memref_squeeze %dma_wait3A_146 : memref<1x1x80xi32, #tpu.memory_space<vmem>> -> memref<80xi32, #tpu.memory_space<vmem>>
    %dma_wait3A_148 = arith.constant 0 : i32
    %dma_wait3A_149 = arith.constant 0 : i32
    %dma_wait3A_150 = tpu.memref_slice %arg2[%dma_wait3A_148, %dma_wait3A_149] : memref<10000x128xf32, #tpu.memory_space<hbm>> -> memref<10000x128xf32, #tpu.memory_space<hbm>>
    tpu.wait_indirect_dma semaphore(%arg12 : memref<!tpu.dma_semaphore, #tpu.memory_space<semaphore_mem>>) src(%dma_wait3A_150 : memref<10000x128xf32, #tpu.memory_space<hbm>>) dst(%dma_wait3A_144 : memref<80x128xf32, #tpu.memory_space<vmem>>)
    %dma_start3A_151 = arith.constant 0 : i32
    %dma_start3A_152 = arith.constant 0 : i32
    %dma_start3A_153 = arith.constant 4 : i32
    %dma_start3A_154 = arith.constant 0 : i32
    %dma_start3A_155 = arith.constant 0 : i32
    %dma_start3A_156 = tpu.memref_slice %arg10[%dma_start3A_151, %dma_start3A_154, %dma_start3A_155] : memref<4x80x128xf32, #tpu.memory_space<vmem>> -> memref<1x80x128xf32, #tpu.memory_space<vmem>>
    %dma_start3A_157 = tpu.memref_squeeze %dma_start3A_156 : memref<1x80x128xf32, #tpu.memory_space<vmem>> -> memref<80x128xf32, #tpu.memory_space<vmem>>
    %dma_start3A_158 = arith.constant 0 : i32
    %dma_start3A_159 = tpu.memref_slice %arg9[%dma_start3A_152, %dma_start3A_153, %dma_start3A_158] : memref<4x5x80xi32, #tpu.memory_space<vmem>> -> memref<1x1x80xi32, #tpu.memory_space<vmem>>
    %dma_start3A_160 = tpu.memref_squeeze %dma_start3A_159 : memref<1x1x80xi32, #tpu.memory_space<vmem>> -> memref<80xi32, #tpu.memory_space<vmem>>
    %dma_start3A_161 = arith.constant 0 : i32
    %dma_start3A_162 = arith.constant 0 : i32
    %dma_start3A_163 = tpu.memref_slice %arg11[%dma_start3A_161, %dma_start3A_162] : memref<10000x128xf32, #tpu.memory_space<vmem_shared>> -> memref<10000x128xf32, #tpu.memory_space<vmem_shared>>
    tpu.enqueue_indirect_dma source(%dma_start3A_157 : memref<80x128xf32, #tpu.memory_space<vmem>>) target(%dma_start3A_163 : memref<10000x128xf32, #tpu.memory_space<vmem_shared>>) offsets(%dma_start3A_160 : memref<80xi32, #tpu.memory_space<vmem>>) semaphore(%arg13 : memref<!tpu.dma_semaphore, #tpu.memory_space<semaphore_mem>>) {add = true}
    %dma_wait3A_164 = arith.constant 3 : i32
    %dma_wait3A_165 = arith.constant 0 : i32
    %dma_wait3A_166 = arith.constant 3 : i32
    %dma_wait3A_167 = arith.constant 0 : i32
    %dma_wait3A_168 = arith.constant 0 : i32
    %dma_wait3A_169 = tpu.memref_slice %arg10[%dma_wait3A_164, %dma_wait3A_167, %dma_wait3A_168] : memref<4x80x128xf32, #tpu.memory_space<vmem>> -> memref<1x80x128xf32, #tpu.memory_space<vmem>>
    %dma_wait3A_170 = tpu.memref_squeeze %dma_wait3A_169 : memref<1x80x128xf32, #tpu.memory_space<vmem>> -> memref<80x128xf32, #tpu.memory_space<vmem>>
    %dma_wait3A_171 = arith.constant 0 : i32
    %dma_wait3A_172 = tpu.memref_slice %arg9[%dma_wait3A_165, %dma_wait3A_166, %dma_wait3A_171] : memref<4x5x80xi32, #tpu.memory_space<vmem>> -> memref<1x1x80xi32, #tpu.memory_space<vmem>>
    %dma_wait3A_173 = tpu.memref_squeeze %dma_wait3A_172 : memref<1x1x80xi32, #tpu.memory_space<vmem>> -> memref<80xi32, #tpu.memory_space<vmem>>
    %dma_wait3A_174 = arith.constant 0 : i32
    %dma_wait3A_175 = arith.constant 0 : i32
    %dma_wait3A_176 = tpu.memref_slice %arg11[%dma_wait3A_174, %dma_wait3A_175] : memref<10000x128xf32, #tpu.memory_space<vmem_shared>> -> memref<10000x128xf32, #tpu.memory_space<vmem_shared>>
    tpu.wait_indirect_dma semaphore(%arg13 : memref<!tpu.dma_semaphore, #tpu.memory_space<semaphore_mem>>) src(%dma_wait3A_170 : memref<80x128xf32, #tpu.memory_space<vmem>>) dst(%dma_wait3A_176 : memref<10000x128xf32, #tpu.memory_space<vmem_shared>>)
    %dma_wait3A_177 = arith.constant 0 : i32
    %dma_wait3A_178 = arith.constant 0 : i32
    %dma_wait3A_179 = arith.constant 4 : i32
    %dma_wait3A_180 = arith.constant 0 : i32
    %dma_wait3A_181 = arith.constant 0 : i32
    %dma_wait3A_182 = tpu.memref_slice %arg10[%dma_wait3A_177, %dma_wait3A_180, %dma_wait3A_181] : memref<4x80x128xf32, #tpu.memory_space<vmem>> -> memref<1x80x128xf32, #tpu.memory_space<vmem>>
    %dma_wait3A_183 = tpu.memref_squeeze %dma_wait3A_182 : memref<1x80x128xf32, #tpu.memory_space<vmem>> -> memref<80x128xf32, #tpu.memory_space<vmem>>
    %dma_wait3A_184 = arith.constant 0 : i32
    %dma_wait3A_185 = tpu.memref_slice %arg9[%dma_wait3A_178, %dma_wait3A_179, %dma_wait3A_184] : memref<4x5x80xi32, #tpu.memory_space<vmem>> -> memref<1x1x80xi32, #tpu.memory_space<vmem>>
    %dma_wait3A_186 = tpu.memref_squeeze %dma_wait3A_185 : memref<1x1x80xi32, #tpu.memory_space<vmem>> -> memref<80xi32, #tpu.memory_space<vmem>>
    %dma_wait3A_187 = arith.constant 0 : i32
    %dma_wait3A_188 = arith.constant 0 : i32
    %dma_wait3A_189 = tpu.memref_slice %arg11[%dma_wait3A_187, %dma_wait3A_188] : memref<10000x128xf32, #tpu.memory_space<vmem_shared>> -> memref<10000x128xf32, #tpu.memory_space<vmem_shared>>
    tpu.wait_indirect_dma semaphore(%arg13 : memref<!tpu.dma_semaphore, #tpu.memory_space<semaphore_mem>>) src(%dma_wait3A_183 : memref<80x128xf32, #tpu.memory_space<vmem>>) dst(%dma_wait3A_189 : memref<10000x128xf32, #tpu.memory_space<vmem_shared>>)
    %barrier3A_190 = arith.constant 0 : index
    tpu.barrier barrier_id(%barrier3A_190)
    %eq3A_191 = arith.constant 0 : i32
    %eq3A_192 = arith.cmpi eq, %arg0, %eq3A_191 : i32
    %lt3A_193 = arith.constant 15 : i32
    %lt3A_194 = arith.cmpi slt, %arg1, %lt3A_193 : i32
    %and3A_195 = arith.andi %eq3A_192, %lt3A_194 : i1
    %convert_element_type3A_196 = arith.extui %and3A_195 : i1 to i32
    %cond3A_197 = arith.constant 0 : i32
    %cond3A_198 = arith.cmpi ne, %convert_element_type3A_196, %cond3A_197 : i32
    scf.if %cond3A_198 {
      %mul3A_223 = arith.constant 632 : i32
      %mul3A_224 = arith.muli %arg1, %mul3A_223 : i32
      %mul3A_225 = arith.constant 632 : i32
      %mul3A_226 = arith.muli %arg1, %mul3A_225 : i32
      "tpu.region"() ({
        %run_scoped3A = tpu.sem_alloc : memref<!tpu.dma_semaphore, #tpu.memory_space<semaphore_mem>>
        %dma_start3A_227 = arith.constant 0 : i32
        %dma_start3A_228 = tpu.memref_slice %arg6[%mul3A_226, %dma_start3A_227] : memref<10000x128xf32, #tpu.memory_space<hbm>> -> memref<632x128xf32, #tpu.memory_space<hbm>>
        %dma_start3A_229 = arith.constant 0 : i32
        %dma_start3A_230 = tpu.memref_slice %arg11[%mul3A_224, %dma_start3A_229] : memref<10000x128xf32, #tpu.memory_space<vmem_shared>> -> memref<632x128xf32, #tpu.memory_space<vmem_shared>>
        tpu.enqueue_dma source(%dma_start3A_230 : memref<632x128xf32, #tpu.memory_space<vmem_shared>>) target(%dma_start3A_228 : memref<632x128xf32, #tpu.memory_space<hbm>>) target_semaphore(%run_scoped3A : memref<!tpu.dma_semaphore, #tpu.memory_space<semaphore_mem>>)
        %dma_wait3A_231 = arith.constant 0 : i32
        %dma_wait3A_232 = tpu.memref_slice %arg6[%mul3A_226, %dma_wait3A_231] : memref<10000x128xf32, #tpu.memory_space<hbm>> -> memref<632x128xf32, #tpu.memory_space<hbm>>
        %dma_wait3A_233 = arith.constant 0 : i32
        %dma_wait3A_234 = tpu.memref_slice %arg11[%mul3A_224, %dma_wait3A_233] : memref<10000x128xf32, #tpu.memory_space<vmem_shared>> -> memref<632x128xf32, #tpu.memory_space<vmem_shared>>
        tpu.wait_dma2 semaphore(%run_scoped3A : memref<!tpu.dma_semaphore, #tpu.memory_space<semaphore_mem>>) src(%dma_wait3A_234 : memref<632x128xf32, #tpu.memory_space<vmem_shared>>) dst(%dma_wait3A_232 : memref<632x128xf32, #tpu.memory_space<hbm>>)
        tpu.yield
      }) : () -> ()
    } else {
    }
    %eq3A_199 = arith.constant 0 : i32
    %eq3A_200 = arith.cmpi eq, %arg0, %eq3A_199 : i32
    %eq3A_201 = arith.constant 15 : i32
    %eq3A_202 = arith.cmpi eq, %arg1, %eq3A_201 : i32
    %and3A_203 = arith.andi %eq3A_200, %eq3A_202 : i1
    %convert_element_type3A_204 = arith.extui %and3A_203 : i1 to i32
    %cond3A_205 = arith.constant 0 : i32
    %cond3A_206 = arith.cmpi ne, %convert_element_type3A_204, %cond3A_205 : i32
    scf.if %cond3A_206 {
      "tpu.region"() ({
        %run_scoped3A = tpu.sem_alloc : memref<!tpu.dma_semaphore, #tpu.memory_space<semaphore_mem>>
        %dma_start3A_223 = arith.constant 9480 : i32
        %dma_start3A_224 = arith.constant 0 : i32
        %dma_start3A_225 = tpu.memref_slice %arg6[%dma_start3A_223, %dma_start3A_224] : memref<10000x128xf32, #tpu.memory_space<hbm>> -> memref<520x128xf32, #tpu.memory_space<hbm>>
        %dma_start3A_226 = arith.constant 9480 : i32
        %dma_start3A_227 = arith.constant 0 : i32
        %dma_start3A_228 = tpu.memref_slice %arg11[%dma_start3A_226, %dma_start3A_227] : memref<10000x128xf32, #tpu.memory_space<vmem_shared>> -> memref<520x128xf32, #tpu.memory_space<vmem_shared>>
        tpu.enqueue_dma source(%dma_start3A_228 : memref<520x128xf32, #tpu.memory_space<vmem_shared>>) target(%dma_start3A_225 : memref<520x128xf32, #tpu.memory_space<hbm>>) target_semaphore(%run_scoped3A : memref<!tpu.dma_semaphore, #tpu.memory_space<semaphore_mem>>)
        %dma_wait3A_229 = arith.constant 9480 : i32
        %dma_wait3A_230 = arith.constant 0 : i32
        %dma_wait3A_231 = tpu.memref_slice %arg6[%dma_wait3A_229, %dma_wait3A_230] : memref<10000x128xf32, #tpu.memory_space<hbm>> -> memref<520x128xf32, #tpu.memory_space<hbm>>
        %dma_wait3A_232 = arith.constant 9480 : i32
        %dma_wait3A_233 = arith.constant 0 : i32
        %dma_wait3A_234 = tpu.memref_slice %arg11[%dma_wait3A_232, %dma_wait3A_233] : memref<10000x128xf32, #tpu.memory_space<vmem_shared>> -> memref<520x128xf32, #tpu.memory_space<vmem_shared>>
        tpu.wait_dma2 semaphore(%run_scoped3A : memref<!tpu.dma_semaphore, #tpu.memory_space<semaphore_mem>>) src(%dma_wait3A_234 : memref<520x128xf32, #tpu.memory_space<vmem_shared>>) dst(%dma_wait3A_231 : memref<520x128xf32, #tpu.memory_space<hbm>>)
        tpu.yield
      }) : () -> ()
    } else {
    }
    %eq3A_207 = arith.constant 1 : i32
    %eq3A_208 = arith.cmpi eq, %arg0, %eq3A_207 : i32
    %lt3A_209 = arith.constant 15 : i32
    %lt3A_210 = arith.cmpi slt, %arg1, %lt3A_209 : i32
    %and3A_211 = arith.andi %eq3A_208, %lt3A_210 : i1
    %convert_element_type3A_212 = arith.extui %and3A_211 : i1 to i32
    %cond3A_213 = arith.constant 0 : i32
    %cond3A_214 = arith.cmpi ne, %convert_element_type3A_212, %cond3A_213 : i32
    scf.if %cond3A_214 {
      %mul3A_223 = arith.constant 632 : i32
      %mul3A_224 = arith.muli %arg1, %mul3A_223 : i32
      %mul3A_225 = arith.constant 632 : i32
      %mul3A_226 = arith.muli %arg1, %mul3A_225 : i32
      "tpu.region"() ({
        %run_scoped3A = tpu.sem_alloc : memref<!tpu.dma_semaphore, #tpu.memory_space<semaphore_mem>>
        %dma_start3A_227 = arith.constant 0 : i32
        %dma_start3A_228 = tpu.memref_slice %arg7[%mul3A_226, %dma_start3A_227] : memref<10000x128xf32, #tpu.memory_space<hbm>> -> memref<632x128xf32, #tpu.memory_space<hbm>>
        %dma_start3A_229 = arith.constant 0 : i32
        %dma_start3A_230 = tpu.memref_slice %arg11[%mul3A_224, %dma_start3A_229] : memref<10000x128xf32, #tpu.memory_space<vmem_shared>> -> memref<632x128xf32, #tpu.memory_space<vmem_shared>>
        tpu.enqueue_dma source(%dma_start3A_230 : memref<632x128xf32, #tpu.memory_space<vmem_shared>>) target(%dma_start3A_228 : memref<632x128xf32, #tpu.memory_space<hbm>>) target_semaphore(%run_scoped3A : memref<!tpu.dma_semaphore, #tpu.memory_space<semaphore_mem>>)
        %dma_wait3A_231 = arith.constant 0 : i32
        %dma_wait3A_232 = tpu.memref_slice %arg7[%mul3A_226, %dma_wait3A_231] : memref<10000x128xf32, #tpu.memory_space<hbm>> -> memref<632x128xf32, #tpu.memory_space<hbm>>
        %dma_wait3A_233 = arith.constant 0 : i32
        %dma_wait3A_234 = tpu.memref_slice %arg11[%mul3A_224, %dma_wait3A_233] : memref<10000x128xf32, #tpu.memory_space<vmem_shared>> -> memref<632x128xf32, #tpu.memory_space<vmem_shared>>
        tpu.wait_dma2 semaphore(%run_scoped3A : memref<!tpu.dma_semaphore, #tpu.memory_space<semaphore_mem>>) src(%dma_wait3A_234 : memref<632x128xf32, #tpu.memory_space<vmem_shared>>) dst(%dma_wait3A_232 : memref<632x128xf32, #tpu.memory_space<hbm>>)
        tpu.yield
      }) : () -> ()
    } else {
    }
    %eq3A_215 = arith.constant 1 : i32
    %eq3A_216 = arith.cmpi eq, %arg0, %eq3A_215 : i32
    %eq3A_217 = arith.constant 15 : i32
    %eq3A_218 = arith.cmpi eq, %arg1, %eq3A_217 : i32
    %and3A_219 = arith.andi %eq3A_216, %eq3A_218 : i1
    %convert_element_type3A_220 = arith.extui %and3A_219 : i1 to i32
    %cond3A_221 = arith.constant 0 : i32
    %cond3A_222 = arith.cmpi ne, %convert_element_type3A_220, %cond3A_221 : i32
    scf.if %cond3A_222 {
      "tpu.region"() ({
        %run_scoped3A = tpu.sem_alloc : memref<!tpu.dma_semaphore, #tpu.memory_space<semaphore_mem>>
        %dma_start3A_223 = arith.constant 9480 : i32
        %dma_start3A_224 = arith.constant 0 : i32
        %dma_start3A_225 = tpu.memref_slice %arg7[%dma_start3A_223, %dma_start3A_224] : memref<10000x128xf32, #tpu.memory_space<hbm>> -> memref<520x128xf32, #tpu.memory_space<hbm>>
        %dma_start3A_226 = arith.constant 9480 : i32
        %dma_start3A_227 = arith.constant 0 : i32
        %dma_start3A_228 = tpu.memref_slice %arg11[%dma_start3A_226, %dma_start3A_227] : memref<10000x128xf32, #tpu.memory_space<vmem_shared>> -> memref<520x128xf32, #tpu.memory_space<vmem_shared>>
        tpu.enqueue_dma source(%dma_start3A_228 : memref<520x128xf32, #tpu.memory_space<vmem_shared>>) target(%dma_start3A_225 : memref<520x128xf32, #tpu.memory_space<hbm>>) target_semaphore(%run_scoped3A : memref<!tpu.dma_semaphore, #tpu.memory_space<semaphore_mem>>)
        %dma_wait3A_229 = arith.constant 9480 : i32
        %dma_wait3A_230 = arith.constant 0 : i32
        %dma_wait3A_231 = tpu.memref_slice %arg7[%dma_wait3A_229, %dma_wait3A_230] : memref<10000x128xf32, #tpu.memory_space<hbm>> -> memref<520x128xf32, #tpu.memory_space<hbm>>
        %dma_wait3A_232 = arith.constant 9480 : i32
        %dma_wait3A_233 = arith.constant 0 : i32
        %dma_wait3A_234 = tpu.memref_slice %arg11[%dma_wait3A_232, %dma_wait3A_233] : memref<10000x128xf32, #tpu.memory_space<vmem_shared>> -> memref<520x128xf32, #tpu.memory_space<vmem_shared>>
        tpu.wait_dma2 semaphore(%run_scoped3A : memref<!tpu.dma_semaphore, #tpu.memory_space<semaphore_mem>>) src(%dma_wait3A_234 : memref<520x128xf32, #tpu.memory_space<vmem_shared>>) dst(%dma_wait3A_231 : memref<520x128xf32, #tpu.memory_space<hbm>>)
        tpu.yield
      }) : () -> ()
    } else {
    }
    return
  }
}

module attributes {stable_mosaic.version = 14 : i64} {
  func.func @_mm_bias_block(%arg0: i32, %arg1: memref<2000x128xf32, #tpu.memory_space<vmem>>, %arg2: memref<128x128xf32, #tpu.memory_space<vmem>>, %arg3: memref<1x128xf32, #tpu.memory_space<vmem>>, %arg4: memref<2000x128xf32, #tpu.memory_space<vmem>>) attributes {dimension_semantics = [#tpu.dimension_semantics<arbitrary>], iteration_bounds = array<i64: 5>, scalar_prefetch = 0 : i64, scratch_operands = 0 : i64, tpu.core_type = #tpu.core_type<tc>, window_params = [{transform_indices = @transform_0, window_bounds = array<i64: 2000, 128>}, {pipeline_mode = #tpu.pipeline_mode<synchronous>, transform_indices = @transform_1, window_bounds = array<i64: 128, 128>}, {pipeline_mode = #tpu.pipeline_mode<synchronous>, transform_indices = @transform_2, window_bounds = array<i64: 1, 128>}, {transform_indices = @transform_3, window_bounds = array<i64: 2000, 128>}]} {
    %get3A = arith.constant 0 : index
    %get3A_0 = arith.constant 0 : index
    %get3A_1 = vector.load %arg1[%get3A, %get3A_0] : memref<2000x128xf32, #tpu.memory_space<vmem>>, vector<2000x128xf32>
    %get3A_2 = arith.constant 0 : index
    %get3A_3 = arith.constant 0 : index
    %get3A_4 = vector.load %arg2[%get3A_2, %get3A_3] : memref<128x128xf32, #tpu.memory_space<vmem>>, vector<128x128xf32>
    %dot_general3A = arith.constant dense<0.000000e+00> : vector<2000x128xf32>
    %dot_general3A_5 = tpu.matmul %get3A_1, %get3A_4, %dot_general3A {dimension_numbers = #tpu.dot_dimension_numbers<[1], [0], [0], [1], [0, 0, 1, 1], [], []>, transpose_lhs_hint = false} : vector<2000x128xf32>, vector<128x128xf32>, vector<2000x128xf32> -> vector<2000x128xf32>
    %get3A_6 = arith.constant 0 : index
    %get3A_7 = arith.constant 0 : index
    %get3A_8 = vector.load %arg3[%get3A_6, %get3A_7] : memref<1x128xf32, #tpu.memory_space<vmem>>, vector<1x128xf32>
    %add3A = vector.broadcast %get3A_8 : vector<1x128xf32> to vector<2000x128xf32>
    %add3A_9 = arith.addf %dot_general3A_5, %add3A : vector<2000x128xf32>
    %swap3A = arith.constant 0 : index
    %swap3A_10 = arith.constant 0 : index
    %swap3A_11 = vector.load %arg4[%swap3A, %swap3A_10] : memref<2000x128xf32, #tpu.memory_space<vmem>>, vector<2000x128xf32>
    tpu.vector_store %arg4[%swap3A, %swap3A_10], %add3A_9 {strides = array<i32>} : memref<2000x128xf32, #tpu.memory_space<vmem>>, vector<2000x128xf32>,
    return
  }
  func.func @transform_0(%arg0: i32) -> (i32, i32) {
    %c0_i32 = arith.constant 0 : i32
    %c0_i32_0 = arith.constant 0 : i32
    return %arg0, %c0_i32 : i32, i32
  }
  func.func @transform_1(%arg0: i32) -> (i32, i32) {
    %c0_i32 = arith.constant 0 : i32
    %c0_i32_0 = arith.constant 0 : i32
    %c0_i32_1 = arith.constant 0 : i32
    return %c0_i32, %c0_i32_0 : i32, i32
  }
  func.func @transform_2(%arg0: i32) -> (i32, i32) {
    %c0_i32 = arith.constant 0 : i32
    %c0_i32_0 = arith.constant 0 : i32
    %c0_i32_1 = arith.constant 0 : i32
    return %c0_i32, %c0_i32_0 : i32, i32
  }
  func.func @transform_3(%arg0: i32) -> (i32, i32) {
    %c0_i32 = arith.constant 0 : i32
    %c0_i32_0 = arith.constant 0 : i32
    return %arg0, %c0_i32 : i32, i32
  }
}

module attributes {stable_mosaic.version = 14 : i64} {
  func.func @_merge_block(%arg0: i32, %arg1: memref<1x1xf32, #tpu.memory_space<smem>>, %arg2: memref<2000x128xf32, #tpu.memory_space<vmem>>, %arg3: memref<2000x128xf32, #tpu.memory_space<vmem>>, %arg4: memref<2000x128xf32, #tpu.memory_space<vmem>>) attributes {dimension_semantics = [#tpu.dimension_semantics<arbitrary>], iteration_bounds = array<i64: 5>, scalar_prefetch = 0 : i64, scratch_operands = 0 : i64, tpu.core_type = #tpu.core_type<tc>, window_params = [{transform_indices = @transform_0, window_bounds = array<i64: 1, 1>}, {transform_indices = @transform_1, window_bounds = array<i64: 2000, 128>}, {transform_indices = @transform_2, window_bounds = array<i64: 2000, 128>}, {transform_indices = @transform_3, window_bounds = array<i64: 2000, 128>}]} {
    %get3A = arith.constant 0 : index
    %get3A_0 = arith.constant 0 : index
    %get3A_1 = vector.load %arg2[%get3A, %get3A_0] : memref<2000x128xf32, #tpu.memory_space<vmem>>, vector<2000x128xf32>
    %get3A_2 = arith.constant 0 : index
    %get3A_3 = arith.constant 0 : index
    %get3A_4 = vector.load %arg3[%get3A_2, %get3A_3] : memref<2000x128xf32, #tpu.memory_space<vmem>>, vector<2000x128xf32>
    %add3A = arith.addf %get3A_1, %get3A_4 : vector<2000x128xf32>
    %ge3A = arith.constant 0.000000e+00 : f32
    %ge3A_5 = vector.broadcast %ge3A : f32 to vector<2000x128xf32>
    %ge3A_6 = arith.cmpf oge, %add3A, %ge3A_5 : vector<2000x128xf32>
    %mul3A = arith.constant 0.00999999977 : f32
    %mul3A_7 = vector.broadcast %mul3A : f32 to vector<2000x128xf32>
    %mul3A_8 = arith.mulf %mul3A_7, %add3A : vector<2000x128xf32>
    %select_n3A = arith.select %ge3A_6, %add3A, %mul3A_8 : vector<2000x128xi1>, vector<2000x128xf32>
    %get3A_9 = arith.constant 0 : index
    %get3A_10 = arith.constant 0 : index
    %get3A_11 = memref.load %arg1[%get3A_9, %get3A_10] : memref<1x1xf32, #tpu.memory_space<smem>>
    %mul3A_12 = vector.broadcast %get3A_11 : f32 to vector<2000x128xf32>
    %mul3A_13 = arith.mulf %select_n3A, %mul3A_12 : vector<2000x128xf32>
    %swap3A = arith.constant 0 : index
    %swap3A_14 = arith.constant 0 : index
    %swap3A_15 = vector.load %arg4[%swap3A, %swap3A_14] : memref<2000x128xf32, #tpu.memory_space<vmem>>, vector<2000x128xf32>
    tpu.vector_store %arg4[%swap3A, %swap3A_14], %mul3A_13 {strides = array<i32>} : memref<2000x128xf32, #tpu.memory_space<vmem>>, vector<2000x128xf32>,
    return
  }
  func.func @transform_0(%arg0: i32) -> (i32, i32) {
    %c0_i32 = arith.constant 0 : i32
    %c0_i32_0 = arith.constant 0 : i32
    %c0_i32_1 = arith.constant 0 : i32
    return %c0_i32, %c0_i32_0 : i32, i32
  }
  func.func @transform_1(%arg0: i32) -> (i32, i32) {
    %c0_i32 = arith.constant 0 : i32
    %c0_i32_0 = arith.constant 0 : i32
    return %arg0, %c0_i32 : i32, i32
  }
  func.func @transform_2(%arg0: i32) -> (i32, i32) {
    %c0_i32 = arith.constant 0 : i32
    %c0_i32_0 = arith.constant 0 : i32
    return %arg0, %c0_i32 : i32, i32
  }
  func.func @transform_3(%arg0: i32) -> (i32, i32) {
    %c0_i32 = arith.constant 0 : i32
    %c0_i32_0 = arith.constant 0 : i32
    return %arg0, %c0_i32 : i32, i32
  }
}

module attributes {stable_mosaic.version = 14 : i64} {
  func.func @_merge_mm_block(%arg0: i32, %arg1: memref<2000x128xf32, #tpu.memory_space<vmem>>, %arg2: memref<2000x128xf32, #tpu.memory_space<vmem>>, %arg3: memref<128x128xf32, #tpu.memory_space<vmem>>, %arg4: memref<1x128xf32, #tpu.memory_space<vmem>>, %arg5: memref<2000x128xf32, #tpu.memory_space<vmem>>) attributes {dimension_semantics = [#tpu.dimension_semantics<arbitrary>], iteration_bounds = array<i64: 5>, scalar_prefetch = 0 : i64, scratch_operands = 0 : i64, tpu.core_type = #tpu.core_type<tc>, window_params = [{transform_indices = @transform_0, window_bounds = array<i64: 2000, 128>}, {transform_indices = @transform_1, window_bounds = array<i64: 2000, 128>}, {pipeline_mode = #tpu.pipeline_mode<synchronous>, transform_indices = @transform_2, window_bounds = array<i64: 128, 128>}, {pipeline_mode = #tpu.pipeline_mode<synchronous>, transform_indices = @transform_3, window_bounds = array<i64: 1, 128>}, {transform_indices = @transform_4, window_bounds = array<i64: 2000, 128>}]} {
    %get3A = arith.constant 0 : index
    %get3A_0 = arith.constant 0 : index
    %get3A_1 = vector.load %arg1[%get3A, %get3A_0] : memref<2000x128xf32, #tpu.memory_space<vmem>>, vector<2000x128xf32>
    %get3A_2 = arith.constant 0 : index
    %get3A_3 = arith.constant 0 : index
    %get3A_4 = vector.load %arg2[%get3A_2, %get3A_3] : memref<2000x128xf32, #tpu.memory_space<vmem>>, vector<2000x128xf32>
    %add3A = arith.addf %get3A_1, %get3A_4 : vector<2000x128xf32>
    %ge3A = arith.constant 0.000000e+00 : f32
    %ge3A_5 = vector.broadcast %ge3A : f32 to vector<2000x128xf32>
    %ge3A_6 = arith.cmpf oge, %add3A, %ge3A_5 : vector<2000x128xf32>
    %mul3A = arith.constant 0.00999999977 : f32
    %mul3A_7 = vector.broadcast %mul3A : f32 to vector<2000x128xf32>
    %mul3A_8 = arith.mulf %mul3A_7, %add3A : vector<2000x128xf32>
    %select_n3A = arith.select %ge3A_6, %add3A, %mul3A_8 : vector<2000x128xi1>, vector<2000x128xf32>
    %get3A_9 = arith.constant 0 : index
    %get3A_10 = arith.constant 0 : index
    %get3A_11 = vector.load %arg3[%get3A_9, %get3A_10] : memref<128x128xf32, #tpu.memory_space<vmem>>, vector<128x128xf32>
    %dot_general3A = arith.constant dense<0.000000e+00> : vector<2000x128xf32>
    %dot_general3A_12 = tpu.matmul %select_n3A, %get3A_11, %dot_general3A {dimension_numbers = #tpu.dot_dimension_numbers<[1], [0], [0], [1], [0, 0, 1, 1], [], []>, transpose_lhs_hint = false} : vector<2000x128xf32>, vector<128x128xf32>, vector<2000x128xf32> -> vector<2000x128xf32>
    %get3A_13 = arith.constant 0 : index
    %get3A_14 = arith.constant 0 : index
    %get3A_15 = vector.load %arg4[%get3A_13, %get3A_14] : memref<1x128xf32, #tpu.memory_space<vmem>>, vector<1x128xf32>
    %add3A_16 = vector.broadcast %get3A_15 : vector<1x128xf32> to vector<2000x128xf32>
    %add3A_17 = arith.addf %dot_general3A_12, %add3A_16 : vector<2000x128xf32>
    %swap3A = arith.constant 0 : index
    %swap3A_18 = arith.constant 0 : index
    %swap3A_19 = vector.load %arg5[%swap3A, %swap3A_18] : memref<2000x128xf32, #tpu.memory_space<vmem>>, vector<2000x128xf32>
    tpu.vector_store %arg5[%swap3A, %swap3A_18], %add3A_17 {strides = array<i32>} : memref<2000x128xf32, #tpu.memory_space<vmem>>, vector<2000x128xf32>,
    return
  }
  func.func @transform_0(%arg0: i32) -> (i32, i32) {
    %c0_i32 = arith.constant 0 : i32
    %c0_i32_0 = arith.constant 0 : i32
    return %arg0, %c0_i32 : i32, i32
  }
  func.func @transform_1(%arg0: i32) -> (i32, i32) {
    %c0_i32 = arith.constant 0 : i32
    %c0_i32_0 = arith.constant 0 : i32
    return %arg0, %c0_i32 : i32, i32
  }
  func.func @transform_2(%arg0: i32) -> (i32, i32) {
    %c0_i32 = arith.constant 0 : i32
    %c0_i32_0 = arith.constant 0 : i32
    %c0_i32_1 = arith.constant 0 : i32
    return %c0_i32, %c0_i32_0 : i32, i32
  }
  func.func @transform_3(%arg0: i32) -> (i32, i32) {
    %c0_i32 = arith.constant 0 : i32
    %c0_i32_0 = arith.constant 0 : i32
    %c0_i32_1 = arith.constant 0 : i32
    return %c0_i32, %c0_i32_0 : i32, i32
  }
  func.func @transform_4(%arg0: i32) -> (i32, i32) {
    %c0_i32 = arith.constant 0 : i32
    %c0_i32_0 = arith.constant 0 : i32
    return %arg0, %c0_i32 : i32, i32
  }
}

</mosaic_0001>

<sc_bundles>
// kernel: kernel.12.cloned.1.call-start
scs
__scs_entry_jumppad:
0x0: {  	(pc) =	sbr.rel $0x88, $3  }
0x1: {  	(tag) =	ssettag $0x0;
	lr =	simm.s32 $0x1  }
0x2: {  	[smem:$0x3F95] =	sst lr;
	_ =	strace $0xD0000000  }
0x3: {  	_ = 	snop  }
0x4: {  	_ = 	snop  }
0x5: {  	_ = 	snop  }
0x6: {  	_ = 	snop  }
0x7: {  	_ = 	snop  }
__scs_overlays_trampoline_lowered:
0x8: {  	[smem:$0x3FA4] =	sst s0  }
0x9: {  	[smem:$0x3FA5] =	sst s1  }
0xa: {  	[smem:$0x3FA6] =	sst s2  }
0xb: {  	[smem:$0x3FA7] =	sst s3  }
0xc: {  	[smem:$0x3FA8] =	sst s4  }
0xd: {  	[smem:$0x3FA9] =	sst s5  }
0xe: {  	[smem:$0x3FAA] =	sst s6  }
0xf: {  	[smem:$0x3FAB] =	sst s7  }
0x10: {  	[smem:$0x3FAC] =	sst s8  }
0x11: {  	[smem:$0x3FAD] =	sst s9;
	s0 =	simm.s32 @!p0 $0x0  }
0x12: {  	s1 =	sld [smem:$0x3F93];
	s0 =	simm.s32 @p0 $0x1  }
0x13: {  	[smem:$0x3FAE] =	sst s0;
	s0 =	simm.s32 @!p1 $0x0  }
0x14: {  	s2 =	sld [smem:$0x3F92];
	s0 =	simm.s32 @p1 $0x1  }
0x15: {  	[smem:$0x3FAF] =	sst s0;
	s0 =	simm.s32 @!p2 $0x0  }
0x16: {  	s3 =	sld [smem:$0x3FDB];
	s0 =	simm.s32 @p2 $0x1  }
0x17: {  	s4 =	simm.s32 $0x1BF5;
	[smem:$0x3FB1] =	sst s0  }
0x18: {  	s0 =	sld [smem:$0x3F94];
	_ =	swait.ge [sflag:s4], $0x0  }
0x19: {  	s7 =	sld [smem:$0x3F95]  }
0x1a: {  	s8 =	sadd.s32 $0xFFFFE003, lr  }
0x1b: {  	s9 =	sadd.s32 $0xFFFFFEF7, lr;
	s5 =	simm.s32 $0xFFFFFFFF;
	p2 =	slt.u32 s8, $0xFFFFF086  }
0x1c: {  	p1 =	slt.u32 s9, $0xF7A;
	s5 =	simm.s32 @!p2 $0x0  }
0x1d: {  	s5 =	simm.s32 @p1 $0x1;
	p0 =	seq.s32 s7, s2  }
0x1e: {  	s7 =	smul.u32 @!p0 $0xF7A, s2;
	p2 =	seq.s32 @!p0 s5, $0x0  }
0x1f: {  	s9 =	smul.u32 $0xF7A, s1;
	s8 =	simm.s32 @!p0 $0x1BF5;
	p2 =	por !p2, p0  }
0x20: {  	[sflag:s8] =	ssyncset.s32 @!p0 $0xFFFFF086;
	s6 =	sadd.s32 @!p0 s3, s7;
	s7 =	simm.s32 @!p0 $0x108  }
0x21: {  	s3 =	sadd.s32 s3, s9;
	s6 =	sadd.s32 @!p0 $0x88, s6;
	s7 =	simm.s32 @p2 $0x1082  }
0x22: {  	[simem:s7], [sflag:s8] =	dma.local @!p0 [hbm:s6], $0xF7A  }
0x23: {  	s9 =	sor.u32 $0xD0000000, s2;
	s6 =	simm.s32 $0x108;
	_ =	swait.ge @!p0 [sflag:s8], $0x0  }
0x24: {  	s3 =	sadd.s32 $0x88, s3;
	s6 =	simm.s32 @!p1 $0x1082;
	[sflag:s4] =	ssyncset.s32 $0xFFFFF086  }
0x25: {  	[simem:s6], [sflag:s4] =	dma.local [hbm:s3], $0xF7A  }
0x26: {  	[smem:$0x3F95] =	sst s1;
	(tag) =	ssettag s2;
	_ =	strace s9  }
0x27: {  	s1 =	sld [smem:$0x3FA5]  }
0x28: {  	s2 =	sld [smem:$0x3FA6]  }
0x29: {  	s4 =	sld [smem:$0x3FA8]  }
0x2a: {  	p0 =	seq.s32 s5, $0x0;
	s5 =	sld [smem:$0x3FA9]  }
0x2b: {  	s6 =	sld [smem:$0x3FAA]  }
0x2c: {  	s7 =	sld [smem:$0x3FAB]  }
0x2d: {  	s3 =	simm.s32 $0x108;
	s8 =	sld [smem:$0x3FAC]  }
0x2e: {  	s3 =	simm.s32 @!p0 $0x1082;
	s9 =	sld [smem:$0x3FAD]  }
0x2f: {  	lr =	sadd.s32 s0, s3;
	s0 =	sld [smem:$0x3FA4]  }
0x30: {  	s3 =	sld [smem:$0x3FA7]  }
0x31: {  	[smem:$0x3FB0] =	sst s10  }
0x32: {  	s10 =	sld [smem:$0x3FAE];
	_ =	sdelay $0x3  }
0x33: {  	p0 =	seq.s32 s10, $0x1;
	s10 =	sld [smem:$0x3FB0];
	_ =	sdelay $0x3  }
0x34: {  	[smem:$0x3FB0] =	sst s10  }
0x35: {  	s10 =	sld [smem:$0x3FAF];
	_ =	sdelay $0x3  }
0x36: {  	p1 =	seq.s32 s10, $0x1;
	s10 =	sld [smem:$0x3FB0];
	_ =	sdelay $0x3  }
0x37: {  	[smem:$0x3FB0] =	sst s10  }
0x38: {  	s10 =	sld [smem:$0x3FB1]  }
0x39: {  	_ = 	snop;
	(pc) =	sbr.ind lr, $3  }
0x3a: {  	_ = 	snop  }
0x3b: {  	_ = 	snop  }
0x3c: {  	p2 =	seq.s32 s10, $0x1;
	s10 =	sld [smem:$0x3FB0]  }
0x3d: {  	_ =	shalt  }
0x3e: {  	_ =	shalt  }
0x3f: {  	_ =	shalt  }
0x40: {  	_ =	shalt  }
0x41: {  	_ =	shalt  }
0x42: {  	_ =	shalt  }
0x43: {  	_ =	shalt  }
0x44: {  	_ =	shalt  }
0x45: {  	_ =	shalt  }
0x46: {  	_ =	shalt  }
0x47: {  	_ =	shalt  }
0x48: {  	_ =	shalt  }
0x49: {  	_ =	shalt  }
0x4a: {  	_ =	shalt  }
0x4b: {  	_ =	shalt  }
0x4c: {  	_ =	shalt  }
0x4d: {  	_ =	shalt  }
0x4e: {  	_ =	shalt  }
0x4f: {  	_ =	shalt  }
0x50: {  	_ =	shalt  }
0x51: {  	_ =	shalt  }
0x52: {  	_ =	shalt  }
0x53: {  	_ =	shalt  }
0x54: {  	_ =	shalt  }
0x55: {  	_ =	shalt  }
0x56: {  	_ =	shalt  }
0x57: {  	_ =	shalt  }
0x58: {  	_ =	shalt  }
0x59: {  	_ =	shalt  }
0x5a: {  	_ =	shalt  }
0x5b: {  	_ =	shalt  }
0x5c: {  	_ =	shalt  }
0x5d: {  	_ =	shalt  }
0x5e: {  	_ =	shalt  }
0x5f: {  	_ =	shalt  }
0x60: {  	_ =	shalt  }
0x61: {  	_ =	shalt  }
0x62: {  	_ =	shalt  }
0x63: {  	_ =	shalt  }
0x64: {  	_ =	shalt  }
0x65: {  	_ =	shalt  }
0x66: {  	_ =	shalt  }
0x67: {  	_ =	shalt  }
0x68: {  	_ =	shalt  }
0x69: {  	_ =	shalt  }
0x6a: {  	_ =	shalt  }
0x6b: {  	_ =	shalt  }
0x6c: {  	_ =	shalt  }
0x6d: {  	_ =	shalt  }
0x6e: {  	_ =	shalt  }
0x6f: {  	_ =	shalt  }
0x70: {  	_ =	shalt  }
0x71: {  	_ =	shalt  }
0x72: {  	_ =	shalt  }
0x73: {  	_ =	shalt  }
0x74: {  	_ =	shalt  }
0x75: {  	_ =	shalt  }
0x76: {  	_ =	shalt  }
0x77: {  	_ =	shalt  }
0x78: {  	_ =	shalt  }
0x79: {  	_ =	shalt  }
0x7a: {  	_ =	shalt  }
0x7b: {  	_ =	shalt  }
0x7c: {  	_ =	shalt  }
0x7d: {  	_ =	shalt  }
0x7e: {  	_ =	shalt  }
0x7f: {  	_ =	shalt  }
0x80: {  	_ =	shalt  }
0x81: {  	_ =	shalt  }
0x82: {  	_ =	shalt  }
0x83: {  	_ =	shalt  }
0x84: {  	_ =	shalt  }
0x85: {  	_ =	shalt  }
0x86: {  	_ =	shalt  }
0x87: {  	_ =	shalt  }
.Lfunc_end0:
.L_simem_size_0:
called_computation.1_lowered:
.L_overlay_start_0:
0x88: {  	s2 =	sld [smem:$0x3FD9]  }
0x89: {  	s3 =	sld [smem:$0x3FFE];
	_ =	sdelay $0x1  }
0x8a: {  	s1 =	srdreg.scid  }
0x8b: {  	s0 =	sand.u32 $0x1, s1  }
0x8c: {  	s17 =	sshll.u32 s0, $0xA;
	s2 =	sadd.s32 s3, s2  }
0x8d: {  	s2 =	sadd.s32 s2, s17  }
0x8e: {  	[smem:$0x3FBC] =	sst s2  }
0x8f: {  	_ = 	snop  }
0x90: {  	s2 =	sld [smem:$0x3FD0];
	(tm) =	ssettm $0x1  }
0x91: {  	s18 =	sld [smem:$0x3FFB];
	_ =	sdelay $0x3  }
0x92: {  	_ =	strace s18  }
0x93: {  	s3 =	sld [smem:$0x3FFC];
	_ =	sdelay $0x3  }
0x94: {  	_ =	strace s3  }
0x95: {  	s3 =	sld [smem:$0x3FFD];
	_ =	sdelay $0x3  }
0x96: {  	_ =	strace s3  }
0x97: {  	_ =	strace $0x8FFFFFFF  }
0x98: {  	s19 =	sld [smem:$0x3FDB];
	_ =	sdelay $0x1  }
0x99: {  	s4 =	simm.s32 $_scs_section_size  }
0x9a: {  	s5 =	simm.s32 $_size__tile_overlayer_lowered;
	s6 =	simm.s32 $_tile_overlayer_lowered  }
0x9b: {  	s22 =	simm.s32 $0x1BFF;
	s21 =	sshll.u32 s6, $0x1;
	s3 =	sadd.s32 s4, s19  }
0x9c: {  	s7 =	simm.s32 $0x0;
	s20 =	sshll.u32 s5, $0x1;
	s5 =	sadd.s32 s21, s3  }
0x9d: {  	[timem:s7], [sflag:s22] =	dma.local [hbm:s5], s20  }
0x9e: {  	_ =	swait.ge [sflag:s22], s20  }
0x9f: {  	s4 =	ssub.s32 $0x0, s20;
	[sflag:s22] =	ssyncset.done $0x0  }
0xa0: {  	[sflag:s22] =	ssyncadd.s32 s4;
	_ =	sdelay $0x1  }
0xa1: {  	s23 =	simm.s32 $0x1B8B  }
0xa2: {  	_ =	swait.ge [sflag:s23], $0x1  }
0xa3: {  	[sflag:s23] =	ssyncset.done $0x0  }
0xa4: {  	s25 =	simm.s32 $0x1B8E;
	s24 =	sld [smem:$0x3FFE];
	[sflag:s23] =	ssyncadd.s32 $0xFFFFFFFF  }
0xa5: {  	s26 =	simm.s32 $execute0_lowered;
	[smem:$0x3FD2] =	sst s25  }
0xa6: {  	s5 =	sshll.u32 s26, $0x1;
	_ =	strace $0x80000049;
	[dreg:$0x1] =	wrdreg $0xFFFFFFFF  }
0xa7: {  	s28 =	simm.s32 $_size_execute0_lowered;
	s3 =	sadd.s32 s3, s5;
	[dreg:$0x0] =	wrdreg $0x0  }
0xa8: {  	s5 =	sshll.u32 s28, $0x1;
	[dreg:$0x2] =	wrdreg s3  }
0xa9: {  	[dreg:$0x3] =	wrdreg s5  }
0xaa: {  	[dreg:$0x4] =	wrdreg $0xC0  }
0xab: {  	_ =	task [dreg:s7], $0x5FFFF  }
0xac: {  	[dreg:$0x1] =	wrdreg $0xFFFFFFFF  }
0xad: {  	[dreg:$0x0] =	wrdreg $0x60  }
0xae: {  	[dreg:$0x2] =	wrdreg s2  }
0xaf: {  	[dreg:$0x3] =	wrdreg s24  }
0xb0: {  	[dreg:$0x4] =	wrdreg $0xC0000  }
0xb1: {  	[dreg:$0x5] =	wrdreg $0x9  }
0xb2: {  	_ =	task.clear_ibuf [dreg:s7], $0x6FFFF;
	_ =	strace $0x90000049  }
0xb3: {  	s29 =	simm.s32 $0x9;
	_ =	strace $0x8000004B  }
0xb4: {  	_ =	swait.ge [sflag:s29], $0x1  }
0xb5: {  	[sflag:s29] =	ssyncadd.s32 $0xFFFFFFFF  }
0xb6: {  	_ =	strace $0x9000004B  }
0xb7: {  	_ =	sfence  }
0xb8: {  	s30 =	sld [smem:$0x0];
	_ =	sdelay $0x2  }
0xb9: {  	s31 =	sshll.u32 s1, $0xD;
	s1 =	sshrl.u32 s1, $0x2  }
0xba: {  	s3 =	sand.u32 $0x4000, s31;
	s1 =	sadd.s32 s1, s30  }
0xbb: {  	s0 =	sor.u32 s3, s0;
	s1 =	sshll.u32 s1, $0x11  }
0xbc: {  	s0 =	sor.u32 s1, s0  }
0xbd: {  	s0 =	sadd.s32 $0x8F2B, s0  }
0xbe: {  	[sflag:s0] =	ssyncadd.remote.s32 $0x1  }
0xbf: {  	_ =	sfence.sel $0xFFFF  }
0xc0: {  	[dreg:$0x0] =	wrdreg $0xFFFFFFFF;
	(pc) =	sbr.abs _section_cstart, $3  }
0xc1: {  	[dreg:$0x1] =	wrdreg $0xFFFFFFFF  }
0xc2: {  	_ =	task.clear_ibuf [dreg:s7], $0x2FFFF;
	_ =	strace $0x9FFFFFFF  }
0xc3: {  	(tm) =	ssettm $0x7FFFFFFF  }
tec
execute0_lowered:
.L_overlay_start_1:
0x0: {  	(tag) =	ssettag $0x1  }
0x1: {  	s1 =	rddreg [dreg:$0x0]  }
0x2: {  	s0 =	rddreg [dreg:$0x1]  }
0x3: {  	s2 =	rddreg [dreg:$0x2];
	s3 =	srdreg.scid;
	s4 =	simm.s32 $0x0  }
0x4: {  	s29 =	simm.s32 $0x4800;
	s30 =	simm.s32 $0x7000;
	s31 =	simm.s32 $0x1  }
0x5: {  	s19 =	simm.s32 $0x2;
	s3 =	sand.u32 $0x1, s3;
	[smem:$0x7FF] =	sst s4  }
0x6: {  	s4 =	stileid.u32;
	s6 =	sadd.s32 $0x1CA00, s0;
	s13 =	sadd.s32 $0x5CC00, s0  }
0x7: {  	s14 =	sadd.s32 $0x83E00, s0;
	s5 =	sshll.u32 s3, $0x4;
	s8 =	smul.u32 $0x2780, s4  }
0x8: {  	_ =	strace $0x8000004A;
	s10 =	ssub.s32 $0x2, s3;
	s23 =	smul.u32 $0x4F000, s4  }
0x9: {  	p0 =	seq.s32 s4, $0xF;
	p2 =	sne.s32 s4, $0xF;
	[dreg:$0x4] =	wrdreg s13  }
0xa: {  	p3 =	seq.s32 s3, $0x0;
	p4 =	seq.s32 s3, $0x1;
	[dreg:$0x5] =	wrdreg s14  }
0xb: {  	s7 =	sor.u32 s4, s5;
	s5 =	sadd.s32 $0x3A00, s0;
	s11 =	sshrl.u32 s10, $0x1  }
0xc: {  	p1 =	por !p3, !p2;
	p3 =	por !p3, !p0;
	p2 =	por !p2, !p4  }
0xd: {  	s7 =	smul.u32 $0x6400, s7;
	s9 =	sadd.s32 s8, s0;
	s0 =	sadd.s32 $0x5AA80, s0  }
0xe: {  	s10 =	ssub.s32 s10, s11;
	s25 =	sadd.s32 s13, s8;
	[dreg:$0x9] =	wrdreg s0  }
0xf: {  	s11 =	sshrl.u32 s23, $0x2;
	s26 =	sadd.s32 s14, s8;
	[dreg:$0xc] =	wrdreg s25  }
0x10: {  	p1 =	por !p1, !p1;
	s24 =	sadd.s32 $0x35A00, s9;
	[dreg:$0xd] =	wrdreg s26  }
0x11: {  	p3 =	por !p3, !p3;
	s28 =	smax.u32 s10, $0x1;
	[dreg:$0xb] =	wrdreg s24  }
0x12: {  	s11 =	sadd.s32 s11, s2;
	s0 =	simm.s32 @!p4 $0x0;
	[dreg:$0xe] =	wrdreg s28  }
0x13: {  	s12 =	sshrl.u32 s7, $0x3;
	s0 =	simm.s32 @p4 $0x1;
	[dreg:$0xa] =	wrdreg s11  }
0x14: {  	p2 =	por !p2, !p2;
	s22 =	sadd.s32 s5, s12;
	[smem:$0x7FD] =	sst s0  }
0x15: {  	s12 =	sadd.s32 s6, s12;
	s0 =	sshll.u32 @!p0 s4, $0x6;
	[dreg:$0x6] =	wrdreg s22  }
.Ltmp0:
0x16: {  	[dreg:$0x7] =	wrdreg s12;
	s12 =	sadd.s32 $0x128400, s2;
	(pc) =	sbr.rel .LBB2_1-.Ltmp0, $4  }
0x17: {  	s25 =	simm.s32 $0x50;
	s0 =	sor.u32 @!p0 $0x1C05, s0;
	[dreg:$0x8] =	wrdreg s12  }
0x18: {  	s26 =	simm.s32 $0x2000;
	s3 =	sshrl.u32 @p0 s12, $0x3;
	[dreg:$0x10] =	wrdreg s0  }
0x19: {  	s10 =	simm.s32 $0x0;
	s0 =	sshrl.u32 @!p0 s11, $0x3;
	[dreg:$0xf] =	wrdreg s3  }
0x1a: {  	p4 =	por !p2, p3;
	[dreg:$0x11] =	wrdreg s0;
	s0 =	simm.s32 $0x9800  }
.LBB2_9:
0x1b: {  	s10 =	sadd.s32 $0x1, s10;
	s3 =	rddreg [dreg:$0xe]  }
0x1c: {  	p2 =	sne.s32 s10, s3  }
.Ltmp1:
0x1d: {  	_ = 	snop;
	(pc) =	sbr.rel @!p2 .LBB2_10-.Ltmp1, $1  }
0x1e: {  	_ =	sdelay $0x3  }
.LBB2_1:
0x1f: {  	[dreg:$0x12] =	wrdreg s10  }
0x20: {  	s3 =	rddreg [dreg:$0x6]  }
0x21: {  	s4 =	simm.s32 $0x0;
	s22 =	rddreg [dreg:$0x7]  }
0x22: {  	[tilespmem:s4], [sflag:$0x3] =	stream.linear.gather [hbm4b:s3+s4], $0x280, $0x38;
	[tilespmem:$0x1F880] =	vst v63  }
0x23: {  	s8 =	simm.s32 $0x1000;
	s9 =	rddreg [dreg:$0xf]  }
0x24: {  	[tilespmem:s8], [sflag:$0x4] =	stream.linear.gather [hbm4b:s22+s4], $0x280, $0x38;
	[tilespmem:$0x1F880] =	vst v63  }
0x25: {  	s3 =	simm.s32 @p0 $0x1FC5;
	s8 =	rddreg [dreg:$0x9]  }
0x26: {  	[spmem:s9], [sflag:s3] =	dma.local @p0 [hbm:s8], $0x2080  }
0x27: {  	s3 =	rddreg [dreg:$0xb]  }
0x28: {  	s8 =	rddreg [dreg:$0x10]  }
0x29: {  	s23 =	simm.s32 $0x3;
	s9 =	rddreg [dreg:$0x11]  }
0x2a: {  	[spmem:s9], [sflag:s8] =	dma.local @!p0 [hbm:s3], $0x2780  }
0x2b: {  	_ =	swait.ge [sflag:s23], $0x280  }
0x2c: {  	[sflag:s23] =	ssyncset.done $0x0  }
0x2d: {  	s24 =	simm.s32 $0x4;
	[sflag:s23] =	ssyncadd.s32 $0xFFFFFD80  }
0x2e: {  	_ =	swait.ge [sflag:s24], $0x280  }
0x2f: {  	[sflag:s24] =	ssyncset.done $0x0  }
0x30: {  	[sflag:s24] =	ssyncadd.s32 $0xFFFFFD80  }
0x31: {  	[tilespmem:s26], [sflag:$0x1] =	stream.indirect.gather [hbm4b:s1+s25], $0x80, s4, s25, $0xb8;
	[tilespmem:$0x1F880] =	vst v63  }
0x32: {  	s28 =	simm.s32 $0x80;
	s3 =	simm.s32 @p0 $0x5  }
0x33: {  	[tilespmem:s29], [sflag:$0x1] =	stream.indirect.gather [hbm4b:s1+s25], $0x80, s28, s25, $0xb8;
	[tilespmem:$0x1F880] =	vst v63  }
0x34: {  	_ =	swait.ge @p0 [sflag:s3], $0x2080  }
0x35: {  	[sflag:s3] =	ssyncset.done @p0 $0x0  }
0x36: {  	[sflag:s3] =	ssyncadd.s32 @p0 $0xFFFFDF80;
	s3 =	simm.s32 @!p0 $0x5  }
.Ltmp2:
0x37: {  	_ =	swait.ge @!p0 [sflag:s3], $0x2780;
	(pc) =	sbr.rel .LBB2_2-.Ltmp2, $4  }
0x38: {  	[sflag:s3] =	ssyncset.done @!p0 $0x0  }
0x39: {  	s12 =	simm.s32 $0x5;
	s10 =	simm.s32 $0x1;
	[sflag:s3] =	ssyncadd.s32 @!p0 $0xFFFFD880  }
0x3a: {  	s11 =	simm.s32 $0x3;
	s13 =	simm.s32 $0x0;
	[bflag:$0x0] =	sbarrier.arrive $0xFFFF  }
0x3b: {  	s15 =	simm.s32 $0x0;
	s8 =	simm.s32 $0x4;
	s9 =	simm.s32 $0x2  }
.LBB2_3:
0x3c: {  	s4 =	sadd.s32 $0x267, s16  }
0x3d: {  	s4 =	sshrl.u32 s4, $0xA  }
0x3e: {  	s4 =	sand.u32 $0x3F, s4  }
0x3f: {  	s4 =	sshll.u32 s4, $0xA  }
0x40: {  	s4 =	sadd.s32 $0x400, s4  }
0x41: {  	s14 =	sadd.s32 s7, s4  }
0x42: {  	s14 =	sshrl.u32 s14, $0x3  }
0x43: {  	s17 =	simm.s32 $0x0;
	s4 =	sand.u32 $0xC00, s4;
	s28 =	sadd.s32 s5, s14  }
0x44: {  	[tilespmem:s4], [sflag:$0x3] =	stream.linear.gather [hbm4b:s28+s17], $0x280, $0x38;
	[tilespmem:$0x1F880] =	vst v63  }
0x45: {  	s14 =	sadd.s32 s6, s14;
	s4 =	sor.u32 $0x1000, s4  }
0x46: {  	[tilespmem:s4], [sflag:$0x4] =	stream.linear.gather [hbm4b:s14+s17], $0x280, $0x38;
	[tilespmem:$0x1F880] =	vst v63  }
.LBB2_5:
0x47: {  	s4 =	smulhi.u32 $0xCCCCCCCD, s12;
	_ =	sdelay $0x1  }
0x48: {  	s14 =	sshrl.u32 s4, $0x2  }
0x49: {  	s14 =	smul.u32 $0xA00, s14;
	_ =	sdelay $0x1  }
0x4a: {  	s16 =	sadd.s32 $0xFFFFF600, s14  }
0x4b: {  	p2 =	sne.s32 s16, s15  }
0x4c: {  	s16 =	simm.s32 @!p2 $0x3  }
0x4d: {  	s4 =	sshll.u32 s4, $0xA;
	_ =	swait.ge @!p2 [sflag:s16], $0x280  }
0x4e: {  	s4 =	sand.u32 $0x3000, s4;
	[sflag:s16] =	ssyncset.done @!p2 $0x0  }
0x4f: {  	s4 =	ssub.s32 s4, s14;
	s14 =	simm.s32 @!p2 $0x4;
	[sflag:s16] =	ssyncadd.s32 @!p2 $0xFFFFFD80  }
0x50: {  	s4 =	sshra.s32 s4, $0x2;
	_ =	swait.ge @!p2 [sflag:s14], $0x280  }
0x51: {  	s4 =	sadd.s32 $0x280, s4;
	[sflag:s14] =	ssyncset.done @!p2 $0x0  }
0x52: {  	s4 =	sadd.s32 s3, s4;
	[sflag:s14] =	ssyncadd.s32 @!p2 $0xFFFFFD80  }
0x53: {  	[tilespmem:s29], [sflag:$0x1] =	stream.indirect.gather [hbm4b:s1+s25], $0x80, s4, s25, $0xb8;
	[tilespmem:$0x1F880] =	vst v63  }
.LBB2_6:
0x54: {  	s15 =	sadd.s32 $0x800, s15  }
0x55: {  	p2 =	sne.s32 s15, $0xF800  }
.Ltmp3:
0x56: {  	_ =	swait.ge [sflag:s31], $0x2800;
	s4 =	sadd.s32 $0x1180, s18;
	(pc) =	sbr.rel @!p2 .LBB2_7-.Ltmp3, $4  }
0x57: {  	s13 =	sadd.s32 $0x4, s13;
	s11 =	sadd.s32 $0x4, s11;
	s10 =	sadd.s32 $0x4, s10  }
0x58: {  	s9 =	sadd.s32 $0x4, s9;
	s8 =	sadd.s32 $0x4, s8;
	[sflag:s31] =	ssyncset.done $0x0  }
0x59: {  	s12 =	sadd.s32 $0x4, s12;
	s3 =	sadd.s32 s3, s4;
	[sflag:s31] =	ssyncadd.s32 $0xFFFFD800  }
0x5a: {  	[spmem:s2] =	stream.indirect.scatter.add.f32 [tilespmem:s0], [sflag:$0x2], $0x80, s3, s25, $0xb8;
	[tilespmem:$0x1F880] =	vst v63  }
.LBB2_2:
0x5b: {  	s3 =	smulhi.u32 $0xCCCCCCCD, s13;
	_ =	sdelay $0x1  }
0x5c: {  	s16 =	sshrl.u32 s3, $0x2  }
0x5d: {  	s18 =	smul.u32 $0xA00, s16  }
0x5e: {  	s16 =	smul.u32 $0xCD, s13  }
0x5f: {  	p5 =	seq.s32 s15, $0xF000  }
0x60: {  	s17 =	sshrl.u32 s16, $0xA;
	p2 =	sne.s32 @!p5 s18, s15  }
0x61: {  	p6 =	seq.s32 s15, $0x0;
	s17 =	sand.u32 $0x3F, s17;
	p2 =	por p2, p5  }
0x62: {  	s21 =	smulhi.u32 $0xCCCCCCCD, s9;
	s22 =	simm.s32 @!p6 $0x2;
	s17 =	sshll.u32 @!p2 s17, $0xA  }
0x63: {  	_ =	swait.ge @!p6 [sflag:s22], $0x2800;
	s17 =	sadd.s32 @!p2 $0x400, s17  }
0x64: {  	s20 =	sshrl.u32 s21, $0x2;
	[sflag:s22] =	ssyncset.done @!p6 $0x0;
	s23 =	sadd.s32 @!p2 s7, s17  }
0x65: {  	s24 =	smul.u32 $0xA00, s20;
	[sflag:s22] =	ssyncadd.s32 @!p6 $0xFFFFD800;
	s23 =	sshrl.u32 @!p2 s23, $0x3  }
0x66: {  	s14 =	simm.s32 @!p2 $0x0;
	s17 =	sand.u32 @!p2 $0xC00, s17;
	s20 =	sadd.s32 @!p2 s5, s23  }
0x67: {  	[tilespmem:s17], [sflag:$0x3] =	stream.linear.gather @!p2 [hbm4b:s20+s14], $0x280, $0x38;
	[tilespmem:$0x1F880] =	vst v63  }
0x68: {  	s23 =	sadd.s32 @!p2 s6, s23;
	s20 =	sadd.s32 $0xFFFFFC00, s24;
	s17 =	sor.u32 @!p2 $0x1000, s17  }
0x69: {  	[tilespmem:s17], [sflag:$0x4] =	stream.linear.gather @!p2 [hbm4b:s23+s14], $0x280, $0x38;
	[tilespmem:$0x1F880] =	vst v63  }
0x6a: {  	p2 =	sne.s32 s20, s15  }
0x6b: {  	s28 =	sshll.u32 s21, $0xA;
	s21 =	simm.s32 @!p2 $0x3  }
0x6c: {  	s14 =	sand.u32 $0x3000, s28;
	_ =	swait.ge @!p2 [sflag:s21], $0x280  }
0x6d: {  	s3 =	sshll.u32 s3, $0xA;
	s14 =	ssub.s32 s14, s24;
	[sflag:s21] =	ssyncset.done @!p2 $0x0  }
0x6e: {  	s17 =	sshra.s32 s14, $0x2;
	s14 =	simm.s32 @!p2 $0x4;
	[sflag:s21] =	ssyncadd.s32 @!p2 $0xFFFFFD80  }
0x6f: {  	s23 =	smulhi.u32 $0xCCCCCCCD, s10;
	s28 =	sand.u32 $0x3000, s3;
	_ =	swait.ge @!p2 [sflag:s14], $0x280  }
0x70: {  	s3 =	sshra.s32 s15, $0x2;
	s4 =	sadd.s32 $0x100, s17;
	[sflag:s14] =	ssyncset.done @!p2 $0x0  }
0x71: {  	s18 =	ssub.s32 s28, s18;
	s4 =	sadd.s32 s3, s4;
	[sflag:s14] =	ssyncadd.s32 @!p2 $0xFFFFFD80  }
0x72: {  	[tilespmem:s30], [sflag:$0x1] =	stream.indirect.gather [hbm4b:s1+s25], $0x80, s4, s25, $0xb8;
	[tilespmem:$0x1F880] =	vst v63  }
0x73: {  	s21 =	sshra.s32 s18, $0x2;
	_ =	swait.ge [sflag:s31], $0x2800  }
0x74: {  	s24 =	sshrl.u32 s23, $0x2;
	s14 =	sadd.s32 $0x1000, s21;
	[sflag:s31] =	ssyncset.done $0x0  }
0x75: {  	s24 =	smul.u32 $0xA00, s24;
	s14 =	sadd.s32 s3, s14;
	[sflag:s31] =	ssyncadd.s32 $0xFFFFD800  }
0x76: {  	[spmem:s2] =	stream.indirect.scatter.add.f32 [tilespmem:s26], [sflag:$0x2], $0x80, s14, s25, $0xb8;
	[tilespmem:$0x1F880] =	vst v63  }
0x77: {  	s28 =	sadd.s32 $0xCD, s16;
	s14 =	sadd.s32 $0xFFFFFE00, s24  }
0x78: {  	s18 =	sshrl.u32 s28, $0xA;
	p2 =	sne.s32 @!p5 s14, s15  }
0x79: {  	s14 =	sand.u32 $0x3F, s18;
	p2 =	por p2, p5  }
0x7a: {  	s28 =	smulhi.u32 $0xCCCCCCCD, s11;
	s14 =	sshll.u32 @!p2 s14, $0xA  }
0x7b: {  	_ =	swait.ge @!p6 [sflag:s22], $0x2800;
	s14 =	sadd.s32 @!p2 $0x400, s14  }
0x7c: {  	s4 =	sshrl.u32 s28, $0x2;
	[sflag:s22] =	ssyncset.done @!p6 $0x0;
	s18 =	sadd.s32 @!p2 s7, s14  }
0x7d: {  	s4 =	smul.u32 $0xA00, s4;
	[sflag:s22] =	ssyncadd.s32 @!p6 $0xFFFFD800;
	s18 =	sshrl.u32 @!p2 s18, $0x3  }
0x7e: {  	s22 =	simm.s32 @!p2 $0x0;
	s14 =	sand.u32 @!p2 $0xC00, s14;
	s21 =	sadd.s32 @!p2 s5, s18  }
0x7f: {  	[tilespmem:s14], [sflag:$0x3] =	stream.linear.gather @!p2 [hbm4b:s21+s22], $0x280, $0x38;
	[tilespmem:$0x1F880] =	vst v63  }
0x80: {  	s18 =	sadd.s32 @!p2 s6, s18;
	s14 =	sor.u32 @!p2 $0x1000, s14;
	s21 =	sadd.s32 $0xFFFFFA00, s4  }
0x81: {  	[tilespmem:s14], [sflag:$0x4] =	stream.linear.gather @!p2 [hbm4b:s18+s22], $0x280, $0x38;
	[tilespmem:$0x1F880] =	vst v63  }
0x82: {  	p2 =	sne.s32 s21, s15  }
0x83: {  	s14 =	simm.s32 @!p2 $0x3  }
0x84: {  	s28 =	sshll.u32 s28, $0xA;
	_ =	swait.ge @!p2 [sflag:s14], $0x280  }
0x85: {  	s18 =	sand.u32 $0x3000, s28;
	[sflag:s14] =	ssyncset.done @!p2 $0x0  }
0x86: {  	s4 =	ssub.s32 s18, s4;
	[sflag:s14] =	ssyncadd.s32 @!p2 $0xFFFFFD80;
	s14 =	simm.s32 @!p2 $0x4  }
0x87: {  	s22 =	sshll.u32 s23, $0xA;
	s18 =	sshra.s32 s4, $0x2;
	_ =	swait.ge @!p2 [sflag:s14], $0x280  }
0x88: {  	s4 =	sand.u32 $0x3000, s22;
	s23 =	sadd.s32 $0x180, s18;
	[sflag:s14] =	ssyncset.done @!p2 $0x0  }
0x89: {  	s4 =	ssub.s32 s4, s24;
	s28 =	sadd.s32 s3, s23;
	[sflag:s14] =	ssyncadd.s32 @!p2 $0xFFFFFD80  }
0x8a: {  	[tilespmem:s0], [sflag:$0x1] =	stream.indirect.gather [hbm4b:s1+s25], $0x80, s28, s25, $0xb8;
	[tilespmem:$0x1F880] =	vst v63  }
0x8b: {  	s22 =	sadd.s32 $0x19A, s16;
	s4 =	sshra.s32 s4, $0x2;
	_ =	swait.ge [sflag:s31], $0x2800  }
0x8c: {  	s23 =	sshrl.u32 s22, $0xA;
	s4 =	sadd.s32 $0x1080, s4;
	[sflag:s31] =	ssyncset.done $0x0  }
0x8d: {  	s4 =	sadd.s32 s3, s4;
	p2 =	sne.s32 @!p5 s20, s15;
	[sflag:s31] =	ssyncadd.s32 $0xFFFFD800  }
0x8e: {  	[spmem:s2] =	stream.indirect.scatter.add.f32 [tilespmem:s29], [sflag:$0x2], $0x80, s4, s25, $0xb8;
	[tilespmem:$0x1F880] =	vst v63  }
0x8f: {  	p2 =	por p2, p5;
	s4 =	sand.u32 $0x3F, s23  }
0x90: {  	s24 =	smulhi.u32 $0xCCCCCCCD, s8;
	s4 =	sshll.u32 @!p2 s4, $0xA  }
0x91: {  	s4 =	sadd.s32 @!p2 $0x400, s4  }
0x92: {  	s28 =	sshrl.u32 s24, $0x2;
	_ =	swait.ge [sflag:s19], $0x2800;
	s14 =	sadd.s32 @!p2 s7, s4  }
0x93: {  	s23 =	simm.s32 @!p2 $0x0;
	[sflag:s19] =	ssyncset.done $0x0;
	s14 =	sshrl.u32 @!p2 s14, $0x3  }
0x94: {  	[sflag:s19] =	ssyncadd.s32 $0xFFFFD800;
	s4 =	sand.u32 @!p2 $0xC00, s4;
	s22 =	sadd.s32 @!p2 s5, s14  }
0x95: {  	[tilespmem:s4], [sflag:$0x3] =	stream.linear.gather @!p2 [hbm4b:s22+s23], $0x280, $0x38;
	[tilespmem:$0x1F880] =	vst v63  }
0x96: {  	s14 =	sadd.s32 @!p2 s6, s14;
	s22 =	smul.u32 $0xA00, s28;
	s4 =	sor.u32 @!p2 $0x1000, s4  }
0x97: {  	[tilespmem:s4], [sflag:$0x4] =	stream.linear.gather @!p2 [hbm4b:s14+s23], $0x280, $0x38;
	[tilespmem:$0x1F880] =	vst v63  }
0x98: {  	s14 =	sadd.s32 $0xFFFFF800, s22  }
0x99: {  	p2 =	sne.s32 s14, s15  }
0x9a: {  	s4 =	simm.s32 @!p2 $0x3  }
0x9b: {  	s23 =	sshll.u32 s24, $0xA;
	_ =	swait.ge @!p2 [sflag:s4], $0x280  }
0x9c: {  	s14 =	sand.u32 $0x3000, s23;
	[sflag:s4] =	ssyncset.done @!p2 $0x0  }
0x9d: {  	s14 =	ssub.s32 s14, s22;
	[sflag:s4] =	ssyncadd.s32 @!p2 $0xFFFFFD80;
	s4 =	simm.s32 @!p2 $0x4  }
0x9e: {  	s14 =	sshra.s32 s14, $0x2;
	_ =	swait.ge @!p2 [sflag:s4], $0x280  }
0x9f: {  	s14 =	sadd.s32 $0x200, s14;
	[sflag:s4] =	ssyncset.done @!p2 $0x0  }
0xa0: {  	s24 =	sadd.s32 s3, s14;
	[sflag:s4] =	ssyncadd.s32 @!p2 $0xFFFFFD80  }
0xa1: {  	[tilespmem:s26], [sflag:$0x1] =	stream.indirect.gather [hbm4b:s1+s25], $0x80, s24, s25, $0xb8;
	[tilespmem:$0x1F880] =	vst v63  }
0xa2: {  	p2 =	sne.s32 @!p5 s21, s15;
	_ =	swait.ge [sflag:s31], $0x2800  }
0xa3: {  	s28 =	sadd.s32 $0x1100, s17;
	p2 =	por p5, p2;
	[sflag:s31] =	ssyncset.done $0x0  }
.Ltmp4:
0xa4: {  	s4 =	sadd.s32 s3, s28;
	[sflag:s31] =	ssyncadd.s32 $0xFFFFD800;
	(pc) =	sbr.rel @!p2 .LBB2_3-.Ltmp4, $4  }
0xa5: {  	[spmem:s2] =	stream.indirect.scatter.add.f32 [tilespmem:s30], [sflag:$0x2], $0x80, s4, s25, $0xb8;
	[tilespmem:$0x1F880] =	vst v63  }
0xa6: {  	_ =	swait.ge [sflag:s19], $0x2800  }
0xa7: {  	[sflag:s19] =	ssyncset.done $0x0  }
0xa8: {  	[sflag:s19] =	ssyncadd.s32 $0xFFFFD800  }
.Ltmp5:
0xa9: {  	(pc) =	sbr.rel @p5 .LBB2_6-.Ltmp5, $4  }
.Ltmp6:
0xaa: {  	(pc) =	sbr.rel @!p5 .LBB2_5-.Ltmp6, $4  }
0xab: {  	_ = 	snop  }
0xac: {  	_ = 	snop  }
0xad: {  	_ = 	snop  }
0xae: {  	_ = 	snop  }
.LBB2_7:
0xaf: {  	_ =	swait.ge [sflag:s19], $0x2800  }
0xb0: {  	[sflag:s19] =	ssyncset.done $0x0  }
0xb1: {  	[sflag:s19] =	ssyncadd.s32 $0xFFFFD800  }
0xb2: {  	_ =	swait.ge [sflag:s31], $0x2800  }
0xb3: {  	[sflag:s31] =	ssyncset.done $0x0  }
0xb4: {  	s3 =	simm.s32 $0x1200;
	[sflag:s31] =	ssyncadd.s32 $0xFFFFD800  }
0xb5: {  	[spmem:s2] =	stream.indirect.scatter.add.f32 [tilespmem:s26], [sflag:$0x2], $0x80, s3, s25, $0xb8;
	[tilespmem:$0x1F880] =	vst v63  }
0xb6: {  	_ =	swait.ge [sflag:s19], $0x2800  }
0xb7: {  	[sflag:s19] =	ssyncset.done $0x0  }
0xb8: {  	[sflag:s19] =	ssyncadd.s32 $0xFFFFD800  }
0xb9: {  	_ =	swait.ge [sflag:s19], $0x2800  }
0xba: {  	[sflag:s19] =	ssyncset.done $0x0  }
0xbb: {  	[sflag:s19] =	ssyncadd.s32 $0xFFFFD800  }
0xbc: {  	s9 =	stileid.u32;
	[bflag:$0x0] =	sbarrier.arrive $0xFFFF  }
0xbd: {  	s3 =	sshll.u32 @p1 s9, $0x6;
	s10 =	rddreg [dreg:$0xa]  }
0xbe: {  	s3 =	sor.u32 @p1 $0x1C06, s3;
	s8 =	rddreg [dreg:$0xc];
	s4 =	sshrl.u32 @p1 s10, $0x3  }
0xbf: {  	[hbm:s8], [sflag:s3] =	dma.local @p1 [spmem:s4], $0x2780  }
0xc0: {  	s3 =	simm.s32 @p1 $0x6  }
0xc1: {  	_ =	swait.ge @p1 [sflag:s3], $0x2780  }
0xc2: {  	s4 =	sshll.u32 @!p4 s9, $0x6;
	[sflag:s3] =	ssyncset.done @p1 $0x0;
	s9 =	rddreg [dreg:$0xd]  }
0xc3: {  	[sflag:s3] =	ssyncadd.s32 @p1 $0xFFFFD880;
	s3 =	sor.u32 @!p4 $0x1C06, s4;
	s4 =	sshrl.u32 @!p4 s10, $0x3  }
0xc4: {  	[hbm:s9], [sflag:s3] =	dma.local @!p4 [spmem:s4], $0x2780  }
0xc5: {  	s3 =	sld [smem:$0x7FD];
	_ =	sdelay $0x2  }
0xc6: {  	p2 =	por @!p4 $0x1, $0x1;
	p5 =	seq.s32 s3, $0x1  }
0xc7: {  	p5 =	por @!p4 p2, p2  }
0xc8: {  	p2 =	por @!p3 !p5, !p0  }
0xc9: {  	p2 =	por @!p3 !p2, !p2  }
0xca: {  	p2 =	por p3, p2  }
.Ltmp7:
0xcb: {  	_ = 	snop;
	(pc) =	sbr.rel @!p2 .LBB2_9-.Ltmp7, $4  }
0xcc: {  	s3 =	simm.s32 @!p4 $0x6  }
0xcd: {  	_ =	swait.ge @!p4 [sflag:s3], $0x2780  }
0xce: {  	[sflag:s3] =	ssyncset.done @!p4 $0x0  }
0xcf: {  	s8 =	stileid.u32;
	s10 =	rddreg [dreg:$0x12];
	[sflag:s3] =	ssyncadd.s32 @!p4 $0xFFFFD880  }
0xd0: {  	s3 =	rddreg [dreg:$0x5]  }
0xd1: {  	s4 =	rddreg [dreg:$0x4]  }
0xd2: {  	s24 =	rddreg [dreg:$0x8]  }
0xd3: {  	s9 =	simm.s32 $0x1FC6;
	s28 =	simm.s32 $0x6;
	s3 =	smov.u32 @p3 s4  }
.Ltmp8:
0xd4: {  	s4 =	sshrl.u32 s24, $0x3;
	s3 =	sadd.s32 $0x25080, s3;
	(pc) =	sbr.rel .LBB2_9-.Ltmp8, $4  }
0xd5: {  	[hbm:s3], [sflag:s9] =	dma.local [spmem:s4], $0x2080  }
0xd6: {  	_ =	swait.ge [sflag:s28], $0x2080  }
0xd7: {  	[sflag:s28] =	ssyncset.done $0x0  }
0xd8: {  	[sflag:s28] =	ssyncadd.s32 $0xFFFFDF80  }
.LBB2_10:
0xd9: {  	_ =	sfence.sel $0x180000  }
0xda: {  	[bflag:$0x0] =	sbarrier.arrive $0xFFFF  }
0xdb: {  	_ =	strace $0x9000004A  }
0xdc: {  	[bflag:$0x2] =	sbarrier.arrive $0xFFFF  }
0xdd: {  	p0 =	sne.s32 s8, $0x0;
	s0 =	rddreg [dreg:$0x3]  }
0xde: {  	s0 =	sadd.s32 @!p0 $0x100000, s0  }
0xdf: {  	[sflag:s0] =	ssyncadd.tile.s32 @!p0 $0x1;
	_ =	shalt  }
.Lfunc_end2:
_tile_overlayer_lowered:
.L_overlay_start_2:
0xe0: {  	(tag) =	ssettag $0x2  }
0xe1: {  	s0 =	rddreg [dreg:$0x0];
	s2 =	stileid.u32  }
0xe2: {  	s1 =	rddreg [dreg:$0x1];
	p0 =	sne.s32 s2, $0x0  }
0xe3: {  	s3 =	rddreg [dreg:$0x2];
	[bflag:$0x3] =	sbarrier.arrive $0xFFFF;
	s2 =	simm.s32 @!p0 $0x1C06  }
0xe4: {  	[timem:s3], [sflag:s2] =	dma.local @!p0 [hbm:s0], s1  }
0xe5: {  	s0 =	simm.s32 @!p0 $0x6  }
0xe6: {  	_ =	swait.ge @!p0 [sflag:s0], s1  }
0xe7: {  	s1 =	ssub.s32 @!p0 $0x0, s1;
	[sflag:s0] =	ssyncset.done @!p0 $0x0  }
0xe8: {  	[sflag:s0] =	ssyncadd.s32 @!p0 s1  }
0xe9: {  	[bflag:$0x3] =	sbarrier.arrive $0xFFFF  }
0xea: {  	_ =	shalt  }

// kernel: kernel.15.cloned.1.call-start
scs
__scs_entry_jumppad:
0x0: {  	(pc) =	sbr.rel $0x88, $3  }
0x1: {  	(tag) =	ssettag $0x0;
	lr =	simm.s32 $0x1  }
0x2: {  	[smem:$0x3F95] =	sst lr;
	_ =	strace $0xD0000000  }
0x3: {  	_ = 	snop  }
0x4: {  	_ = 	snop  }
0x5: {  	_ = 	snop  }
0x6: {  	_ = 	snop  }
0x7: {  	_ = 	snop  }
__scs_overlays_trampoline_lowered:
0x8: {  	[smem:$0x3FA4] =	sst s0  }
0x9: {  	[smem:$0x3FA5] =	sst s1  }
0xa: {  	[smem:$0x3FA6] =	sst s2  }
0xb: {  	[smem:$0x3FA7] =	sst s3  }
0xc: {  	[smem:$0x3FA8] =	sst s4  }
0xd: {  	[smem:$0x3FA9] =	sst s5  }
0xe: {  	[smem:$0x3FAA] =	sst s6  }
0xf: {  	[smem:$0x3FAB] =	sst s7  }
0x10: {  	[smem:$0x3FAC] =	sst s8  }
0x11: {  	[smem:$0x3FAD] =	sst s9;
	s0 =	simm.s32 @!p0 $0x0  }
0x12: {  	s1 =	sld [smem:$0x3F93];
	s0 =	simm.s32 @p0 $0x1  }
0x13: {  	[smem:$0x3FAE] =	sst s0;
	s0 =	simm.s32 @!p1 $0x0  }
0x14: {  	s2 =	sld [smem:$0x3F92];
	s0 =	simm.s32 @p1 $0x1  }
0x15: {  	[smem:$0x3FAF] =	sst s0;
	s0 =	simm.s32 @!p2 $0x0  }
0x16: {  	s3 =	sld [smem:$0x3FDB];
	s0 =	simm.s32 @p2 $0x1  }
0x17: {  	s4 =	simm.s32 $0x1BF5;
	[smem:$0x3FB1] =	sst s0  }
0x18: {  	s0 =	sld [smem:$0x3F94];
	_ =	swait.ge [sflag:s4], $0x0  }
0x19: {  	s7 =	sld [smem:$0x3F95]  }
0x1a: {  	s8 =	sadd.s32 $0xFFFFE003, lr  }
0x1b: {  	s9 =	sadd.s32 $0xFFFFFEF7, lr;
	s5 =	simm.s32 $0xFFFFFFFF;
	p2 =	slt.u32 s8, $0xFFFFF086  }
0x1c: {  	p1 =	slt.u32 s9, $0xF7A;
	s5 =	simm.s32 @!p2 $0x0  }
0x1d: {  	s5 =	simm.s32 @p1 $0x1;
	p0 =	seq.s32 s7, s2  }
0x1e: {  	s7 =	smul.u32 @!p0 $0xF7A, s2;
	p2 =	seq.s32 @!p0 s5, $0x0  }
0x1f: {  	s9 =	smul.u32 $0xF7A, s1;
	s8 =	simm.s32 @!p0 $0x1BF5;
	p2 =	por !p2, p0  }
0x20: {  	[sflag:s8] =	ssyncset.s32 @!p0 $0xFFFFF086;
	s6 =	sadd.s32 @!p0 s3, s7;
	s7 =	simm.s32 @!p0 $0x108  }
0x21: {  	s3 =	sadd.s32 s3, s9;
	s6 =	sadd.s32 @!p0 $0x88, s6;
	s7 =	simm.s32 @p2 $0x1082  }
0x22: {  	[simem:s7], [sflag:s8] =	dma.local @!p0 [hbm:s6], $0xF7A  }
0x23: {  	s9 =	sor.u32 $0xD0000000, s2;
	s6 =	simm.s32 $0x108;
	_ =	swait.ge @!p0 [sflag:s8], $0x0  }
0x24: {  	s3 =	sadd.s32 $0x88, s3;
	s6 =	simm.s32 @!p1 $0x1082;
	[sflag:s4] =	ssyncset.s32 $0xFFFFF086  }
0x25: {  	[simem:s6], [sflag:s4] =	dma.local [hbm:s3], $0xF7A  }
0x26: {  	[smem:$0x3F95] =	sst s1;
	(tag) =	ssettag s2;
	_ =	strace s9  }
0x27: {  	s1 =	sld [smem:$0x3FA5]  }
0x28: {  	s2 =	sld [smem:$0x3FA6]  }
0x29: {  	s4 =	sld [smem:$0x3FA8]  }
0x2a: {  	p0 =	seq.s32 s5, $0x0;
	s5 =	sld [smem:$0x3FA9]  }
0x2b: {  	s6 =	sld [smem:$0x3FAA]  }
0x2c: {  	s7 =	sld [smem:$0x3FAB]  }
0x2d: {  	s3 =	simm.s32 $0x108;
	s8 =	sld [smem:$0x3FAC]  }
0x2e: {  	s3 =	simm.s32 @!p0 $0x1082;
	s9 =	sld [smem:$0x3FAD]  }
0x2f: {  	lr =	sadd.s32 s0, s3;
	s0 =	sld [smem:$0x3FA4]  }
0x30: {  	s3 =	sld [smem:$0x3FA7]  }
0x31: {  	[smem:$0x3FB0] =	sst s10  }
0x32: {  	s10 =	sld [smem:$0x3FAE];
	_ =	sdelay $0x3  }
0x33: {  	p0 =	seq.s32 s10, $0x1;
	s10 =	sld [smem:$0x3FB0];
	_ =	sdelay $0x3  }
0x34: {  	[smem:$0x3FB0] =	sst s10  }
0x35: {  	s10 =	sld [smem:$0x3FAF];
	_ =	sdelay $0x3  }
0x36: {  	p1 =	seq.s32 s10, $0x1;
	s10 =	sld [smem:$0x3FB0];
	_ =	sdelay $0x3  }
0x37: {  	[smem:$0x3FB0] =	sst s10  }
0x38: {  	s10 =	sld [smem:$0x3FB1]  }
0x39: {  	_ = 	snop;
	(pc) =	sbr.ind lr, $3  }
0x3a: {  	_ = 	snop  }
0x3b: {  	_ = 	snop  }
0x3c: {  	p2 =	seq.s32 s10, $0x1;
	s10 =	sld [smem:$0x3FB0]  }
0x3d: {  	_ =	shalt  }
0x3e: {  	_ =	shalt  }
0x3f: {  	_ =	shalt  }
0x40: {  	_ =	shalt  }
0x41: {  	_ =	shalt  }
0x42: {  	_ =	shalt  }
0x43: {  	_ =	shalt  }
0x44: {  	_ =	shalt  }
0x45: {  	_ =	shalt  }
0x46: {  	_ =	shalt  }
0x47: {  	_ =	shalt  }
0x48: {  	_ =	shalt  }
0x49: {  	_ =	shalt  }
0x4a: {  	_ =	shalt  }
0x4b: {  	_ =	shalt  }
0x4c: {  	_ =	shalt  }
0x4d: {  	_ =	shalt  }
0x4e: {  	_ =	shalt  }
0x4f: {  	_ =	shalt  }
0x50: {  	_ =	shalt  }
0x51: {  	_ =	shalt  }
0x52: {  	_ =	shalt  }
0x53: {  	_ =	shalt  }
0x54: {  	_ =	shalt  }
0x55: {  	_ =	shalt  }
0x56: {  	_ =	shalt  }
0x57: {  	_ =	shalt  }
0x58: {  	_ =	shalt  }
0x59: {  	_ =	shalt  }
0x5a: {  	_ =	shalt  }
0x5b: {  	_ =	shalt  }
0x5c: {  	_ =	shalt  }
0x5d: {  	_ =	shalt  }
0x5e: {  	_ =	shalt  }
0x5f: {  	_ =	shalt  }
0x60: {  	_ =	shalt  }
0x61: {  	_ =	shalt  }
0x62: {  	_ =	shalt  }
0x63: {  	_ =	shalt  }
0x64: {  	_ =	shalt  }
0x65: {  	_ =	shalt  }
0x66: {  	_ =	shalt  }
0x67: {  	_ =	shalt  }
0x68: {  	_ =	shalt  }
0x69: {  	_ =	shalt  }
0x6a: {  	_ =	shalt  }
0x6b: {  	_ =	shalt  }
0x6c: {  	_ =	shalt  }
0x6d: {  	_ =	shalt  }
0x6e: {  	_ =	shalt  }
0x6f: {  	_ =	shalt  }
0x70: {  	_ =	shalt  }
0x71: {  	_ =	shalt  }
0x72: {  	_ =	shalt  }
0x73: {  	_ =	shalt  }
0x74: {  	_ =	shalt  }
0x75: {  	_ =	shalt  }
0x76: {  	_ =	shalt  }
0x77: {  	_ =	shalt  }
0x78: {  	_ =	shalt  }
0x79: {  	_ =	shalt  }
0x7a: {  	_ =	shalt  }
0x7b: {  	_ =	shalt  }
0x7c: {  	_ =	shalt  }
0x7d: {  	_ =	shalt  }
0x7e: {  	_ =	shalt  }
0x7f: {  	_ =	shalt  }
0x80: {  	_ =	shalt  }
0x81: {  	_ =	shalt  }
0x82: {  	_ =	shalt  }
0x83: {  	_ =	shalt  }
0x84: {  	_ =	shalt  }
0x85: {  	_ =	shalt  }
0x86: {  	_ =	shalt  }
0x87: {  	_ =	shalt  }
.Lfunc_end0:
.L_simem_size_0:
called_computation.2_lowered:
.L_overlay_start_0:
0x88: {  	s2 =	sld [smem:$0x3FD9]  }
0x89: {  	s3 =	sld [smem:$0x3FFE];
	_ =	sdelay $0x1  }
0x8a: {  	s1 =	srdreg.scid  }
0x8b: {  	s0 =	sand.u32 $0x1, s1  }
0x8c: {  	s17 =	sshll.u32 s0, $0xA;
	s2 =	sadd.s32 s3, s2  }
0x8d: {  	s2 =	sadd.s32 s2, s17  }
0x8e: {  	[smem:$0x3FBC] =	sst s2  }
0x8f: {  	_ = 	snop  }
0x90: {  	s2 =	sld [smem:$0x3FD0];
	(tm) =	ssettm $0x1  }
0x91: {  	s18 =	sld [smem:$0x3FFB];
	_ =	sdelay $0x3  }
0x92: {  	_ =	strace s18  }
0x93: {  	s3 =	sld [smem:$0x3FFC];
	_ =	sdelay $0x3  }
0x94: {  	_ =	strace s3  }
0x95: {  	s3 =	sld [smem:$0x3FFD];
	_ =	sdelay $0x3  }
0x96: {  	_ =	strace s3  }
0x97: {  	_ =	strace $0x8FFFFFFF  }
0x98: {  	s19 =	sld [smem:$0x3FDB];
	_ =	sdelay $0x1  }
0x99: {  	s4 =	simm.s32 $_scs_section_size  }
0x9a: {  	s5 =	simm.s32 $_size__tile_overlayer_lowered;
	s6 =	simm.s32 $_tile_overlayer_lowered  }
0x9b: {  	s22 =	simm.s32 $0x1BFF;
	s21 =	sshll.u32 s6, $0x1;
	s3 =	sadd.s32 s4, s19  }
0x9c: {  	s7 =	simm.s32 $0x0;
	s20 =	sshll.u32 s5, $0x1;
	s5 =	sadd.s32 s21, s3  }
0x9d: {  	[timem:s7], [sflag:s22] =	dma.local [hbm:s5], s20  }
0x9e: {  	_ =	swait.ge [sflag:s22], s20  }
0x9f: {  	s4 =	ssub.s32 $0x0, s20;
	[sflag:s22] =	ssyncset.done $0x0  }
0xa0: {  	[sflag:s22] =	ssyncadd.s32 s4;
	_ =	sdelay $0x1  }
0xa1: {  	s23 =	simm.s32 $0x1B8B  }
0xa2: {  	_ =	swait.ge [sflag:s23], $0x1  }
0xa3: {  	[sflag:s23] =	ssyncset.done $0x0  }
0xa4: {  	s25 =	simm.s32 $0x1B8E;
	s24 =	sld [smem:$0x3FFE];
	[sflag:s23] =	ssyncadd.s32 $0xFFFFFFFF  }
0xa5: {  	s26 =	simm.s32 $execute0_lowered;
	[smem:$0x3FD2] =	sst s25  }
0xa6: {  	s5 =	sshll.u32 s26, $0x1;
	_ =	strace $0x8000004C;
	[dreg:$0x1] =	wrdreg $0xFFFFFFFF  }
0xa7: {  	s28 =	simm.s32 $_size_execute0_lowered;
	s3 =	sadd.s32 s3, s5;
	[dreg:$0x0] =	wrdreg $0x0  }
0xa8: {  	s5 =	sshll.u32 s28, $0x1;
	[dreg:$0x2] =	wrdreg s3  }
0xa9: {  	[dreg:$0x3] =	wrdreg s5  }
0xaa: {  	[dreg:$0x4] =	wrdreg $0xC0  }
0xab: {  	_ =	task [dreg:s7], $0x5FFFF  }
0xac: {  	[dreg:$0x1] =	wrdreg $0xFFFFFFFF  }
0xad: {  	[dreg:$0x0] =	wrdreg $0x60  }
0xae: {  	[dreg:$0x2] =	wrdreg s2  }
0xaf: {  	[dreg:$0x3] =	wrdreg s24  }
0xb0: {  	[dreg:$0x4] =	wrdreg $0xC0000  }
0xb1: {  	[dreg:$0x5] =	wrdreg $0x9  }
0xb2: {  	_ =	task.clear_ibuf [dreg:s7], $0x6FFFF;
	_ =	strace $0x9000004C  }
0xb3: {  	s29 =	simm.s32 $0x9;
	_ =	strace $0x8000004E  }
0xb4: {  	_ =	swait.ge [sflag:s29], $0x1  }
0xb5: {  	[sflag:s29] =	ssyncadd.s32 $0xFFFFFFFF  }
0xb6: {  	_ =	strace $0x9000004E  }
0xb7: {  	_ =	sfence  }
0xb8: {  	s30 =	sld [smem:$0x0];
	_ =	sdelay $0x2  }
0xb9: {  	s31 =	sshll.u32 s1, $0xD;
	s1 =	sshrl.u32 s1, $0x2  }
0xba: {  	s3 =	sand.u32 $0x4000, s31;
	s1 =	sadd.s32 s1, s30  }
0xbb: {  	s0 =	sor.u32 s3, s0;
	s1 =	sshll.u32 s1, $0x11  }
0xbc: {  	s0 =	sor.u32 s1, s0  }
0xbd: {  	s0 =	sadd.s32 $0x8F2B, s0  }
0xbe: {  	[sflag:s0] =	ssyncadd.remote.s32 $0x1  }
0xbf: {  	_ =	sfence.sel $0xFFFF  }
0xc0: {  	[dreg:$0x0] =	wrdreg $0xFFFFFFFF;
	(pc) =	sbr.abs _section_cstart, $3  }
0xc1: {  	[dreg:$0x1] =	wrdreg $0xFFFFFFFF  }
0xc2: {  	_ =	task.clear_ibuf [dreg:s7], $0x2FFFF;
	_ =	strace $0x9FFFFFFF  }
0xc3: {  	(tm) =	ssettm $0x7FFFFFFF  }
tec
execute0_lowered:
.L_overlay_start_1:
0x0: {  	(tag) =	ssettag $0x1  }
0x1: {  	s1 =	rddreg [dreg:$0x0]  }
0x2: {  	s0 =	rddreg [dreg:$0x1]  }
0x3: {  	s2 =	rddreg [dreg:$0x2];
	s3 =	srdreg.scid;
	s4 =	simm.s32 $0x0  }
0x4: {  	s29 =	simm.s32 $0x4800;
	s30 =	simm.s32 $0x7000;
	s31 =	simm.s32 $0x1  }
0x5: {  	s19 =	simm.s32 $0x2;
	s3 =	sand.u32 $0x1, s3;
	[smem:$0x7FF] =	sst s4  }
0x6: {  	s4 =	stileid.u32;
	s6 =	sadd.s32 $0x1CA00, s0;
	s13 =	sadd.s32 $0x5CC00, s0  }
0x7: {  	s14 =	sadd.s32 $0x83E00, s0;
	s5 =	sshll.u32 s3, $0x4;
	s8 =	smul.u32 $0x2780, s4  }
0x8: {  	_ =	strace $0x8000004D;
	s10 =	ssub.s32 $0x2, s3;
	s23 =	smul.u32 $0x4F000, s4  }
0x9: {  	p0 =	seq.s32 s4, $0xF;
	p2 =	sne.s32 s4, $0xF;
	[dreg:$0x4] =	wrdreg s13  }
0xa: {  	p3 =	seq.s32 s3, $0x0;
	p4 =	seq.s32 s3, $0x1;
	[dreg:$0x5] =	wrdreg s14  }
0xb: {  	s7 =	sor.u32 s4, s5;
	s5 =	sadd.s32 $0x3A00, s0;
	s11 =	sshrl.u32 s10, $0x1  }
0xc: {  	p1 =	por !p3, !p2;
	p3 =	por !p3, !p0;
	p2 =	por !p2, !p4  }
0xd: {  	s7 =	smul.u32 $0x6400, s7;
	s9 =	sadd.s32 s8, s0;
	s0 =	sadd.s32 $0x5AA80, s0  }
0xe: {  	s10 =	ssub.s32 s10, s11;
	s25 =	sadd.s32 s13, s8;
	[dreg:$0x9] =	wrdreg s0  }
0xf: {  	s11 =	sshrl.u32 s23, $0x2;
	s26 =	sadd.s32 s14, s8;
	[dreg:$0xc] =	wrdreg s25  }
0x10: {  	p1 =	por !p1, !p1;
	s24 =	sadd.s32 $0x35A00, s9;
	[dreg:$0xd] =	wrdreg s26  }
0x11: {  	p3 =	por !p3, !p3;
	s28 =	smax.u32 s10, $0x1;
	[dreg:$0xb] =	wrdreg s24  }
0x12: {  	s11 =	sadd.s32 s11, s2;
	s0 =	simm.s32 @!p4 $0x0;
	[dreg:$0xe] =	wrdreg s28  }
0x13: {  	s12 =	sshrl.u32 s7, $0x3;
	s0 =	simm.s32 @p4 $0x1;
	[dreg:$0xa] =	wrdreg s11  }
0x14: {  	p2 =	por !p2, !p2;
	s22 =	sadd.s32 s5, s12;
	[smem:$0x7FD] =	sst s0  }
0x15: {  	s12 =	sadd.s32 s6, s12;
	s0 =	sshll.u32 @!p0 s4, $0x6;
	[dreg:$0x6] =	wrdreg s22  }
.Ltmp0:
0x16: {  	[dreg:$0x7] =	wrdreg s12;
	s12 =	sadd.s32 $0x128400, s2;
	(pc) =	sbr.rel .LBB2_1-.Ltmp0, $4  }
0x17: {  	s25 =	simm.s32 $0x50;
	s0 =	sor.u32 @!p0 $0x1C05, s0;
	[dreg:$0x8] =	wrdreg s12  }
0x18: {  	s26 =	simm.s32 $0x2000;
	s3 =	sshrl.u32 @p0 s12, $0x3;
	[dreg:$0x10] =	wrdreg s0  }
0x19: {  	s10 =	simm.s32 $0x0;
	s0 =	sshrl.u32 @!p0 s11, $0x3;
	[dreg:$0xf] =	wrdreg s3  }
0x1a: {  	p4 =	por !p2, p3;
	[dreg:$0x11] =	wrdreg s0;
	s0 =	simm.s32 $0x9800  }
.LBB2_9:
0x1b: {  	s10 =	sadd.s32 $0x1, s10;
	s3 =	rddreg [dreg:$0xe]  }
0x1c: {  	p2 =	sne.s32 s10, s3  }
.Ltmp1:
0x1d: {  	_ = 	snop;
	(pc) =	sbr.rel @!p2 .LBB2_10-.Ltmp1, $1  }
0x1e: {  	_ =	sdelay $0x3  }
.LBB2_1:
0x1f: {  	[dreg:$0x12] =	wrdreg s10  }
0x20: {  	s3 =	rddreg [dreg:$0x6]  }
0x21: {  	s4 =	simm.s32 $0x0;
	s22 =	rddreg [dreg:$0x7]  }
0x22: {  	[tilespmem:s4], [sflag:$0x3] =	stream.linear.gather [hbm4b:s3+s4], $0x280, $0x38;
	[tilespmem:$0x1F880] =	vst v63  }
0x23: {  	s8 =	simm.s32 $0x1000;
	s9 =	rddreg [dreg:$0xf]  }
0x24: {  	[tilespmem:s8], [sflag:$0x4] =	stream.linear.gather [hbm4b:s22+s4], $0x280, $0x38;
	[tilespmem:$0x1F880] =	vst v63  }
0x25: {  	s3 =	simm.s32 @p0 $0x1FC5;
	s8 =	rddreg [dreg:$0x9]  }
0x26: {  	[spmem:s9], [sflag:s3] =	dma.local @p0 [hbm:s8], $0x2080  }
0x27: {  	s3 =	rddreg [dreg:$0xb]  }
0x28: {  	s8 =	rddreg [dreg:$0x10]  }
0x29: {  	s23 =	simm.s32 $0x3;
	s9 =	rddreg [dreg:$0x11]  }
0x2a: {  	[spmem:s9], [sflag:s8] =	dma.local @!p0 [hbm:s3], $0x2780  }
0x2b: {  	_ =	swait.ge [sflag:s23], $0x280  }
0x2c: {  	[sflag:s23] =	ssyncset.done $0x0  }
0x2d: {  	s24 =	simm.s32 $0x4;
	[sflag:s23] =	ssyncadd.s32 $0xFFFFFD80  }
0x2e: {  	_ =	swait.ge [sflag:s24], $0x280  }
0x2f: {  	[sflag:s24] =	ssyncset.done $0x0  }
0x30: {  	[sflag:s24] =	ssyncadd.s32 $0xFFFFFD80  }
0x31: {  	[tilespmem:s26], [sflag:$0x1] =	stream.indirect.gather [hbm4b:s1+s25], $0x80, s4, s25, $0xb8;
	[tilespmem:$0x1F880] =	vst v63  }
0x32: {  	s28 =	simm.s32 $0x80;
	s3 =	simm.s32 @p0 $0x5  }
0x33: {  	[tilespmem:s29], [sflag:$0x1] =	stream.indirect.gather [hbm4b:s1+s25], $0x80, s28, s25, $0xb8;
	[tilespmem:$0x1F880] =	vst v63  }
0x34: {  	_ =	swait.ge @p0 [sflag:s3], $0x2080  }
0x35: {  	[sflag:s3] =	ssyncset.done @p0 $0x0  }
0x36: {  	[sflag:s3] =	ssyncadd.s32 @p0 $0xFFFFDF80;
	s3 =	simm.s32 @!p0 $0x5  }
.Ltmp2:
0x37: {  	_ =	swait.ge @!p0 [sflag:s3], $0x2780;
	(pc) =	sbr.rel .LBB2_2-.Ltmp2, $4  }
0x38: {  	[sflag:s3] =	ssyncset.done @!p0 $0x0  }
0x39: {  	s12 =	simm.s32 $0x5;
	s10 =	simm.s32 $0x1;
	[sflag:s3] =	ssyncadd.s32 @!p0 $0xFFFFD880  }
0x3a: {  	s11 =	simm.s32 $0x3;
	s13 =	simm.s32 $0x0;
	[bflag:$0x0] =	sbarrier.arrive $0xFFFF  }
0x3b: {  	s15 =	simm.s32 $0x0;
	s8 =	simm.s32 $0x4;
	s9 =	simm.s32 $0x2  }
.LBB2_3:
0x3c: {  	s4 =	sadd.s32 $0x267, s16  }
0x3d: {  	s4 =	sshrl.u32 s4, $0xA  }
0x3e: {  	s4 =	sand.u32 $0x3F, s4  }
0x3f: {  	s4 =	sshll.u32 s4, $0xA  }
0x40: {  	s4 =	sadd.s32 $0x400, s4  }
0x41: {  	s14 =	sadd.s32 s7, s4  }
0x42: {  	s14 =	sshrl.u32 s14, $0x3  }
0x43: {  	s17 =	simm.s32 $0x0;
	s4 =	sand.u32 $0xC00, s4;
	s28 =	sadd.s32 s5, s14  }
0x44: {  	[tilespmem:s4], [sflag:$0x3] =	stream.linear.gather [hbm4b:s28+s17], $0x280, $0x38;
	[tilespmem:$0x1F880] =	vst v63  }
0x45: {  	s14 =	sadd.s32 s6, s14;
	s4 =	sor.u32 $0x1000, s4  }
0x46: {  	[tilespmem:s4], [sflag:$0x4] =	stream.linear.gather [hbm4b:s14+s17], $0x280, $0x38;
	[tilespmem:$0x1F880] =	vst v63  }
.LBB2_5:
0x47: {  	s4 =	smulhi.u32 $0xCCCCCCCD, s12;
	_ =	sdelay $0x1  }
0x48: {  	s14 =	sshrl.u32 s4, $0x2  }
0x49: {  	s14 =	smul.u32 $0xA00, s14;
	_ =	sdelay $0x1  }
0x4a: {  	s16 =	sadd.s32 $0xFFFFF600, s14  }
0x4b: {  	p2 =	sne.s32 s16, s15  }
0x4c: {  	s16 =	simm.s32 @!p2 $0x3  }
0x4d: {  	s4 =	sshll.u32 s4, $0xA;
	_ =	swait.ge @!p2 [sflag:s16], $0x280  }
0x4e: {  	s4 =	sand.u32 $0x3000, s4;
	[sflag:s16] =	ssyncset.done @!p2 $0x0  }
0x4f: {  	s4 =	ssub.s32 s4, s14;
	s14 =	simm.s32 @!p2 $0x4;
	[sflag:s16] =	ssyncadd.s32 @!p2 $0xFFFFFD80  }
0x50: {  	s4 =	sshra.s32 s4, $0x2;
	_ =	swait.ge @!p2 [sflag:s14], $0x280  }
0x51: {  	s4 =	sadd.s32 $0x280, s4;
	[sflag:s14] =	ssyncset.done @!p2 $0x0  }
0x52: {  	s4 =	sadd.s32 s3, s4;
	[sflag:s14] =	ssyncadd.s32 @!p2 $0xFFFFFD80  }
0x53: {  	[tilespmem:s29], [sflag:$0x1] =	stream.indirect.gather [hbm4b:s1+s25], $0x80, s4, s25, $0xb8;
	[tilespmem:$0x1F880] =	vst v63  }
.LBB2_6:
0x54: {  	s15 =	sadd.s32 $0x800, s15  }
0x55: {  	p2 =	sne.s32 s15, $0xF800  }
.Ltmp3:
0x56: {  	_ =	swait.ge [sflag:s31], $0x2800;
	s4 =	sadd.s32 $0x1180, s18;
	(pc) =	sbr.rel @!p2 .LBB2_7-.Ltmp3, $4  }
0x57: {  	s13 =	sadd.s32 $0x4, s13;
	s11 =	sadd.s32 $0x4, s11;
	s10 =	sadd.s32 $0x4, s10  }
0x58: {  	s9 =	sadd.s32 $0x4, s9;
	s8 =	sadd.s32 $0x4, s8;
	[sflag:s31] =	ssyncset.done $0x0  }
0x59: {  	s12 =	sadd.s32 $0x4, s12;
	s3 =	sadd.s32 s3, s4;
	[sflag:s31] =	ssyncadd.s32 $0xFFFFD800  }
0x5a: {  	[spmem:s2] =	stream.indirect.scatter.add.f32 [tilespmem:s0], [sflag:$0x2], $0x80, s3, s25, $0xb8;
	[tilespmem:$0x1F880] =	vst v63  }
.LBB2_2:
0x5b: {  	s3 =	smulhi.u32 $0xCCCCCCCD, s13;
	_ =	sdelay $0x1  }
0x5c: {  	s16 =	sshrl.u32 s3, $0x2  }
0x5d: {  	s18 =	smul.u32 $0xA00, s16  }
0x5e: {  	s16 =	smul.u32 $0xCD, s13  }
0x5f: {  	p5 =	seq.s32 s15, $0xF000  }
0x60: {  	s17 =	sshrl.u32 s16, $0xA;
	p2 =	sne.s32 @!p5 s18, s15  }
0x61: {  	p6 =	seq.s32 s15, $0x0;
	s17 =	sand.u32 $0x3F, s17;
	p2 =	por p2, p5  }
0x62: {  	s21 =	smulhi.u32 $0xCCCCCCCD, s9;
	s22 =	simm.s32 @!p6 $0x2;
	s17 =	sshll.u32 @!p2 s17, $0xA  }
0x63: {  	_ =	swait.ge @!p6 [sflag:s22], $0x2800;
	s17 =	sadd.s32 @!p2 $0x400, s17  }
0x64: {  	s20 =	sshrl.u32 s21, $0x2;
	[sflag:s22] =	ssyncset.done @!p6 $0x0;
	s23 =	sadd.s32 @!p2 s7, s17  }
0x65: {  	s24 =	smul.u32 $0xA00, s20;
	[sflag:s22] =	ssyncadd.s32 @!p6 $0xFFFFD800;
	s23 =	sshrl.u32 @!p2 s23, $0x3  }
0x66: {  	s14 =	simm.s32 @!p2 $0x0;
	s17 =	sand.u32 @!p2 $0xC00, s17;
	s20 =	sadd.s32 @!p2 s5, s23  }
0x67: {  	[tilespmem:s17], [sflag:$0x3] =	stream.linear.gather @!p2 [hbm4b:s20+s14], $0x280, $0x38;
	[tilespmem:$0x1F880] =	vst v63  }
0x68: {  	s23 =	sadd.s32 @!p2 s6, s23;
	s20 =	sadd.s32 $0xFFFFFC00, s24;
	s17 =	sor.u32 @!p2 $0x1000, s17  }
0x69: {  	[tilespmem:s17], [sflag:$0x4] =	stream.linear.gather @!p2 [hbm4b:s23+s14], $0x280, $0x38;
	[tilespmem:$0x1F880] =	vst v63  }
0x6a: {  	p2 =	sne.s32 s20, s15  }
0x6b: {  	s28 =	sshll.u32 s21, $0xA;
	s21 =	simm.s32 @!p2 $0x3  }
0x6c: {  	s14 =	sand.u32 $0x3000, s28;
	_ =	swait.ge @!p2 [sflag:s21], $0x280  }
0x6d: {  	s3 =	sshll.u32 s3, $0xA;
	s14 =	ssub.s32 s14, s24;
	[sflag:s21] =	ssyncset.done @!p2 $0x0  }
0x6e: {  	s17 =	sshra.s32 s14, $0x2;
	s14 =	simm.s32 @!p2 $0x4;
	[sflag:s21] =	ssyncadd.s32 @!p2 $0xFFFFFD80  }
0x6f: {  	s23 =	smulhi.u32 $0xCCCCCCCD, s10;
	s28 =	sand.u32 $0x3000, s3;
	_ =	swait.ge @!p2 [sflag:s14], $0x280  }
0x70: {  	s3 =	sshra.s32 s15, $0x2;
	s4 =	sadd.s32 $0x100, s17;
	[sflag:s14] =	ssyncset.done @!p2 $0x0  }
0x71: {  	s18 =	ssub.s32 s28, s18;
	s4 =	sadd.s32 s3, s4;
	[sflag:s14] =	ssyncadd.s32 @!p2 $0xFFFFFD80  }
0x72: {  	[tilespmem:s30], [sflag:$0x1] =	stream.indirect.gather [hbm4b:s1+s25], $0x80, s4, s25, $0xb8;
	[tilespmem:$0x1F880] =	vst v63  }
0x73: {  	s21 =	sshra.s32 s18, $0x2;
	_ =	swait.ge [sflag:s31], $0x2800  }
0x74: {  	s24 =	sshrl.u32 s23, $0x2;
	s14 =	sadd.s32 $0x1000, s21;
	[sflag:s31] =	ssyncset.done $0x0  }
0x75: {  	s24 =	smul.u32 $0xA00, s24;
	s14 =	sadd.s32 s3, s14;
	[sflag:s31] =	ssyncadd.s32 $0xFFFFD800  }
0x76: {  	[spmem:s2] =	stream.indirect.scatter.add.f32 [tilespmem:s26], [sflag:$0x2], $0x80, s14, s25, $0xb8;
	[tilespmem:$0x1F880] =	vst v63  }
0x77: {  	s28 =	sadd.s32 $0xCD, s16;
	s14 =	sadd.s32 $0xFFFFFE00, s24  }
0x78: {  	s18 =	sshrl.u32 s28, $0xA;
	p2 =	sne.s32 @!p5 s14, s15  }
0x79: {  	s14 =	sand.u32 $0x3F, s18;
	p2 =	por p2, p5  }
0x7a: {  	s28 =	smulhi.u32 $0xCCCCCCCD, s11;
	s14 =	sshll.u32 @!p2 s14, $0xA  }
0x7b: {  	_ =	swait.ge @!p6 [sflag:s22], $0x2800;
	s14 =	sadd.s32 @!p2 $0x400, s14  }
0x7c: {  	s4 =	sshrl.u32 s28, $0x2;
	[sflag:s22] =	ssyncset.done @!p6 $0x0;
	s18 =	sadd.s32 @!p2 s7, s14  }
0x7d: {  	s4 =	smul.u32 $0xA00, s4;
	[sflag:s22] =	ssyncadd.s32 @!p6 $0xFFFFD800;
	s18 =	sshrl.u32 @!p2 s18, $0x3  }
0x7e: {  	s22 =	simm.s32 @!p2 $0x0;
	s14 =	sand.u32 @!p2 $0xC00, s14;
	s21 =	sadd.s32 @!p2 s5, s18  }
0x7f: {  	[tilespmem:s14], [sflag:$0x3] =	stream.linear.gather @!p2 [hbm4b:s21+s22], $0x280, $0x38;
	[tilespmem:$0x1F880] =	vst v63  }
0x80: {  	s18 =	sadd.s32 @!p2 s6, s18;
	s14 =	sor.u32 @!p2 $0x1000, s14;
	s21 =	sadd.s32 $0xFFFFFA00, s4  }
0x81: {  	[tilespmem:s14], [sflag:$0x4] =	stream.linear.gather @!p2 [hbm4b:s18+s22], $0x280, $0x38;
	[tilespmem:$0x1F880] =	vst v63  }
0x82: {  	p2 =	sne.s32 s21, s15  }
0x83: {  	s14 =	simm.s32 @!p2 $0x3  }
0x84: {  	s28 =	sshll.u32 s28, $0xA;
	_ =	swait.ge @!p2 [sflag:s14], $0x280  }
0x85: {  	s18 =	sand.u32 $0x3000, s28;
	[sflag:s14] =	ssyncset.done @!p2 $0x0  }
0x86: {  	s4 =	ssub.s32 s18, s4;
	[sflag:s14] =	ssyncadd.s32 @!p2 $0xFFFFFD80;
	s14 =	simm.s32 @!p2 $0x4  }
0x87: {  	s22 =	sshll.u32 s23, $0xA;
	s18 =	sshra.s32 s4, $0x2;
	_ =	swait.ge @!p2 [sflag:s14], $0x280  }
0x88: {  	s4 =	sand.u32 $0x3000, s22;
	s23 =	sadd.s32 $0x180, s18;
	[sflag:s14] =	ssyncset.done @!p2 $0x0  }
0x89: {  	s4 =	ssub.s32 s4, s24;
	s28 =	sadd.s32 s3, s23;
	[sflag:s14] =	ssyncadd.s32 @!p2 $0xFFFFFD80  }
0x8a: {  	[tilespmem:s0], [sflag:$0x1] =	stream.indirect.gather [hbm4b:s1+s25], $0x80, s28, s25, $0xb8;
	[tilespmem:$0x1F880] =	vst v63  }
0x8b: {  	s22 =	sadd.s32 $0x19A, s16;
	s4 =	sshra.s32 s4, $0x2;
	_ =	swait.ge [sflag:s31], $0x2800  }
0x8c: {  	s23 =	sshrl.u32 s22, $0xA;
	s4 =	sadd.s32 $0x1080, s4;
	[sflag:s31] =	ssyncset.done $0x0  }
0x8d: {  	s4 =	sadd.s32 s3, s4;
	p2 =	sne.s32 @!p5 s20, s15;
	[sflag:s31] =	ssyncadd.s32 $0xFFFFD800  }
0x8e: {  	[spmem:s2] =	stream.indirect.scatter.add.f32 [tilespmem:s29], [sflag:$0x2], $0x80, s4, s25, $0xb8;
	[tilespmem:$0x1F880] =	vst v63  }
0x8f: {  	p2 =	por p2, p5;
	s4 =	sand.u32 $0x3F, s23  }
0x90: {  	s24 =	smulhi.u32 $0xCCCCCCCD, s8;
	s4 =	sshll.u32 @!p2 s4, $0xA  }
0x91: {  	s4 =	sadd.s32 @!p2 $0x400, s4  }
0x92: {  	s28 =	sshrl.u32 s24, $0x2;
	_ =	swait.ge [sflag:s19], $0x2800;
	s14 =	sadd.s32 @!p2 s7, s4  }
0x93: {  	s23 =	simm.s32 @!p2 $0x0;
	[sflag:s19] =	ssyncset.done $0x0;
	s14 =	sshrl.u32 @!p2 s14, $0x3  }
0x94: {  	[sflag:s19] =	ssyncadd.s32 $0xFFFFD800;
	s4 =	sand.u32 @!p2 $0xC00, s4;
	s22 =	sadd.s32 @!p2 s5, s14  }
0x95: {  	[tilespmem:s4], [sflag:$0x3] =	stream.linear.gather @!p2 [hbm4b:s22+s23], $0x280, $0x38;
	[tilespmem:$0x1F880] =	vst v63  }
0x96: {  	s14 =	sadd.s32 @!p2 s6, s14;
	s22 =	smul.u32 $0xA00, s28;
	s4 =	sor.u32 @!p2 $0x1000, s4  }
0x97: {  	[tilespmem:s4], [sflag:$0x4] =	stream.linear.gather @!p2 [hbm4b:s14+s23], $0x280, $0x38;
	[tilespmem:$0x1F880] =	vst v63  }
0x98: {  	s14 =	sadd.s32 $0xFFFFF800, s22  }
0x99: {  	p2 =	sne.s32 s14, s15  }
0x9a: {  	s4 =	simm.s32 @!p2 $0x3  }
0x9b: {  	s23 =	sshll.u32 s24, $0xA;
	_ =	swait.ge @!p2 [sflag:s4], $0x280  }
0x9c: {  	s14 =	sand.u32 $0x3000, s23;
	[sflag:s4] =	ssyncset.done @!p2 $0x0  }
0x9d: {  	s14 =	ssub.s32 s14, s22;
	[sflag:s4] =	ssyncadd.s32 @!p2 $0xFFFFFD80;
	s4 =	simm.s32 @!p2 $0x4  }
0x9e: {  	s14 =	sshra.s32 s14, $0x2;
	_ =	swait.ge @!p2 [sflag:s4], $0x280  }
0x9f: {  	s14 =	sadd.s32 $0x200, s14;
	[sflag:s4] =	ssyncset.done @!p2 $0x0  }
0xa0: {  	s24 =	sadd.s32 s3, s14;
	[sflag:s4] =	ssyncadd.s32 @!p2 $0xFFFFFD80  }
0xa1: {  	[tilespmem:s26], [sflag:$0x1] =	stream.indirect.gather [hbm4b:s1+s25], $0x80, s24, s25, $0xb8;
	[tilespmem:$0x1F880] =	vst v63  }
0xa2: {  	p2 =	sne.s32 @!p5 s21, s15;
	_ =	swait.ge [sflag:s31], $0x2800  }
0xa3: {  	s28 =	sadd.s32 $0x1100, s17;
	p2 =	por p5, p2;
	[sflag:s31] =	ssyncset.done $0x0  }
.Ltmp4:
0xa4: {  	s4 =	sadd.s32 s3, s28;
	[sflag:s31] =	ssyncadd.s32 $0xFFFFD800;
	(pc) =	sbr.rel @!p2 .LBB2_3-.Ltmp4, $4  }
0xa5: {  	[spmem:s2] =	stream.indirect.scatter.add.f32 [tilespmem:s30], [sflag:$0x2], $0x80, s4, s25, $0xb8;
	[tilespmem:$0x1F880] =	vst v63  }
0xa6: {  	_ =	swait.ge [sflag:s19], $0x2800  }
0xa7: {  	[sflag:s19] =	ssyncset.done $0x0  }
0xa8: {  	[sflag:s19] =	ssyncadd.s32 $0xFFFFD800  }
.Ltmp5:
0xa9: {  	(pc) =	sbr.rel @p5 .LBB2_6-.Ltmp5, $4  }
.Ltmp6:
0xaa: {  	(pc) =	sbr.rel @!p5 .LBB2_5-.Ltmp6, $4  }
0xab: {  	_ = 	snop  }
0xac: {  	_ = 	snop  }
0xad: {  	_ = 	snop  }
0xae: {  	_ = 	snop  }
.LBB2_7:
0xaf: {  	_ =	swait.ge [sflag:s19], $0x2800  }
0xb0: {  	[sflag:s19] =	ssyncset.done $0x0  }
0xb1: {  	[sflag:s19] =	ssyncadd.s32 $0xFFFFD800  }
0xb2: {  	_ =	swait.ge [sflag:s31], $0x2800  }
0xb3: {  	[sflag:s31] =	ssyncset.done $0x0  }
0xb4: {  	s3 =	simm.s32 $0x1200;
	[sflag:s31] =	ssyncadd.s32 $0xFFFFD800  }
0xb5: {  	[spmem:s2] =	stream.indirect.scatter.add.f32 [tilespmem:s26], [sflag:$0x2], $0x80, s3, s25, $0xb8;
	[tilespmem:$0x1F880] =	vst v63  }
0xb6: {  	_ =	swait.ge [sflag:s19], $0x2800  }
0xb7: {  	[sflag:s19] =	ssyncset.done $0x0  }
0xb8: {  	[sflag:s19] =	ssyncadd.s32 $0xFFFFD800  }
0xb9: {  	_ =	swait.ge [sflag:s19], $0x2800  }
0xba: {  	[sflag:s19] =	ssyncset.done $0x0  }
0xbb: {  	[sflag:s19] =	ssyncadd.s32 $0xFFFFD800  }
0xbc: {  	s9 =	stileid.u32;
	[bflag:$0x0] =	sbarrier.arrive $0xFFFF  }
0xbd: {  	s3 =	sshll.u32 @p1 s9, $0x6;
	s10 =	rddreg [dreg:$0xa]  }
0xbe: {  	s3 =	sor.u32 @p1 $0x1C06, s3;
	s8 =	rddreg [dreg:$0xc];
	s4 =	sshrl.u32 @p1 s10, $0x3  }
0xbf: {  	[hbm:s8], [sflag:s3] =	dma.local @p1 [spmem:s4], $0x2780  }
0xc0: {  	s3 =	simm.s32 @p1 $0x6  }
0xc1: {  	_ =	swait.ge @p1 [sflag:s3], $0x2780  }
0xc2: {  	s4 =	sshll.u32 @!p4 s9, $0x6;
	[sflag:s3] =	ssyncset.done @p1 $0x0;
	s9 =	rddreg [dreg:$0xd]  }
0xc3: {  	[sflag:s3] =	ssyncadd.s32 @p1 $0xFFFFD880;
	s3 =	sor.u32 @!p4 $0x1C06, s4;
	s4 =	sshrl.u32 @!p4 s10, $0x3  }
0xc4: {  	[hbm:s9], [sflag:s3] =	dma.local @!p4 [spmem:s4], $0x2780  }
0xc5: {  	s3 =	sld [smem:$0x7FD];
	_ =	sdelay $0x2  }
0xc6: {  	p2 =	por @!p4 $0x1, $0x1;
	p5 =	seq.s32 s3, $0x1  }
0xc7: {  	p5 =	por @!p4 p2, p2  }
0xc8: {  	p2 =	por @!p3 !p5, !p0  }
0xc9: {  	p2 =	por @!p3 !p2, !p2  }
0xca: {  	p2 =	por p3, p2  }
.Ltmp7:
0xcb: {  	_ = 	snop;
	(pc) =	sbr.rel @!p2 .LBB2_9-.Ltmp7, $4  }
0xcc: {  	s3 =	simm.s32 @!p4 $0x6  }
0xcd: {  	_ =	swait.ge @!p4 [sflag:s3], $0x2780  }
0xce: {  	[sflag:s3] =	ssyncset.done @!p4 $0x0  }
0xcf: {  	s8 =	stileid.u32;
	s10 =	rddreg [dreg:$0x12];
	[sflag:s3] =	ssyncadd.s32 @!p4 $0xFFFFD880  }
0xd0: {  	s3 =	rddreg [dreg:$0x5]  }
0xd1: {  	s4 =	rddreg [dreg:$0x4]  }
0xd2: {  	s24 =	rddreg [dreg:$0x8]  }
0xd3: {  	s9 =	simm.s32 $0x1FC6;
	s28 =	simm.s32 $0x6;
	s3 =	smov.u32 @p3 s4  }
.Ltmp8:
0xd4: {  	s4 =	sshrl.u32 s24, $0x3;
	s3 =	sadd.s32 $0x25080, s3;
	(pc) =	sbr.rel .LBB2_9-.Ltmp8, $4  }
0xd5: {  	[hbm:s3], [sflag:s9] =	dma.local [spmem:s4], $0x2080  }
0xd6: {  	_ =	swait.ge [sflag:s28], $0x2080  }
0xd7: {  	[sflag:s28] =	ssyncset.done $0x0  }
0xd8: {  	[sflag:s28] =	ssyncadd.s32 $0xFFFFDF80  }
.LBB2_10:
0xd9: {  	_ =	sfence.sel $0x180000  }
0xda: {  	[bflag:$0x0] =	sbarrier.arrive $0xFFFF  }
0xdb: {  	_ =	strace $0x9000004D  }
0xdc: {  	[bflag:$0x2] =	sbarrier.arrive $0xFFFF  }
0xdd: {  	p0 =	sne.s32 s8, $0x0;
	s0 =	rddreg [dreg:$0x3]  }
0xde: {  	s0 =	sadd.s32 @!p0 $0x100000, s0  }
0xdf: {  	[sflag:s0] =	ssyncadd.tile.s32 @!p0 $0x1;
	_ =	shalt  }
.Lfunc_end2:
_tile_overlayer_lowered:
.L_overlay_start_2:
0xe0: {  	(tag) =	ssettag $0x2  }
0xe1: {  	s0 =	rddreg [dreg:$0x0];
	s2 =	stileid.u32  }
0xe2: {  	s1 =	rddreg [dreg:$0x1];
	p0 =	sne.s32 s2, $0x0  }
0xe3: {  	s3 =	rddreg [dreg:$0x2];
	[bflag:$0x3] =	sbarrier.arrive $0xFFFF;
	s2 =	simm.s32 @!p0 $0x1C06  }
0xe4: {  	[timem:s3], [sflag:s2] =	dma.local @!p0 [hbm:s0], s1  }
0xe5: {  	s0 =	simm.s32 @!p0 $0x6  }
0xe6: {  	_ =	swait.ge @!p0 [sflag:s0], s1  }
0xe7: {  	s1 =	ssub.s32 @!p0 $0x0, s1;
	[sflag:s0] =	ssyncset.done @!p0 $0x0  }
0xe8: {  	[sflag:s0] =	ssyncadd.s32 @!p0 s1  }
0xe9: {  	[bflag:$0x3] =	sbarrier.arrive $0xFFFF  }
0xea: {  	_ =	shalt  }

// kernel: kernel.9.cloned.1.call-start
scs
__scs_entry_jumppad:
0x0: {  	(pc) =	sbr.rel $0x88, $3  }
0x1: {  	(tag) =	ssettag $0x0;
	lr =	simm.s32 $0x1  }
0x2: {  	[smem:$0x3F95] =	sst lr;
	_ =	strace $0xD0000000  }
0x3: {  	_ = 	snop  }
0x4: {  	_ = 	snop  }
0x5: {  	_ = 	snop  }
0x6: {  	_ = 	snop  }
0x7: {  	_ = 	snop  }
__scs_overlays_trampoline_lowered:
0x8: {  	[smem:$0x3FA4] =	sst s0  }
0x9: {  	[smem:$0x3FA5] =	sst s1  }
0xa: {  	[smem:$0x3FA6] =	sst s2  }
0xb: {  	[smem:$0x3FA7] =	sst s3  }
0xc: {  	[smem:$0x3FA8] =	sst s4  }
0xd: {  	[smem:$0x3FA9] =	sst s5  }
0xe: {  	[smem:$0x3FAA] =	sst s6  }
0xf: {  	[smem:$0x3FAB] =	sst s7  }
0x10: {  	[smem:$0x3FAC] =	sst s8  }
0x11: {  	[smem:$0x3FAD] =	sst s9;
	s0 =	simm.s32 @!p0 $0x0  }
0x12: {  	s1 =	sld [smem:$0x3F93];
	s0 =	simm.s32 @p0 $0x1  }
0x13: {  	[smem:$0x3FAE] =	sst s0;
	s0 =	simm.s32 @!p1 $0x0  }
0x14: {  	s2 =	sld [smem:$0x3F92];
	s0 =	simm.s32 @p1 $0x1  }
0x15: {  	[smem:$0x3FAF] =	sst s0;
	s0 =	simm.s32 @!p2 $0x0  }
0x16: {  	s3 =	sld [smem:$0x3FDB];
	s0 =	simm.s32 @p2 $0x1  }
0x17: {  	s4 =	simm.s32 $0x1BF5;
	[smem:$0x3FB1] =	sst s0  }
0x18: {  	s0 =	sld [smem:$0x3F94];
	_ =	swait.ge [sflag:s4], $0x0  }
0x19: {  	s7 =	sld [smem:$0x3F95]  }
0x1a: {  	s8 =	sadd.s32 $0xFFFFE003, lr  }
0x1b: {  	s9 =	sadd.s32 $0xFFFFFEF7, lr;
	s5 =	simm.s32 $0xFFFFFFFF;
	p2 =	slt.u32 s8, $0xFFFFF086  }
0x1c: {  	p1 =	slt.u32 s9, $0xF7A;
	s5 =	simm.s32 @!p2 $0x0  }
0x1d: {  	s5 =	simm.s32 @p1 $0x1;
	p0 =	seq.s32 s7, s2  }
0x1e: {  	s7 =	smul.u32 @!p0 $0xF7A, s2;
	p2 =	seq.s32 @!p0 s5, $0x0  }
0x1f: {  	s9 =	smul.u32 $0xF7A, s1;
	s8 =	simm.s32 @!p0 $0x1BF5;
	p2 =	por !p2, p0  }
0x20: {  	[sflag:s8] =	ssyncset.s32 @!p0 $0xFFFFF086;
	s6 =	sadd.s32 @!p0 s3, s7;
	s7 =	simm.s32 @!p0 $0x108  }
0x21: {  	s3 =	sadd.s32 s3, s9;
	s6 =	sadd.s32 @!p0 $0x88, s6;
	s7 =	simm.s32 @p2 $0x1082  }
0x22: {  	[simem:s7], [sflag:s8] =	dma.local @!p0 [hbm:s6], $0xF7A  }
0x23: {  	s9 =	sor.u32 $0xD0000000, s2;
	s6 =	simm.s32 $0x108;
	_ =	swait.ge @!p0 [sflag:s8], $0x0  }
0x24: {  	s3 =	sadd.s32 $0x88, s3;
	s6 =	simm.s32 @!p1 $0x1082;
	[sflag:s4] =	ssyncset.s32 $0xFFFFF086  }
0x25: {  	[simem:s6], [sflag:s4] =	dma.local [hbm:s3], $0xF7A  }
0x26: {  	[smem:$0x3F95] =	sst s1;
	(tag) =	ssettag s2;
	_ =	strace s9  }
0x27: {  	s1 =	sld [smem:$0x3FA5]  }
0x28: {  	s2 =	sld [smem:$0x3FA6]  }
0x29: {  	s4 =	sld [smem:$0x3FA8]  }
0x2a: {  	p0 =	seq.s32 s5, $0x0;
	s5 =	sld [smem:$0x3FA9]  }
0x2b: {  	s6 =	sld [smem:$0x3FAA]  }
0x2c: {  	s7 =	sld [smem:$0x3FAB]  }
0x2d: {  	s3 =	simm.s32 $0x108;
	s8 =	sld [smem:$0x3FAC]  }
0x2e: {  	s3 =	simm.s32 @!p0 $0x1082;
	s9 =	sld [smem:$0x3FAD]  }
0x2f: {  	lr =	sadd.s32 s0, s3;
	s0 =	sld [smem:$0x3FA4]  }
0x30: {  	s3 =	sld [smem:$0x3FA7]  }
0x31: {  	[smem:$0x3FB0] =	sst s10  }
0x32: {  	s10 =	sld [smem:$0x3FAE];
	_ =	sdelay $0x3  }
0x33: {  	p0 =	seq.s32 s10, $0x1;
	s10 =	sld [smem:$0x3FB0];
	_ =	sdelay $0x3  }
0x34: {  	[smem:$0x3FB0] =	sst s10  }
0x35: {  	s10 =	sld [smem:$0x3FAF];
	_ =	sdelay $0x3  }
0x36: {  	p1 =	seq.s32 s10, $0x1;
	s10 =	sld [smem:$0x3FB0];
	_ =	sdelay $0x3  }
0x37: {  	[smem:$0x3FB0] =	sst s10  }
0x38: {  	s10 =	sld [smem:$0x3FB1]  }
0x39: {  	_ = 	snop;
	(pc) =	sbr.ind lr, $3  }
0x3a: {  	_ = 	snop  }
0x3b: {  	_ = 	snop  }
0x3c: {  	p2 =	seq.s32 s10, $0x1;
	s10 =	sld [smem:$0x3FB0]  }
0x3d: {  	_ =	shalt  }
0x3e: {  	_ =	shalt  }
0x3f: {  	_ =	shalt  }
0x40: {  	_ =	shalt  }
0x41: {  	_ =	shalt  }
0x42: {  	_ =	shalt  }
0x43: {  	_ =	shalt  }
0x44: {  	_ =	shalt  }
0x45: {  	_ =	shalt  }
0x46: {  	_ =	shalt  }
0x47: {  	_ =	shalt  }
0x48: {  	_ =	shalt  }
0x49: {  	_ =	shalt  }
0x4a: {  	_ =	shalt  }
0x4b: {  	_ =	shalt  }
0x4c: {  	_ =	shalt  }
0x4d: {  	_ =	shalt  }
0x4e: {  	_ =	shalt  }
0x4f: {  	_ =	shalt  }
0x50: {  	_ =	shalt  }
0x51: {  	_ =	shalt  }
0x52: {  	_ =	shalt  }
0x53: {  	_ =	shalt  }
0x54: {  	_ =	shalt  }
0x55: {  	_ =	shalt  }
0x56: {  	_ =	shalt  }
0x57: {  	_ =	shalt  }
0x58: {  	_ =	shalt  }
0x59: {  	_ =	shalt  }
0x5a: {  	_ =	shalt  }
0x5b: {  	_ =	shalt  }
0x5c: {  	_ =	shalt  }
0x5d: {  	_ =	shalt  }
0x5e: {  	_ =	shalt  }
0x5f: {  	_ =	shalt  }
0x60: {  	_ =	shalt  }
0x61: {  	_ =	shalt  }
0x62: {  	_ =	shalt  }
0x63: {  	_ =	shalt  }
0x64: {  	_ =	shalt  }
0x65: {  	_ =	shalt  }
0x66: {  	_ =	shalt  }
0x67: {  	_ =	shalt  }
0x68: {  	_ =	shalt  }
0x69: {  	_ =	shalt  }
0x6a: {  	_ =	shalt  }
0x6b: {  	_ =	shalt  }
0x6c: {  	_ =	shalt  }
0x6d: {  	_ =	shalt  }
0x6e: {  	_ =	shalt  }
0x6f: {  	_ =	shalt  }
0x70: {  	_ =	shalt  }
0x71: {  	_ =	shalt  }
0x72: {  	_ =	shalt  }
0x73: {  	_ =	shalt  }
0x74: {  	_ =	shalt  }
0x75: {  	_ =	shalt  }
0x76: {  	_ =	shalt  }
0x77: {  	_ =	shalt  }
0x78: {  	_ =	shalt  }
0x79: {  	_ =	shalt  }
0x7a: {  	_ =	shalt  }
0x7b: {  	_ =	shalt  }
0x7c: {  	_ =	shalt  }
0x7d: {  	_ =	shalt  }
0x7e: {  	_ =	shalt  }
0x7f: {  	_ =	shalt  }
0x80: {  	_ =	shalt  }
0x81: {  	_ =	shalt  }
0x82: {  	_ =	shalt  }
0x83: {  	_ =	shalt  }
0x84: {  	_ =	shalt  }
0x85: {  	_ =	shalt  }
0x86: {  	_ =	shalt  }
0x87: {  	_ =	shalt  }
.Lfunc_end0:
.L_simem_size_0:
called_computation_lowered:
.L_overlay_start_0:
0x88: {  	s2 =	sld [smem:$0x3FD9]  }
0x89: {  	s3 =	sld [smem:$0x3FFE];
	_ =	sdelay $0x1  }
0x8a: {  	s1 =	srdreg.scid  }
0x8b: {  	s0 =	sand.u32 $0x1, s1  }
0x8c: {  	s17 =	sshll.u32 s0, $0xA;
	s2 =	sadd.s32 s3, s2  }
0x8d: {  	s2 =	sadd.s32 s2, s17  }
0x8e: {  	[smem:$0x3FBC] =	sst s2  }
0x8f: {  	_ = 	snop  }
0x90: {  	s2 =	sld [smem:$0x3FD0];
	(tm) =	ssettm $0x1  }
0x91: {  	s18 =	sld [smem:$0x3FFB];
	_ =	sdelay $0x3  }
0x92: {  	_ =	strace s18  }
0x93: {  	s3 =	sld [smem:$0x3FFC];
	_ =	sdelay $0x3  }
0x94: {  	_ =	strace s3  }
0x95: {  	s3 =	sld [smem:$0x3FFD];
	_ =	sdelay $0x3  }
0x96: {  	_ =	strace s3  }
0x97: {  	_ =	strace $0x8FFFFFFF  }
0x98: {  	s19 =	sld [smem:$0x3FDB];
	_ =	sdelay $0x1  }
0x99: {  	s4 =	simm.s32 $_scs_section_size  }
0x9a: {  	s5 =	simm.s32 $_size__tile_overlayer_lowered;
	s6 =	simm.s32 $_tile_overlayer_lowered  }
0x9b: {  	s22 =	simm.s32 $0x1BFF;
	s21 =	sshll.u32 s6, $0x1;
	s3 =	sadd.s32 s4, s19  }
0x9c: {  	s7 =	simm.s32 $0x0;
	s20 =	sshll.u32 s5, $0x1;
	s5 =	sadd.s32 s21, s3  }
0x9d: {  	[timem:s7], [sflag:s22] =	dma.local [hbm:s5], s20  }
0x9e: {  	_ =	swait.ge [sflag:s22], s20  }
0x9f: {  	s4 =	ssub.s32 $0x0, s20;
	[sflag:s22] =	ssyncset.done $0x0  }
0xa0: {  	[sflag:s22] =	ssyncadd.s32 s4;
	_ =	sdelay $0x1  }
0xa1: {  	s23 =	simm.s32 $0x1B8B  }
0xa2: {  	_ =	swait.ge [sflag:s23], $0x1  }
0xa3: {  	[sflag:s23] =	ssyncset.done $0x0  }
0xa4: {  	s25 =	simm.s32 $0x1B8E;
	s24 =	sld [smem:$0x3FFE];
	[sflag:s23] =	ssyncadd.s32 $0xFFFFFFFF  }
0xa5: {  	s26 =	simm.s32 $execute0_lowered;
	[smem:$0x3FD2] =	sst s25  }
0xa6: {  	s5 =	sshll.u32 s26, $0x1;
	_ =	strace $0x80000046;
	[dreg:$0x1] =	wrdreg $0xFFFFFFFF  }
0xa7: {  	s28 =	simm.s32 $_size_execute0_lowered;
	s3 =	sadd.s32 s3, s5;
	[dreg:$0x0] =	wrdreg $0x0  }
0xa8: {  	s5 =	sshll.u32 s28, $0x1;
	[dreg:$0x2] =	wrdreg s3  }
0xa9: {  	[dreg:$0x3] =	wrdreg s5  }
0xaa: {  	[dreg:$0x4] =	wrdreg $0xC0  }
0xab: {  	_ =	task [dreg:s7], $0x5FFFF  }
0xac: {  	[dreg:$0x1] =	wrdreg $0xFFFFFFFF  }
0xad: {  	[dreg:$0x0] =	wrdreg $0x60  }
0xae: {  	[dreg:$0x2] =	wrdreg s2  }
0xaf: {  	[dreg:$0x3] =	wrdreg s24  }
0xb0: {  	[dreg:$0x4] =	wrdreg $0xC0000  }
0xb1: {  	[dreg:$0x5] =	wrdreg $0x9  }
0xb2: {  	_ =	task.clear_ibuf [dreg:s7], $0x6FFFF;
	_ =	strace $0x90000046  }
0xb3: {  	s29 =	simm.s32 $0x9;
	_ =	strace $0x80000048  }
0xb4: {  	_ =	swait.ge [sflag:s29], $0x1  }
0xb5: {  	[sflag:s29] =	ssyncadd.s32 $0xFFFFFFFF  }
0xb6: {  	_ =	strace $0x90000048  }
0xb7: {  	_ =	sfence  }
0xb8: {  	s30 =	sld [smem:$0x0];
	_ =	sdelay $0x2  }
0xb9: {  	s31 =	sshll.u32 s1, $0xD;
	s1 =	sshrl.u32 s1, $0x2  }
0xba: {  	s3 =	sand.u32 $0x4000, s31;
	s1 =	sadd.s32 s1, s30  }
0xbb: {  	s0 =	sor.u32 s3, s0;
	s1 =	sshll.u32 s1, $0x11  }
0xbc: {  	s0 =	sor.u32 s1, s0  }
0xbd: {  	s0 =	sadd.s32 $0x8F2B, s0  }
0xbe: {  	[sflag:s0] =	ssyncadd.remote.s32 $0x1  }
0xbf: {  	_ =	sfence.sel $0xFFFF  }
0xc0: {  	[dreg:$0x0] =	wrdreg $0xFFFFFFFF;
	(pc) =	sbr.abs _section_cstart, $3  }
0xc1: {  	[dreg:$0x1] =	wrdreg $0xFFFFFFFF  }
0xc2: {  	_ =	task.clear_ibuf [dreg:s7], $0x2FFFF;
	_ =	strace $0x9FFFFFFF  }
0xc3: {  	(tm) =	ssettm $0x7FFFFFFF  }
tec
execute0_lowered:
.L_overlay_start_1:
0x0: {  	(tag) =	ssettag $0x1  }
0x1: {  	s1 =	rddreg [dreg:$0x0]  }
0x2: {  	s0 =	rddreg [dreg:$0x1]  }
0x3: {  	s2 =	rddreg [dreg:$0x2];
	s3 =	srdreg.scid;
	s4 =	simm.s32 $0x0  }
0x4: {  	s29 =	simm.s32 $0x4800;
	s30 =	simm.s32 $0x7000;
	s31 =	simm.s32 $0x1  }
0x5: {  	s19 =	simm.s32 $0x2;
	s3 =	sand.u32 $0x1, s3;
	[smem:$0x7FF] =	sst s4  }
0x6: {  	s4 =	stileid.u32;
	s6 =	sadd.s32 $0x1CA00, s0;
	s13 =	sadd.s32 $0x5CC00, s0  }
0x7: {  	s14 =	sadd.s32 $0x83E00, s0;
	s5 =	sshll.u32 s3, $0x4;
	s8 =	smul.u32 $0x2780, s4  }
0x8: {  	_ =	strace $0x80000047;
	s10 =	ssub.s32 $0x2, s3;
	s23 =	smul.u32 $0x4F000, s4  }
0x9: {  	p0 =	seq.s32 s4, $0xF;
	p2 =	sne.s32 s4, $0xF;
	[dreg:$0x4] =	wrdreg s13  }
0xa: {  	p3 =	seq.s32 s3, $0x0;
	p4 =	seq.s32 s3, $0x1;
	[dreg:$0x5] =	wrdreg s14  }
0xb: {  	s7 =	sor.u32 s4, s5;
	s5 =	sadd.s32 $0x3A00, s0;
	s11 =	sshrl.u32 s10, $0x1  }
0xc: {  	p1 =	por !p3, !p2;
	p3 =	por !p3, !p0;
	p2 =	por !p2, !p4  }
0xd: {  	s7 =	smul.u32 $0x6400, s7;
	s9 =	sadd.s32 s8, s0;
	s0 =	sadd.s32 $0x5AA80, s0  }
0xe: {  	s10 =	ssub.s32 s10, s11;
	s25 =	sadd.s32 s13, s8;
	[dreg:$0x9] =	wrdreg s0  }
0xf: {  	s11 =	sshrl.u32 s23, $0x2;
	s26 =	sadd.s32 s14, s8;
	[dreg:$0xc] =	wrdreg s25  }
0x10: {  	p1 =	por !p1, !p1;
	s24 =	sadd.s32 $0x35A00, s9;
	[dreg:$0xd] =	wrdreg s26  }
0x11: {  	p3 =	por !p3, !p3;
	s28 =	smax.u32 s10, $0x1;
	[dreg:$0xb] =	wrdreg s24  }
0x12: {  	s11 =	sadd.s32 s11, s2;
	s0 =	simm.s32 @!p4 $0x0;
	[dreg:$0xe] =	wrdreg s28  }
0x13: {  	s12 =	sshrl.u32 s7, $0x3;
	s0 =	simm.s32 @p4 $0x1;
	[dreg:$0xa] =	wrdreg s11  }
0x14: {  	p2 =	por !p2, !p2;
	s22 =	sadd.s32 s5, s12;
	[smem:$0x7FD] =	sst s0  }
0x15: {  	s12 =	sadd.s32 s6, s12;
	s0 =	sshll.u32 @!p0 s4, $0x6;
	[dreg:$0x6] =	wrdreg s22  }
.Ltmp0:
0x16: {  	[dreg:$0x7] =	wrdreg s12;
	s12 =	sadd.s32 $0x128400, s2;
	(pc) =	sbr.rel .LBB2_1-.Ltmp0, $4  }
0x17: {  	s25 =	simm.s32 $0x50;
	s0 =	sor.u32 @!p0 $0x1C05, s0;
	[dreg:$0x8] =	wrdreg s12  }
0x18: {  	s26 =	simm.s32 $0x2000;
	s3 =	sshrl.u32 @p0 s12, $0x3;
	[dreg:$0x10] =	wrdreg s0  }
0x19: {  	s10 =	simm.s32 $0x0;
	s0 =	sshrl.u32 @!p0 s11, $0x3;
	[dreg:$0xf] =	wrdreg s3  }
0x1a: {  	p4 =	por !p2, p3;
	[dreg:$0x11] =	wrdreg s0;
	s0 =	simm.s32 $0x9800  }
.LBB2_9:
0x1b: {  	s10 =	sadd.s32 $0x1, s10;
	s3 =	rddreg [dreg:$0xe]  }
0x1c: {  	p2 =	sne.s32 s10, s3  }
.Ltmp1:
0x1d: {  	_ = 	snop;
	(pc) =	sbr.rel @!p2 .LBB2_10-.Ltmp1, $1  }
0x1e: {  	_ =	sdelay $0x3  }
.LBB2_1:
0x1f: {  	[dreg:$0x12] =	wrdreg s10  }
0x20: {  	s3 =	rddreg [dreg:$0x6]  }
0x21: {  	s4 =	simm.s32 $0x0;
	s22 =	rddreg [dreg:$0x7]  }
0x22: {  	[tilespmem:s4], [sflag:$0x3] =	stream.linear.gather [hbm4b:s3+s4], $0x280, $0x38;
	[tilespmem:$0x1F880] =	vst v63  }
0x23: {  	s8 =	simm.s32 $0x1000;
	s9 =	rddreg [dreg:$0xf]  }
0x24: {  	[tilespmem:s8], [sflag:$0x4] =	stream.linear.gather [hbm4b:s22+s4], $0x280, $0x38;
	[tilespmem:$0x1F880] =	vst v63  }
0x25: {  	s3 =	simm.s32 @p0 $0x1FC5;
	s8 =	rddreg [dreg:$0x9]  }
0x26: {  	[spmem:s9], [sflag:s3] =	dma.local @p0 [hbm:s8], $0x2080  }
0x27: {  	s3 =	rddreg [dreg:$0xb]  }
0x28: {  	s8 =	rddreg [dreg:$0x10]  }
0x29: {  	s23 =	simm.s32 $0x3;
	s9 =	rddreg [dreg:$0x11]  }
0x2a: {  	[spmem:s9], [sflag:s8] =	dma.local @!p0 [hbm:s3], $0x2780  }
0x2b: {  	_ =	swait.ge [sflag:s23], $0x280  }
0x2c: {  	[sflag:s23] =	ssyncset.done $0x0  }
0x2d: {  	s24 =	simm.s32 $0x4;
	[sflag:s23] =	ssyncadd.s32 $0xFFFFFD80  }
0x2e: {  	_ =	swait.ge [sflag:s24], $0x280  }
0x2f: {  	[sflag:s24] =	ssyncset.done $0x0  }
0x30: {  	[sflag:s24] =	ssyncadd.s32 $0xFFFFFD80  }
0x31: {  	[tilespmem:s26], [sflag:$0x1] =	stream.indirect.gather [hbm4b:s1+s25], $0x80, s4, s25, $0xb8;
	[tilespmem:$0x1F880] =	vst v63  }
0x32: {  	s28 =	simm.s32 $0x80;
	s3 =	simm.s32 @p0 $0x5  }
0x33: {  	[tilespmem:s29], [sflag:$0x1] =	stream.indirect.gather [hbm4b:s1+s25], $0x80, s28, s25, $0xb8;
	[tilespmem:$0x1F880] =	vst v63  }
0x34: {  	_ =	swait.ge @p0 [sflag:s3], $0x2080  }
0x35: {  	[sflag:s3] =	ssyncset.done @p0 $0x0  }
0x36: {  	[sflag:s3] =	ssyncadd.s32 @p0 $0xFFFFDF80;
	s3 =	simm.s32 @!p0 $0x5  }
.Ltmp2:
0x37: {  	_ =	swait.ge @!p0 [sflag:s3], $0x2780;
	(pc) =	sbr.rel .LBB2_2-.Ltmp2, $4  }
0x38: {  	[sflag:s3] =	ssyncset.done @!p0 $0x0  }
0x39: {  	s12 =	simm.s32 $0x5;
	s10 =	simm.s32 $0x1;
	[sflag:s3] =	ssyncadd.s32 @!p0 $0xFFFFD880  }
0x3a: {  	s11 =	simm.s32 $0x3;
	s13 =	simm.s32 $0x0;
	[bflag:$0x0] =	sbarrier.arrive $0xFFFF  }
0x3b: {  	s15 =	simm.s32 $0x0;
	s8 =	simm.s32 $0x4;
	s9 =	simm.s32 $0x2  }
.LBB2_3:
0x3c: {  	s4 =	sadd.s32 $0x267, s16  }
0x3d: {  	s4 =	sshrl.u32 s4, $0xA  }
0x3e: {  	s4 =	sand.u32 $0x3F, s4  }
0x3f: {  	s4 =	sshll.u32 s4, $0xA  }
0x40: {  	s4 =	sadd.s32 $0x400, s4  }
0x41: {  	s14 =	sadd.s32 s7, s4  }
0x42: {  	s14 =	sshrl.u32 s14, $0x3  }
0x43: {  	s17 =	simm.s32 $0x0;
	s4 =	sand.u32 $0xC00, s4;
	s28 =	sadd.s32 s5, s14  }
0x44: {  	[tilespmem:s4], [sflag:$0x3] =	stream.linear.gather [hbm4b:s28+s17], $0x280, $0x38;
	[tilespmem:$0x1F880] =	vst v63  }
0x45: {  	s14 =	sadd.s32 s6, s14;
	s4 =	sor.u32 $0x1000, s4  }
0x46: {  	[tilespmem:s4], [sflag:$0x4] =	stream.linear.gather [hbm4b:s14+s17], $0x280, $0x38;
	[tilespmem:$0x1F880] =	vst v63  }
.LBB2_5:
0x47: {  	s4 =	smulhi.u32 $0xCCCCCCCD, s12;
	_ =	sdelay $0x1  }
0x48: {  	s14 =	sshrl.u32 s4, $0x2  }
0x49: {  	s14 =	smul.u32 $0xA00, s14;
	_ =	sdelay $0x1  }
0x4a: {  	s16 =	sadd.s32 $0xFFFFF600, s14  }
0x4b: {  	p2 =	sne.s32 s16, s15  }
0x4c: {  	s16 =	simm.s32 @!p2 $0x3  }
0x4d: {  	s4 =	sshll.u32 s4, $0xA;
	_ =	swait.ge @!p2 [sflag:s16], $0x280  }
0x4e: {  	s4 =	sand.u32 $0x3000, s4;
	[sflag:s16] =	ssyncset.done @!p2 $0x0  }
0x4f: {  	s4 =	ssub.s32 s4, s14;
	s14 =	simm.s32 @!p2 $0x4;
	[sflag:s16] =	ssyncadd.s32 @!p2 $0xFFFFFD80  }
0x50: {  	s4 =	sshra.s32 s4, $0x2;
	_ =	swait.ge @!p2 [sflag:s14], $0x280  }
0x51: {  	s4 =	sadd.s32 $0x280, s4;
	[sflag:s14] =	ssyncset.done @!p2 $0x0  }
0x52: {  	s4 =	sadd.s32 s3, s4;
	[sflag:s14] =	ssyncadd.s32 @!p2 $0xFFFFFD80  }
0x53: {  	[tilespmem:s29], [sflag:$0x1] =	stream.indirect.gather [hbm4b:s1+s25], $0x80, s4, s25, $0xb8;
	[tilespmem:$0x1F880] =	vst v63  }
.LBB2_6:
0x54: {  	s15 =	sadd.s32 $0x800, s15  }
0x55: {  	p2 =	sne.s32 s15, $0xF800  }
.Ltmp3:
0x56: {  	_ =	swait.ge [sflag:s31], $0x2800;
	s4 =	sadd.s32 $0x1180, s18;
	(pc) =	sbr.rel @!p2 .LBB2_7-.Ltmp3, $4  }
0x57: {  	s13 =	sadd.s32 $0x4, s13;
	s11 =	sadd.s32 $0x4, s11;
	s10 =	sadd.s32 $0x4, s10  }
0x58: {  	s9 =	sadd.s32 $0x4, s9;
	s8 =	sadd.s32 $0x4, s8;
	[sflag:s31] =	ssyncset.done $0x0  }
0x59: {  	s12 =	sadd.s32 $0x4, s12;
	s3 =	sadd.s32 s3, s4;
	[sflag:s31] =	ssyncadd.s32 $0xFFFFD800  }
0x5a: {  	[spmem:s2] =	stream.indirect.scatter.add.f32 [tilespmem:s0], [sflag:$0x2], $0x80, s3, s25, $0xb8;
	[tilespmem:$0x1F880] =	vst v63  }
.LBB2_2:
0x5b: {  	s3 =	smulhi.u32 $0xCCCCCCCD, s13;
	_ =	sdelay $0x1  }
0x5c: {  	s16 =	sshrl.u32 s3, $0x2  }
0x5d: {  	s18 =	smul.u32 $0xA00, s16  }
0x5e: {  	s16 =	smul.u32 $0xCD, s13  }
0x5f: {  	p5 =	seq.s32 s15, $0xF000  }
0x60: {  	s17 =	sshrl.u32 s16, $0xA;
	p2 =	sne.s32 @!p5 s18, s15  }
0x61: {  	p6 =	seq.s32 s15, $0x0;
	s17 =	sand.u32 $0x3F, s17;
	p2 =	por p2, p5  }
0x62: {  	s21 =	smulhi.u32 $0xCCCCCCCD, s9;
	s22 =	simm.s32 @!p6 $0x2;
	s17 =	sshll.u32 @!p2 s17, $0xA  }
0x63: {  	_ =	swait.ge @!p6 [sflag:s22], $0x2800;
	s17 =	sadd.s32 @!p2 $0x400, s17  }
0x64: {  	s20 =	sshrl.u32 s21, $0x2;
	[sflag:s22] =	ssyncset.done @!p6 $0x0;
	s23 =	sadd.s32 @!p2 s7, s17  }
0x65: {  	s24 =	smul.u32 $0xA00, s20;
	[sflag:s22] =	ssyncadd.s32 @!p6 $0xFFFFD800;
	s23 =	sshrl.u32 @!p2 s23, $0x3  }
0x66: {  	s14 =	simm.s32 @!p2 $0x0;
	s17 =	sand.u32 @!p2 $0xC00, s17;
	s20 =	sadd.s32 @!p2 s5, s23  }
0x67: {  	[tilespmem:s17], [sflag:$0x3] =	stream.linear.gather @!p2 [hbm4b:s20+s14], $0x280, $0x38;
	[tilespmem:$0x1F880] =	vst v63  }
0x68: {  	s23 =	sadd.s32 @!p2 s6, s23;
	s20 =	sadd.s32 $0xFFFFFC00, s24;
	s17 =	sor.u32 @!p2 $0x1000, s17  }
0x69: {  	[tilespmem:s17], [sflag:$0x4] =	stream.linear.gather @!p2 [hbm4b:s23+s14], $0x280, $0x38;
	[tilespmem:$0x1F880] =	vst v63  }
0x6a: {  	p2 =	sne.s32 s20, s15  }
0x6b: {  	s28 =	sshll.u32 s21, $0xA;
	s21 =	simm.s32 @!p2 $0x3  }
0x6c: {  	s14 =	sand.u32 $0x3000, s28;
	_ =	swait.ge @!p2 [sflag:s21], $0x280  }
0x6d: {  	s3 =	sshll.u32 s3, $0xA;
	s14 =	ssub.s32 s14, s24;
	[sflag:s21] =	ssyncset.done @!p2 $0x0  }
0x6e: {  	s17 =	sshra.s32 s14, $0x2;
	s14 =	simm.s32 @!p2 $0x4;
	[sflag:s21] =	ssyncadd.s32 @!p2 $0xFFFFFD80  }
0x6f: {  	s23 =	smulhi.u32 $0xCCCCCCCD, s10;
	s28 =	sand.u32 $0x3000, s3;
	_ =	swait.ge @!p2 [sflag:s14], $0x280  }
0x70: {  	s3 =	sshra.s32 s15, $0x2;
	s4 =	sadd.s32 $0x100, s17;
	[sflag:s14] =	ssyncset.done @!p2 $0x0  }
0x71: {  	s18 =	ssub.s32 s28, s18;
	s4 =	sadd.s32 s3, s4;
	[sflag:s14] =	ssyncadd.s32 @!p2 $0xFFFFFD80  }
0x72: {  	[tilespmem:s30], [sflag:$0x1] =	stream.indirect.gather [hbm4b:s1+s25], $0x80, s4, s25, $0xb8;
	[tilespmem:$0x1F880] =	vst v63  }
0x73: {  	s21 =	sshra.s32 s18, $0x2;
	_ =	swait.ge [sflag:s31], $0x2800  }
0x74: {  	s24 =	sshrl.u32 s23, $0x2;
	s14 =	sadd.s32 $0x1000, s21;
	[sflag:s31] =	ssyncset.done $0x0  }
0x75: {  	s24 =	smul.u32 $0xA00, s24;
	s14 =	sadd.s32 s3, s14;
	[sflag:s31] =	ssyncadd.s32 $0xFFFFD800  }
0x76: {  	[spmem:s2] =	stream.indirect.scatter.add.f32 [tilespmem:s26], [sflag:$0x2], $0x80, s14, s25, $0xb8;
	[tilespmem:$0x1F880] =	vst v63  }
0x77: {  	s28 =	sadd.s32 $0xCD, s16;
	s14 =	sadd.s32 $0xFFFFFE00, s24  }
0x78: {  	s18 =	sshrl.u32 s28, $0xA;
	p2 =	sne.s32 @!p5 s14, s15  }
0x79: {  	s14 =	sand.u32 $0x3F, s18;
	p2 =	por p2, p5  }
0x7a: {  	s28 =	smulhi.u32 $0xCCCCCCCD, s11;
	s14 =	sshll.u32 @!p2 s14, $0xA  }
0x7b: {  	_ =	swait.ge @!p6 [sflag:s22], $0x2800;
	s14 =	sadd.s32 @!p2 $0x400, s14  }
0x7c: {  	s4 =	sshrl.u32 s28, $0x2;
	[sflag:s22] =	ssyncset.done @!p6 $0x0;
	s18 =	sadd.s32 @!p2 s7, s14  }
0x7d: {  	s4 =	smul.u32 $0xA00, s4;
	[sflag:s22] =	ssyncadd.s32 @!p6 $0xFFFFD800;
	s18 =	sshrl.u32 @!p2 s18, $0x3  }
0x7e: {  	s22 =	simm.s32 @!p2 $0x0;
	s14 =	sand.u32 @!p2 $0xC00, s14;
	s21 =	sadd.s32 @!p2 s5, s18  }
0x7f: {  	[tilespmem:s14], [sflag:$0x3] =	stream.linear.gather @!p2 [hbm4b:s21+s22], $0x280, $0x38;
	[tilespmem:$0x1F880] =	vst v63  }
0x80: {  	s18 =	sadd.s32 @!p2 s6, s18;
	s14 =	sor.u32 @!p2 $0x1000, s14;
	s21 =	sadd.s32 $0xFFFFFA00, s4  }
0x81: {  	[tilespmem:s14], [sflag:$0x4] =	stream.linear.gather @!p2 [hbm4b:s18+s22], $0x280, $0x38;
	[tilespmem:$0x1F880] =	vst v63  }
0x82: {  	p2 =	sne.s32 s21, s15  }
0x83: {  	s14 =	simm.s32 @!p2 $0x3  }
0x84: {  	s28 =	sshll.u32 s28, $0xA;
	_ =	swait.ge @!p2 [sflag:s14], $0x280  }
0x85: {  	s18 =	sand.u32 $0x3000, s28;
	[sflag:s14] =	ssyncset.done @!p2 $0x0  }
0x86: {  	s4 =	ssub.s32 s18, s4;
	[sflag:s14] =	ssyncadd.s32 @!p2 $0xFFFFFD80;
	s14 =	simm.s32 @!p2 $0x4  }
0x87: {  	s22 =	sshll.u32 s23, $0xA;
	s18 =	sshra.s32 s4, $0x2;
	_ =	swait.ge @!p2 [sflag:s14], $0x280  }
0x88: {  	s4 =	sand.u32 $0x3000, s22;
	s23 =	sadd.s32 $0x180, s18;
	[sflag:s14] =	ssyncset.done @!p2 $0x0  }
0x89: {  	s4 =	ssub.s32 s4, s24;
	s28 =	sadd.s32 s3, s23;
	[sflag:s14] =	ssyncadd.s32 @!p2 $0xFFFFFD80  }
0x8a: {  	[tilespmem:s0], [sflag:$0x1] =	stream.indirect.gather [hbm4b:s1+s25], $0x80, s28, s25, $0xb8;
	[tilespmem:$0x1F880] =	vst v63  }
0x8b: {  	s22 =	sadd.s32 $0x19A, s16;
	s4 =	sshra.s32 s4, $0x2;
	_ =	swait.ge [sflag:s31], $0x2800  }
0x8c: {  	s23 =	sshrl.u32 s22, $0xA;
	s4 =	sadd.s32 $0x1080, s4;
	[sflag:s31] =	ssyncset.done $0x0  }
0x8d: {  	s4 =	sadd.s32 s3, s4;
	p2 =	sne.s32 @!p5 s20, s15;
	[sflag:s31] =	ssyncadd.s32 $0xFFFFD800  }
0x8e: {  	[spmem:s2] =	stream.indirect.scatter.add.f32 [tilespmem:s29], [sflag:$0x2], $0x80, s4, s25, $0xb8;
	[tilespmem:$0x1F880] =	vst v63  }
0x8f: {  	p2 =	por p2, p5;
	s4 =	sand.u32 $0x3F, s23  }
0x90: {  	s24 =	smulhi.u32 $0xCCCCCCCD, s8;
	s4 =	sshll.u32 @!p2 s4, $0xA  }
0x91: {  	s4 =	sadd.s32 @!p2 $0x400, s4  }
0x92: {  	s28 =	sshrl.u32 s24, $0x2;
	_ =	swait.ge [sflag:s19], $0x2800;
	s14 =	sadd.s32 @!p2 s7, s4  }
0x93: {  	s23 =	simm.s32 @!p2 $0x0;
	[sflag:s19] =	ssyncset.done $0x0;
	s14 =	sshrl.u32 @!p2 s14, $0x3  }
0x94: {  	[sflag:s19] =	ssyncadd.s32 $0xFFFFD800;
	s4 =	sand.u32 @!p2 $0xC00, s4;
	s22 =	sadd.s32 @!p2 s5, s14  }
0x95: {  	[tilespmem:s4], [sflag:$0x3] =	stream.linear.gather @!p2 [hbm4b:s22+s23], $0x280, $0x38;
	[tilespmem:$0x1F880] =	vst v63  }
0x96: {  	s14 =	sadd.s32 @!p2 s6, s14;
	s22 =	smul.u32 $0xA00, s28;
	s4 =	sor.u32 @!p2 $0x1000, s4  }
0x97: {  	[tilespmem:s4], [sflag:$0x4] =	stream.linear.gather @!p2 [hbm4b:s14+s23], $0x280, $0x38;
	[tilespmem:$0x1F880] =	vst v63  }
0x98: {  	s14 =	sadd.s32 $0xFFFFF800, s22  }
0x99: {  	p2 =	sne.s32 s14, s15  }
0x9a: {  	s4 =	simm.s32 @!p2 $0x3  }
0x9b: {  	s23 =	sshll.u32 s24, $0xA;
	_ =	swait.ge @!p2 [sflag:s4], $0x280  }
0x9c: {  	s14 =	sand.u32 $0x3000, s23;
	[sflag:s4] =	ssyncset.done @!p2 $0x0  }
0x9d: {  	s14 =	ssub.s32 s14, s22;
	[sflag:s4] =	ssyncadd.s32 @!p2 $0xFFFFFD80;
	s4 =	simm.s32 @!p2 $0x4  }
0x9e: {  	s14 =	sshra.s32 s14, $0x2;
	_ =	swait.ge @!p2 [sflag:s4], $0x280  }
0x9f: {  	s14 =	sadd.s32 $0x200, s14;
	[sflag:s4] =	ssyncset.done @!p2 $0x0  }
0xa0: {  	s24 =	sadd.s32 s3, s14;
	[sflag:s4] =	ssyncadd.s32 @!p2 $0xFFFFFD80  }
0xa1: {  	[tilespmem:s26], [sflag:$0x1] =	stream.indirect.gather [hbm4b:s1+s25], $0x80, s24, s25, $0xb8;
	[tilespmem:$0x1F880] =	vst v63  }
0xa2: {  	p2 =	sne.s32 @!p5 s21, s15;
	_ =	swait.ge [sflag:s31], $0x2800  }
0xa3: {  	s28 =	sadd.s32 $0x1100, s17;
	p2 =	por p5, p2;
	[sflag:s31] =	ssyncset.done $0x0  }
.Ltmp4:
0xa4: {  	s4 =	sadd.s32 s3, s28;
	[sflag:s31] =	ssyncadd.s32 $0xFFFFD800;
	(pc) =	sbr.rel @!p2 .LBB2_3-.Ltmp4, $4  }
0xa5: {  	[spmem:s2] =	stream.indirect.scatter.add.f32 [tilespmem:s30], [sflag:$0x2], $0x80, s4, s25, $0xb8;
	[tilespmem:$0x1F880] =	vst v63  }
0xa6: {  	_ =	swait.ge [sflag:s19], $0x2800  }
0xa7: {  	[sflag:s19] =	ssyncset.done $0x0  }
0xa8: {  	[sflag:s19] =	ssyncadd.s32 $0xFFFFD800  }
.Ltmp5:
0xa9: {  	(pc) =	sbr.rel @p5 .LBB2_6-.Ltmp5, $4  }
.Ltmp6:
0xaa: {  	(pc) =	sbr.rel @!p5 .LBB2_5-.Ltmp6, $4  }
0xab: {  	_ = 	snop  }
0xac: {  	_ = 	snop  }
0xad: {  	_ = 	snop  }
0xae: {  	_ = 	snop  }
.LBB2_7:
0xaf: {  	_ =	swait.ge [sflag:s19], $0x2800  }
0xb0: {  	[sflag:s19] =	ssyncset.done $0x0  }
0xb1: {  	[sflag:s19] =	ssyncadd.s32 $0xFFFFD800  }
0xb2: {  	_ =	swait.ge [sflag:s31], $0x2800  }
0xb3: {  	[sflag:s31] =	ssyncset.done $0x0  }
0xb4: {  	s3 =	simm.s32 $0x1200;
	[sflag:s31] =	ssyncadd.s32 $0xFFFFD800  }
0xb5: {  	[spmem:s2] =	stream.indirect.scatter.add.f32 [tilespmem:s26], [sflag:$0x2], $0x80, s3, s25, $0xb8;
	[tilespmem:$0x1F880] =	vst v63  }
0xb6: {  	_ =	swait.ge [sflag:s19], $0x2800  }
0xb7: {  	[sflag:s19] =	ssyncset.done $0x0  }
0xb8: {  	[sflag:s19] =	ssyncadd.s32 $0xFFFFD800  }
0xb9: {  	_ =	swait.ge [sflag:s19], $0x2800  }
0xba: {  	[sflag:s19] =	ssyncset.done $0x0  }
0xbb: {  	[sflag:s19] =	ssyncadd.s32 $0xFFFFD800  }
0xbc: {  	s9 =	stileid.u32;
	[bflag:$0x0] =	sbarrier.arrive $0xFFFF  }
0xbd: {  	s3 =	sshll.u32 @p1 s9, $0x6;
	s10 =	rddreg [dreg:$0xa]  }
0xbe: {  	s3 =	sor.u32 @p1 $0x1C06, s3;
	s8 =	rddreg [dreg:$0xc];
	s4 =	sshrl.u32 @p1 s10, $0x3  }
0xbf: {  	[hbm:s8], [sflag:s3] =	dma.local @p1 [spmem:s4], $0x2780  }
0xc0: {  	s3 =	simm.s32 @p1 $0x6  }
0xc1: {  	_ =	swait.ge @p1 [sflag:s3], $0x2780  }
0xc2: {  	s4 =	sshll.u32 @!p4 s9, $0x6;
	[sflag:s3] =	ssyncset.done @p1 $0x0;
	s9 =	rddreg [dreg:$0xd]  }
0xc3: {  	[sflag:s3] =	ssyncadd.s32 @p1 $0xFFFFD880;
	s3 =	sor.u32 @!p4 $0x1C06, s4;
	s4 =	sshrl.u32 @!p4 s10, $0x3  }
0xc4: {  	[hbm:s9], [sflag:s3] =	dma.local @!p4 [spmem:s4], $0x2780  }
0xc5: {  	s3 =	sld [smem:$0x7FD];
	_ =	sdelay $0x2  }
0xc6: {  	p2 =	por @!p4 $0x1, $0x1;
	p5 =	seq.s32 s3, $0x1  }
0xc7: {  	p5 =	por @!p4 p2, p2  }
0xc8: {  	p2 =	por @!p3 !p5, !p0  }
0xc9: {  	p2 =	por @!p3 !p2, !p2  }
0xca: {  	p2 =	por p3, p2  }
.Ltmp7:
0xcb: {  	_ = 	snop;
	(pc) =	sbr.rel @!p2 .LBB2_9-.Ltmp7, $4  }
0xcc: {  	s3 =	simm.s32 @!p4 $0x6  }
0xcd: {  	_ =	swait.ge @!p4 [sflag:s3], $0x2780  }
0xce: {  	[sflag:s3] =	ssyncset.done @!p4 $0x0  }
0xcf: {  	s8 =	stileid.u32;
	s10 =	rddreg [dreg:$0x12];
	[sflag:s3] =	ssyncadd.s32 @!p4 $0xFFFFD880  }
0xd0: {  	s3 =	rddreg [dreg:$0x5]  }
0xd1: {  	s4 =	rddreg [dreg:$0x4]  }
0xd2: {  	s24 =	rddreg [dreg:$0x8]  }
0xd3: {  	s9 =	simm.s32 $0x1FC6;
	s28 =	simm.s32 $0x6;
	s3 =	smov.u32 @p3 s4  }
.Ltmp8:
0xd4: {  	s4 =	sshrl.u32 s24, $0x3;
	s3 =	sadd.s32 $0x25080, s3;
	(pc) =	sbr.rel .LBB2_9-.Ltmp8, $4  }
0xd5: {  	[hbm:s3], [sflag:s9] =	dma.local [spmem:s4], $0x2080  }
0xd6: {  	_ =	swait.ge [sflag:s28], $0x2080  }
0xd7: {  	[sflag:s28] =	ssyncset.done $0x0  }
0xd8: {  	[sflag:s28] =	ssyncadd.s32 $0xFFFFDF80  }
.LBB2_10:
0xd9: {  	_ =	sfence.sel $0x180000  }
0xda: {  	[bflag:$0x0] =	sbarrier.arrive $0xFFFF  }
0xdb: {  	_ =	strace $0x90000047  }
0xdc: {  	[bflag:$0x2] =	sbarrier.arrive $0xFFFF  }
0xdd: {  	p0 =	sne.s32 s8, $0x0;
	s0 =	rddreg [dreg:$0x3]  }
0xde: {  	s0 =	sadd.s32 @!p0 $0x100000, s0  }
0xdf: {  	[sflag:s0] =	ssyncadd.tile.s32 @!p0 $0x1;
	_ =	shalt  }
.Lfunc_end2:
_tile_overlayer_lowered:
.L_overlay_start_2:
0xe0: {  	(tag) =	ssettag $0x2  }
0xe1: {  	s0 =	rddreg [dreg:$0x0];
	s2 =	stileid.u32  }
0xe2: {  	s1 =	rddreg [dreg:$0x1];
	p0 =	sne.s32 s2, $0x0  }
0xe3: {  	s3 =	rddreg [dreg:$0x2];
	[bflag:$0x3] =	sbarrier.arrive $0xFFFF;
	s2 =	simm.s32 @!p0 $0x1C06  }
0xe4: {  	[timem:s3], [sflag:s2] =	dma.local @!p0 [hbm:s0], s1  }
0xe5: {  	s0 =	simm.s32 @!p0 $0x6  }
0xe6: {  	_ =	swait.ge @!p0 [sflag:s0], s1  }
0xe7: {  	s1 =	ssub.s32 @!p0 $0x0, s1;
	[sflag:s0] =	ssyncset.done @!p0 $0x0  }
0xe8: {  	[sflag:s0] =	ssyncadd.s32 @!p0 s1  }
0xe9: {  	[bflag:$0x3] =	sbarrier.arrive $0xFFFF  }
0xea: {  	_ =	shalt  }

</sc_bundles>
